<compile_context>
chip_gen: v7x
topology: tpu7x:2x2x1
jax: 0.10.2.dev20260603
libtpu: 0.0.44.dev20260713+nightly
codegen_flags: <defaults>
</compile_context>

<pallas_src>
import functools
import jax
import jax.numpy as jnp
from jax import lax
from jax.experimental import pallas as pl
from jax.experimental.pallas import tpu as pltpu
from jax.experimental.pallas import tpu_sc as plsc

B = 16384
D = 64
NC = 2
NS = 16
NW = NC * NS
RPW = B // NW
L = 16
NCHUNK = RPW // L


def _gather_body(tbl, ids_hbm, out, ids_v, rows_g, stage_v, sem):
    wid = lax.axis_index("s") * NC + lax.axis_index("c")
    rbase = wid * RPW
    pltpu.sync_copy(ids_hbm.at[pl.ds(rbase, RPW)], ids_v)

    def chunk(i, _):
        base = i * L
        idv = ids_v[pl.ds(base, L)]
        tid = idv >> 3
        sub = idv & 7
        copies = [
            pltpu.async_copy(tbl.at[pl.ds(tid[j] * 8, 8), :], rows_g.at[j], sem)
            for j in range(L)
        ]
        for c in copies:
            c.wait()
        for j in range(L):
            sj = sub[j]
            for k in range(0, D, L):
                stage_v[j, pl.ds(k, L)] = rows_g[j, sj, pl.ds(k, L)]
        pltpu.sync_copy(stage_v, out.at[pl.ds(rbase + base, L), :])
        return ()

    lax.fori_loop(0, NCHUNK, chunk, (), unroll=False)


@functools.lru_cache(maxsize=1)
def _make_gather_call():
    return functools.partial(
        pl.kernel,
        out_type=jax.ShapeDtypeStruct((B, D), jnp.float32),
        mesh=plsc.VectorSubcoreMesh(core_axis_name="c", subcore_axis_name="s"),
        scratch_types=[
            pltpu.VMEM((RPW,), jnp.int32),
            pltpu.VMEM((L, 8, D), jnp.float32),
            pltpu.VMEM((L, D), jnp.float32),
            pltpu.SemaphoreType.DMA,
        ],
    )(_gather_body)


BLK = 2048


def _feat_body(uf, mf, uW1, ub1, uW2, ub2, mW1, mb1, mW2, mb2,
               dW1u, dW1m, db1, out):
    f32 = jnp.float32
    ufe = jnp.maximum(jnp.dot(uf[...], uW1[...], preferred_element_type=f32)
                      + ub1[...], 0.0)
    ufe = jnp.dot(ufe, uW2[...], preferred_element_type=f32) + ub2[...]
    mfe = jnp.maximum(jnp.dot(mf[...], mW1[...], preferred_element_type=f32)
                      + mb1[...], 0.0)
    mfe = jnp.dot(mfe, mW2[...], preferred_element_type=f32) + mb2[...]
    out[...] = (jnp.dot(ufe, dW1u[...], preferred_element_type=f32)
                + jnp.dot(mfe, dW1m[...], preferred_element_type=f32)
                + db1[...])


def _feat_call(uf, mf, uW1, ub1, uW2, ub2, mW1, mb1, mW2, mb2, dW1u, dW1m, db1):
    row_spec = pl.BlockSpec((BLK, D), lambda i: (i, 0))
    full = lambda a: pl.BlockSpec(a.shape, lambda i: tuple(0 for _ in a.shape))
    args = (uf, mf, uW1, ub1, uW2, ub2, mW1, mb1, mW2, mb2, dW1u, dW1m, db1)
    in_specs = [row_spec, row_spec] + [full(a) for a in args[2:]]
    return pl.pallas_call(
        _feat_body,
        grid=(B // BLK,),
        in_specs=in_specs,
        out_specs=pl.BlockSpec((BLK, 128), lambda i: (i, 0)),
        out_shape=jax.ShapeDtypeStruct((B, 128), jnp.float32),
    )(*args)


def _head_body(ue, me, hf, dW1a, dW1b, dW2, db2, dW3, db3, out):
    f32 = jnp.float32
    h = (jnp.dot(ue[...], dW1a[...], preferred_element_type=f32)
         + jnp.dot(me[...], dW1b[...], preferred_element_type=f32)
         + hf[...])
    h = jnp.maximum(h, 0.0)
    h = jnp.maximum(jnp.dot(h, dW2[...], preferred_element_type=f32)
                    + db2[...], 0.0)
    out[...] = jnp.dot(h, dW3[...], preferred_element_type=f32) + db3[...]


def _head_call(ue, me, hf, dW1a, dW1b, dW2, db2, dW3, db3):
    row_spec = pl.BlockSpec((BLK, D), lambda i: (i, 0))
    full = lambda a: pl.BlockSpec(a.shape, lambda i: tuple(0 for _ in a.shape))
    args = (ue, me, hf, dW1a, dW1b, dW2, db2, dW3, db3)
    in_specs = [row_spec, row_spec, pl.BlockSpec((BLK, 128), lambda i: (i, 0))]
    in_specs += [full(a) for a in args[3:]]
    return pl.pallas_call(
        _head_body,
        grid=(B // BLK,),
        in_specs=in_specs,
        out_specs=pl.BlockSpec((BLK, 1), lambda i: (i, 0)),
        out_shape=jax.ShapeDtypeStruct((B, 1), jnp.float32),
    )(*args)


def kernel(user_ids, movie_ids, user_features, movie_features, user_table,
           movie_table, uW1, ub1, uW2, ub2, mW1, mb1, mW2, mb2,
           dW1, db1, dW2, db2, dW3, db3):
    uids = user_ids.astype(jnp.int32)
    mids = movie_ids.astype(jnp.int32)
    gather = _make_gather_call()
    me = gather(movie_table, mids)
    ue = gather(user_table, uids)
    hf = _feat_call(
        user_features, movie_features,
        uW1, ub1.reshape(1, -1), uW2, ub2.reshape(1, -1),
        mW1, mb1.reshape(1, -1), mW2, mb2.reshape(1, -1),
        dW1[128:160], dW1[160:192], db1.reshape(1, -1))
    out = _head_call(ue, me, hf, dW1[0:64], dW1[64:128],
                     dW2, db2.reshape(1, -1), dW3, db3.reshape(1, 1))
    return out[:, 0]

# --- scband reference (transcript-rebuilt; emitter-appended) ---
"""Pipeline reference for scband-user-profiling-model-39874476376527 (READ-ONLY COPY).

The authoritative reference and input builder live on the scoring server;
editing this copy changes nothing except your own understanding.
"""

import jax, jax.numpy as jnp
import numpy as np

B = 16384
EU = 1000000
EM = 100000
D = 64
UF = 64
MF = 64
H = 128


def _xavier(k, fi, fo):
    std = (2.0 / (fi + fo)) ** 0.5
    return jax.random.normal(k, (fi, fo), dtype=jnp.float32) * std


def setup_inputs(seed: int = 0) -> dict:
    key = jax.random.key(seed)
    ks = jax.random.split(key, 16)
    inp = {}
    inp["user_ids"] = jax.random.randint(ks[0], (B,), 0, EU)
    inp["movie_ids"] = jax.random.randint(ks[1], (B,), 0, EM)
    inp["user_features"] = jax.random.normal(ks[2], (B, UF), dtype=jnp.float32)
    inp["movie_features"] = jax.random.normal(ks[3], (B, MF), dtype=jnp.float32)
    inp["user_table"] = jax.random.normal(ks[4], (EU, D), dtype=jnp.float32) * 0.01
    inp["movie_table"] = jax.random.normal(ks[5], (EM, D), dtype=jnp.float32) * 0.01
    inp["uW1"] = _xavier(ks[6], UF, D // 2)
    inp["ub1"] = jnp.zeros((D // 2,), dtype=jnp.float32)
    inp["uW2"] = _xavier(ks[7], D // 2, D // 2)
    inp["ub2"] = jnp.zeros((D // 2,), dtype=jnp.float32)
    inp["mW1"] = _xavier(ks[8], MF, D // 2)
    inp["mb1"] = jnp.zeros((D // 2,), dtype=jnp.float32)
    inp["mW2"] = _xavier(ks[9], D // 2, D // 2)
    inp["mb2"] = jnp.zeros((D // 2,), dtype=jnp.float32)
    inp["dW1"] = _xavier(ks[10], D * 3, H)
    inp["db1"] = jnp.zeros((H,), dtype=jnp.float32)
    inp["dW2"] = _xavier(ks[11], H, H // 2)
    inp["db2"] = jnp.zeros((H // 2,), dtype=jnp.float32)
    inp["dW3"] = _xavier(ks[12], H // 2, 1)
    inp["db3"] = jnp.zeros((1,), dtype=jnp.float32)
    return inp


def reference(user_ids, movie_ids, user_features, movie_features,
              user_table, movie_table,
              uW1, ub1, uW2, ub2, mW1, mb1, mW2, mb2,
              dW1, db1, dW2, db2, dW3, db3):
    user_emb = jnp.take(user_table, user_ids, axis=0)
    movie_emb = jnp.take(movie_table, movie_ids, axis=0)
    user_feat_emb = jax.nn.relu(user_features @ uW1 + ub1) @ uW2 + ub2
    movie_feat_emb = jax.nn.relu(movie_features @ mW1 + mb1) @ mW2 + mb2
    combined = jnp.concatenate([user_emb, movie_emb, user_feat_emb, movie_feat_emb], axis=1)
    h = jax.nn.relu(combined @ dW1 + db1)
    h = jax.nn.relu(h @ dW2 + db2)
    out = h @ dW3 + db3
    return jnp.squeeze(out, axis=-1)

if __name__ == "__main__":
    import jax
    _d = setup_inputs()
    print(jax.jit(kernel)(*tuple(_d.values())))

</pallas_src>

<mosaic_0001>
#map = affine_map<(d0, d1) -> (0, 0)>
#map1 = affine_map<(d0, d1) -> (0)>
module attributes {stable_mosaic.version = 14 : i64} {
  func.func @_gather_body(%arg0: i32, %arg1: i32, %arg2: memref<1000000x64xf32, #tpu.memory_space<hbm>>, %arg3: memref<16384xi32, #tpu.memory_space<hbm>>, %arg4: memref<16384x64xf32, #tpu.memory_space<hbm>>, %arg5: memref<512xi32, #tpu.memory_space<vmem>>, %arg6: memref<16x8x64xf32, #tpu.memory_space<vmem>>, %arg7: memref<16x64xf32, #tpu.memory_space<vmem>>, %arg8: memref<!tpu.dma_semaphore, #tpu.memory_space<semaphore_mem>>) attributes {dimension_semantics = [#tpu.dimension_semantics<core_parallel>, #tpu.dimension_semantics<subcore_parallel>], iteration_bounds = array<i64: 2, 16>, scalar_prefetch = 0 : i64, scratch_operands = 4 : i64, tpu.core_type = #tpu.core_type<sc_vector_subcore>, window_params = [{transform_indices = #map}, {transform_indices = #map1}, {transform_indices = #map}]} {
    %mul3A = arith.constant 2 : i32
    %mul3A_0 = arith.muli %arg1, %mul3A : i32
    %add3A = arith.addi %mul3A_0, %arg0 : i32
    %mul3A_1 = arith.constant 512 : i32
    %mul3A_2 = arith.muli %add3A, %mul3A_1 : i32
    "tpu.region"() ({
      %run_scoped3A = tpu.sem_alloc : memref<!tpu.dma_semaphore, #tpu.memory_space<semaphore_mem>>
      %dma_start3A = tpu.memref_slice %arg3[%mul3A_2] : memref<16384xi32, #tpu.memory_space<hbm>> -> memref<512xi32, #tpu.memory_space<hbm>>
      %dma_start3A_7 = tpu.memref_slice %arg3[%mul3A_2] : memref<16384xi32, #tpu.memory_space<hbm>> -> memref<512xi32, #tpu.memory_space<hbm>>
      tpu.enqueue_dma source(%dma_start3A_7 : memref<512xi32, #tpu.memory_space<hbm>>) target(%arg5 : memref<512xi32, #tpu.memory_space<vmem>>) target_semaphore(%run_scoped3A : memref<!tpu.dma_semaphore, #tpu.memory_space<semaphore_mem>>)
      %dma_wait3A = tpu.memref_slice %arg3[%mul3A_2] : memref<16384xi32, #tpu.memory_space<hbm>> -> memref<512xi32, #tpu.memory_space<hbm>>
      %dma_wait3A_8 = tpu.memref_slice %arg3[%mul3A_2] : memref<16384xi32, #tpu.memory_space<hbm>> -> memref<512xi32, #tpu.memory_space<hbm>>
      tpu.wait_dma2 semaphore(%run_scoped3A : memref<!tpu.dma_semaphore, #tpu.memory_space<semaphore_mem>>) src(%dma_wait3A_8 : memref<512xi32, #tpu.memory_space<hbm>>) dst(%arg5 : memref<512xi32, #tpu.memory_space<vmem>>)
      tpu.yield
    }) : () -> ()
    %scan3A = arith.constant 0 : i32
    %scan3A_3 = arith.constant 32 : i32
    %scan3A_4 = arith.addi %scan3A, %scan3A_3 : i32
    %scan3A_5 = arith.constant 1 : i32
    scf.for %scan3A_7 = %scan3A to %scan3A_4 step %scan3A_5  : i32 {
      %mul3A_8 = arith.constant 16 : i32
      %mul3A_9 = arith.muli %scan3A_7, %mul3A_8 : i32
      %get3A = arith.index_cast %mul3A_9 : i32 to index
      %get3A_10 = tpu.vector_load %arg5[%get3A] {strides = array<i32>} : memref<512xi32, #tpu.memory_space<vmem>>, vector<16xi32>,
      %get3A_11 = vector.shape_cast %get3A_10 : vector<16xi32> to vector<16xi32>
      %shift_right_arithmetic3A = arith.constant 3 : i32
      %shift_right_arithmetic3A_12 = vector.broadcast %shift_right_arithmetic3A : i32 to vector<16xi32>
      %shift_right_arithmetic3A_13 = arith.shrsi %get3A_11, %shift_right_arithmetic3A_12 : vector<16xi32>
      %and3A = arith.constant 7 : i32
      %and3A_14 = vector.broadcast %and3A : i32 to vector<16xi32>
      %and3A_15 = arith.andi %get3A_11, %and3A_14 : vector<16xi32>
      %slice3A = vector.extract_strided_slice %shift_right_arithmetic3A_13 {offsets = [0], sizes = [1], strides = [1]} : vector<16xi32> to vector<1xi32>
      %squeeze3A = vector.extract %slice3A[0] : i32 from vector<1xi32>
      %mul3A_16 = arith.constant 8 : i32
      %mul3A_17 = arith.muli %squeeze3A, %mul3A_16 : i32
      %dma_start3A = arith.constant 0 : i32
      %dma_start3A_18 = arith.constant 0 : i32
      %dma_start3A_19 = arith.constant 0 : i32
      %dma_start3A_20 = tpu.memref_slice %arg6[%dma_start3A, %dma_start3A_18, %dma_start3A_19] : memref<16x8x64xf32, #tpu.memory_space<vmem>> -> memref<1x8x64xf32, #tpu.memory_space<vmem>>
      %dma_start3A_21 = tpu.memref_squeeze %dma_start3A_20 : memref<1x8x64xf32, #tpu.memory_space<vmem>> -> memref<8x64xf32, #tpu.memory_space<vmem>>
      %dma_start3A_22 = arith.constant 0 : i32
      %dma_start3A_23 = tpu.memref_slice %arg2[%mul3A_17, %dma_start3A_22] : memref<1000000x64xf32, #tpu.memory_space<hbm>> -> memref<8x64xf32, #tpu.memory_space<hbm>>
      %dma_start3A_24 = arith.constant 0 : i32
      %dma_start3A_25 = arith.constant 0 : i32
      %dma_start3A_26 = tpu.memref_slice %arg6[%dma_start3A, %dma_start3A_24, %dma_start3A_25] : memref<16x8x64xf32, #tpu.memory_space<vmem>> -> memref<1x8x64xf32, #tpu.memory_space<vmem>>
      %dma_start3A_27 = tpu.memref_squeeze %dma_start3A_26 : memref<1x8x64xf32, #tpu.memory_space<vmem>> -> memref<8x64xf32, #tpu.memory_space<vmem>>
      %dma_start3A_28 = arith.constant 0 : i32
      %dma_start3A_29 = tpu.memref_slice %arg2[%mul3A_17, %dma_start3A_28] : memref<1000000x64xf32, #tpu.memory_space<hbm>> -> memref<8x64xf32, #tpu.memory_space<hbm>>
      tpu.enqueue_dma source(%dma_start3A_29 : memref<8x64xf32, #tpu.memory_space<hbm>>) target(%dma_start3A_27 : memref<8x64xf32, #tpu.memory_space<vmem>>) target_semaphore(%arg8 : memref<!tpu.dma_semaphore, #tpu.memory_space<semaphore_mem>>)
      %slice3A_30 = vector.extract_strided_slice %shift_right_arithmetic3A_13 {offsets = [1], sizes = [1], strides = [1]} : vector<16xi32> to vector<1xi32>
      %squeeze3A_31 = vector.extract %slice3A_30[0] : i32 from vector<1xi32>
      %mul3A_32 = arith.constant 8 : i32
      %mul3A_33 = arith.muli %squeeze3A_31, %mul3A_32 : i32
      %dma_start3A_34 = arith.constant 1 : i32
      %dma_start3A_35 = arith.constant 0 : i32
      %dma_start3A_36 = arith.constant 0 : i32
      %dma_start3A_37 = tpu.memref_slice %arg6[%dma_start3A_34, %dma_start3A_35, %dma_start3A_36] : memref<16x8x64xf32, #tpu.memory_space<vmem>> -> memref<1x8x64xf32, #tpu.memory_space<vmem>>
      %dma_start3A_38 = tpu.memref_squeeze %dma_start3A_37 : memref<1x8x64xf32, #tpu.memory_space<vmem>> -> memref<8x64xf32, #tpu.memory_space<vmem>>
      %dma_start3A_39 = arith.constant 0 : i32
      %dma_start3A_40 = tpu.memref_slice %arg2[%mul3A_33, %dma_start3A_39] : memref<1000000x64xf32, #tpu.memory_space<hbm>> -> memref<8x64xf32, #tpu.memory_space<hbm>>
      %dma_start3A_41 = arith.constant 0 : i32
      %dma_start3A_42 = arith.constant 0 : i32
      %dma_start3A_43 = tpu.memref_slice %arg6[%dma_start3A_34, %dma_start3A_41, %dma_start3A_42] : memref<16x8x64xf32, #tpu.memory_space<vmem>> -> memref<1x8x64xf32, #tpu.memory_space<vmem>>
      %dma_start3A_44 = tpu.memref_squeeze %dma_start3A_43 : memref<1x8x64xf32, #tpu.memory_space<vmem>> -> memref<8x64xf32, #tpu.memory_space<vmem>>
      %dma_start3A_45 = arith.constant 0 : i32
      %dma_start3A_46 = tpu.memref_slice %arg2[%mul3A_33, %dma_start3A_45] : memref<1000000x64xf32, #tpu.memory_space<hbm>> -> memref<8x64xf32, #tpu.memory_space<hbm>>
      tpu.enqueue_dma source(%dma_start3A_46 : memref<8x64xf32, #tpu.memory_space<hbm>>) target(%dma_start3A_44 : memref<8x64xf32, #tpu.memory_space<vmem>>) target_semaphore(%arg8 : memref<!tpu.dma_semaphore, #tpu.memory_space<semaphore_mem>>)
      %slice3A_47 = vector.extract_strided_slice %shift_right_arithmetic3A_13 {offsets = [2], sizes = [1], strides = [1]} : vector<16xi32> to vector<1xi32>
      %squeeze3A_48 = vector.extract %slice3A_47[0] : i32 from vector<1xi32>
      %mul3A_49 = arith.constant 8 : i32
      %mul3A_50 = arith.muli %squeeze3A_48, %mul3A_49 : i32
      %dma_start3A_51 = arith.constant 2 : i32
      %dma_start3A_52 = arith.constant 0 : i32
      %dma_start3A_53 = arith.constant 0 : i32
      %dma_start3A_54 = tpu.memref_slice %arg6[%dma_start3A_51, %dma_start3A_52, %dma_start3A_53] : memref<16x8x64xf32, #tpu.memory_space<vmem>> -> memref<1x8x64xf32, #tpu.memory_space<vmem>>
      %dma_start3A_55 = tpu.memref_squeeze %dma_start3A_54 : memref<1x8x64xf32, #tpu.memory_space<vmem>> -> memref<8x64xf32, #tpu.memory_space<vmem>>
      %dma_start3A_56 = arith.constant 0 : i32
      %dma_start3A_57 = tpu.memref_slice %arg2[%mul3A_50, %dma_start3A_56] : memref<1000000x64xf32, #tpu.memory_space<hbm>> -> memref<8x64xf32, #tpu.memory_space<hbm>>
      %dma_start3A_58 = arith.constant 0 : i32
      %dma_start3A_59 = arith.constant 0 : i32
      %dma_start3A_60 = tpu.memref_slice %arg6[%dma_start3A_51, %dma_start3A_58, %dma_start3A_59] : memref<16x8x64xf32, #tpu.memory_space<vmem>> -> memref<1x8x64xf32, #tpu.memory_space<vmem>>
      %dma_start3A_61 = tpu.memref_squeeze %dma_start3A_60 : memref<1x8x64xf32, #tpu.memory_space<vmem>> -> memref<8x64xf32, #tpu.memory_space<vmem>>
      %dma_start3A_62 = arith.constant 0 : i32
      %dma_start3A_63 = tpu.memref_slice %arg2[%mul3A_50, %dma_start3A_62] : memref<1000000x64xf32, #tpu.memory_space<hbm>> -> memref<8x64xf32, #tpu.memory_space<hbm>>
      tpu.enqueue_dma source(%dma_start3A_63 : memref<8x64xf32, #tpu.memory_space<hbm>>) target(%dma_start3A_61 : memref<8x64xf32, #tpu.memory_space<vmem>>) target_semaphore(%arg8 : memref<!tpu.dma_semaphore, #tpu.memory_space<semaphore_mem>>)
      %slice3A_64 = vector.extract_strided_slice %shift_right_arithmetic3A_13 {offsets = [3], sizes = [1], strides = [1]} : vector<16xi32> to vector<1xi32>
      %squeeze3A_65 = vector.extract %slice3A_64[0] : i32 from vector<1xi32>
      %mul3A_66 = arith.constant 8 : i32
      %mul3A_67 = arith.muli %squeeze3A_65, %mul3A_66 : i32
      %dma_start3A_68 = arith.constant 3 : i32
      %dma_start3A_69 = arith.constant 0 : i32
      %dma_start3A_70 = arith.constant 0 : i32
      %dma_start3A_71 = tpu.memref_slice %arg6[%dma_start3A_68, %dma_start3A_69, %dma_start3A_70] : memref<16x8x64xf32, #tpu.memory_space<vmem>> -> memref<1x8x64xf32, #tpu.memory_space<vmem>>
      %dma_start3A_72 = tpu.memref_squeeze %dma_start3A_71 : memref<1x8x64xf32, #tpu.memory_space<vmem>> -> memref<8x64xf32, #tpu.memory_space<vmem>>
      %dma_start3A_73 = arith.constant 0 : i32
      %dma_start3A_74 = tpu.memref_slice %arg2[%mul3A_67, %dma_start3A_73] : memref<1000000x64xf32, #tpu.memory_space<hbm>> -> memref<8x64xf32, #tpu.memory_space<hbm>>
      %dma_start3A_75 = arith.constant 0 : i32
      %dma_start3A_76 = arith.constant 0 : i32
      %dma_start3A_77 = tpu.memref_slice %arg6[%dma_start3A_68, %dma_start3A_75, %dma_start3A_76] : memref<16x8x64xf32, #tpu.memory_space<vmem>> -> memref<1x8x64xf32, #tpu.memory_space<vmem>>
      %dma_start3A_78 = tpu.memref_squeeze %dma_start3A_77 : memref<1x8x64xf32, #tpu.memory_space<vmem>> -> memref<8x64xf32, #tpu.memory_space<vmem>>
      %dma_start3A_79 = arith.constant 0 : i32
      %dma_start3A_80 = tpu.memref_slice %arg2[%mul3A_67, %dma_start3A_79] : memref<1000000x64xf32, #tpu.memory_space<hbm>> -> memref<8x64xf32, #tpu.memory_space<hbm>>
      tpu.enqueue_dma source(%dma_start3A_80 : memref<8x64xf32, #tpu.memory_space<hbm>>) target(%dma_start3A_78 : memref<8x64xf32, #tpu.memory_space<vmem>>) target_semaphore(%arg8 : memref<!tpu.dma_semaphore, #tpu.memory_space<semaphore_mem>>)
      %slice3A_81 = vector.extract_strided_slice %shift_right_arithmetic3A_13 {offsets = [4], sizes = [1], strides = [1]} : vector<16xi32> to vector<1xi32>
      %squeeze3A_82 = vector.extract %slice3A_81[0] : i32 from vector<1xi32>
      %mul3A_83 = arith.constant 8 : i32
      %mul3A_84 = arith.muli %squeeze3A_82, %mul3A_83 : i32
      %dma_start3A_85 = arith.constant 4 : i32
      %dma_start3A_86 = arith.constant 0 : i32
      %dma_start3A_87 = arith.constant 0 : i32
      %dma_start3A_88 = tpu.memref_slice %arg6[%dma_start3A_85, %dma_start3A_86, %dma_start3A_87] : memref<16x8x64xf32, #tpu.memory_space<vmem>> -> memref<1x8x64xf32, #tpu.memory_space<vmem>>
      %dma_start3A_89 = tpu.memref_squeeze %dma_start3A_88 : memref<1x8x64xf32, #tpu.memory_space<vmem>> -> memref<8x64xf32, #tpu.memory_space<vmem>>
      %dma_start3A_90 = arith.constant 0 : i32
      %dma_start3A_91 = tpu.memref_slice %arg2[%mul3A_84, %dma_start3A_90] : memref<1000000x64xf32, #tpu.memory_space<hbm>> -> memref<8x64xf32, #tpu.memory_space<hbm>>
      %dma_start3A_92 = arith.constant 0 : i32
      %dma_start3A_93 = arith.constant 0 : i32
      %dma_start3A_94 = tpu.memref_slice %arg6[%dma_start3A_85, %dma_start3A_92, %dma_start3A_93] : memref<16x8x64xf32, #tpu.memory_space<vmem>> -> memref<1x8x64xf32, #tpu.memory_space<vmem>>
      %dma_start3A_95 = tpu.memref_squeeze %dma_start3A_94 : memref<1x8x64xf32, #tpu.memory_space<vmem>> -> memref<8x64xf32, #tpu.memory_space<vmem>>
      %dma_start3A_96 = arith.constant 0 : i32
      %dma_start3A_97 = tpu.memref_slice %arg2[%mul3A_84, %dma_start3A_96] : memref<1000000x64xf32, #tpu.memory_space<hbm>> -> memref<8x64xf32, #tpu.memory_space<hbm>>
      tpu.enqueue_dma source(%dma_start3A_97 : memref<8x64xf32, #tpu.memory_space<hbm>>) target(%dma_start3A_95 : memref<8x64xf32, #tpu.memory_space<vmem>>) target_semaphore(%arg8 : memref<!tpu.dma_semaphore, #tpu.memory_space<semaphore_mem>>)
      %slice3A_98 = vector.extract_strided_slice %shift_right_arithmetic3A_13 {offsets = [5], sizes = [1], strides = [1]} : vector<16xi32> to vector<1xi32>
      %squeeze3A_99 = vector.extract %slice3A_98[0] : i32 from vector<1xi32>
      %mul3A_100 = arith.constant 8 : i32
      %mul3A_101 = arith.muli %squeeze3A_99, %mul3A_100 : i32
      %dma_start3A_102 = arith.constant 5 : i32
      %dma_start3A_103 = arith.constant 0 : i32
      %dma_start3A_104 = arith.constant 0 : i32
      %dma_start3A_105 = tpu.memref_slice %arg6[%dma_start3A_102, %dma_start3A_103, %dma_start3A_104] : memref<16x8x64xf32, #tpu.memory_space<vmem>> -> memref<1x8x64xf32, #tpu.memory_space<vmem>>
      %dma_start3A_106 = tpu.memref_squeeze %dma_start3A_105 : memref<1x8x64xf32, #tpu.memory_space<vmem>> -> memref<8x64xf32, #tpu.memory_space<vmem>>
      %dma_start3A_107 = arith.constant 0 : i32
      %dma_start3A_108 = tpu.memref_slice %arg2[%mul3A_101, %dma_start3A_107] : memref<1000000x64xf32, #tpu.memory_space<hbm>> -> memref<8x64xf32, #tpu.memory_space<hbm>>
      %dma_start3A_109 = arith.constant 0 : i32
      %dma_start3A_110 = arith.constant 0 : i32
      %dma_start3A_111 = tpu.memref_slice %arg6[%dma_start3A_102, %dma_start3A_109, %dma_start3A_110] : memref<16x8x64xf32, #tpu.memory_space<vmem>> -> memref<1x8x64xf32, #tpu.memory_space<vmem>>
      %dma_start3A_112 = tpu.memref_squeeze %dma_start3A_111 : memref<1x8x64xf32, #tpu.memory_space<vmem>> -> memref<8x64xf32, #tpu.memory_space<vmem>>
      %dma_start3A_113 = arith.constant 0 : i32
      %dma_start3A_114 = tpu.memref_slice %arg2[%mul3A_101, %dma_start3A_113] : memref<1000000x64xf32, #tpu.memory_space<hbm>> -> memref<8x64xf32, #tpu.memory_space<hbm>>
      tpu.enqueue_dma source(%dma_start3A_114 : memref<8x64xf32, #tpu.memory_space<hbm>>) target(%dma_start3A_112 : memref<8x64xf32, #tpu.memory_space<vmem>>) target_semaphore(%arg8 : memref<!tpu.dma_semaphore, #tpu.memory_space<semaphore_mem>>)
      %slice3A_115 = vector.extract_strided_slice %shift_right_arithmetic3A_13 {offsets = [6], sizes = [1], strides = [1]} : vector<16xi32> to vector<1xi32>
      %squeeze3A_116 = vector.extract %slice3A_115[0] : i32 from vector<1xi32>
      %mul3A_117 = arith.constant 8 : i32
      %mul3A_118 = arith.muli %squeeze3A_116, %mul3A_117 : i32
      %dma_start3A_119 = arith.constant 6 : i32
      %dma_start3A_120 = arith.constant 0 : i32
      %dma_start3A_121 = arith.constant 0 : i32
      %dma_start3A_122 = tpu.memref_slice %arg6[%dma_start3A_119, %dma_start3A_120, %dma_start3A_121] : memref<16x8x64xf32, #tpu.memory_space<vmem>> -> memref<1x8x64xf32, #tpu.memory_space<vmem>>
      %dma_start3A_123 = tpu.memref_squeeze %dma_start3A_122 : memref<1x8x64xf32, #tpu.memory_space<vmem>> -> memref<8x64xf32, #tpu.memory_space<vmem>>
      %dma_start3A_124 = arith.constant 0 : i32
      %dma_start3A_125 = tpu.memref_slice %arg2[%mul3A_118, %dma_start3A_124] : memref<1000000x64xf32, #tpu.memory_space<hbm>> -> memref<8x64xf32, #tpu.memory_space<hbm>>
      %dma_start3A_126 = arith.constant 0 : i32
      %dma_start3A_127 = arith.constant 0 : i32
      %dma_start3A_128 = tpu.memref_slice %arg6[%dma_start3A_119, %dma_start3A_126, %dma_start3A_127] : memref<16x8x64xf32, #tpu.memory_space<vmem>> -> memref<1x8x64xf32, #tpu.memory_space<vmem>>
      %dma_start3A_129 = tpu.memref_squeeze %dma_start3A_128 : memref<1x8x64xf32, #tpu.memory_space<vmem>> -> memref<8x64xf32, #tpu.memory_space<vmem>>
      %dma_start3A_130 = arith.constant 0 : i32
      %dma_start3A_131 = tpu.memref_slice %arg2[%mul3A_118, %dma_start3A_130] : memref<1000000x64xf32, #tpu.memory_space<hbm>> -> memref<8x64xf32, #tpu.memory_space<hbm>>
      tpu.enqueue_dma source(%dma_start3A_131 : memref<8x64xf32, #tpu.memory_space<hbm>>) target(%dma_start3A_129 : memref<8x64xf32, #tpu.memory_space<vmem>>) target_semaphore(%arg8 : memref<!tpu.dma_semaphore, #tpu.memory_space<semaphore_mem>>)
      %slice3A_132 = vector.extract_strided_slice %shift_right_arithmetic3A_13 {offsets = [7], sizes = [1], strides = [1]} : vector<16xi32> to vector<1xi32>
      %squeeze3A_133 = vector.extract %slice3A_132[0] : i32 from vector<1xi32>
      %mul3A_134 = arith.constant 8 : i32
      %mul3A_135 = arith.muli %squeeze3A_133, %mul3A_134 : i32
      %dma_start3A_136 = arith.constant 7 : i32
      %dma_start3A_137 = arith.constant 0 : i32
      %dma_start3A_138 = arith.constant 0 : i32
      %dma_start3A_139 = tpu.memref_slice %arg6[%dma_start3A_136, %dma_start3A_137, %dma_start3A_138] : memref<16x8x64xf32, #tpu.memory_space<vmem>> -> memref<1x8x64xf32, #tpu.memory_space<vmem>>
      %dma_start3A_140 = tpu.memref_squeeze %dma_start3A_139 : memref<1x8x64xf32, #tpu.memory_space<vmem>> -> memref<8x64xf32, #tpu.memory_space<vmem>>
      %dma_start3A_141 = arith.constant 0 : i32
      %dma_start3A_142 = tpu.memref_slice %arg2[%mul3A_135, %dma_start3A_141] : memref<1000000x64xf32, #tpu.memory_space<hbm>> -> memref<8x64xf32, #tpu.memory_space<hbm>>
      %dma_start3A_143 = arith.constant 0 : i32
      %dma_start3A_144 = arith.constant 0 : i32
      %dma_start3A_145 = tpu.memref_slice %arg6[%dma_start3A_136, %dma_start3A_143, %dma_start3A_144] : memref<16x8x64xf32, #tpu.memory_space<vmem>> -> memref<1x8x64xf32, #tpu.memory_space<vmem>>
      %dma_start3A_146 = tpu.memref_squeeze %dma_start3A_145 : memref<1x8x64xf32, #tpu.memory_space<vmem>> -> memref<8x64xf32, #tpu.memory_space<vmem>>
      %dma_start3A_147 = arith.constant 0 : i32
      %dma_start3A_148 = tpu.memref_slice %arg2[%mul3A_135, %dma_start3A_147] : memref<1000000x64xf32, #tpu.memory_space<hbm>> -> memref<8x64xf32, #tpu.memory_space<hbm>>
      tpu.enqueue_dma source(%dma_start3A_148 : memref<8x64xf32, #tpu.memory_space<hbm>>) target(%dma_start3A_146 : memref<8x64xf32, #tpu.memory_space<vmem>>) target_semaphore(%arg8 : memref<!tpu.dma_semaphore, #tpu.memory_space<semaphore_mem>>)
      %slice3A_149 = vector.extract_strided_slice %shift_right_arithmetic3A_13 {offsets = [8], sizes = [1], strides = [1]} : vector<16xi32> to vector<1xi32>
      %squeeze3A_150 = vector.extract %slice3A_149[0] : i32 from vector<1xi32>
      %mul3A_151 = arith.constant 8 : i32
      %mul3A_152 = arith.muli %squeeze3A_150, %mul3A_151 : i32
      %dma_start3A_153 = arith.constant 8 : i32
      %dma_start3A_154 = arith.constant 0 : i32
      %dma_start3A_155 = arith.constant 0 : i32
      %dma_start3A_156 = tpu.memref_slice %arg6[%dma_start3A_153, %dma_start3A_154, %dma_start3A_155] : memref<16x8x64xf32, #tpu.memory_space<vmem>> -> memref<1x8x64xf32, #tpu.memory_space<vmem>>
      %dma_start3A_157 = tpu.memref_squeeze %dma_start3A_156 : memref<1x8x64xf32, #tpu.memory_space<vmem>> -> memref<8x64xf32, #tpu.memory_space<vmem>>
      %dma_start3A_158 = arith.constant 0 : i32
      %dma_start3A_159 = tpu.memref_slice %arg2[%mul3A_152, %dma_start3A_158] : memref<1000000x64xf32, #tpu.memory_space<hbm>> -> memref<8x64xf32, #tpu.memory_space<hbm>>
      %dma_start3A_160 = arith.constant 0 : i32
      %dma_start3A_161 = arith.constant 0 : i32
      %dma_start3A_162 = tpu.memref_slice %arg6[%dma_start3A_153, %dma_start3A_160, %dma_start3A_161] : memref<16x8x64xf32, #tpu.memory_space<vmem>> -> memref<1x8x64xf32, #tpu.memory_space<vmem>>
      %dma_start3A_163 = tpu.memref_squeeze %dma_start3A_162 : memref<1x8x64xf32, #tpu.memory_space<vmem>> -> memref<8x64xf32, #tpu.memory_space<vmem>>
      %dma_start3A_164 = arith.constant 0 : i32
      %dma_start3A_165 = tpu.memref_slice %arg2[%mul3A_152, %dma_start3A_164] : memref<1000000x64xf32, #tpu.memory_space<hbm>> -> memref<8x64xf32, #tpu.memory_space<hbm>>
      tpu.enqueue_dma source(%dma_start3A_165 : memref<8x64xf32, #tpu.memory_space<hbm>>) target(%dma_start3A_163 : memref<8x64xf32, #tpu.memory_space<vmem>>) target_semaphore(%arg8 : memref<!tpu.dma_semaphore, #tpu.memory_space<semaphore_mem>>)
      %slice3A_166 = vector.extract_strided_slice %shift_right_arithmetic3A_13 {offsets = [9], sizes = [1], strides = [1]} : vector<16xi32> to vector<1xi32>
      %squeeze3A_167 = vector.extract %slice3A_166[0] : i32 from vector<1xi32>
      %mul3A_168 = arith.constant 8 : i32
      %mul3A_169 = arith.muli %squeeze3A_167, %mul3A_168 : i32
      %dma_start3A_170 = arith.constant 9 : i32
      %dma_start3A_171 = arith.constant 0 : i32
      %dma_start3A_172 = arith.constant 0 : i32
      %dma_start3A_173 = tpu.memref_slice %arg6[%dma_start3A_170, %dma_start3A_171, %dma_start3A_172] : memref<16x8x64xf32, #tpu.memory_space<vmem>> -> memref<1x8x64xf32, #tpu.memory_space<vmem>>
      %dma_start3A_174 = tpu.memref_squeeze %dma_start3A_173 : memref<1x8x64xf32, #tpu.memory_space<vmem>> -> memref<8x64xf32, #tpu.memory_space<vmem>>
      %dma_start3A_175 = arith.constant 0 : i32
      %dma_start3A_176 = tpu.memref_slice %arg2[%mul3A_169, %dma_start3A_175] : memref<1000000x64xf32, #tpu.memory_space<hbm>> -> memref<8x64xf32, #tpu.memory_space<hbm>>
      %dma_start3A_177 = arith.constant 0 : i32
      %dma_start3A_178 = arith.constant 0 : i32
      %dma_start3A_179 = tpu.memref_slice %arg6[%dma_start3A_170, %dma_start3A_177, %dma_start3A_178] : memref<16x8x64xf32, #tpu.memory_space<vmem>> -> memref<1x8x64xf32, #tpu.memory_space<vmem>>
      %dma_start3A_180 = tpu.memref_squeeze %dma_start3A_179 : memref<1x8x64xf32, #tpu.memory_space<vmem>> -> memref<8x64xf32, #tpu.memory_space<vmem>>
      %dma_start3A_181 = arith.constant 0 : i32
      %dma_start3A_182 = tpu.memref_slice %arg2[%mul3A_169, %dma_start3A_181] : memref<1000000x64xf32, #tpu.memory_space<hbm>> -> memref<8x64xf32, #tpu.memory_space<hbm>>
      tpu.enqueue_dma source(%dma_start3A_182 : memref<8x64xf32, #tpu.memory_space<hbm>>) target(%dma_start3A_180 : memref<8x64xf32, #tpu.memory_space<vmem>>) target_semaphore(%arg8 : memref<!tpu.dma_semaphore, #tpu.memory_space<semaphore_mem>>)
      %slice3A_183 = vector.extract_strided_slice %shift_right_arithmetic3A_13 {offsets = [10], sizes = [1], strides = [1]} : vector<16xi32> to vector<1xi32>
      %squeeze3A_184 = vector.extract %slice3A_183[0] : i32 from vector<1xi32>
      %mul3A_185 = arith.constant 8 : i32
      %mul3A_186 = arith.muli %squeeze3A_184, %mul3A_185 : i32
      %dma_start3A_187 = arith.constant 10 : i32
      %dma_start3A_188 = arith.constant 0 : i32
      %dma_start3A_189 = arith.constant 0 : i32
      %dma_start3A_190 = tpu.memref_slice %arg6[%dma_start3A_187, %dma_start3A_188, %dma_start3A_189] : memref<16x8x64xf32, #tpu.memory_space<vmem>> -> memref<1x8x64xf32, #tpu.memory_space<vmem>>
      %dma_start3A_191 = tpu.memref_squeeze %dma_start3A_190 : memref<1x8x64xf32, #tpu.memory_space<vmem>> -> memref<8x64xf32, #tpu.memory_space<vmem>>
      %dma_start3A_192 = arith.constant 0 : i32
      %dma_start3A_193 = tpu.memref_slice %arg2[%mul3A_186, %dma_start3A_192] : memref<1000000x64xf32, #tpu.memory_space<hbm>> -> memref<8x64xf32, #tpu.memory_space<hbm>>
      %dma_start3A_194 = arith.constant 0 : i32
      %dma_start3A_195 = arith.constant 0 : i32
      %dma_start3A_196 = tpu.memref_slice %arg6[%dma_start3A_187, %dma_start3A_194, %dma_start3A_195] : memref<16x8x64xf32, #tpu.memory_space<vmem>> -> memref<1x8x64xf32, #tpu.memory_space<vmem>>
      %dma_start3A_197 = tpu.memref_squeeze %dma_start3A_196 : memref<1x8x64xf32, #tpu.memory_space<vmem>> -> memref<8x64xf32, #tpu.memory_space<vmem>>
      %dma_start3A_198 = arith.constant 0 : i32
      %dma_start3A_199 = tpu.memref_slice %arg2[%mul3A_186, %dma_start3A_198] : memref<1000000x64xf32, #tpu.memory_space<hbm>> -> memref<8x64xf32, #tpu.memory_space<hbm>>
      tpu.enqueue_dma source(%dma_start3A_199 : memref<8x64xf32, #tpu.memory_space<hbm>>) target(%dma_start3A_197 : memref<8x64xf32, #tpu.memory_space<vmem>>) target_semaphore(%arg8 : memref<!tpu.dma_semaphore, #tpu.memory_space<semaphore_mem>>)
      %slice3A_200 = vector.extract_strided_slice %shift_right_arithmetic3A_13 {offsets = [11], sizes = [1], strides = [1]} : vector<16xi32> to vector<1xi32>
      %squeeze3A_201 = vector.extract %slice3A_200[0] : i32 from vector<1xi32>
      %mul3A_202 = arith.constant 8 : i32
      %mul3A_203 = arith.muli %squeeze3A_201, %mul3A_202 : i32
      %dma_start3A_204 = arith.constant 11 : i32
      %dma_start3A_205 = arith.constant 0 : i32
      %dma_start3A_206 = arith.constant 0 : i32
      %dma_start3A_207 = tpu.memref_slice %arg6[%dma_start3A_204, %dma_start3A_205, %dma_start3A_206] : memref<16x8x64xf32, #tpu.memory_space<vmem>> -> memref<1x8x64xf32, #tpu.memory_space<vmem>>
      %dma_start3A_208 = tpu.memref_squeeze %dma_start3A_207 : memref<1x8x64xf32, #tpu.memory_space<vmem>> -> memref<8x64xf32, #tpu.memory_space<vmem>>
      %dma_start3A_209 = arith.constant 0 : i32
      %dma_start3A_210 = tpu.memref_slice %arg2[%mul3A_203, %dma_start3A_209] : memref<1000000x64xf32, #tpu.memory_space<hbm>> -> memref<8x64xf32, #tpu.memory_space<hbm>>
      %dma_start3A_211 = arith.constant 0 : i32
      %dma_start3A_212 = arith.constant 0 : i32
      %dma_start3A_213 = tpu.memref_slice %arg6[%dma_start3A_204, %dma_start3A_211, %dma_start3A_212] : memref<16x8x64xf32, #tpu.memory_space<vmem>> -> memref<1x8x64xf32, #tpu.memory_space<vmem>>
      %dma_start3A_214 = tpu.memref_squeeze %dma_start3A_213 : memref<1x8x64xf32, #tpu.memory_space<vmem>> -> memref<8x64xf32, #tpu.memory_space<vmem>>
      %dma_start3A_215 = arith.constant 0 : i32
      %dma_start3A_216 = tpu.memref_slice %arg2[%mul3A_203, %dma_start3A_215] : memref<1000000x64xf32, #tpu.memory_space<hbm>> -> memref<8x64xf32, #tpu.memory_space<hbm>>
      tpu.enqueue_dma source(%dma_start3A_216 : memref<8x64xf32, #tpu.memory_space<hbm>>) target(%dma_start3A_214 : memref<8x64xf32, #tpu.memory_space<vmem>>) target_semaphore(%arg8 : memref<!tpu.dma_semaphore, #tpu.memory_space<semaphore_mem>>)
      %slice3A_217 = vector.extract_strided_slice %shift_right_arithmetic3A_13 {offsets = [12], sizes = [1], strides = [1]} : vector<16xi32> to vector<1xi32>
      %squeeze3A_218 = vector.extract %slice3A_217[0] : i32 from vector<1xi32>
      %mul3A_219 = arith.constant 8 : i32
      %mul3A_220 = arith.muli %squeeze3A_218, %mul3A_219 : i32
      %dma_start3A_221 = arith.constant 12 : i32
      %dma_start3A_222 = arith.constant 0 : i32
      %dma_start3A_223 = arith.constant 0 : i32
      %dma_start3A_224 = tpu.memref_slice %arg6[%dma_start3A_221, %dma_start3A_222, %dma_start3A_223] : memref<16x8x64xf32, #tpu.memory_space<vmem>> -> memref<1x8x64xf32, #tpu.memory_space<vmem>>
      %dma_start3A_225 = tpu.memref_squeeze %dma_start3A_224 : memref<1x8x64xf32, #tpu.memory_space<vmem>> -> memref<8x64xf32, #tpu.memory_space<vmem>>
      %dma_start3A_226 = arith.constant 0 : i32
      %dma_start3A_227 = tpu.memref_slice %arg2[%mul3A_220, %dma_start3A_226] : memref<1000000x64xf32, #tpu.memory_space<hbm>> -> memref<8x64xf32, #tpu.memory_space<hbm>>
      %dma_start3A_228 = arith.constant 0 : i32
      %dma_start3A_229 = arith.constant 0 : i32
      %dma_start3A_230 = tpu.memref_slice %arg6[%dma_start3A_221, %dma_start3A_228, %dma_start3A_229] : memref<16x8x64xf32, #tpu.memory_space<vmem>> -> memref<1x8x64xf32, #tpu.memory_space<vmem>>
      %dma_start3A_231 = tpu.memref_squeeze %dma_start3A_230 : memref<1x8x64xf32, #tpu.memory_space<vmem>> -> memref<8x64xf32, #tpu.memory_space<vmem>>
      %dma_start3A_232 = arith.constant 0 : i32
      %dma_start3A_233 = tpu.memref_slice %arg2[%mul3A_220, %dma_start3A_232] : memref<1000000x64xf32, #tpu.memory_space<hbm>> -> memref<8x64xf32, #tpu.memory_space<hbm>>
      tpu.enqueue_dma source(%dma_start3A_233 : memref<8x64xf32, #tpu.memory_space<hbm>>) target(%dma_start3A_231 : memref<8x64xf32, #tpu.memory_space<vmem>>) target_semaphore(%arg8 : memref<!tpu.dma_semaphore, #tpu.memory_space<semaphore_mem>>)
      %slice3A_234 = vector.extract_strided_slice %shift_right_arithmetic3A_13 {offsets = [13], sizes = [1], strides = [1]} : vector<16xi32> to vector<1xi32>
      %squeeze3A_235 = vector.extract %slice3A_234[0] : i32 from vector<1xi32>
      %mul3A_236 = arith.constant 8 : i32
      %mul3A_237 = arith.muli %squeeze3A_235, %mul3A_236 : i32
      %dma_start3A_238 = arith.constant 13 : i32
      %dma_start3A_239 = arith.constant 0 : i32
      %dma_start3A_240 = arith.constant 0 : i32
      %dma_start3A_241 = tpu.memref_slice %arg6[%dma_start3A_238, %dma_start3A_239, %dma_start3A_240] : memref<16x8x64xf32, #tpu.memory_space<vmem>> -> memref<1x8x64xf32, #tpu.memory_space<vmem>>
      %dma_start3A_242 = tpu.memref_squeeze %dma_start3A_241 : memref<1x8x64xf32, #tpu.memory_space<vmem>> -> memref<8x64xf32, #tpu.memory_space<vmem>>
      %dma_start3A_243 = arith.constant 0 : i32
      %dma_start3A_244 = tpu.memref_slice %arg2[%mul3A_237, %dma_start3A_243] : memref<1000000x64xf32, #tpu.memory_space<hbm>> -> memref<8x64xf32, #tpu.memory_space<hbm>>
      %dma_start3A_245 = arith.constant 0 : i32
      %dma_start3A_246 = arith.constant 0 : i32
      %dma_start3A_247 = tpu.memref_slice %arg6[%dma_start3A_238, %dma_start3A_245, %dma_start3A_246] : memref<16x8x64xf32, #tpu.memory_space<vmem>> -> memref<1x8x64xf32, #tpu.memory_space<vmem>>
      %dma_start3A_248 = tpu.memref_squeeze %dma_start3A_247 : memref<1x8x64xf32, #tpu.memory_space<vmem>> -> memref<8x64xf32, #tpu.memory_space<vmem>>
      %dma_start3A_249 = arith.constant 0 : i32
      %dma_start3A_250 = tpu.memref_slice %arg2[%mul3A_237, %dma_start3A_249] : memref<1000000x64xf32, #tpu.memory_space<hbm>> -> memref<8x64xf32, #tpu.memory_space<hbm>>
      tpu.enqueue_dma source(%dma_start3A_250 : memref<8x64xf32, #tpu.memory_space<hbm>>) target(%dma_start3A_248 : memref<8x64xf32, #tpu.memory_space<vmem>>) target_semaphore(%arg8 : memref<!tpu.dma_semaphore, #tpu.memory_space<semaphore_mem>>)
      %slice3A_251 = vector.extract_strided_slice %shift_right_arithmetic3A_13 {offsets = [14], sizes = [1], strides = [1]} : vector<16xi32> to vector<1xi32>
      %squeeze3A_252 = vector.extract %slice3A_251[0] : i32 from vector<1xi32>
      %mul3A_253 = arith.constant 8 : i32
      %mul3A_254 = arith.muli %squeeze3A_252, %mul3A_253 : i32
      %dma_start3A_255 = arith.constant 14 : i32
      %dma_start3A_256 = arith.constant 0 : i32
      %dma_start3A_257 = arith.constant 0 : i32
      %dma_start3A_258 = tpu.memref_slice %arg6[%dma_start3A_255, %dma_start3A_256, %dma_start3A_257] : memref<16x8x64xf32, #tpu.memory_space<vmem>> -> memref<1x8x64xf32, #tpu.memory_space<vmem>>
      %dma_start3A_259 = tpu.memref_squeeze %dma_start3A_258 : memref<1x8x64xf32, #tpu.memory_space<vmem>> -> memref<8x64xf32, #tpu.memory_space<vmem>>
      %dma_start3A_260 = arith.constant 0 : i32
      %dma_start3A_261 = tpu.memref_slice %arg2[%mul3A_254, %dma_start3A_260] : memref<1000000x64xf32, #tpu.memory_space<hbm>> -> memref<8x64xf32, #tpu.memory_space<hbm>>
      %dma_start3A_262 = arith.constant 0 : i32
      %dma_start3A_263 = arith.constant 0 : i32
      %dma_start3A_264 = tpu.memref_slice %arg6[%dma_start3A_255, %dma_start3A_262, %dma_start3A_263] : memref<16x8x64xf32, #tpu.memory_space<vmem>> -> memref<1x8x64xf32, #tpu.memory_space<vmem>>
      %dma_start3A_265 = tpu.memref_squeeze %dma_start3A_264 : memref<1x8x64xf32, #tpu.memory_space<vmem>> -> memref<8x64xf32, #tpu.memory_space<vmem>>
      %dma_start3A_266 = arith.constant 0 : i32
      %dma_start3A_267 = tpu.memref_slice %arg2[%mul3A_254, %dma_start3A_266] : memref<1000000x64xf32, #tpu.memory_space<hbm>> -> memref<8x64xf32, #tpu.memory_space<hbm>>
      tpu.enqueue_dma source(%dma_start3A_267 : memref<8x64xf32, #tpu.memory_space<hbm>>) target(%dma_start3A_265 : memref<8x64xf32, #tpu.memory_space<vmem>>) target_semaphore(%arg8 : memref<!tpu.dma_semaphore, #tpu.memory_space<semaphore_mem>>)
      %slice3A_268 = vector.extract_strided_slice %shift_right_arithmetic3A_13 {offsets = [15], sizes = [1], strides = [1]} : vector<16xi32> to vector<1xi32>
      %squeeze3A_269 = vector.extract %slice3A_268[0] : i32 from vector<1xi32>
      %mul3A_270 = arith.constant 8 : i32
      %mul3A_271 = arith.muli %squeeze3A_269, %mul3A_270 : i32
      %dma_start3A_272 = arith.constant 15 : i32
      %dma_start3A_273 = arith.constant 0 : i32
      %dma_start3A_274 = arith.constant 0 : i32
      %dma_start3A_275 = tpu.memref_slice %arg6[%dma_start3A_272, %dma_start3A_273, %dma_start3A_274] : memref<16x8x64xf32, #tpu.memory_space<vmem>> -> memref<1x8x64xf32, #tpu.memory_space<vmem>>
      %dma_start3A_276 = tpu.memref_squeeze %dma_start3A_275 : memref<1x8x64xf32, #tpu.memory_space<vmem>> -> memref<8x64xf32, #tpu.memory_space<vmem>>
      %dma_start3A_277 = arith.constant 0 : i32
      %dma_start3A_278 = tpu.memref_slice %arg2[%mul3A_271, %dma_start3A_277] : memref<1000000x64xf32, #tpu.memory_space<hbm>> -> memref<8x64xf32, #tpu.memory_space<hbm>>
      %dma_start3A_279 = arith.constant 0 : i32
      %dma_start3A_280 = arith.constant 0 : i32
      %dma_start3A_281 = tpu.memref_slice %arg6[%dma_start3A_272, %dma_start3A_279, %dma_start3A_280] : memref<16x8x64xf32, #tpu.memory_space<vmem>> -> memref<1x8x64xf32, #tpu.memory_space<vmem>>
      %dma_start3A_282 = tpu.memref_squeeze %dma_start3A_281 : memref<1x8x64xf32, #tpu.memory_space<vmem>> -> memref<8x64xf32, #tpu.memory_space<vmem>>
      %dma_start3A_283 = arith.constant 0 : i32
      %dma_start3A_284 = tpu.memref_slice %arg2[%mul3A_271, %dma_start3A_283] : memref<1000000x64xf32, #tpu.memory_space<hbm>> -> memref<8x64xf32, #tpu.memory_space<hbm>>
      tpu.enqueue_dma source(%dma_start3A_284 : memref<8x64xf32, #tpu.memory_space<hbm>>) target(%dma_start3A_282 : memref<8x64xf32, #tpu.memory_space<vmem>>) target_semaphore(%arg8 : memref<!tpu.dma_semaphore, #tpu.memory_space<semaphore_mem>>)
      %dma_wait3A = arith.constant 0 : i32
      %dma_wait3A_285 = arith.constant 0 : i32
      %dma_wait3A_286 = arith.constant 0 : i32
      %dma_wait3A_287 = tpu.memref_slice %arg6[%dma_wait3A, %dma_wait3A_285, %dma_wait3A_286] : memref<16x8x64xf32, #tpu.memory_space<vmem>> -> memref<1x8x64xf32, #tpu.memory_space<vmem>>
      %dma_wait3A_288 = tpu.memref_squeeze %dma_wait3A_287 : memref<1x8x64xf32, #tpu.memory_space<vmem>> -> memref<8x64xf32, #tpu.memory_space<vmem>>
      %dma_wait3A_289 = arith.constant 0 : i32
      %dma_wait3A_290 = tpu.memref_slice %arg2[%mul3A_17, %dma_wait3A_289] : memref<1000000x64xf32, #tpu.memory_space<hbm>> -> memref<8x64xf32, #tpu.memory_space<hbm>>
      %dma_wait3A_291 = arith.constant 0 : i32
      %dma_wait3A_292 = arith.constant 0 : i32
      %dma_wait3A_293 = tpu.memref_slice %arg6[%dma_wait3A, %dma_wait3A_291, %dma_wait3A_292] : memref<16x8x64xf32, #tpu.memory_space<vmem>> -> memref<1x8x64xf32, #tpu.memory_space<vmem>>
      %dma_wait3A_294 = tpu.memref_squeeze %dma_wait3A_293 : memref<1x8x64xf32, #tpu.memory_space<vmem>> -> memref<8x64xf32, #tpu.memory_space<vmem>>
      %dma_wait3A_295 = arith.constant 0 : i32
      %dma_wait3A_296 = tpu.memref_slice %arg2[%mul3A_17, %dma_wait3A_295] : memref<1000000x64xf32, #tpu.memory_space<hbm>> -> memref<8x64xf32, #tpu.memory_space<hbm>>
      tpu.wait_dma2 semaphore(%arg8 : memref<!tpu.dma_semaphore, #tpu.memory_space<semaphore_mem>>) src(%dma_wait3A_296 : memref<8x64xf32, #tpu.memory_space<hbm>>) dst(%dma_wait3A_294 : memref<8x64xf32, #tpu.memory_space<vmem>>)
      %dma_wait3A_297 = arith.constant 1 : i32
      %dma_wait3A_298 = arith.constant 0 : i32
      %dma_wait3A_299 = arith.constant 0 : i32
      %dma_wait3A_300 = tpu.memref_slice %arg6[%dma_wait3A_297, %dma_wait3A_298, %dma_wait3A_299] : memref<16x8x64xf32, #tpu.memory_space<vmem>> -> memref<1x8x64xf32, #tpu.memory_space<vmem>>
      %dma_wait3A_301 = tpu.memref_squeeze %dma_wait3A_300 : memref<1x8x64xf32, #tpu.memory_space<vmem>> -> memref<8x64xf32, #tpu.memory_space<vmem>>
      %dma_wait3A_302 = arith.constant 0 : i32
      %dma_wait3A_303 = tpu.memref_slice %arg2[%mul3A_33, %dma_wait3A_302] : memref<1000000x64xf32, #tpu.memory_space<hbm>> -> memref<8x64xf32, #tpu.memory_space<hbm>>
      %dma_wait3A_304 = arith.constant 0 : i32
      %dma_wait3A_305 = arith.constant 0 : i32
      %dma_wait3A_306 = tpu.memref_slice %arg6[%dma_wait3A_297, %dma_wait3A_304, %dma_wait3A_305] : memref<16x8x64xf32, #tpu.memory_space<vmem>> -> memref<1x8x64xf32, #tpu.memory_space<vmem>>
      %dma_wait3A_307 = tpu.memref_squeeze %dma_wait3A_306 : memref<1x8x64xf32, #tpu.memory_space<vmem>> -> memref<8x64xf32, #tpu.memory_space<vmem>>
      %dma_wait3A_308 = arith.constant 0 : i32
      %dma_wait3A_309 = tpu.memref_slice %arg2[%mul3A_33, %dma_wait3A_308] : memref<1000000x64xf32, #tpu.memory_space<hbm>> -> memref<8x64xf32, #tpu.memory_space<hbm>>
      tpu.wait_dma2 semaphore(%arg8 : memref<!tpu.dma_semaphore, #tpu.memory_space<semaphore_mem>>) src(%dma_wait3A_309 : memref<8x64xf32, #tpu.memory_space<hbm>>) dst(%dma_wait3A_307 : memref<8x64xf32, #tpu.memory_space<vmem>>)
      %dma_wait3A_310 = arith.constant 2 : i32
      %dma_wait3A_311 = arith.constant 0 : i32
      %dma_wait3A_312 = arith.constant 0 : i32
      %dma_wait3A_313 = tpu.memref_slice %arg6[%dma_wait3A_310, %dma_wait3A_311, %dma_wait3A_312] : memref<16x8x64xf32, #tpu.memory_space<vmem>> -> memref<1x8x64xf32, #tpu.memory_space<vmem>>
      %dma_wait3A_314 = tpu.memref_squeeze %dma_wait3A_313 : memref<1x8x64xf32, #tpu.memory_space<vmem>> -> memref<8x64xf32, #tpu.memory_space<vmem>>
      %dma_wait3A_315 = arith.constant 0 : i32
      %dma_wait3A_316 = tpu.memref_slice %arg2[%mul3A_50, %dma_wait3A_315] : memref<1000000x64xf32, #tpu.memory_space<hbm>> -> memref<8x64xf32, #tpu.memory_space<hbm>>
      %dma_wait3A_317 = arith.constant 0 : i32
      %dma_wait3A_318 = arith.constant 0 : i32
      %dma_wait3A_319 = tpu.memref_slice %arg6[%dma_wait3A_310, %dma_wait3A_317, %dma_wait3A_318] : memref<16x8x64xf32, #tpu.memory_space<vmem>> -> memref<1x8x64xf32, #tpu.memory_space<vmem>>
      %dma_wait3A_320 = tpu.memref_squeeze %dma_wait3A_319 : memref<1x8x64xf32, #tpu.memory_space<vmem>> -> memref<8x64xf32, #tpu.memory_space<vmem>>
      %dma_wait3A_321 = arith.constant 0 : i32
      %dma_wait3A_322 = tpu.memref_slice %arg2[%mul3A_50, %dma_wait3A_321] : memref<1000000x64xf32, #tpu.memory_space<hbm>> -> memref<8x64xf32, #tpu.memory_space<hbm>>
      tpu.wait_dma2 semaphore(%arg8 : memref<!tpu.dma_semaphore, #tpu.memory_space<semaphore_mem>>) src(%dma_wait3A_322 : memref<8x64xf32, #tpu.memory_space<hbm>>) dst(%dma_wait3A_320 : memref<8x64xf32, #tpu.memory_space<vmem>>)
      %dma_wait3A_323 = arith.constant 3 : i32
      %dma_wait3A_324 = arith.constant 0 : i32
      %dma_wait3A_325 = arith.constant 0 : i32
      %dma_wait3A_326 = tpu.memref_slice %arg6[%dma_wait3A_323, %dma_wait3A_324, %dma_wait3A_325] : memref<16x8x64xf32, #tpu.memory_space<vmem>> -> memref<1x8x64xf32, #tpu.memory_space<vmem>>
      %dma_wait3A_327 = tpu.memref_squeeze %dma_wait3A_326 : memref<1x8x64xf32, #tpu.memory_space<vmem>> -> memref<8x64xf32, #tpu.memory_space<vmem>>
      %dma_wait3A_328 = arith.constant 0 : i32
      %dma_wait3A_329 = tpu.memref_slice %arg2[%mul3A_67, %dma_wait3A_328] : memref<1000000x64xf32, #tpu.memory_space<hbm>> -> memref<8x64xf32, #tpu.memory_space<hbm>>
      %dma_wait3A_330 = arith.constant 0 : i32
      %dma_wait3A_331 = arith.constant 0 : i32
      %dma_wait3A_332 = tpu.memref_slice %arg6[%dma_wait3A_323, %dma_wait3A_330, %dma_wait3A_331] : memref<16x8x64xf32, #tpu.memory_space<vmem>> -> memref<1x8x64xf32, #tpu.memory_space<vmem>>
      %dma_wait3A_333 = tpu.memref_squeeze %dma_wait3A_332 : memref<1x8x64xf32, #tpu.memory_space<vmem>> -> memref<8x64xf32, #tpu.memory_space<vmem>>
      %dma_wait3A_334 = arith.constant 0 : i32
      %dma_wait3A_335 = tpu.memref_slice %arg2[%mul3A_67, %dma_wait3A_334] : memref<1000000x64xf32, #tpu.memory_space<hbm>> -> memref<8x64xf32, #tpu.memory_space<hbm>>
      tpu.wait_dma2 semaphore(%arg8 : memref<!tpu.dma_semaphore, #tpu.memory_space<semaphore_mem>>) src(%dma_wait3A_335 : memref<8x64xf32, #tpu.memory_space<hbm>>) dst(%dma_wait3A_333 : memref<8x64xf32, #tpu.memory_space<vmem>>)
      %dma_wait3A_336 = arith.constant 4 : i32
      %dma_wait3A_337 = arith.constant 0 : i32
      %dma_wait3A_338 = arith.constant 0 : i32
      %dma_wait3A_339 = tpu.memref_slice %arg6[%dma_wait3A_336, %dma_wait3A_337, %dma_wait3A_338] : memref<16x8x64xf32, #tpu.memory_space<vmem>> -> memref<1x8x64xf32, #tpu.memory_space<vmem>>
      %dma_wait3A_340 = tpu.memref_squeeze %dma_wait3A_339 : memref<1x8x64xf32, #tpu.memory_space<vmem>> -> memref<8x64xf32, #tpu.memory_space<vmem>>
      %dma_wait3A_341 = arith.constant 0 : i32
      %dma_wait3A_342 = tpu.memref_slice %arg2[%mul3A_84, %dma_wait3A_341] : memref<1000000x64xf32, #tpu.memory_space<hbm>> -> memref<8x64xf32, #tpu.memory_space<hbm>>
      %dma_wait3A_343 = arith.constant 0 : i32
      %dma_wait3A_344 = arith.constant 0 : i32
      %dma_wait3A_345 = tpu.memref_slice %arg6[%dma_wait3A_336, %dma_wait3A_343, %dma_wait3A_344] : memref<16x8x64xf32, #tpu.memory_space<vmem>> -> memref<1x8x64xf32, #tpu.memory_space<vmem>>
      %dma_wait3A_346 = tpu.memref_squeeze %dma_wait3A_345 : memref<1x8x64xf32, #tpu.memory_space<vmem>> -> memref<8x64xf32, #tpu.memory_space<vmem>>
      %dma_wait3A_347 = arith.constant 0 : i32
      %dma_wait3A_348 = tpu.memref_slice %arg2[%mul3A_84, %dma_wait3A_347] : memref<1000000x64xf32, #tpu.memory_space<hbm>> -> memref<8x64xf32, #tpu.memory_space<hbm>>
      tpu.wait_dma2 semaphore(%arg8 : memref<!tpu.dma_semaphore, #tpu.memory_space<semaphore_mem>>) src(%dma_wait3A_348 : memref<8x64xf32, #tpu.memory_space<hbm>>) dst(%dma_wait3A_346 : memref<8x64xf32, #tpu.memory_space<vmem>>)
      %dma_wait3A_349 = arith.constant 5 : i32
      %dma_wait3A_350 = arith.constant 0 : i32
      %dma_wait3A_351 = arith.constant 0 : i32
      %dma_wait3A_352 = tpu.memref_slice %arg6[%dma_wait3A_349, %dma_wait3A_350, %dma_wait3A_351] : memref<16x8x64xf32, #tpu.memory_space<vmem>> -> memref<1x8x64xf32, #tpu.memory_space<vmem>>
      %dma_wait3A_353 = tpu.memref_squeeze %dma_wait3A_352 : memref<1x8x64xf32, #tpu.memory_space<vmem>> -> memref<8x64xf32, #tpu.memory_space<vmem>>
      %dma_wait3A_354 = arith.constant 0 : i32
      %dma_wait3A_355 = tpu.memref_slice %arg2[%mul3A_101, %dma_wait3A_354] : memref<1000000x64xf32, #tpu.memory_space<hbm>> -> memref<8x64xf32, #tpu.memory_space<hbm>>
      %dma_wait3A_356 = arith.constant 0 : i32
      %dma_wait3A_357 = arith.constant 0 : i32
      %dma_wait3A_358 = tpu.memref_slice %arg6[%dma_wait3A_349, %dma_wait3A_356, %dma_wait3A_357] : memref<16x8x64xf32, #tpu.memory_space<vmem>> -> memref<1x8x64xf32, #tpu.memory_space<vmem>>
      %dma_wait3A_359 = tpu.memref_squeeze %dma_wait3A_358 : memref<1x8x64xf32, #tpu.memory_space<vmem>> -> memref<8x64xf32, #tpu.memory_space<vmem>>
      %dma_wait3A_360 = arith.constant 0 : i32
      %dma_wait3A_361 = tpu.memref_slice %arg2[%mul3A_101, %dma_wait3A_360] : memref<1000000x64xf32, #tpu.memory_space<hbm>> -> memref<8x64xf32, #tpu.memory_space<hbm>>
      tpu.wait_dma2 semaphore(%arg8 : memref<!tpu.dma_semaphore, #tpu.memory_space<semaphore_mem>>) src(%dma_wait3A_361 : memref<8x64xf32, #tpu.memory_space<hbm>>) dst(%dma_wait3A_359 : memref<8x64xf32, #tpu.memory_space<vmem>>)
      %dma_wait3A_362 = arith.constant 6 : i32
      %dma_wait3A_363 = arith.constant 0 : i32
      %dma_wait3A_364 = arith.constant 0 : i32
      %dma_wait3A_365 = tpu.memref_slice %arg6[%dma_wait3A_362, %dma_wait3A_363, %dma_wait3A_364] : memref<16x8x64xf32, #tpu.memory_space<vmem>> -> memref<1x8x64xf32, #tpu.memory_space<vmem>>
      %dma_wait3A_366 = tpu.memref_squeeze %dma_wait3A_365 : memref<1x8x64xf32, #tpu.memory_space<vmem>> -> memref<8x64xf32, #tpu.memory_space<vmem>>
      %dma_wait3A_367 = arith.constant 0 : i32
      %dma_wait3A_368 = tpu.memref_slice %arg2[%mul3A_118, %dma_wait3A_367] : memref<1000000x64xf32, #tpu.memory_space<hbm>> -> memref<8x64xf32, #tpu.memory_space<hbm>>
      %dma_wait3A_369 = arith.constant 0 : i32
      %dma_wait3A_370 = arith.constant 0 : i32
      %dma_wait3A_371 = tpu.memref_slice %arg6[%dma_wait3A_362, %dma_wait3A_369, %dma_wait3A_370] : memref<16x8x64xf32, #tpu.memory_space<vmem>> -> memref<1x8x64xf32, #tpu.memory_space<vmem>>
      %dma_wait3A_372 = tpu.memref_squeeze %dma_wait3A_371 : memref<1x8x64xf32, #tpu.memory_space<vmem>> -> memref<8x64xf32, #tpu.memory_space<vmem>>
      %dma_wait3A_373 = arith.constant 0 : i32
      %dma_wait3A_374 = tpu.memref_slice %arg2[%mul3A_118, %dma_wait3A_373] : memref<1000000x64xf32, #tpu.memory_space<hbm>> -> memref<8x64xf32, #tpu.memory_space<hbm>>
      tpu.wait_dma2 semaphore(%arg8 : memref<!tpu.dma_semaphore, #tpu.memory_space<semaphore_mem>>) src(%dma_wait3A_374 : memref<8x64xf32, #tpu.memory_space<hbm>>) dst(%dma_wait3A_372 : memref<8x64xf32, #tpu.memory_space<vmem>>)
      %dma_wait3A_375 = arith.constant 7 : i32
      %dma_wait3A_376 = arith.constant 0 : i32
      %dma_wait3A_377 = arith.constant 0 : i32
      %dma_wait3A_378 = tpu.memref_slice %arg6[%dma_wait3A_375, %dma_wait3A_376, %dma_wait3A_377] : memref<16x8x64xf32, #tpu.memory_space<vmem>> -> memref<1x8x64xf32, #tpu.memory_space<vmem>>
      %dma_wait3A_379 = tpu.memref_squeeze %dma_wait3A_378 : memref<1x8x64xf32, #tpu.memory_space<vmem>> -> memref<8x64xf32, #tpu.memory_space<vmem>>
      %dma_wait3A_380 = arith.constant 0 : i32
      %dma_wait3A_381 = tpu.memref_slice %arg2[%mul3A_135, %dma_wait3A_380] : memref<1000000x64xf32, #tpu.memory_space<hbm>> -> memref<8x64xf32, #tpu.memory_space<hbm>>
      %dma_wait3A_382 = arith.constant 0 : i32
      %dma_wait3A_383 = arith.constant 0 : i32
      %dma_wait3A_384 = tpu.memref_slice %arg6[%dma_wait3A_375, %dma_wait3A_382, %dma_wait3A_383] : memref<16x8x64xf32, #tpu.memory_space<vmem>> -> memref<1x8x64xf32, #tpu.memory_space<vmem>>
      %dma_wait3A_385 = tpu.memref_squeeze %dma_wait3A_384 : memref<1x8x64xf32, #tpu.memory_space<vmem>> -> memref<8x64xf32, #tpu.memory_space<vmem>>
      %dma_wait3A_386 = arith.constant 0 : i32
      %dma_wait3A_387 = tpu.memref_slice %arg2[%mul3A_135, %dma_wait3A_386] : memref<1000000x64xf32, #tpu.memory_space<hbm>> -> memref<8x64xf32, #tpu.memory_space<hbm>>
      tpu.wait_dma2 semaphore(%arg8 : memref<!tpu.dma_semaphore, #tpu.memory_space<semaphore_mem>>) src(%dma_wait3A_387 : memref<8x64xf32, #tpu.memory_space<hbm>>) dst(%dma_wait3A_385 : memref<8x64xf32, #tpu.memory_space<vmem>>)
      %dma_wait3A_388 = arith.constant 8 : i32
      %dma_wait3A_389 = arith.constant 0 : i32
      %dma_wait3A_390 = arith.constant 0 : i32
      %dma_wait3A_391 = tpu.memref_slice %arg6[%dma_wait3A_388, %dma_wait3A_389, %dma_wait3A_390] : memref<16x8x64xf32, #tpu.memory_space<vmem>> -> memref<1x8x64xf32, #tpu.memory_space<vmem>>
      %dma_wait3A_392 = tpu.memref_squeeze %dma_wait3A_391 : memref<1x8x64xf32, #tpu.memory_space<vmem>> -> memref<8x64xf32, #tpu.memory_space<vmem>>
      %dma_wait3A_393 = arith.constant 0 : i32
      %dma_wait3A_394 = tpu.memref_slice %arg2[%mul3A_152, %dma_wait3A_393] : memref<1000000x64xf32, #tpu.memory_space<hbm>> -> memref<8x64xf32, #tpu.memory_space<hbm>>
      %dma_wait3A_395 = arith.constant 0 : i32
      %dma_wait3A_396 = arith.constant 0 : i32
      %dma_wait3A_397 = tpu.memref_slice %arg6[%dma_wait3A_388, %dma_wait3A_395, %dma_wait3A_396] : memref<16x8x64xf32, #tpu.memory_space<vmem>> -> memref<1x8x64xf32, #tpu.memory_space<vmem>>
      %dma_wait3A_398 = tpu.memref_squeeze %dma_wait3A_397 : memref<1x8x64xf32, #tpu.memory_space<vmem>> -> memref<8x64xf32, #tpu.memory_space<vmem>>
      %dma_wait3A_399 = arith.constant 0 : i32
      %dma_wait3A_400 = tpu.memref_slice %arg2[%mul3A_152, %dma_wait3A_399] : memref<1000000x64xf32, #tpu.memory_space<hbm>> -> memref<8x64xf32, #tpu.memory_space<hbm>>
      tpu.wait_dma2 semaphore(%arg8 : memref<!tpu.dma_semaphore, #tpu.memory_space<semaphore_mem>>) src(%dma_wait3A_400 : memref<8x64xf32, #tpu.memory_space<hbm>>) dst(%dma_wait3A_398 : memref<8x64xf32, #tpu.memory_space<vmem>>)
      %dma_wait3A_401 = arith.constant 9 : i32
      %dma_wait3A_402 = arith.constant 0 : i32
      %dma_wait3A_403 = arith.constant 0 : i32
      %dma_wait3A_404 = tpu.memref_slice %arg6[%dma_wait3A_401, %dma_wait3A_402, %dma_wait3A_403] : memref<16x8x64xf32, #tpu.memory_space<vmem>> -> memref<1x8x64xf32, #tpu.memory_space<vmem>>
      %dma_wait3A_405 = tpu.memref_squeeze %dma_wait3A_404 : memref<1x8x64xf32, #tpu.memory_space<vmem>> -> memref<8x64xf32, #tpu.memory_space<vmem>>
      %dma_wait3A_406 = arith.constant 0 : i32
      %dma_wait3A_407 = tpu.memref_slice %arg2[%mul3A_169, %dma_wait3A_406] : memref<1000000x64xf32, #tpu.memory_space<hbm>> -> memref<8x64xf32, #tpu.memory_space<hbm>>
      %dma_wait3A_408 = arith.constant 0 : i32
      %dma_wait3A_409 = arith.constant 0 : i32
      %dma_wait3A_410 = tpu.memref_slice %arg6[%dma_wait3A_401, %dma_wait3A_408, %dma_wait3A_409] : memref<16x8x64xf32, #tpu.memory_space<vmem>> -> memref<1x8x64xf32, #tpu.memory_space<vmem>>
      %dma_wait3A_411 = tpu.memref_squeeze %dma_wait3A_410 : memref<1x8x64xf32, #tpu.memory_space<vmem>> -> memref<8x64xf32, #tpu.memory_space<vmem>>
      %dma_wait3A_412 = arith.constant 0 : i32
      %dma_wait3A_413 = tpu.memref_slice %arg2[%mul3A_169, %dma_wait3A_412] : memref<1000000x64xf32, #tpu.memory_space<hbm>> -> memref<8x64xf32, #tpu.memory_space<hbm>>
      tpu.wait_dma2 semaphore(%arg8 : memref<!tpu.dma_semaphore, #tpu.memory_space<semaphore_mem>>) src(%dma_wait3A_413 : memref<8x64xf32, #tpu.memory_space<hbm>>) dst(%dma_wait3A_411 : memref<8x64xf32, #tpu.memory_space<vmem>>)
      %dma_wait3A_414 = arith.constant 10 : i32
      %dma_wait3A_415 = arith.constant 0 : i32
      %dma_wait3A_416 = arith.constant 0 : i32
      %dma_wait3A_417 = tpu.memref_slice %arg6[%dma_wait3A_414, %dma_wait3A_415, %dma_wait3A_416] : memref<16x8x64xf32, #tpu.memory_space<vmem>> -> memref<1x8x64xf32, #tpu.memory_space<vmem>>
      %dma_wait3A_418 = tpu.memref_squeeze %dma_wait3A_417 : memref<1x8x64xf32, #tpu.memory_space<vmem>> -> memref<8x64xf32, #tpu.memory_space<vmem>>
      %dma_wait3A_419 = arith.constant 0 : i32
      %dma_wait3A_420 = tpu.memref_slice %arg2[%mul3A_186, %dma_wait3A_419] : memref<1000000x64xf32, #tpu.memory_space<hbm>> -> memref<8x64xf32, #tpu.memory_space<hbm>>
      %dma_wait3A_421 = arith.constant 0 : i32
      %dma_wait3A_422 = arith.constant 0 : i32
      %dma_wait3A_423 = tpu.memref_slice %arg6[%dma_wait3A_414, %dma_wait3A_421, %dma_wait3A_422] : memref<16x8x64xf32, #tpu.memory_space<vmem>> -> memref<1x8x64xf32, #tpu.memory_space<vmem>>
      %dma_wait3A_424 = tpu.memref_squeeze %dma_wait3A_423 : memref<1x8x64xf32, #tpu.memory_space<vmem>> -> memref<8x64xf32, #tpu.memory_space<vmem>>
      %dma_wait3A_425 = arith.constant 0 : i32
      %dma_wait3A_426 = tpu.memref_slice %arg2[%mul3A_186, %dma_wait3A_425] : memref<1000000x64xf32, #tpu.memory_space<hbm>> -> memref<8x64xf32, #tpu.memory_space<hbm>>
      tpu.wait_dma2 semaphore(%arg8 : memref<!tpu.dma_semaphore, #tpu.memory_space<semaphore_mem>>) src(%dma_wait3A_426 : memref<8x64xf32, #tpu.memory_space<hbm>>) dst(%dma_wait3A_424 : memref<8x64xf32, #tpu.memory_space<vmem>>)
      %dma_wait3A_427 = arith.constant 11 : i32
      %dma_wait3A_428 = arith.constant 0 : i32
      %dma_wait3A_429 = arith.constant 0 : i32
      %dma_wait3A_430 = tpu.memref_slice %arg6[%dma_wait3A_427, %dma_wait3A_428, %dma_wait3A_429] : memref<16x8x64xf32, #tpu.memory_space<vmem>> -> memref<1x8x64xf32, #tpu.memory_space<vmem>>
      %dma_wait3A_431 = tpu.memref_squeeze %dma_wait3A_430 : memref<1x8x64xf32, #tpu.memory_space<vmem>> -> memref<8x64xf32, #tpu.memory_space<vmem>>
      %dma_wait3A_432 = arith.constant 0 : i32
      %dma_wait3A_433 = tpu.memref_slice %arg2[%mul3A_203, %dma_wait3A_432] : memref<1000000x64xf32, #tpu.memory_space<hbm>> -> memref<8x64xf32, #tpu.memory_space<hbm>>
      %dma_wait3A_434 = arith.constant 0 : i32
      %dma_wait3A_435 = arith.constant 0 : i32
      %dma_wait3A_436 = tpu.memref_slice %arg6[%dma_wait3A_427, %dma_wait3A_434, %dma_wait3A_435] : memref<16x8x64xf32, #tpu.memory_space<vmem>> -> memref<1x8x64xf32, #tpu.memory_space<vmem>>
      %dma_wait3A_437 = tpu.memref_squeeze %dma_wait3A_436 : memref<1x8x64xf32, #tpu.memory_space<vmem>> -> memref<8x64xf32, #tpu.memory_space<vmem>>
      %dma_wait3A_438 = arith.constant 0 : i32
      %dma_wait3A_439 = tpu.memref_slice %arg2[%mul3A_203, %dma_wait3A_438] : memref<1000000x64xf32, #tpu.memory_space<hbm>> -> memref<8x64xf32, #tpu.memory_space<hbm>>
      tpu.wait_dma2 semaphore(%arg8 : memref<!tpu.dma_semaphore, #tpu.memory_space<semaphore_mem>>) src(%dma_wait3A_439 : memref<8x64xf32, #tpu.memory_space<hbm>>) dst(%dma_wait3A_437 : memref<8x64xf32, #tpu.memory_space<vmem>>)
      %dma_wait3A_440 = arith.constant 12 : i32
      %dma_wait3A_441 = arith.constant 0 : i32
      %dma_wait3A_442 = arith.constant 0 : i32
      %dma_wait3A_443 = tpu.memref_slice %arg6[%dma_wait3A_440, %dma_wait3A_441, %dma_wait3A_442] : memref<16x8x64xf32, #tpu.memory_space<vmem>> -> memref<1x8x64xf32, #tpu.memory_space<vmem>>
      %dma_wait3A_444 = tpu.memref_squeeze %dma_wait3A_443 : memref<1x8x64xf32, #tpu.memory_space<vmem>> -> memref<8x64xf32, #tpu.memory_space<vmem>>
      %dma_wait3A_445 = arith.constant 0 : i32
      %dma_wait3A_446 = tpu.memref_slice %arg2[%mul3A_220, %dma_wait3A_445] : memref<1000000x64xf32, #tpu.memory_space<hbm>> -> memref<8x64xf32, #tpu.memory_space<hbm>>
      %dma_wait3A_447 = arith.constant 0 : i32
      %dma_wait3A_448 = arith.constant 0 : i32
      %dma_wait3A_449 = tpu.memref_slice %arg6[%dma_wait3A_440, %dma_wait3A_447, %dma_wait3A_448] : memref<16x8x64xf32, #tpu.memory_space<vmem>> -> memref<1x8x64xf32, #tpu.memory_space<vmem>>
      %dma_wait3A_450 = tpu.memref_squeeze %dma_wait3A_449 : memref<1x8x64xf32, #tpu.memory_space<vmem>> -> memref<8x64xf32, #tpu.memory_space<vmem>>
      %dma_wait3A_451 = arith.constant 0 : i32
      %dma_wait3A_452 = tpu.memref_slice %arg2[%mul3A_220, %dma_wait3A_451] : memref<1000000x64xf32, #tpu.memory_space<hbm>> -> memref<8x64xf32, #tpu.memory_space<hbm>>
      tpu.wait_dma2 semaphore(%arg8 : memref<!tpu.dma_semaphore, #tpu.memory_space<semaphore_mem>>) src(%dma_wait3A_452 : memref<8x64xf32, #tpu.memory_space<hbm>>) dst(%dma_wait3A_450 : memref<8x64xf32, #tpu.memory_space<vmem>>)
      %dma_wait3A_453 = arith.constant 13 : i32
      %dma_wait3A_454 = arith.constant 0 : i32
      %dma_wait3A_455 = arith.constant 0 : i32
      %dma_wait3A_456 = tpu.memref_slice %arg6[%dma_wait3A_453, %dma_wait3A_454, %dma_wait3A_455] : memref<16x8x64xf32, #tpu.memory_space<vmem>> -> memref<1x8x64xf32, #tpu.memory_space<vmem>>
      %dma_wait3A_457 = tpu.memref_squeeze %dma_wait3A_456 : memref<1x8x64xf32, #tpu.memory_space<vmem>> -> memref<8x64xf32, #tpu.memory_space<vmem>>
      %dma_wait3A_458 = arith.constant 0 : i32
      %dma_wait3A_459 = tpu.memref_slice %arg2[%mul3A_237, %dma_wait3A_458] : memref<1000000x64xf32, #tpu.memory_space<hbm>> -> memref<8x64xf32, #tpu.memory_space<hbm>>
      %dma_wait3A_460 = arith.constant 0 : i32
      %dma_wait3A_461 = arith.constant 0 : i32
      %dma_wait3A_462 = tpu.memref_slice %arg6[%dma_wait3A_453, %dma_wait3A_460, %dma_wait3A_461] : memref<16x8x64xf32, #tpu.memory_space<vmem>> -> memref<1x8x64xf32, #tpu.memory_space<vmem>>
      %dma_wait3A_463 = tpu.memref_squeeze %dma_wait3A_462 : memref<1x8x64xf32, #tpu.memory_space<vmem>> -> memref<8x64xf32, #tpu.memory_space<vmem>>
      %dma_wait3A_464 = arith.constant 0 : i32
      %dma_wait3A_465 = tpu.memref_slice %arg2[%mul3A_237, %dma_wait3A_464] : memref<1000000x64xf32, #tpu.memory_space<hbm>> -> memref<8x64xf32, #tpu.memory_space<hbm>>
      tpu.wait_dma2 semaphore(%arg8 : memref<!tpu.dma_semaphore, #tpu.memory_space<semaphore_mem>>) src(%dma_wait3A_465 : memref<8x64xf32, #tpu.memory_space<hbm>>) dst(%dma_wait3A_463 : memref<8x64xf32, #tpu.memory_space<vmem>>)
      %dma_wait3A_466 = arith.constant 14 : i32
      %dma_wait3A_467 = arith.constant 0 : i32
      %dma_wait3A_468 = arith.constant 0 : i32
      %dma_wait3A_469 = tpu.memref_slice %arg6[%dma_wait3A_466, %dma_wait3A_467, %dma_wait3A_468] : memref<16x8x64xf32, #tpu.memory_space<vmem>> -> memref<1x8x64xf32, #tpu.memory_space<vmem>>
      %dma_wait3A_470 = tpu.memref_squeeze %dma_wait3A_469 : memref<1x8x64xf32, #tpu.memory_space<vmem>> -> memref<8x64xf32, #tpu.memory_space<vmem>>
      %dma_wait3A_471 = arith.constant 0 : i32
      %dma_wait3A_472 = tpu.memref_slice %arg2[%mul3A_254, %dma_wait3A_471] : memref<1000000x64xf32, #tpu.memory_space<hbm>> -> memref<8x64xf32, #tpu.memory_space<hbm>>
      %dma_wait3A_473 = arith.constant 0 : i32
      %dma_wait3A_474 = arith.constant 0 : i32
      %dma_wait3A_475 = tpu.memref_slice %arg6[%dma_wait3A_466, %dma_wait3A_473, %dma_wait3A_474] : memref<16x8x64xf32, #tpu.memory_space<vmem>> -> memref<1x8x64xf32, #tpu.memory_space<vmem>>
      %dma_wait3A_476 = tpu.memref_squeeze %dma_wait3A_475 : memref<1x8x64xf32, #tpu.memory_space<vmem>> -> memref<8x64xf32, #tpu.memory_space<vmem>>
      %dma_wait3A_477 = arith.constant 0 : i32
      %dma_wait3A_478 = tpu.memref_slice %arg2[%mul3A_254, %dma_wait3A_477] : memref<1000000x64xf32, #tpu.memory_space<hbm>> -> memref<8x64xf32, #tpu.memory_space<hbm>>
      tpu.wait_dma2 semaphore(%arg8 : memref<!tpu.dma_semaphore, #tpu.memory_space<semaphore_mem>>) src(%dma_wait3A_478 : memref<8x64xf32, #tpu.memory_space<hbm>>) dst(%dma_wait3A_476 : memref<8x64xf32, #tpu.memory_space<vmem>>)
      %dma_wait3A_479 = arith.constant 15 : i32
      %dma_wait3A_480 = arith.constant 0 : i32
      %dma_wait3A_481 = arith.constant 0 : i32
      %dma_wait3A_482 = tpu.memref_slice %arg6[%dma_wait3A_479, %dma_wait3A_480, %dma_wait3A_481] : memref<16x8x64xf32, #tpu.memory_space<vmem>> -> memref<1x8x64xf32, #tpu.memory_space<vmem>>
      %dma_wait3A_483 = tpu.memref_squeeze %dma_wait3A_482 : memref<1x8x64xf32, #tpu.memory_space<vmem>> -> memref<8x64xf32, #tpu.memory_space<vmem>>
      %dma_wait3A_484 = arith.constant 0 : i32
      %dma_wait3A_485 = tpu.memref_slice %arg2[%mul3A_271, %dma_wait3A_484] : memref<1000000x64xf32, #tpu.memory_space<hbm>> -> memref<8x64xf32, #tpu.memory_space<hbm>>
      %dma_wait3A_486 = arith.constant 0 : i32
      %dma_wait3A_487 = arith.constant 0 : i32
      %dma_wait3A_488 = tpu.memref_slice %arg6[%dma_wait3A_479, %dma_wait3A_486, %dma_wait3A_487] : memref<16x8x64xf32, #tpu.memory_space<vmem>> -> memref<1x8x64xf32, #tpu.memory_space<vmem>>
      %dma_wait3A_489 = tpu.memref_squeeze %dma_wait3A_488 : memref<1x8x64xf32, #tpu.memory_space<vmem>> -> memref<8x64xf32, #tpu.memory_space<vmem>>
      %dma_wait3A_490 = arith.constant 0 : i32
      %dma_wait3A_491 = tpu.memref_slice %arg2[%mul3A_271, %dma_wait3A_490] : memref<1000000x64xf32, #tpu.memory_space<hbm>> -> memref<8x64xf32, #tpu.memory_space<hbm>>
      tpu.wait_dma2 semaphore(%arg8 : memref<!tpu.dma_semaphore, #tpu.memory_space<semaphore_mem>>) src(%dma_wait3A_491 : memref<8x64xf32, #tpu.memory_space<hbm>>) dst(%dma_wait3A_489 : memref<8x64xf32, #tpu.memory_space<vmem>>)
      %slice3A_492 = vector.extract_strided_slice %and3A_15 {offsets = [0], sizes = [1], strides = [1]} : vector<16xi32> to vector<1xi32>
      %squeeze3A_493 = vector.extract %slice3A_492[0] : i32 from vector<1xi32>
      %get3A_494 = arith.constant 0 : i32
      %get3A_495 = arith.index_cast %get3A_494 : i32 to index
      %get3A_496 = arith.index_cast %squeeze3A_493 : i32 to index
      %get3A_497 = arith.constant 0 : index
      %get3A_498 = tpu.vector_load %arg6[%get3A_495, %get3A_496, %get3A_497] {strides = array<i32>} : memref<16x8x64xf32, #tpu.memory_space<vmem>>, vector<1x1x16xf32>,
      %get3A_499 = vector.shape_cast %get3A_498 : vector<1x1x16xf32> to vector<16xf32>
      %swap3A = arith.constant 0 : i32
      %swap3A_500 = arith.index_cast %swap3A : i32 to index
      %swap3A_501 = arith.constant 0 : index
      %swap3A_502 = tpu.vector_load %arg7[%swap3A_500, %swap3A_501] {strides = array<i32>} : memref<16x64xf32, #tpu.memory_space<vmem>>, vector<1x16xf32>,
      %swap3A_503 = vector.shape_cast %swap3A_502 : vector<1x16xf32> to vector<16xf32>
      %swap3A_504 = vector.shape_cast %get3A_499 : vector<16xf32> to vector<1x16xf32>
      tpu.vector_store %arg7[%swap3A_500, %swap3A_501], %swap3A_504 {strides = array<i32>} : memref<16x64xf32, #tpu.memory_space<vmem>>, vector<1x16xf32>,
      %get3A_505 = arith.constant 0 : i32
      %get3A_506 = arith.index_cast %get3A_505 : i32 to index
      %get3A_507 = arith.index_cast %squeeze3A_493 : i32 to index
      %get3A_508 = arith.constant 16 : index
      %get3A_509 = tpu.vector_load %arg6[%get3A_506, %get3A_507, %get3A_508] {strides = array<i32>} : memref<16x8x64xf32, #tpu.memory_space<vmem>>, vector<1x1x16xf32>,
      %get3A_510 = vector.shape_cast %get3A_509 : vector<1x1x16xf32> to vector<16xf32>
      %swap3A_511 = arith.constant 0 : i32
      %swap3A_512 = arith.index_cast %swap3A_511 : i32 to index
      %swap3A_513 = arith.constant 16 : index
      %swap3A_514 = tpu.vector_load %arg7[%swap3A_512, %swap3A_513] {strides = array<i32>} : memref<16x64xf32, #tpu.memory_space<vmem>>, vector<1x16xf32>,
      %swap3A_515 = vector.shape_cast %swap3A_514 : vector<1x16xf32> to vector<16xf32>
      %swap3A_516 = vector.shape_cast %get3A_510 : vector<16xf32> to vector<1x16xf32>
      tpu.vector_store %arg7[%swap3A_512, %swap3A_513], %swap3A_516 {strides = array<i32>} : memref<16x64xf32, #tpu.memory_space<vmem>>, vector<1x16xf32>,
      %get3A_517 = arith.constant 0 : i32
      %get3A_518 = arith.index_cast %get3A_517 : i32 to index
      %get3A_519 = arith.index_cast %squeeze3A_493 : i32 to index
      %get3A_520 = arith.constant 32 : index
      %get3A_521 = tpu.vector_load %arg6[%get3A_518, %get3A_519, %get3A_520] {strides = array<i32>} : memref<16x8x64xf32, #tpu.memory_space<vmem>>, vector<1x1x16xf32>,
      %get3A_522 = vector.shape_cast %get3A_521 : vector<1x1x16xf32> to vector<16xf32>
      %swap3A_523 = arith.constant 0 : i32
      %swap3A_524 = arith.index_cast %swap3A_523 : i32 to index
      %swap3A_525 = arith.constant 32 : index
      %swap3A_526 = tpu.vector_load %arg7[%swap3A_524, %swap3A_525] {strides = array<i32>} : memref<16x64xf32, #tpu.memory_space<vmem>>, vector<1x16xf32>,
      %swap3A_527 = vector.shape_cast %swap3A_526 : vector<1x16xf32> to vector<16xf32>
      %swap3A_528 = vector.shape_cast %get3A_522 : vector<16xf32> to vector<1x16xf32>
      tpu.vector_store %arg7[%swap3A_524, %swap3A_525], %swap3A_528 {strides = array<i32>} : memref<16x64xf32, #tpu.memory_space<vmem>>, vector<1x16xf32>,
      %get3A_529 = arith.constant 0 : i32
      %get3A_530 = arith.index_cast %get3A_529 : i32 to index
      %get3A_531 = arith.index_cast %squeeze3A_493 : i32 to index
      %get3A_532 = arith.constant 48 : index
      %get3A_533 = tpu.vector_load %arg6[%get3A_530, %get3A_531, %get3A_532] {strides = array<i32>} : memref<16x8x64xf32, #tpu.memory_space<vmem>>, vector<1x1x16xf32>,
      %get3A_534 = vector.shape_cast %get3A_533 : vector<1x1x16xf32> to vector<16xf32>
      %swap3A_535 = arith.constant 0 : i32
      %swap3A_536 = arith.index_cast %swap3A_535 : i32 to index
      %swap3A_537 = arith.constant 48 : index
      %swap3A_538 = tpu.vector_load %arg7[%swap3A_536, %swap3A_537] {strides = array<i32>} : memref<16x64xf32, #tpu.memory_space<vmem>>, vector<1x16xf32>,
      %swap3A_539 = vector.shape_cast %swap3A_538 : vector<1x16xf32> to vector<16xf32>
      %swap3A_540 = vector.shape_cast %get3A_534 : vector<16xf32> to vector<1x16xf32>
      tpu.vector_store %arg7[%swap3A_536, %swap3A_537], %swap3A_540 {strides = array<i32>} : memref<16x64xf32, #tpu.memory_space<vmem>>, vector<1x16xf32>,
      %slice3A_541 = vector.extract_strided_slice %and3A_15 {offsets = [1], sizes = [1], strides = [1]} : vector<16xi32> to vector<1xi32>
      %squeeze3A_542 = vector.extract %slice3A_541[0] : i32 from vector<1xi32>
      %get3A_543 = arith.constant 1 : i32
      %get3A_544 = arith.index_cast %get3A_543 : i32 to index
      %get3A_545 = arith.index_cast %squeeze3A_542 : i32 to index
      %get3A_546 = arith.constant 0 : index
      %get3A_547 = tpu.vector_load %arg6[%get3A_544, %get3A_545, %get3A_546] {strides = array<i32>} : memref<16x8x64xf32, #tpu.memory_space<vmem>>, vector<1x1x16xf32>,
      %get3A_548 = vector.shape_cast %get3A_547 : vector<1x1x16xf32> to vector<16xf32>
      %swap3A_549 = arith.constant 1 : i32
      %swap3A_550 = arith.index_cast %swap3A_549 : i32 to index
      %swap3A_551 = arith.constant 0 : index
      %swap3A_552 = tpu.vector_load %arg7[%swap3A_550, %swap3A_551] {strides = array<i32>} : memref<16x64xf32, #tpu.memory_space<vmem>>, vector<1x16xf32>,
      %swap3A_553 = vector.shape_cast %swap3A_552 : vector<1x16xf32> to vector<16xf32>
      %swap3A_554 = vector.shape_cast %get3A_548 : vector<16xf32> to vector<1x16xf32>
      tpu.vector_store %arg7[%swap3A_550, %swap3A_551], %swap3A_554 {strides = array<i32>} : memref<16x64xf32, #tpu.memory_space<vmem>>, vector<1x16xf32>,
      %get3A_555 = arith.constant 1 : i32
      %get3A_556 = arith.index_cast %get3A_555 : i32 to index
      %get3A_557 = arith.index_cast %squeeze3A_542 : i32 to index
      %get3A_558 = arith.constant 16 : index
      %get3A_559 = tpu.vector_load %arg6[%get3A_556, %get3A_557, %get3A_558] {strides = array<i32>} : memref<16x8x64xf32, #tpu.memory_space<vmem>>, vector<1x1x16xf32>,
      %get3A_560 = vector.shape_cast %get3A_559 : vector<1x1x16xf32> to vector<16xf32>
      %swap3A_561 = arith.constant 1 : i32
      %swap3A_562 = arith.index_cast %swap3A_561 : i32 to index
      %swap3A_563 = arith.constant 16 : index
      %swap3A_564 = tpu.vector_load %arg7[%swap3A_562, %swap3A_563] {strides = array<i32>} : memref<16x64xf32, #tpu.memory_space<vmem>>, vector<1x16xf32>,
      %swap3A_565 = vector.shape_cast %swap3A_564 : vector<1x16xf32> to vector<16xf32>
      %swap3A_566 = vector.shape_cast %get3A_560 : vector<16xf32> to vector<1x16xf32>
      tpu.vector_store %arg7[%swap3A_562, %swap3A_563], %swap3A_566 {strides = array<i32>} : memref<16x64xf32, #tpu.memory_space<vmem>>, vector<1x16xf32>,
      %get3A_567 = arith.constant 1 : i32
      %get3A_568 = arith.index_cast %get3A_567 : i32 to index
      %get3A_569 = arith.index_cast %squeeze3A_542 : i32 to index
      %get3A_570 = arith.constant 32 : index
      %get3A_571 = tpu.vector_load %arg6[%get3A_568, %get3A_569, %get3A_570] {strides = array<i32>} : memref<16x8x64xf32, #tpu.memory_space<vmem>>, vector<1x1x16xf32>,
      %get3A_572 = vector.shape_cast %get3A_571 : vector<1x1x16xf32> to vector<16xf32>
      %swap3A_573 = arith.constant 1 : i32
      %swap3A_574 = arith.index_cast %swap3A_573 : i32 to index
      %swap3A_575 = arith.constant 32 : index
      %swap3A_576 = tpu.vector_load %arg7[%swap3A_574, %swap3A_575] {strides = array<i32>} : memref<16x64xf32, #tpu.memory_space<vmem>>, vector<1x16xf32>,
      %swap3A_577 = vector.shape_cast %swap3A_576 : vector<1x16xf32> to vector<16xf32>
      %swap3A_578 = vector.shape_cast %get3A_572 : vector<16xf32> to vector<1x16xf32>
      tpu.vector_store %arg7[%swap3A_574, %swap3A_575], %swap3A_578 {strides = array<i32>} : memref<16x64xf32, #tpu.memory_space<vmem>>, vector<1x16xf32>,
      %get3A_579 = arith.constant 1 : i32
      %get3A_580 = arith.index_cast %get3A_579 : i32 to index
      %get3A_581 = arith.index_cast %squeeze3A_542 : i32 to index
      %get3A_582 = arith.constant 48 : index
      %get3A_583 = tpu.vector_load %arg6[%get3A_580, %get3A_581, %get3A_582] {strides = array<i32>} : memref<16x8x64xf32, #tpu.memory_space<vmem>>, vector<1x1x16xf32>,
      %get3A_584 = vector.shape_cast %get3A_583 : vector<1x1x16xf32> to vector<16xf32>
      %swap3A_585 = arith.constant 1 : i32
      %swap3A_586 = arith.index_cast %swap3A_585 : i32 to index
      %swap3A_587 = arith.constant 48 : index
      %swap3A_588 = tpu.vector_load %arg7[%swap3A_586, %swap3A_587] {strides = array<i32>} : memref<16x64xf32, #tpu.memory_space<vmem>>, vector<1x16xf32>,
      %swap3A_589 = vector.shape_cast %swap3A_588 : vector<1x16xf32> to vector<16xf32>
      %swap3A_590 = vector.shape_cast %get3A_584 : vector<16xf32> to vector<1x16xf32>
      tpu.vector_store %arg7[%swap3A_586, %swap3A_587], %swap3A_590 {strides = array<i32>} : memref<16x64xf32, #tpu.memory_space<vmem>>, vector<1x16xf32>,
      %slice3A_591 = vector.extract_strided_slice %and3A_15 {offsets = [2], sizes = [1], strides = [1]} : vector<16xi32> to vector<1xi32>
      %squeeze3A_592 = vector.extract %slice3A_591[0] : i32 from vector<1xi32>
      %get3A_593 = arith.constant 2 : i32
      %get3A_594 = arith.index_cast %get3A_593 : i32 to index
      %get3A_595 = arith.index_cast %squeeze3A_592 : i32 to index
      %get3A_596 = arith.constant 0 : index
      %get3A_597 = tpu.vector_load %arg6[%get3A_594, %get3A_595, %get3A_596] {strides = array<i32>} : memref<16x8x64xf32, #tpu.memory_space<vmem>>, vector<1x1x16xf32>,
      %get3A_598 = vector.shape_cast %get3A_597 : vector<1x1x16xf32> to vector<16xf32>
      %swap3A_599 = arith.constant 2 : i32
      %swap3A_600 = arith.index_cast %swap3A_599 : i32 to index
      %swap3A_601 = arith.constant 0 : index
      %swap3A_602 = tpu.vector_load %arg7[%swap3A_600, %swap3A_601] {strides = array<i32>} : memref<16x64xf32, #tpu.memory_space<vmem>>, vector<1x16xf32>,
      %swap3A_603 = vector.shape_cast %swap3A_602 : vector<1x16xf32> to vector<16xf32>
      %swap3A_604 = vector.shape_cast %get3A_598 : vector<16xf32> to vector<1x16xf32>
      tpu.vector_store %arg7[%swap3A_600, %swap3A_601], %swap3A_604 {strides = array<i32>} : memref<16x64xf32, #tpu.memory_space<vmem>>, vector<1x16xf32>,
      %get3A_605 = arith.constant 2 : i32
      %get3A_606 = arith.index_cast %get3A_605 : i32 to index
      %get3A_607 = arith.index_cast %squeeze3A_592 : i32 to index
      %get3A_608 = arith.constant 16 : index
      %get3A_609 = tpu.vector_load %arg6[%get3A_606, %get3A_607, %get3A_608] {strides = array<i32>} : memref<16x8x64xf32, #tpu.memory_space<vmem>>, vector<1x1x16xf32>,
      %get3A_610 = vector.shape_cast %get3A_609 : vector<1x1x16xf32> to vector<16xf32>
      %swap3A_611 = arith.constant 2 : i32
      %swap3A_612 = arith.index_cast %swap3A_611 : i32 to index
      %swap3A_613 = arith.constant 16 : index
      %swap3A_614 = tpu.vector_load %arg7[%swap3A_612, %swap3A_613] {strides = array<i32>} : memref<16x64xf32, #tpu.memory_space<vmem>>, vector<1x16xf32>,
      %swap3A_615 = vector.shape_cast %swap3A_614 : vector<1x16xf32> to vector<16xf32>
      %swap3A_616 = vector.shape_cast %get3A_610 : vector<16xf32> to vector<1x16xf32>
      tpu.vector_store %arg7[%swap3A_612, %swap3A_613], %swap3A_616 {strides = array<i32>} : memref<16x64xf32, #tpu.memory_space<vmem>>, vector<1x16xf32>,
      %get3A_617 = arith.constant 2 : i32
      %get3A_618 = arith.index_cast %get3A_617 : i32 to index
      %get3A_619 = arith.index_cast %squeeze3A_592 : i32 to index
      %get3A_620 = arith.constant 32 : index
      %get3A_621 = tpu.vector_load %arg6[%get3A_618, %get3A_619, %get3A_620] {strides = array<i32>} : memref<16x8x64xf32, #tpu.memory_space<vmem>>, vector<1x1x16xf32>,
      %get3A_622 = vector.shape_cast %get3A_621 : vector<1x1x16xf32> to vector<16xf32>
      %swap3A_623 = arith.constant 2 : i32
      %swap3A_624 = arith.index_cast %swap3A_623 : i32 to index
      %swap3A_625 = arith.constant 32 : index
      %swap3A_626 = tpu.vector_load %arg7[%swap3A_624, %swap3A_625] {strides = array<i32>} : memref<16x64xf32, #tpu.memory_space<vmem>>, vector<1x16xf32>,
      %swap3A_627 = vector.shape_cast %swap3A_626 : vector<1x16xf32> to vector<16xf32>
      %swap3A_628 = vector.shape_cast %get3A_622 : vector<16xf32> to vector<1x16xf32>
      tpu.vector_store %arg7[%swap3A_624, %swap3A_625], %swap3A_628 {strides = array<i32>} : memref<16x64xf32, #tpu.memory_space<vmem>>, vector<1x16xf32>,
      %get3A_629 = arith.constant 2 : i32
      %get3A_630 = arith.index_cast %get3A_629 : i32 to index
      %get3A_631 = arith.index_cast %squeeze3A_592 : i32 to index
      %get3A_632 = arith.constant 48 : index
      %get3A_633 = tpu.vector_load %arg6[%get3A_630, %get3A_631, %get3A_632] {strides = array<i32>} : memref<16x8x64xf32, #tpu.memory_space<vmem>>, vector<1x1x16xf32>,
      %get3A_634 = vector.shape_cast %get3A_633 : vector<1x1x16xf32> to vector<16xf32>
      %swap3A_635 = arith.constant 2 : i32
      %swap3A_636 = arith.index_cast %swap3A_635 : i32 to index
      %swap3A_637 = arith.constant 48 : index
      %swap3A_638 = tpu.vector_load %arg7[%swap3A_636, %swap3A_637] {strides = array<i32>} : memref<16x64xf32, #tpu.memory_space<vmem>>, vector<1x16xf32>,
      %swap3A_639 = vector.shape_cast %swap3A_638 : vector<1x16xf32> to vector<16xf32>
      %swap3A_640 = vector.shape_cast %get3A_634 : vector<16xf32> to vector<1x16xf32>
      tpu.vector_store %arg7[%swap3A_636, %swap3A_637], %swap3A_640 {strides = array<i32>} : memref<16x64xf32, #tpu.memory_space<vmem>>, vector<1x16xf32>,
      %slice3A_641 = vector.extract_strided_slice %and3A_15 {offsets = [3], sizes = [1], strides = [1]} : vector<16xi32> to vector<1xi32>
      %squeeze3A_642 = vector.extract %slice3A_641[0] : i32 from vector<1xi32>
      %get3A_643 = arith.constant 3 : i32
      %get3A_644 = arith.index_cast %get3A_643 : i32 to index
      %get3A_645 = arith.index_cast %squeeze3A_642 : i32 to index
      %get3A_646 = arith.constant 0 : index
      %get3A_647 = tpu.vector_load %arg6[%get3A_644, %get3A_645, %get3A_646] {strides = array<i32>} : memref<16x8x64xf32, #tpu.memory_space<vmem>>, vector<1x1x16xf32>,
      %get3A_648 = vector.shape_cast %get3A_647 : vector<1x1x16xf32> to vector<16xf32>
      %swap3A_649 = arith.constant 3 : i32
      %swap3A_650 = arith.index_cast %swap3A_649 : i32 to index
      %swap3A_651 = arith.constant 0 : index
      %swap3A_652 = tpu.vector_load %arg7[%swap3A_650, %swap3A_651] {strides = array<i32>} : memref<16x64xf32, #tpu.memory_space<vmem>>, vector<1x16xf32>,
      %swap3A_653 = vector.shape_cast %swap3A_652 : vector<1x16xf32> to vector<16xf32>
      %swap3A_654 = vector.shape_cast %get3A_648 : vector<16xf32> to vector<1x16xf32>
      tpu.vector_store %arg7[%swap3A_650, %swap3A_651], %swap3A_654 {strides = array<i32>} : memref<16x64xf32, #tpu.memory_space<vmem>>, vector<1x16xf32>,
      %get3A_655 = arith.constant 3 : i32
      %get3A_656 = arith.index_cast %get3A_655 : i32 to index
      %get3A_657 = arith.index_cast %squeeze3A_642 : i32 to index
      %get3A_658 = arith.constant 16 : index
      %get3A_659 = tpu.vector_load %arg6[%get3A_656, %get3A_657, %get3A_658] {strides = array<i32>} : memref<16x8x64xf32, #tpu.memory_space<vmem>>, vector<1x1x16xf32>,
      %get3A_660 = vector.shape_cast %get3A_659 : vector<1x1x16xf32> to vector<16xf32>
      %swap3A_661 = arith.constant 3 : i32
      %swap3A_662 = arith.index_cast %swap3A_661 : i32 to index
      %swap3A_663 = arith.constant 16 : index
      %swap3A_664 = tpu.vector_load %arg7[%swap3A_662, %swap3A_663] {strides = array<i32>} : memref<16x64xf32, #tpu.memory_space<vmem>>, vector<1x16xf32>,
      %swap3A_665 = vector.shape_cast %swap3A_664 : vector<1x16xf32> to vector<16xf32>
      %swap3A_666 = vector.shape_cast %get3A_660 : vector<16xf32> to vector<1x16xf32>
      tpu.vector_store %arg7[%swap3A_662, %swap3A_663], %swap3A_666 {strides = array<i32>} : memref<16x64xf32, #tpu.memory_space<vmem>>, vector<1x16xf32>,
      %get3A_667 = arith.constant 3 : i32
      %get3A_668 = arith.index_cast %get3A_667 : i32 to index
      %get3A_669 = arith.index_cast %squeeze3A_642 : i32 to index
      %get3A_670 = arith.constant 32 : index
      %get3A_671 = tpu.vector_load %arg6[%get3A_668, %get3A_669, %get3A_670] {strides = array<i32>} : memref<16x8x64xf32, #tpu.memory_space<vmem>>, vector<1x1x16xf32>,
      %get3A_672 = vector.shape_cast %get3A_671 : vector<1x1x16xf32> to vector<16xf32>
      %swap3A_673 = arith.constant 3 : i32
      %swap3A_674 = arith.index_cast %swap3A_673 : i32 to index
      %swap3A_675 = arith.constant 32 : index
      %swap3A_676 = tpu.vector_load %arg7[%swap3A_674, %swap3A_675] {strides = array<i32>} : memref<16x64xf32, #tpu.memory_space<vmem>>, vector<1x16xf32>,
      %swap3A_677 = vector.shape_cast %swap3A_676 : vector<1x16xf32> to vector<16xf32>
      %swap3A_678 = vector.shape_cast %get3A_672 : vector<16xf32> to vector<1x16xf32>
      tpu.vector_store %arg7[%swap3A_674, %swap3A_675], %swap3A_678 {strides = array<i32>} : memref<16x64xf32, #tpu.memory_space<vmem>>, vector<1x16xf32>,
      %get3A_679 = arith.constant 3 : i32
      %get3A_680 = arith.index_cast %get3A_679 : i32 to index
      %get3A_681 = arith.index_cast %squeeze3A_642 : i32 to index
      %get3A_682 = arith.constant 48 : index
      %get3A_683 = tpu.vector_load %arg6[%get3A_680, %get3A_681, %get3A_682] {strides = array<i32>} : memref<16x8x64xf32, #tpu.memory_space<vmem>>, vector<1x1x16xf32>,
      %get3A_684 = vector.shape_cast %get3A_683 : vector<1x1x16xf32> to vector<16xf32>
      %swap3A_685 = arith.constant 3 : i32
      %swap3A_686 = arith.index_cast %swap3A_685 : i32 to index
      %swap3A_687 = arith.constant 48 : index
      %swap3A_688 = tpu.vector_load %arg7[%swap3A_686, %swap3A_687] {strides = array<i32>} : memref<16x64xf32, #tpu.memory_space<vmem>>, vector<1x16xf32>,
      %swap3A_689 = vector.shape_cast %swap3A_688 : vector<1x16xf32> to vector<16xf32>
      %swap3A_690 = vector.shape_cast %get3A_684 : vector<16xf32> to vector<1x16xf32>
      tpu.vector_store %arg7[%swap3A_686, %swap3A_687], %swap3A_690 {strides = array<i32>} : memref<16x64xf32, #tpu.memory_space<vmem>>, vector<1x16xf32>,
      %slice3A_691 = vector.extract_strided_slice %and3A_15 {offsets = [4], sizes = [1], strides = [1]} : vector<16xi32> to vector<1xi32>
      %squeeze3A_692 = vector.extract %slice3A_691[0] : i32 from vector<1xi32>
      %get3A_693 = arith.constant 4 : i32
      %get3A_694 = arith.index_cast %get3A_693 : i32 to index
      %get3A_695 = arith.index_cast %squeeze3A_692 : i32 to index
      %get3A_696 = arith.constant 0 : index
      %get3A_697 = tpu.vector_load %arg6[%get3A_694, %get3A_695, %get3A_696] {strides = array<i32>} : memref<16x8x64xf32, #tpu.memory_space<vmem>>, vector<1x1x16xf32>,
      %get3A_698 = vector.shape_cast %get3A_697 : vector<1x1x16xf32> to vector<16xf32>
      %swap3A_699 = arith.constant 4 : i32
      %swap3A_700 = arith.index_cast %swap3A_699 : i32 to index
      %swap3A_701 = arith.constant 0 : index
      %swap3A_702 = tpu.vector_load %arg7[%swap3A_700, %swap3A_701] {strides = array<i32>} : memref<16x64xf32, #tpu.memory_space<vmem>>, vector<1x16xf32>,
      %swap3A_703 = vector.shape_cast %swap3A_702 : vector<1x16xf32> to vector<16xf32>
      %swap3A_704 = vector.shape_cast %get3A_698 : vector<16xf32> to vector<1x16xf32>
      tpu.vector_store %arg7[%swap3A_700, %swap3A_701], %swap3A_704 {strides = array<i32>} : memref<16x64xf32, #tpu.memory_space<vmem>>, vector<1x16xf32>,
      %get3A_705 = arith.constant 4 : i32
      %get3A_706 = arith.index_cast %get3A_705 : i32 to index
      %get3A_707 = arith.index_cast %squeeze3A_692 : i32 to index
      %get3A_708 = arith.constant 16 : index
      %get3A_709 = tpu.vector_load %arg6[%get3A_706, %get3A_707, %get3A_708] {strides = array<i32>} : memref<16x8x64xf32, #tpu.memory_space<vmem>>, vector<1x1x16xf32>,
      %get3A_710 = vector.shape_cast %get3A_709 : vector<1x1x16xf32> to vector<16xf32>
      %swap3A_711 = arith.constant 4 : i32
      %swap3A_712 = arith.index_cast %swap3A_711 : i32 to index
      %swap3A_713 = arith.constant 16 : index
      %swap3A_714 = tpu.vector_load %arg7[%swap3A_712, %swap3A_713] {strides = array<i32>} : memref<16x64xf32, #tpu.memory_space<vmem>>, vector<1x16xf32>,
      %swap3A_715 = vector.shape_cast %swap3A_714 : vector<1x16xf32> to vector<16xf32>
      %swap3A_716 = vector.shape_cast %get3A_710 : vector<16xf32> to vector<1x16xf32>
      tpu.vector_store %arg7[%swap3A_712, %swap3A_713], %swap3A_716 {strides = array<i32>} : memref<16x64xf32, #tpu.memory_space<vmem>>, vector<1x16xf32>,
      %get3A_717 = arith.constant 4 : i32
      %get3A_718 = arith.index_cast %get3A_717 : i32 to index
      %get3A_719 = arith.index_cast %squeeze3A_692 : i32 to index
      %get3A_720 = arith.constant 32 : index
      %get3A_721 = tpu.vector_load %arg6[%get3A_718, %get3A_719, %get3A_720] {strides = array<i32>} : memref<16x8x64xf32, #tpu.memory_space<vmem>>, vector<1x1x16xf32>,
      %get3A_722 = vector.shape_cast %get3A_721 : vector<1x1x16xf32> to vector<16xf32>
      %swap3A_723 = arith.constant 4 : i32
      %swap3A_724 = arith.index_cast %swap3A_723 : i32 to index
      %swap3A_725 = arith.constant 32 : index
      %swap3A_726 = tpu.vector_load %arg7[%swap3A_724, %swap3A_725] {strides = array<i32>} : memref<16x64xf32, #tpu.memory_space<vmem>>, vector<1x16xf32>,
      %swap3A_727 = vector.shape_cast %swap3A_726 : vector<1x16xf32> to vector<16xf32>
      %swap3A_728 = vector.shape_cast %get3A_722 : vector<16xf32> to vector<1x16xf32>
      tpu.vector_store %arg7[%swap3A_724, %swap3A_725], %swap3A_728 {strides = array<i32>} : memref<16x64xf32, #tpu.memory_space<vmem>>, vector<1x16xf32>,
      %get3A_729 = arith.constant 4 : i32
      %get3A_730 = arith.index_cast %get3A_729 : i32 to index
      %get3A_731 = arith.index_cast %squeeze3A_692 : i32 to index
      %get3A_732 = arith.constant 48 : index
      %get3A_733 = tpu.vector_load %arg6[%get3A_730, %get3A_731, %get3A_732] {strides = array<i32>} : memref<16x8x64xf32, #tpu.memory_space<vmem>>, vector<1x1x16xf32>,
      %get3A_734 = vector.shape_cast %get3A_733 : vector<1x1x16xf32> to vector<16xf32>
      %swap3A_735 = arith.constant 4 : i32
      %swap3A_736 = arith.index_cast %swap3A_735 : i32 to index
      %swap3A_737 = arith.constant 48 : index
      %swap3A_738 = tpu.vector_load %arg7[%swap3A_736, %swap3A_737] {strides = array<i32>} : memref<16x64xf32, #tpu.memory_space<vmem>>, vector<1x16xf32>,
      %swap3A_739 = vector.shape_cast %swap3A_738 : vector<1x16xf32> to vector<16xf32>
      %swap3A_740 = vector.shape_cast %get3A_734 : vector<16xf32> to vector<1x16xf32>
      tpu.vector_store %arg7[%swap3A_736, %swap3A_737], %swap3A_740 {strides = array<i32>} : memref<16x64xf32, #tpu.memory_space<vmem>>, vector<1x16xf32>,
      %slice3A_741 = vector.extract_strided_slice %and3A_15 {offsets = [5], sizes = [1], strides = [1]} : vector<16xi32> to vector<1xi32>
      %squeeze3A_742 = vector.extract %slice3A_741[0] : i32 from vector<1xi32>
      %get3A_743 = arith.constant 5 : i32
      %get3A_744 = arith.index_cast %get3A_743 : i32 to index
      %get3A_745 = arith.index_cast %squeeze3A_742 : i32 to index
      %get3A_746 = arith.constant 0 : index
      %get3A_747 = tpu.vector_load %arg6[%get3A_744, %get3A_745, %get3A_746] {strides = array<i32>} : memref<16x8x64xf32, #tpu.memory_space<vmem>>, vector<1x1x16xf32>,
      %get3A_748 = vector.shape_cast %get3A_747 : vector<1x1x16xf32> to vector<16xf32>
      %swap3A_749 = arith.constant 5 : i32
      %swap3A_750 = arith.index_cast %swap3A_749 : i32 to index
      %swap3A_751 = arith.constant 0 : index
      %swap3A_752 = tpu.vector_load %arg7[%swap3A_750, %swap3A_751] {strides = array<i32>} : memref<16x64xf32, #tpu.memory_space<vmem>>, vector<1x16xf32>,
      %swap3A_753 = vector.shape_cast %swap3A_752 : vector<1x16xf32> to vector<16xf32>
      %swap3A_754 = vector.shape_cast %get3A_748 : vector<16xf32> to vector<1x16xf32>
      tpu.vector_store %arg7[%swap3A_750, %swap3A_751], %swap3A_754 {strides = array<i32>} : memref<16x64xf32, #tpu.memory_space<vmem>>, vector<1x16xf32>,
      %get3A_755 = arith.constant 5 : i32
      %get3A_756 = arith.index_cast %get3A_755 : i32 to index
      %get3A_757 = arith.index_cast %squeeze3A_742 : i32 to index
      %get3A_758 = arith.constant 16 : index
      %get3A_759 = tpu.vector_load %arg6[%get3A_756, %get3A_757, %get3A_758] {strides = array<i32>} : memref<16x8x64xf32, #tpu.memory_space<vmem>>, vector<1x1x16xf32>,
      %get3A_760 = vector.shape_cast %get3A_759 : vector<1x1x16xf32> to vector<16xf32>
      %swap3A_761 = arith.constant 5 : i32
      %swap3A_762 = arith.index_cast %swap3A_761 : i32 to index
      %swap3A_763 = arith.constant 16 : index
      %swap3A_764 = tpu.vector_load %arg7[%swap3A_762, %swap3A_763] {strides = array<i32>} : memref<16x64xf32, #tpu.memory_space<vmem>>, vector<1x16xf32>,
      %swap3A_765 = vector.shape_cast %swap3A_764 : vector<1x16xf32> to vector<16xf32>
      %swap3A_766 = vector.shape_cast %get3A_760 : vector<16xf32> to vector<1x16xf32>
      tpu.vector_store %arg7[%swap3A_762, %swap3A_763], %swap3A_766 {strides = array<i32>} : memref<16x64xf32, #tpu.memory_space<vmem>>, vector<1x16xf32>,
      %get3A_767 = arith.constant 5 : i32
      %get3A_768 = arith.index_cast %get3A_767 : i32 to index
      %get3A_769 = arith.index_cast %squeeze3A_742 : i32 to index
      %get3A_770 = arith.constant 32 : index
      %get3A_771 = tpu.vector_load %arg6[%get3A_768, %get3A_769, %get3A_770] {strides = array<i32>} : memref<16x8x64xf32, #tpu.memory_space<vmem>>, vector<1x1x16xf32>,
      %get3A_772 = vector.shape_cast %get3A_771 : vector<1x1x16xf32> to vector<16xf32>
      %swap3A_773 = arith.constant 5 : i32
      %swap3A_774 = arith.index_cast %swap3A_773 : i32 to index
      %swap3A_775 = arith.constant 32 : index
      %swap3A_776 = tpu.vector_load %arg7[%swap3A_774, %swap3A_775] {strides = array<i32>} : memref<16x64xf32, #tpu.memory_space<vmem>>, vector<1x16xf32>,
      %swap3A_777 = vector.shape_cast %swap3A_776 : vector<1x16xf32> to vector<16xf32>
      %swap3A_778 = vector.shape_cast %get3A_772 : vector<16xf32> to vector<1x16xf32>
      tpu.vector_store %arg7[%swap3A_774, %swap3A_775], %swap3A_778 {strides = array<i32>} : memref<16x64xf32, #tpu.memory_space<vmem>>, vector<1x16xf32>,
      %get3A_779 = arith.constant 5 : i32
      %get3A_780 = arith.index_cast %get3A_779 : i32 to index
      %get3A_781 = arith.index_cast %squeeze3A_742 : i32 to index
      %get3A_782 = arith.constant 48 : index
      %get3A_783 = tpu.vector_load %arg6[%get3A_780, %get3A_781, %get3A_782] {strides = array<i32>} : memref<16x8x64xf32, #tpu.memory_space<vmem>>, vector<1x1x16xf32>,
      %get3A_784 = vector.shape_cast %get3A_783 : vector<1x1x16xf32> to vector<16xf32>
      %swap3A_785 = arith.constant 5 : i32
      %swap3A_786 = arith.index_cast %swap3A_785 : i32 to index
      %swap3A_787 = arith.constant 48 : index
      %swap3A_788 = tpu.vector_load %arg7[%swap3A_786, %swap3A_787] {strides = array<i32>} : memref<16x64xf32, #tpu.memory_space<vmem>>, vector<1x16xf32>,
      %swap3A_789 = vector.shape_cast %swap3A_788 : vector<1x16xf32> to vector<16xf32>
      %swap3A_790 = vector.shape_cast %get3A_784 : vector<16xf32> to vector<1x16xf32>
      tpu.vector_store %arg7[%swap3A_786, %swap3A_787], %swap3A_790 {strides = array<i32>} : memref<16x64xf32, #tpu.memory_space<vmem>>, vector<1x16xf32>,
      %slice3A_791 = vector.extract_strided_slice %and3A_15 {offsets = [6], sizes = [1], strides = [1]} : vector<16xi32> to vector<1xi32>
      %squeeze3A_792 = vector.extract %slice3A_791[0] : i32 from vector<1xi32>
      %get3A_793 = arith.constant 6 : i32
      %get3A_794 = arith.index_cast %get3A_793 : i32 to index
      %get3A_795 = arith.index_cast %squeeze3A_792 : i32 to index
      %get3A_796 = arith.constant 0 : index
      %get3A_797 = tpu.vector_load %arg6[%get3A_794, %get3A_795, %get3A_796] {strides = array<i32>} : memref<16x8x64xf32, #tpu.memory_space<vmem>>, vector<1x1x16xf32>,
      %get3A_798 = vector.shape_cast %get3A_797 : vector<1x1x16xf32> to vector<16xf32>
      %swap3A_799 = arith.constant 6 : i32
      %swap3A_800 = arith.index_cast %swap3A_799 : i32 to index
      %swap3A_801 = arith.constant 0 : index
      %swap3A_802 = tpu.vector_load %arg7[%swap3A_800, %swap3A_801] {strides = array<i32>} : memref<16x64xf32, #tpu.memory_space<vmem>>, vector<1x16xf32>,
      %swap3A_803 = vector.shape_cast %swap3A_802 : vector<1x16xf32> to vector<16xf32>
      %swap3A_804 = vector.shape_cast %get3A_798 : vector<16xf32> to vector<1x16xf32>
      tpu.vector_store %arg7[%swap3A_800, %swap3A_801], %swap3A_804 {strides = array<i32>} : memref<16x64xf32, #tpu.memory_space<vmem>>, vector<1x16xf32>,
      %get3A_805 = arith.constant 6 : i32
      %get3A_806 = arith.index_cast %get3A_805 : i32 to index
      %get3A_807 = arith.index_cast %squeeze3A_792 : i32 to index
      %get3A_808 = arith.constant 16 : index
      %get3A_809 = tpu.vector_load %arg6[%get3A_806, %get3A_807, %get3A_808] {strides = array<i32>} : memref<16x8x64xf32, #tpu.memory_space<vmem>>, vector<1x1x16xf32>,
      %get3A_810 = vector.shape_cast %get3A_809 : vector<1x1x16xf32> to vector<16xf32>
      %swap3A_811 = arith.constant 6 : i32
      %swap3A_812 = arith.index_cast %swap3A_811 : i32 to index
      %swap3A_813 = arith.constant 16 : index
      %swap3A_814 = tpu.vector_load %arg7[%swap3A_812, %swap3A_813] {strides = array<i32>} : memref<16x64xf32, #tpu.memory_space<vmem>>, vector<1x16xf32>,
      %swap3A_815 = vector.shape_cast %swap3A_814 : vector<1x16xf32> to vector<16xf32>
      %swap3A_816 = vector.shape_cast %get3A_810 : vector<16xf32> to vector<1x16xf32>
      tpu.vector_store %arg7[%swap3A_812, %swap3A_813], %swap3A_816 {strides = array<i32>} : memref<16x64xf32, #tpu.memory_space<vmem>>, vector<1x16xf32>,
      %get3A_817 = arith.constant 6 : i32
      %get3A_818 = arith.index_cast %get3A_817 : i32 to index
      %get3A_819 = arith.index_cast %squeeze3A_792 : i32 to index
      %get3A_820 = arith.constant 32 : index
      %get3A_821 = tpu.vector_load %arg6[%get3A_818, %get3A_819, %get3A_820] {strides = array<i32>} : memref<16x8x64xf32, #tpu.memory_space<vmem>>, vector<1x1x16xf32>,
      %get3A_822 = vector.shape_cast %get3A_821 : vector<1x1x16xf32> to vector<16xf32>
      %swap3A_823 = arith.constant 6 : i32
      %swap3A_824 = arith.index_cast %swap3A_823 : i32 to index
      %swap3A_825 = arith.constant 32 : index
      %swap3A_826 = tpu.vector_load %arg7[%swap3A_824, %swap3A_825] {strides = array<i32>} : memref<16x64xf32, #tpu.memory_space<vmem>>, vector<1x16xf32>,
      %swap3A_827 = vector.shape_cast %swap3A_826 : vector<1x16xf32> to vector<16xf32>
      %swap3A_828 = vector.shape_cast %get3A_822 : vector<16xf32> to vector<1x16xf32>
      tpu.vector_store %arg7[%swap3A_824, %swap3A_825], %swap3A_828 {strides = array<i32>} : memref<16x64xf32, #tpu.memory_space<vmem>>, vector<1x16xf32>,
      %get3A_829 = arith.constant 6 : i32
      %get3A_830 = arith.index_cast %get3A_829 : i32 to index
      %get3A_831 = arith.index_cast %squeeze3A_792 : i32 to index
      %get3A_832 = arith.constant 48 : index
      %get3A_833 = tpu.vector_load %arg6[%get3A_830, %get3A_831, %get3A_832] {strides = array<i32>} : memref<16x8x64xf32, #tpu.memory_space<vmem>>, vector<1x1x16xf32>,
      %get3A_834 = vector.shape_cast %get3A_833 : vector<1x1x16xf32> to vector<16xf32>
      %swap3A_835 = arith.constant 6 : i32
      %swap3A_836 = arith.index_cast %swap3A_835 : i32 to index
      %swap3A_837 = arith.constant 48 : index
      %swap3A_838 = tpu.vector_load %arg7[%swap3A_836, %swap3A_837] {strides = array<i32>} : memref<16x64xf32, #tpu.memory_space<vmem>>, vector<1x16xf32>,
      %swap3A_839 = vector.shape_cast %swap3A_838 : vector<1x16xf32> to vector<16xf32>
      %swap3A_840 = vector.shape_cast %get3A_834 : vector<16xf32> to vector<1x16xf32>
      tpu.vector_store %arg7[%swap3A_836, %swap3A_837], %swap3A_840 {strides = array<i32>} : memref<16x64xf32, #tpu.memory_space<vmem>>, vector<1x16xf32>,
      %slice3A_841 = vector.extract_strided_slice %and3A_15 {offsets = [7], sizes = [1], strides = [1]} : vector<16xi32> to vector<1xi32>
      %squeeze3A_842 = vector.extract %slice3A_841[0] : i32 from vector<1xi32>
      %get3A_843 = arith.constant 7 : i32
      %get3A_844 = arith.index_cast %get3A_843 : i32 to index
      %get3A_845 = arith.index_cast %squeeze3A_842 : i32 to index
      %get3A_846 = arith.constant 0 : index
      %get3A_847 = tpu.vector_load %arg6[%get3A_844, %get3A_845, %get3A_846] {strides = array<i32>} : memref<16x8x64xf32, #tpu.memory_space<vmem>>, vector<1x1x16xf32>,
      %get3A_848 = vector.shape_cast %get3A_847 : vector<1x1x16xf32> to vector<16xf32>
      %swap3A_849 = arith.constant 7 : i32
      %swap3A_850 = arith.index_cast %swap3A_849 : i32 to index
      %swap3A_851 = arith.constant 0 : index
      %swap3A_852 = tpu.vector_load %arg7[%swap3A_850, %swap3A_851] {strides = array<i32>} : memref<16x64xf32, #tpu.memory_space<vmem>>, vector<1x16xf32>,
      %swap3A_853 = vector.shape_cast %swap3A_852 : vector<1x16xf32> to vector<16xf32>
      %swap3A_854 = vector.shape_cast %get3A_848 : vector<16xf32> to vector<1x16xf32>
      tpu.vector_store %arg7[%swap3A_850, %swap3A_851], %swap3A_854 {strides = array<i32>} : memref<16x64xf32, #tpu.memory_space<vmem>>, vector<1x16xf32>,
      %get3A_855 = arith.constant 7 : i32
      %get3A_856 = arith.index_cast %get3A_855 : i32 to index
      %get3A_857 = arith.index_cast %squeeze3A_842 : i32 to index
      %get3A_858 = arith.constant 16 : index
      %get3A_859 = tpu.vector_load %arg6[%get3A_856, %get3A_857, %get3A_858] {strides = array<i32>} : memref<16x8x64xf32, #tpu.memory_space<vmem>>, vector<1x1x16xf32>,
      %get3A_860 = vector.shape_cast %get3A_859 : vector<1x1x16xf32> to vector<16xf32>
      %swap3A_861 = arith.constant 7 : i32
      %swap3A_862 = arith.index_cast %swap3A_861 : i32 to index
      %swap3A_863 = arith.constant 16 : index
      %swap3A_864 = tpu.vector_load %arg7[%swap3A_862, %swap3A_863] {strides = array<i32>} : memref<16x64xf32, #tpu.memory_space<vmem>>, vector<1x16xf32>,
      %swap3A_865 = vector.shape_cast %swap3A_864 : vector<1x16xf32> to vector<16xf32>
      %swap3A_866 = vector.shape_cast %get3A_860 : vector<16xf32> to vector<1x16xf32>
      tpu.vector_store %arg7[%swap3A_862, %swap3A_863], %swap3A_866 {strides = array<i32>} : memref<16x64xf32, #tpu.memory_space<vmem>>, vector<1x16xf32>,
      %get3A_867 = arith.constant 7 : i32
      %get3A_868 = arith.index_cast %get3A_867 : i32 to index
      %get3A_869 = arith.index_cast %squeeze3A_842 : i32 to index
      %get3A_870 = arith.constant 32 : index
      %get3A_871 = tpu.vector_load %arg6[%get3A_868, %get3A_869, %get3A_870] {strides = array<i32>} : memref<16x8x64xf32, #tpu.memory_space<vmem>>, vector<1x1x16xf32>,
      %get3A_872 = vector.shape_cast %get3A_871 : vector<1x1x16xf32> to vector<16xf32>
      %swap3A_873 = arith.constant 7 : i32
      %swap3A_874 = arith.index_cast %swap3A_873 : i32 to index
      %swap3A_875 = arith.constant 32 : index
      %swap3A_876 = tpu.vector_load %arg7[%swap3A_874, %swap3A_875] {strides = array<i32>} : memref<16x64xf32, #tpu.memory_space<vmem>>, vector<1x16xf32>,
      %swap3A_877 = vector.shape_cast %swap3A_876 : vector<1x16xf32> to vector<16xf32>
      %swap3A_878 = vector.shape_cast %get3A_872 : vector<16xf32> to vector<1x16xf32>
      tpu.vector_store %arg7[%swap3A_874, %swap3A_875], %swap3A_878 {strides = array<i32>} : memref<16x64xf32, #tpu.memory_space<vmem>>, vector<1x16xf32>,
      %get3A_879 = arith.constant 7 : i32
      %get3A_880 = arith.index_cast %get3A_879 : i32 to index
      %get3A_881 = arith.index_cast %squeeze3A_842 : i32 to index
      %get3A_882 = arith.constant 48 : index
      %get3A_883 = tpu.vector_load %arg6[%get3A_880, %get3A_881, %get3A_882] {strides = array<i32>} : memref<16x8x64xf32, #tpu.memory_space<vmem>>, vector<1x1x16xf32>,
      %get3A_884 = vector.shape_cast %get3A_883 : vector<1x1x16xf32> to vector<16xf32>
      %swap3A_885 = arith.constant 7 : i32
      %swap3A_886 = arith.index_cast %swap3A_885 : i32 to index
      %swap3A_887 = arith.constant 48 : index
      %swap3A_888 = tpu.vector_load %arg7[%swap3A_886, %swap3A_887] {strides = array<i32>} : memref<16x64xf32, #tpu.memory_space<vmem>>, vector<1x16xf32>,
      %swap3A_889 = vector.shape_cast %swap3A_888 : vector<1x16xf32> to vector<16xf32>
      %swap3A_890 = vector.shape_cast %get3A_884 : vector<16xf32> to vector<1x16xf32>
      tpu.vector_store %arg7[%swap3A_886, %swap3A_887], %swap3A_890 {strides = array<i32>} : memref<16x64xf32, #tpu.memory_space<vmem>>, vector<1x16xf32>,
      %slice3A_891 = vector.extract_strided_slice %and3A_15 {offsets = [8], sizes = [1], strides = [1]} : vector<16xi32> to vector<1xi32>
      %squeeze3A_892 = vector.extract %slice3A_891[0] : i32 from vector<1xi32>
      %get3A_893 = arith.constant 8 : i32
      %get3A_894 = arith.index_cast %get3A_893 : i32 to index
      %get3A_895 = arith.index_cast %squeeze3A_892 : i32 to index
      %get3A_896 = arith.constant 0 : index
      %get3A_897 = tpu.vector_load %arg6[%get3A_894, %get3A_895, %get3A_896] {strides = array<i32>} : memref<16x8x64xf32, #tpu.memory_space<vmem>>, vector<1x1x16xf32>,
      %get3A_898 = vector.shape_cast %get3A_897 : vector<1x1x16xf32> to vector<16xf32>
      %swap3A_899 = arith.constant 8 : i32
      %swap3A_900 = arith.index_cast %swap3A_899 : i32 to index
      %swap3A_901 = arith.constant 0 : index
      %swap3A_902 = tpu.vector_load %arg7[%swap3A_900, %swap3A_901] {strides = array<i32>} : memref<16x64xf32, #tpu.memory_space<vmem>>, vector<1x16xf32>,
      %swap3A_903 = vector.shape_cast %swap3A_902 : vector<1x16xf32> to vector<16xf32>
      %swap3A_904 = vector.shape_cast %get3A_898 : vector<16xf32> to vector<1x16xf32>
      tpu.vector_store %arg7[%swap3A_900, %swap3A_901], %swap3A_904 {strides = array<i32>} : memref<16x64xf32, #tpu.memory_space<vmem>>, vector<1x16xf32>,
      %get3A_905 = arith.constant 8 : i32
      %get3A_906 = arith.index_cast %get3A_905 : i32 to index
      %get3A_907 = arith.index_cast %squeeze3A_892 : i32 to index
      %get3A_908 = arith.constant 16 : index
      %get3A_909 = tpu.vector_load %arg6[%get3A_906, %get3A_907, %get3A_908] {strides = array<i32>} : memref<16x8x64xf32, #tpu.memory_space<vmem>>, vector<1x1x16xf32>,
      %get3A_910 = vector.shape_cast %get3A_909 : vector<1x1x16xf32> to vector<16xf32>
      %swap3A_911 = arith.constant 8 : i32
      %swap3A_912 = arith.index_cast %swap3A_911 : i32 to index
      %swap3A_913 = arith.constant 16 : index
      %swap3A_914 = tpu.vector_load %arg7[%swap3A_912, %swap3A_913] {strides = array<i32>} : memref<16x64xf32, #tpu.memory_space<vmem>>, vector<1x16xf32>,
      %swap3A_915 = vector.shape_cast %swap3A_914 : vector<1x16xf32> to vector<16xf32>
      %swap3A_916 = vector.shape_cast %get3A_910 : vector<16xf32> to vector<1x16xf32>
      tpu.vector_store %arg7[%swap3A_912, %swap3A_913], %swap3A_916 {strides = array<i32>} : memref<16x64xf32, #tpu.memory_space<vmem>>, vector<1x16xf32>,
      %get3A_917 = arith.constant 8 : i32
      %get3A_918 = arith.index_cast %get3A_917 : i32 to index
      %get3A_919 = arith.index_cast %squeeze3A_892 : i32 to index
      %get3A_920 = arith.constant 32 : index
      %get3A_921 = tpu.vector_load %arg6[%get3A_918, %get3A_919, %get3A_920] {strides = array<i32>} : memref<16x8x64xf32, #tpu.memory_space<vmem>>, vector<1x1x16xf32>,
      %get3A_922 = vector.shape_cast %get3A_921 : vector<1x1x16xf32> to vector<16xf32>
      %swap3A_923 = arith.constant 8 : i32
      %swap3A_924 = arith.index_cast %swap3A_923 : i32 to index
      %swap3A_925 = arith.constant 32 : index
      %swap3A_926 = tpu.vector_load %arg7[%swap3A_924, %swap3A_925] {strides = array<i32>} : memref<16x64xf32, #tpu.memory_space<vmem>>, vector<1x16xf32>,
      %swap3A_927 = vector.shape_cast %swap3A_926 : vector<1x16xf32> to vector<16xf32>
      %swap3A_928 = vector.shape_cast %get3A_922 : vector<16xf32> to vector<1x16xf32>
      tpu.vector_store %arg7[%swap3A_924, %swap3A_925], %swap3A_928 {strides = array<i32>} : memref<16x64xf32, #tpu.memory_space<vmem>>, vector<1x16xf32>,
      %get3A_929 = arith.constant 8 : i32
      %get3A_930 = arith.index_cast %get3A_929 : i32 to index
      %get3A_931 = arith.index_cast %squeeze3A_892 : i32 to index
      %get3A_932 = arith.constant 48 : index
      %get3A_933 = tpu.vector_load %arg6[%get3A_930, %get3A_931, %get3A_932] {strides = array<i32>} : memref<16x8x64xf32, #tpu.memory_space<vmem>>, vector<1x1x16xf32>,
      %get3A_934 = vector.shape_cast %get3A_933 : vector<1x1x16xf32> to vector<16xf32>
      %swap3A_935 = arith.constant 8 : i32
      %swap3A_936 = arith.index_cast %swap3A_935 : i32 to index
      %swap3A_937 = arith.constant 48 : index
      %swap3A_938 = tpu.vector_load %arg7[%swap3A_936, %swap3A_937] {strides = array<i32>} : memref<16x64xf32, #tpu.memory_space<vmem>>, vector<1x16xf32>,
      %swap3A_939 = vector.shape_cast %swap3A_938 : vector<1x16xf32> to vector<16xf32>
      %swap3A_940 = vector.shape_cast %get3A_934 : vector<16xf32> to vector<1x16xf32>
      tpu.vector_store %arg7[%swap3A_936, %swap3A_937], %swap3A_940 {strides = array<i32>} : memref<16x64xf32, #tpu.memory_space<vmem>>, vector<1x16xf32>,
      %slice3A_941 = vector.extract_strided_slice %and3A_15 {offsets = [9], sizes = [1], strides = [1]} : vector<16xi32> to vector<1xi32>
      %squeeze3A_942 = vector.extract %slice3A_941[0] : i32 from vector<1xi32>
      %get3A_943 = arith.constant 9 : i32
      %get3A_944 = arith.index_cast %get3A_943 : i32 to index
      %get3A_945 = arith.index_cast %squeeze3A_942 : i32 to index
      %get3A_946 = arith.constant 0 : index
      %get3A_947 = tpu.vector_load %arg6[%get3A_944, %get3A_945, %get3A_946] {strides = array<i32>} : memref<16x8x64xf32, #tpu.memory_space<vmem>>, vector<1x1x16xf32>,
      %get3A_948 = vector.shape_cast %get3A_947 : vector<1x1x16xf32> to vector<16xf32>
      %swap3A_949 = arith.constant 9 : i32
      %swap3A_950 = arith.index_cast %swap3A_949 : i32 to index
      %swap3A_951 = arith.constant 0 : index
      %swap3A_952 = tpu.vector_load %arg7[%swap3A_950, %swap3A_951] {strides = array<i32>} : memref<16x64xf32, #tpu.memory_space<vmem>>, vector<1x16xf32>,
      %swap3A_953 = vector.shape_cast %swap3A_952 : vector<1x16xf32> to vector<16xf32>
      %swap3A_954 = vector.shape_cast %get3A_948 : vector<16xf32> to vector<1x16xf32>
      tpu.vector_store %arg7[%swap3A_950, %swap3A_951], %swap3A_954 {strides = array<i32>} : memref<16x64xf32, #tpu.memory_space<vmem>>, vector<1x16xf32>,
      %get3A_955 = arith.constant 9 : i32
      %get3A_956 = arith.index_cast %get3A_955 : i32 to index
      %get3A_957 = arith.index_cast %squeeze3A_942 : i32 to index
      %get3A_958 = arith.constant 16 : index
      %get3A_959 = tpu.vector_load %arg6[%get3A_956, %get3A_957, %get3A_958] {strides = array<i32>} : memref<16x8x64xf32, #tpu.memory_space<vmem>>, vector<1x1x16xf32>,
      %get3A_960 = vector.shape_cast %get3A_959 : vector<1x1x16xf32> to vector<16xf32>
      %swap3A_961 = arith.constant 9 : i32
      %swap3A_962 = arith.index_cast %swap3A_961 : i32 to index
      %swap3A_963 = arith.constant 16 : index
      %swap3A_964 = tpu.vector_load %arg7[%swap3A_962, %swap3A_963] {strides = array<i32>} : memref<16x64xf32, #tpu.memory_space<vmem>>, vector<1x16xf32>,
      %swap3A_965 = vector.shape_cast %swap3A_964 : vector<1x16xf32> to vector<16xf32>
      %swap3A_966 = vector.shape_cast %get3A_960 : vector<16xf32> to vector<1x16xf32>
      tpu.vector_store %arg7[%swap3A_962, %swap3A_963], %swap3A_966 {strides = array<i32>} : memref<16x64xf32, #tpu.memory_space<vmem>>, vector<1x16xf32>,
      %get3A_967 = arith.constant 9 : i32
      %get3A_968 = arith.index_cast %get3A_967 : i32 to index
      %get3A_969 = arith.index_cast %squeeze3A_942 : i32 to index
      %get3A_970 = arith.constant 32 : index
      %get3A_971 = tpu.vector_load %arg6[%get3A_968, %get3A_969, %get3A_970] {strides = array<i32>} : memref<16x8x64xf32, #tpu.memory_space<vmem>>, vector<1x1x16xf32>,
      %get3A_972 = vector.shape_cast %get3A_971 : vector<1x1x16xf32> to vector<16xf32>
      %swap3A_973 = arith.constant 9 : i32
      %swap3A_974 = arith.index_cast %swap3A_973 : i32 to index
      %swap3A_975 = arith.constant 32 : index
      %swap3A_976 = tpu.vector_load %arg7[%swap3A_974, %swap3A_975] {strides = array<i32>} : memref<16x64xf32, #tpu.memory_space<vmem>>, vector<1x16xf32>,
      %swap3A_977 = vector.shape_cast %swap3A_976 : vector<1x16xf32> to vector<16xf32>
      %swap3A_978 = vector.shape_cast %get3A_972 : vector<16xf32> to vector<1x16xf32>
      tpu.vector_store %arg7[%swap3A_974, %swap3A_975], %swap3A_978 {strides = array<i32>} : memref<16x64xf32, #tpu.memory_space<vmem>>, vector<1x16xf32>,
      %get3A_979 = arith.constant 9 : i32
      %get3A_980 = arith.index_cast %get3A_979 : i32 to index
      %get3A_981 = arith.index_cast %squeeze3A_942 : i32 to index
      %get3A_982 = arith.constant 48 : index
      %get3A_983 = tpu.vector_load %arg6[%get3A_980, %get3A_981, %get3A_982] {strides = array<i32>} : memref<16x8x64xf32, #tpu.memory_space<vmem>>, vector<1x1x16xf32>,
      %get3A_984 = vector.shape_cast %get3A_983 : vector<1x1x16xf32> to vector<16xf32>
      %swap3A_985 = arith.constant 9 : i32
      %swap3A_986 = arith.index_cast %swap3A_985 : i32 to index
      %swap3A_987 = arith.constant 48 : index
      %swap3A_988 = tpu.vector_load %arg7[%swap3A_986, %swap3A_987] {strides = array<i32>} : memref<16x64xf32, #tpu.memory_space<vmem>>, vector<1x16xf32>,
      %swap3A_989 = vector.shape_cast %swap3A_988 : vector<1x16xf32> to vector<16xf32>
      %swap3A_990 = vector.shape_cast %get3A_984 : vector<16xf32> to vector<1x16xf32>
      tpu.vector_store %arg7[%swap3A_986, %swap3A_987], %swap3A_990 {strides = array<i32>} : memref<16x64xf32, #tpu.memory_space<vmem>>, vector<1x16xf32>,
      %slice3A_991 = vector.extract_strided_slice %and3A_15 {offsets = [10], sizes = [1], strides = [1]} : vector<16xi32> to vector<1xi32>
      %squeeze3A_992 = vector.extract %slice3A_991[0] : i32 from vector<1xi32>
      %get3A_993 = arith.constant 10 : i32
      %get3A_994 = arith.index_cast %get3A_993 : i32 to index
      %get3A_995 = arith.index_cast %squeeze3A_992 : i32 to index
      %get3A_996 = arith.constant 0 : index
      %get3A_997 = tpu.vector_load %arg6[%get3A_994, %get3A_995, %get3A_996] {strides = array<i32>} : memref<16x8x64xf32, #tpu.memory_space<vmem>>, vector<1x1x16xf32>,
      %get3A_998 = vector.shape_cast %get3A_997 : vector<1x1x16xf32> to vector<16xf32>
      %swap3A_999 = arith.constant 10 : i32
      %swap3A_1000 = arith.index_cast %swap3A_999 : i32 to index
      %swap3A_1001 = arith.constant 0 : index
      %swap3A_1002 = tpu.vector_load %arg7[%swap3A_1000, %swap3A_1001] {strides = array<i32>} : memref<16x64xf32, #tpu.memory_space<vmem>>, vector<1x16xf32>,
      %swap3A_1003 = vector.shape_cast %swap3A_1002 : vector<1x16xf32> to vector<16xf32>
      %swap3A_1004 = vector.shape_cast %get3A_998 : vector<16xf32> to vector<1x16xf32>
      tpu.vector_store %arg7[%swap3A_1000, %swap3A_1001], %swap3A_1004 {strides = array<i32>} : memref<16x64xf32, #tpu.memory_space<vmem>>, vector<1x16xf32>,
      %get3A_1005 = arith.constant 10 : i32
      %get3A_1006 = arith.index_cast %get3A_1005 : i32 to index
      %get3A_1007 = arith.index_cast %squeeze3A_992 : i32 to index
      %get3A_1008 = arith.constant 16 : index
      %get3A_1009 = tpu.vector_load %arg6[%get3A_1006, %get3A_1007, %get3A_1008] {strides = array<i32>} : memref<16x8x64xf32, #tpu.memory_space<vmem>>, vector<1x1x16xf32>,
      %get3A_1010 = vector.shape_cast %get3A_1009 : vector<1x1x16xf32> to vector<16xf32>
      %swap3A_1011 = arith.constant 10 : i32
      %swap3A_1012 = arith.index_cast %swap3A_1011 : i32 to index
      %swap3A_1013 = arith.constant 16 : index
      %swap3A_1014 = tpu.vector_load %arg7[%swap3A_1012, %swap3A_1013] {strides = array<i32>} : memref<16x64xf32, #tpu.memory_space<vmem>>, vector<1x16xf32>,
      %swap3A_1015 = vector.shape_cast %swap3A_1014 : vector<1x16xf32> to vector<16xf32>
      %swap3A_1016 = vector.shape_cast %get3A_1010 : vector<16xf32> to vector<1x16xf32>
      tpu.vector_store %arg7[%swap3A_1012, %swap3A_1013], %swap3A_1016 {strides = array<i32>} : memref<16x64xf32, #tpu.memory_space<vmem>>, vector<1x16xf32>,
      %get3A_1017 = arith.constant 10 : i32
      %get3A_1018 = arith.index_cast %get3A_1017 : i32 to index
      %get3A_1019 = arith.index_cast %squeeze3A_992 : i32 to index
      %get3A_1020 = arith.constant 32 : index
      %get3A_1021 = tpu.vector_load %arg6[%get3A_1018, %get3A_1019, %get3A_1020] {strides = array<i32>} : memref<16x8x64xf32, #tpu.memory_space<vmem>>, vector<1x1x16xf32>,
      %get3A_1022 = vector.shape_cast %get3A_1021 : vector<1x1x16xf32> to vector<16xf32>
      %swap3A_1023 = arith.constant 10 : i32
      %swap3A_1024 = arith.index_cast %swap3A_1023 : i32 to index
      %swap3A_1025 = arith.constant 32 : index
      %swap3A_1026 = tpu.vector_load %arg7[%swap3A_1024, %swap3A_1025] {strides = array<i32>} : memref<16x64xf32, #tpu.memory_space<vmem>>, vector<1x16xf32>,
      %swap3A_1027 = vector.shape_cast %swap3A_1026 : vector<1x16xf32> to vector<16xf32>
      %swap3A_1028 = vector.shape_cast %get3A_1022 : vector<16xf32> to vector<1x16xf32>
      tpu.vector_store %arg7[%swap3A_1024, %swap3A_1025], %swap3A_1028 {strides = array<i32>} : memref<16x64xf32, #tpu.memory_space<vmem>>, vector<1x16xf32>,
      %get3A_1029 = arith.constant 10 : i32
      %get3A_1030 = arith.index_cast %get3A_1029 : i32 to index
      %get3A_1031 = arith.index_cast %squeeze3A_992 : i32 to index
      %get3A_1032 = arith.constant 48 : index
      %get3A_1033 = tpu.vector_load %arg6[%get3A_1030, %get3A_1031, %get3A_1032] {strides = array<i32>} : memref<16x8x64xf32, #tpu.memory_space<vmem>>, vector<1x1x16xf32>,
      %get3A_1034 = vector.shape_cast %get3A_1033 : vector<1x1x16xf32> to vector<16xf32>
      %swap3A_1035 = arith.constant 10 : i32
      %swap3A_1036 = arith.index_cast %swap3A_1035 : i32 to index
      %swap3A_1037 = arith.constant 48 : index
      %swap3A_1038 = tpu.vector_load %arg7[%swap3A_1036, %swap3A_1037] {strides = array<i32>} : memref<16x64xf32, #tpu.memory_space<vmem>>, vector<1x16xf32>,
      %swap3A_1039 = vector.shape_cast %swap3A_1038 : vector<1x16xf32> to vector<16xf32>
      %swap3A_1040 = vector.shape_cast %get3A_1034 : vector<16xf32> to vector<1x16xf32>
      tpu.vector_store %arg7[%swap3A_1036, %swap3A_1037], %swap3A_1040 {strides = array<i32>} : memref<16x64xf32, #tpu.memory_space<vmem>>, vector<1x16xf32>,
      %slice3A_1041 = vector.extract_strided_slice %and3A_15 {offsets = [11], sizes = [1], strides = [1]} : vector<16xi32> to vector<1xi32>
      %squeeze3A_1042 = vector.extract %slice3A_1041[0] : i32 from vector<1xi32>
      %get3A_1043 = arith.constant 11 : i32
      %get3A_1044 = arith.index_cast %get3A_1043 : i32 to index
      %get3A_1045 = arith.index_cast %squeeze3A_1042 : i32 to index
      %get3A_1046 = arith.constant 0 : index
      %get3A_1047 = tpu.vector_load %arg6[%get3A_1044, %get3A_1045, %get3A_1046] {strides = array<i32>} : memref<16x8x64xf32, #tpu.memory_space<vmem>>, vector<1x1x16xf32>,
      %get3A_1048 = vector.shape_cast %get3A_1047 : vector<1x1x16xf32> to vector<16xf32>
      %swap3A_1049 = arith.constant 11 : i32
      %swap3A_1050 = arith.index_cast %swap3A_1049 : i32 to index
      %swap3A_1051 = arith.constant 0 : index
      %swap3A_1052 = tpu.vector_load %arg7[%swap3A_1050, %swap3A_1051] {strides = array<i32>} : memref<16x64xf32, #tpu.memory_space<vmem>>, vector<1x16xf32>,
      %swap3A_1053 = vector.shape_cast %swap3A_1052 : vector<1x16xf32> to vector<16xf32>
      %swap3A_1054 = vector.shape_cast %get3A_1048 : vector<16xf32> to vector<1x16xf32>
      tpu.vector_store %arg7[%swap3A_1050, %swap3A_1051], %swap3A_1054 {strides = array<i32>} : memref<16x64xf32, #tpu.memory_space<vmem>>, vector<1x16xf32>,
      %get3A_1055 = arith.constant 11 : i32
      %get3A_1056 = arith.index_cast %get3A_1055 : i32 to index
      %get3A_1057 = arith.index_cast %squeeze3A_1042 : i32 to index
      %get3A_1058 = arith.constant 16 : index
      %get3A_1059 = tpu.vector_load %arg6[%get3A_1056, %get3A_1057, %get3A_1058] {strides = array<i32>} : memref<16x8x64xf32, #tpu.memory_space<vmem>>, vector<1x1x16xf32>,
      %get3A_1060 = vector.shape_cast %get3A_1059 : vector<1x1x16xf32> to vector<16xf32>
      %swap3A_1061 = arith.constant 11 : i32
      %swap3A_1062 = arith.index_cast %swap3A_1061 : i32 to index
      %swap3A_1063 = arith.constant 16 : index
      %swap3A_1064 = tpu.vector_load %arg7[%swap3A_1062, %swap3A_1063] {strides = array<i32>} : memref<16x64xf32, #tpu.memory_space<vmem>>, vector<1x16xf32>,
      %swap3A_1065 = vector.shape_cast %swap3A_1064 : vector<1x16xf32> to vector<16xf32>
      %swap3A_1066 = vector.shape_cast %get3A_1060 : vector<16xf32> to vector<1x16xf32>
      tpu.vector_store %arg7[%swap3A_1062, %swap3A_1063], %swap3A_1066 {strides = array<i32>} : memref<16x64xf32, #tpu.memory_space<vmem>>, vector<1x16xf32>,
      %get3A_1067 = arith.constant 11 : i32
      %get3A_1068 = arith.index_cast %get3A_1067 : i32 to index
      %get3A_1069 = arith.index_cast %squeeze3A_1042 : i32 to index
      %get3A_1070 = arith.constant 32 : index
      %get3A_1071 = tpu.vector_load %arg6[%get3A_1068, %get3A_1069, %get3A_1070] {strides = array<i32>} : memref<16x8x64xf32, #tpu.memory_space<vmem>>, vector<1x1x16xf32>,
      %get3A_1072 = vector.shape_cast %get3A_1071 : vector<1x1x16xf32> to vector<16xf32>
      %swap3A_1073 = arith.constant 11 : i32
      %swap3A_1074 = arith.index_cast %swap3A_1073 : i32 to index
      %swap3A_1075 = arith.constant 32 : index
      %swap3A_1076 = tpu.vector_load %arg7[%swap3A_1074, %swap3A_1075] {strides = array<i32>} : memref<16x64xf32, #tpu.memory_space<vmem>>, vector<1x16xf32>,
      %swap3A_1077 = vector.shape_cast %swap3A_1076 : vector<1x16xf32> to vector<16xf32>
      %swap3A_1078 = vector.shape_cast %get3A_1072 : vector<16xf32> to vector<1x16xf32>
      tpu.vector_store %arg7[%swap3A_1074, %swap3A_1075], %swap3A_1078 {strides = array<i32>} : memref<16x64xf32, #tpu.memory_space<vmem>>, vector<1x16xf32>,
      %get3A_1079 = arith.constant 11 : i32
      %get3A_1080 = arith.index_cast %get3A_1079 : i32 to index
      %get3A_1081 = arith.index_cast %squeeze3A_1042 : i32 to index
      %get3A_1082 = arith.constant 48 : index
      %get3A_1083 = tpu.vector_load %arg6[%get3A_1080, %get3A_1081, %get3A_1082] {strides = array<i32>} : memref<16x8x64xf32, #tpu.memory_space<vmem>>, vector<1x1x16xf32>,
      %get3A_1084 = vector.shape_cast %get3A_1083 : vector<1x1x16xf32> to vector<16xf32>
      %swap3A_1085 = arith.constant 11 : i32
      %swap3A_1086 = arith.index_cast %swap3A_1085 : i32 to index
      %swap3A_1087 = arith.constant 48 : index
      %swap3A_1088 = tpu.vector_load %arg7[%swap3A_1086, %swap3A_1087] {strides = array<i32>} : memref<16x64xf32, #tpu.memory_space<vmem>>, vector<1x16xf32>,
      %swap3A_1089 = vector.shape_cast %swap3A_1088 : vector<1x16xf32> to vector<16xf32>
      %swap3A_1090 = vector.shape_cast %get3A_1084 : vector<16xf32> to vector<1x16xf32>
      tpu.vector_store %arg7[%swap3A_1086, %swap3A_1087], %swap3A_1090 {strides = array<i32>} : memref<16x64xf32, #tpu.memory_space<vmem>>, vector<1x16xf32>,
      %slice3A_1091 = vector.extract_strided_slice %and3A_15 {offsets = [12], sizes = [1], strides = [1]} : vector<16xi32> to vector<1xi32>
      %squeeze3A_1092 = vector.extract %slice3A_1091[0] : i32 from vector<1xi32>
      %get3A_1093 = arith.constant 12 : i32
      %get3A_1094 = arith.index_cast %get3A_1093 : i32 to index
      %get3A_1095 = arith.index_cast %squeeze3A_1092 : i32 to index
      %get3A_1096 = arith.constant 0 : index
      %get3A_1097 = tpu.vector_load %arg6[%get3A_1094, %get3A_1095, %get3A_1096] {strides = array<i32>} : memref<16x8x64xf32, #tpu.memory_space<vmem>>, vector<1x1x16xf32>,
      %get3A_1098 = vector.shape_cast %get3A_1097 : vector<1x1x16xf32> to vector<16xf32>
      %swap3A_1099 = arith.constant 12 : i32
      %swap3A_1100 = arith.index_cast %swap3A_1099 : i32 to index
      %swap3A_1101 = arith.constant 0 : index
      %swap3A_1102 = tpu.vector_load %arg7[%swap3A_1100, %swap3A_1101] {strides = array<i32>} : memref<16x64xf32, #tpu.memory_space<vmem>>, vector<1x16xf32>,
      %swap3A_1103 = vector.shape_cast %swap3A_1102 : vector<1x16xf32> to vector<16xf32>
      %swap3A_1104 = vector.shape_cast %get3A_1098 : vector<16xf32> to vector<1x16xf32>
      tpu.vector_store %arg7[%swap3A_1100, %swap3A_1101], %swap3A_1104 {strides = array<i32>} : memref<16x64xf32, #tpu.memory_space<vmem>>, vector<1x16xf32>,
      %get3A_1105 = arith.constant 12 : i32
      %get3A_1106 = arith.index_cast %get3A_1105 : i32 to index
      %get3A_1107 = arith.index_cast %squeeze3A_1092 : i32 to index
      %get3A_1108 = arith.constant 16 : index
      %get3A_1109 = tpu.vector_load %arg6[%get3A_1106, %get3A_1107, %get3A_1108] {strides = array<i32>} : memref<16x8x64xf32, #tpu.memory_space<vmem>>, vector<1x1x16xf32>,
      %get3A_1110 = vector.shape_cast %get3A_1109 : vector<1x1x16xf32> to vector<16xf32>
      %swap3A_1111 = arith.constant 12 : i32
      %swap3A_1112 = arith.index_cast %swap3A_1111 : i32 to index
      %swap3A_1113 = arith.constant 16 : index
      %swap3A_1114 = tpu.vector_load %arg7[%swap3A_1112, %swap3A_1113] {strides = array<i32>} : memref<16x64xf32, #tpu.memory_space<vmem>>, vector<1x16xf32>,
      %swap3A_1115 = vector.shape_cast %swap3A_1114 : vector<1x16xf32> to vector<16xf32>
      %swap3A_1116 = vector.shape_cast %get3A_1110 : vector<16xf32> to vector<1x16xf32>
      tpu.vector_store %arg7[%swap3A_1112, %swap3A_1113], %swap3A_1116 {strides = array<i32>} : memref<16x64xf32, #tpu.memory_space<vmem>>, vector<1x16xf32>,
      %get3A_1117 = arith.constant 12 : i32
      %get3A_1118 = arith.index_cast %get3A_1117 : i32 to index
      %get3A_1119 = arith.index_cast %squeeze3A_1092 : i32 to index
      %get3A_1120 = arith.constant 32 : index
      %get3A_1121 = tpu.vector_load %arg6[%get3A_1118, %get3A_1119, %get3A_1120] {strides = array<i32>} : memref<16x8x64xf32, #tpu.memory_space<vmem>>, vector<1x1x16xf32>,
      %get3A_1122 = vector.shape_cast %get3A_1121 : vector<1x1x16xf32> to vector<16xf32>
      %swap3A_1123 = arith.constant 12 : i32
      %swap3A_1124 = arith.index_cast %swap3A_1123 : i32 to index
      %swap3A_1125 = arith.constant 32 : index
      %swap3A_1126 = tpu.vector_load %arg7[%swap3A_1124, %swap3A_1125] {strides = array<i32>} : memref<16x64xf32, #tpu.memory_space<vmem>>, vector<1x16xf32>,
      %swap3A_1127 = vector.shape_cast %swap3A_1126 : vector<1x16xf32> to vector<16xf32>
      %swap3A_1128 = vector.shape_cast %get3A_1122 : vector<16xf32> to vector<1x16xf32>
      tpu.vector_store %arg7[%swap3A_1124, %swap3A_1125], %swap3A_1128 {strides = array<i32>} : memref<16x64xf32, #tpu.memory_space<vmem>>, vector<1x16xf32>,
      %get3A_1129 = arith.constant 12 : i32
      %get3A_1130 = arith.index_cast %get3A_1129 : i32 to index
      %get3A_1131 = arith.index_cast %squeeze3A_1092 : i32 to index
      %get3A_1132 = arith.constant 48 : index
      %get3A_1133 = tpu.vector_load %arg6[%get3A_1130, %get3A_1131, %get3A_1132] {strides = array<i32>} : memref<16x8x64xf32, #tpu.memory_space<vmem>>, vector<1x1x16xf32>,
      %get3A_1134 = vector.shape_cast %get3A_1133 : vector<1x1x16xf32> to vector<16xf32>
      %swap3A_1135 = arith.constant 12 : i32
      %swap3A_1136 = arith.index_cast %swap3A_1135 : i32 to index
      %swap3A_1137 = arith.constant 48 : index
      %swap3A_1138 = tpu.vector_load %arg7[%swap3A_1136, %swap3A_1137] {strides = array<i32>} : memref<16x64xf32, #tpu.memory_space<vmem>>, vector<1x16xf32>,
      %swap3A_1139 = vector.shape_cast %swap3A_1138 : vector<1x16xf32> to vector<16xf32>
      %swap3A_1140 = vector.shape_cast %get3A_1134 : vector<16xf32> to vector<1x16xf32>
      tpu.vector_store %arg7[%swap3A_1136, %swap3A_1137], %swap3A_1140 {strides = array<i32>} : memref<16x64xf32, #tpu.memory_space<vmem>>, vector<1x16xf32>,
      %slice3A_1141 = vector.extract_strided_slice %and3A_15 {offsets = [13], sizes = [1], strides = [1]} : vector<16xi32> to vector<1xi32>
      %squeeze3A_1142 = vector.extract %slice3A_1141[0] : i32 from vector<1xi32>
      %get3A_1143 = arith.constant 13 : i32
      %get3A_1144 = arith.index_cast %get3A_1143 : i32 to index
      %get3A_1145 = arith.index_cast %squeeze3A_1142 : i32 to index
      %get3A_1146 = arith.constant 0 : index
      %get3A_1147 = tpu.vector_load %arg6[%get3A_1144, %get3A_1145, %get3A_1146] {strides = array<i32>} : memref<16x8x64xf32, #tpu.memory_space<vmem>>, vector<1x1x16xf32>,
      %get3A_1148 = vector.shape_cast %get3A_1147 : vector<1x1x16xf32> to vector<16xf32>
      %swap3A_1149 = arith.constant 13 : i32
      %swap3A_1150 = arith.index_cast %swap3A_1149 : i32 to index
      %swap3A_1151 = arith.constant 0 : index
      %swap3A_1152 = tpu.vector_load %arg7[%swap3A_1150, %swap3A_1151] {strides = array<i32>} : memref<16x64xf32, #tpu.memory_space<vmem>>, vector<1x16xf32>,
      %swap3A_1153 = vector.shape_cast %swap3A_1152 : vector<1x16xf32> to vector<16xf32>
      %swap3A_1154 = vector.shape_cast %get3A_1148 : vector<16xf32> to vector<1x16xf32>
      tpu.vector_store %arg7[%swap3A_1150, %swap3A_1151], %swap3A_1154 {strides = array<i32>} : memref<16x64xf32, #tpu.memory_space<vmem>>, vector<1x16xf32>,
      %get3A_1155 = arith.constant 13 : i32
      %get3A_1156 = arith.index_cast %get3A_1155 : i32 to index
      %get3A_1157 = arith.index_cast %squeeze3A_1142 : i32 to index
      %get3A_1158 = arith.constant 16 : index
      %get3A_1159 = tpu.vector_load %arg6[%get3A_1156, %get3A_1157, %get3A_1158] {strides = array<i32>} : memref<16x8x64xf32, #tpu.memory_space<vmem>>, vector<1x1x16xf32>,
      %get3A_1160 = vector.shape_cast %get3A_1159 : vector<1x1x16xf32> to vector<16xf32>
      %swap3A_1161 = arith.constant 13 : i32
      %swap3A_1162 = arith.index_cast %swap3A_1161 : i32 to index
      %swap3A_1163 = arith.constant 16 : index
      %swap3A_1164 = tpu.vector_load %arg7[%swap3A_1162, %swap3A_1163] {strides = array<i32>} : memref<16x64xf32, #tpu.memory_space<vmem>>, vector<1x16xf32>,
      %swap3A_1165 = vector.shape_cast %swap3A_1164 : vector<1x16xf32> to vector<16xf32>
      %swap3A_1166 = vector.shape_cast %get3A_1160 : vector<16xf32> to vector<1x16xf32>
      tpu.vector_store %arg7[%swap3A_1162, %swap3A_1163], %swap3A_1166 {strides = array<i32>} : memref<16x64xf32, #tpu.memory_space<vmem>>, vector<1x16xf32>,
      %get3A_1167 = arith.constant 13 : i32
      %get3A_1168 = arith.index_cast %get3A_1167 : i32 to index
      %get3A_1169 = arith.index_cast %squeeze3A_1142 : i32 to index
      %get3A_1170 = arith.constant 32 : index
      %get3A_1171 = tpu.vector_load %arg6[%get3A_1168, %get3A_1169, %get3A_1170] {strides = array<i32>} : memref<16x8x64xf32, #tpu.memory_space<vmem>>, vector<1x1x16xf32>,
      %get3A_1172 = vector.shape_cast %get3A_1171 : vector<1x1x16xf32> to vector<16xf32>
      %swap3A_1173 = arith.constant 13 : i32
      %swap3A_1174 = arith.index_cast %swap3A_1173 : i32 to index
      %swap3A_1175 = arith.constant 32 : index
      %swap3A_1176 = tpu.vector_load %arg7[%swap3A_1174, %swap3A_1175] {strides = array<i32>} : memref<16x64xf32, #tpu.memory_space<vmem>>, vector<1x16xf32>,
      %swap3A_1177 = vector.shape_cast %swap3A_1176 : vector<1x16xf32> to vector<16xf32>
      %swap3A_1178 = vector.shape_cast %get3A_1172 : vector<16xf32> to vector<1x16xf32>
      tpu.vector_store %arg7[%swap3A_1174, %swap3A_1175], %swap3A_1178 {strides = array<i32>} : memref<16x64xf32, #tpu.memory_space<vmem>>, vector<1x16xf32>,
      %get3A_1179 = arith.constant 13 : i32
      %get3A_1180 = arith.index_cast %get3A_1179 : i32 to index
      %get3A_1181 = arith.index_cast %squeeze3A_1142 : i32 to index
      %get3A_1182 = arith.constant 48 : index
      %get3A_1183 = tpu.vector_load %arg6[%get3A_1180, %get3A_1181, %get3A_1182] {strides = array<i32>} : memref<16x8x64xf32, #tpu.memory_space<vmem>>, vector<1x1x16xf32>,
      %get3A_1184 = vector.shape_cast %get3A_1183 : vector<1x1x16xf32> to vector<16xf32>
      %swap3A_1185 = arith.constant 13 : i32
      %swap3A_1186 = arith.index_cast %swap3A_1185 : i32 to index
      %swap3A_1187 = arith.constant 48 : index
      %swap3A_1188 = tpu.vector_load %arg7[%swap3A_1186, %swap3A_1187] {strides = array<i32>} : memref<16x64xf32, #tpu.memory_space<vmem>>, vector<1x16xf32>,
      %swap3A_1189 = vector.shape_cast %swap3A_1188 : vector<1x16xf32> to vector<16xf32>
      %swap3A_1190 = vector.shape_cast %get3A_1184 : vector<16xf32> to vector<1x16xf32>
      tpu.vector_store %arg7[%swap3A_1186, %swap3A_1187], %swap3A_1190 {strides = array<i32>} : memref<16x64xf32, #tpu.memory_space<vmem>>, vector<1x16xf32>,
      %slice3A_1191 = vector.extract_strided_slice %and3A_15 {offsets = [14], sizes = [1], strides = [1]} : vector<16xi32> to vector<1xi32>
      %squeeze3A_1192 = vector.extract %slice3A_1191[0] : i32 from vector<1xi32>
      %get3A_1193 = arith.constant 14 : i32
      %get3A_1194 = arith.index_cast %get3A_1193 : i32 to index
      %get3A_1195 = arith.index_cast %squeeze3A_1192 : i32 to index
      %get3A_1196 = arith.constant 0 : index
      %get3A_1197 = tpu.vector_load %arg6[%get3A_1194, %get3A_1195, %get3A_1196] {strides = array<i32>} : memref<16x8x64xf32, #tpu.memory_space<vmem>>, vector<1x1x16xf32>,
      %get3A_1198 = vector.shape_cast %get3A_1197 : vector<1x1x16xf32> to vector<16xf32>
      %swap3A_1199 = arith.constant 14 : i32
      %swap3A_1200 = arith.index_cast %swap3A_1199 : i32 to index
      %swap3A_1201 = arith.constant 0 : index
      %swap3A_1202 = tpu.vector_load %arg7[%swap3A_1200, %swap3A_1201] {strides = array<i32>} : memref<16x64xf32, #tpu.memory_space<vmem>>, vector<1x16xf32>,
      %swap3A_1203 = vector.shape_cast %swap3A_1202 : vector<1x16xf32> to vector<16xf32>
      %swap3A_1204 = vector.shape_cast %get3A_1198 : vector<16xf32> to vector<1x16xf32>
      tpu.vector_store %arg7[%swap3A_1200, %swap3A_1201], %swap3A_1204 {strides = array<i32>} : memref<16x64xf32, #tpu.memory_space<vmem>>, vector<1x16xf32>,
      %get3A_1205 = arith.constant 14 : i32
      %get3A_1206 = arith.index_cast %get3A_1205 : i32 to index
      %get3A_1207 = arith.index_cast %squeeze3A_1192 : i32 to index
      %get3A_1208 = arith.constant 16 : index
      %get3A_1209 = tpu.vector_load %arg6[%get3A_1206, %get3A_1207, %get3A_1208] {strides = array<i32>} : memref<16x8x64xf32, #tpu.memory_space<vmem>>, vector<1x1x16xf32>,
      %get3A_1210 = vector.shape_cast %get3A_1209 : vector<1x1x16xf32> to vector<16xf32>
      %swap3A_1211 = arith.constant 14 : i32
      %swap3A_1212 = arith.index_cast %swap3A_1211 : i32 to index
      %swap3A_1213 = arith.constant 16 : index
      %swap3A_1214 = tpu.vector_load %arg7[%swap3A_1212, %swap3A_1213] {strides = array<i32>} : memref<16x64xf32, #tpu.memory_space<vmem>>, vector<1x16xf32>,
      %swap3A_1215 = vector.shape_cast %swap3A_1214 : vector<1x16xf32> to vector<16xf32>
      %swap3A_1216 = vector.shape_cast %get3A_1210 : vector<16xf32> to vector<1x16xf32>
      tpu.vector_store %arg7[%swap3A_1212, %swap3A_1213], %swap3A_1216 {strides = array<i32>} : memref<16x64xf32, #tpu.memory_space<vmem>>, vector<1x16xf32>,
      %get3A_1217 = arith.constant 14 : i32
      %get3A_1218 = arith.index_cast %get3A_1217 : i32 to index
      %get3A_1219 = arith.index_cast %squeeze3A_1192 : i32 to index
      %get3A_1220 = arith.constant 32 : index
      %get3A_1221 = tpu.vector_load %arg6[%get3A_1218, %get3A_1219, %get3A_1220] {strides = array<i32>} : memref<16x8x64xf32, #tpu.memory_space<vmem>>, vector<1x1x16xf32>,
      %get3A_1222 = vector.shape_cast %get3A_1221 : vector<1x1x16xf32> to vector<16xf32>
      %swap3A_1223 = arith.constant 14 : i32
      %swap3A_1224 = arith.index_cast %swap3A_1223 : i32 to index
      %swap3A_1225 = arith.constant 32 : index
      %swap3A_1226 = tpu.vector_load %arg7[%swap3A_1224, %swap3A_1225] {strides = array<i32>} : memref<16x64xf32, #tpu.memory_space<vmem>>, vector<1x16xf32>,
      %swap3A_1227 = vector.shape_cast %swap3A_1226 : vector<1x16xf32> to vector<16xf32>
      %swap3A_1228 = vector.shape_cast %get3A_1222 : vector<16xf32> to vector<1x16xf32>
      tpu.vector_store %arg7[%swap3A_1224, %swap3A_1225], %swap3A_1228 {strides = array<i32>} : memref<16x64xf32, #tpu.memory_space<vmem>>, vector<1x16xf32>,
      %get3A_1229 = arith.constant 14 : i32
      %get3A_1230 = arith.index_cast %get3A_1229 : i32 to index
      %get3A_1231 = arith.index_cast %squeeze3A_1192 : i32 to index
      %get3A_1232 = arith.constant 48 : index
      %get3A_1233 = tpu.vector_load %arg6[%get3A_1230, %get3A_1231, %get3A_1232] {strides = array<i32>} : memref<16x8x64xf32, #tpu.memory_space<vmem>>, vector<1x1x16xf32>,
      %get3A_1234 = vector.shape_cast %get3A_1233 : vector<1x1x16xf32> to vector<16xf32>
      %swap3A_1235 = arith.constant 14 : i32
      %swap3A_1236 = arith.index_cast %swap3A_1235 : i32 to index
      %swap3A_1237 = arith.constant 48 : index
      %swap3A_1238 = tpu.vector_load %arg7[%swap3A_1236, %swap3A_1237] {strides = array<i32>} : memref<16x64xf32, #tpu.memory_space<vmem>>, vector<1x16xf32>,
      %swap3A_1239 = vector.shape_cast %swap3A_1238 : vector<1x16xf32> to vector<16xf32>
      %swap3A_1240 = vector.shape_cast %get3A_1234 : vector<16xf32> to vector<1x16xf32>
      tpu.vector_store %arg7[%swap3A_1236, %swap3A_1237], %swap3A_1240 {strides = array<i32>} : memref<16x64xf32, #tpu.memory_space<vmem>>, vector<1x16xf32>,
      %slice3A_1241 = vector.extract_strided_slice %and3A_15 {offsets = [15], sizes = [1], strides = [1]} : vector<16xi32> to vector<1xi32>
      %squeeze3A_1242 = vector.extract %slice3A_1241[0] : i32 from vector<1xi32>
      %get3A_1243 = arith.constant 15 : i32
      %get3A_1244 = arith.index_cast %get3A_1243 : i32 to index
      %get3A_1245 = arith.index_cast %squeeze3A_1242 : i32 to index
      %get3A_1246 = arith.constant 0 : index
      %get3A_1247 = tpu.vector_load %arg6[%get3A_1244, %get3A_1245, %get3A_1246] {strides = array<i32>} : memref<16x8x64xf32, #tpu.memory_space<vmem>>, vector<1x1x16xf32>,
      %get3A_1248 = vector.shape_cast %get3A_1247 : vector<1x1x16xf32> to vector<16xf32>
      %swap3A_1249 = arith.constant 15 : i32
      %swap3A_1250 = arith.index_cast %swap3A_1249 : i32 to index
      %swap3A_1251 = arith.constant 0 : index
      %swap3A_1252 = tpu.vector_load %arg7[%swap3A_1250, %swap3A_1251] {strides = array<i32>} : memref<16x64xf32, #tpu.memory_space<vmem>>, vector<1x16xf32>,
      %swap3A_1253 = vector.shape_cast %swap3A_1252 : vector<1x16xf32> to vector<16xf32>
      %swap3A_1254 = vector.shape_cast %get3A_1248 : vector<16xf32> to vector<1x16xf32>
      tpu.vector_store %arg7[%swap3A_1250, %swap3A_1251], %swap3A_1254 {strides = array<i32>} : memref<16x64xf32, #tpu.memory_space<vmem>>, vector<1x16xf32>,
      %get3A_1255 = arith.constant 15 : i32
      %get3A_1256 = arith.index_cast %get3A_1255 : i32 to index
      %get3A_1257 = arith.index_cast %squeeze3A_1242 : i32 to index
      %get3A_1258 = arith.constant 16 : index
      %get3A_1259 = tpu.vector_load %arg6[%get3A_1256, %get3A_1257, %get3A_1258] {strides = array<i32>} : memref<16x8x64xf32, #tpu.memory_space<vmem>>, vector<1x1x16xf32>,
      %get3A_1260 = vector.shape_cast %get3A_1259 : vector<1x1x16xf32> to vector<16xf32>
      %swap3A_1261 = arith.constant 15 : i32
      %swap3A_1262 = arith.index_cast %swap3A_1261 : i32 to index
      %swap3A_1263 = arith.constant 16 : index
      %swap3A_1264 = tpu.vector_load %arg7[%swap3A_1262, %swap3A_1263] {strides = array<i32>} : memref<16x64xf32, #tpu.memory_space<vmem>>, vector<1x16xf32>,
      %swap3A_1265 = vector.shape_cast %swap3A_1264 : vector<1x16xf32> to vector<16xf32>
      %swap3A_1266 = vector.shape_cast %get3A_1260 : vector<16xf32> to vector<1x16xf32>
      tpu.vector_store %arg7[%swap3A_1262, %swap3A_1263], %swap3A_1266 {strides = array<i32>} : memref<16x64xf32, #tpu.memory_space<vmem>>, vector<1x16xf32>,
      %get3A_1267 = arith.constant 15 : i32
      %get3A_1268 = arith.index_cast %get3A_1267 : i32 to index
      %get3A_1269 = arith.index_cast %squeeze3A_1242 : i32 to index
      %get3A_1270 = arith.constant 32 : index
      %get3A_1271 = tpu.vector_load %arg6[%get3A_1268, %get3A_1269, %get3A_1270] {strides = array<i32>} : memref<16x8x64xf32, #tpu.memory_space<vmem>>, vector<1x1x16xf32>,
      %get3A_1272 = vector.shape_cast %get3A_1271 : vector<1x1x16xf32> to vector<16xf32>
      %swap3A_1273 = arith.constant 15 : i32
      %swap3A_1274 = arith.index_cast %swap3A_1273 : i32 to index
      %swap3A_1275 = arith.constant 32 : index
      %swap3A_1276 = tpu.vector_load %arg7[%swap3A_1274, %swap3A_1275] {strides = array<i32>} : memref<16x64xf32, #tpu.memory_space<vmem>>, vector<1x16xf32>,
      %swap3A_1277 = vector.shape_cast %swap3A_1276 : vector<1x16xf32> to vector<16xf32>
      %swap3A_1278 = vector.shape_cast %get3A_1272 : vector<16xf32> to vector<1x16xf32>
      tpu.vector_store %arg7[%swap3A_1274, %swap3A_1275], %swap3A_1278 {strides = array<i32>} : memref<16x64xf32, #tpu.memory_space<vmem>>, vector<1x16xf32>,
      %get3A_1279 = arith.constant 15 : i32
      %get3A_1280 = arith.index_cast %get3A_1279 : i32 to index
      %get3A_1281 = arith.index_cast %squeeze3A_1242 : i32 to index
      %get3A_1282 = arith.constant 48 : index
      %get3A_1283 = tpu.vector_load %arg6[%get3A_1280, %get3A_1281, %get3A_1282] {strides = array<i32>} : memref<16x8x64xf32, #tpu.memory_space<vmem>>, vector<1x1x16xf32>,
      %get3A_1284 = vector.shape_cast %get3A_1283 : vector<1x1x16xf32> to vector<16xf32>
      %swap3A_1285 = arith.constant 15 : i32
      %swap3A_1286 = arith.index_cast %swap3A_1285 : i32 to index
      %swap3A_1287 = arith.constant 48 : index
      %swap3A_1288 = tpu.vector_load %arg7[%swap3A_1286, %swap3A_1287] {strides = array<i32>} : memref<16x64xf32, #tpu.memory_space<vmem>>, vector<1x16xf32>,
      %swap3A_1289 = vector.shape_cast %swap3A_1288 : vector<1x16xf32> to vector<16xf32>
      %swap3A_1290 = vector.shape_cast %get3A_1284 : vector<16xf32> to vector<1x16xf32>
      tpu.vector_store %arg7[%swap3A_1286, %swap3A_1287], %swap3A_1290 {strides = array<i32>} : memref<16x64xf32, #tpu.memory_space<vmem>>, vector<1x16xf32>,
      %add3A_1291 = arith.addi %mul3A_2, %mul3A_9 : i32
      "tpu.region"() ({
        %run_scoped3A = tpu.sem_alloc : memref<!tpu.dma_semaphore, #tpu.memory_space<semaphore_mem>>
        %dma_start3A_1292 = arith.constant 0 : i32
        %dma_start3A_1293 = tpu.memref_slice %arg4[%add3A_1291, %dma_start3A_1292] : memref<16384x64xf32, #tpu.memory_space<hbm>> -> memref<16x64xf32, #tpu.memory_space<hbm>>
        %dma_start3A_1294 = arith.constant 0 : i32
        %dma_start3A_1295 = tpu.memref_slice %arg4[%add3A_1291, %dma_start3A_1294] : memref<16384x64xf32, #tpu.memory_space<hbm>> -> memref<16x64xf32, #tpu.memory_space<hbm>>
        tpu.enqueue_dma source(%arg7 : memref<16x64xf32, #tpu.memory_space<vmem>>) target(%dma_start3A_1295 : memref<16x64xf32, #tpu.memory_space<hbm>>) target_semaphore(%run_scoped3A : memref<!tpu.dma_semaphore, #tpu.memory_space<semaphore_mem>>)
        %dma_wait3A_1296 = arith.constant 0 : i32
        %dma_wait3A_1297 = tpu.memref_slice %arg4[%add3A_1291, %dma_wait3A_1296] : memref<16384x64xf32, #tpu.memory_space<hbm>> -> memref<16x64xf32, #tpu.memory_space<hbm>>
        %dma_wait3A_1298 = arith.constant 0 : i32
        %dma_wait3A_1299 = tpu.memref_slice %arg4[%add3A_1291, %dma_wait3A_1298] : memref<16384x64xf32, #tpu.memory_space<hbm>> -> memref<16x64xf32, #tpu.memory_space<hbm>>
        tpu.wait_dma2 semaphore(%run_scoped3A : memref<!tpu.dma_semaphore, #tpu.memory_space<semaphore_mem>>) src(%arg7 : memref<16x64xf32, #tpu.memory_space<vmem>>) dst(%dma_wait3A_1299 : memref<16x64xf32, #tpu.memory_space<hbm>>)
        tpu.yield
      }) : () -> ()
    }
    %scan3A_6 = arith.constant 32 : i32
    return
  }
}

#map = affine_map<(d0, d1) -> (0, 0)>
#map1 = affine_map<(d0, d1) -> (0)>
module attributes {stable_mosaic.version = 14 : i64} {
  func.func @_gather_body(%arg0: i32, %arg1: i32, %arg2: memref<100000x64xf32, #tpu.memory_space<hbm>>, %arg3: memref<16384xi32, #tpu.memory_space<hbm>>, %arg4: memref<16384x64xf32, #tpu.memory_space<hbm>>, %arg5: memref<512xi32, #tpu.memory_space<vmem>>, %arg6: memref<16x8x64xf32, #tpu.memory_space<vmem>>, %arg7: memref<16x64xf32, #tpu.memory_space<vmem>>, %arg8: memref<!tpu.dma_semaphore, #tpu.memory_space<semaphore_mem>>) attributes {dimension_semantics = [#tpu.dimension_semantics<core_parallel>, #tpu.dimension_semantics<subcore_parallel>], iteration_bounds = array<i64: 2, 16>, scalar_prefetch = 0 : i64, scratch_operands = 4 : i64, tpu.core_type = #tpu.core_type<sc_vector_subcore>, window_params = [{transform_indices = #map}, {transform_indices = #map1}, {transform_indices = #map}]} {
    %mul3A = arith.constant 2 : i32
    %mul3A_0 = arith.muli %arg1, %mul3A : i32
    %add3A = arith.addi %mul3A_0, %arg0 : i32
    %mul3A_1 = arith.constant 512 : i32
    %mul3A_2 = arith.muli %add3A, %mul3A_1 : i32
    "tpu.region"() ({
      %run_scoped3A = tpu.sem_alloc : memref<!tpu.dma_semaphore, #tpu.memory_space<semaphore_mem>>
      %dma_start3A = tpu.memref_slice %arg3[%mul3A_2] : memref<16384xi32, #tpu.memory_space<hbm>> -> memref<512xi32, #tpu.memory_space<hbm>>
      %dma_start3A_7 = tpu.memref_slice %arg3[%mul3A_2] : memref<16384xi32, #tpu.memory_space<hbm>> -> memref<512xi32, #tpu.memory_space<hbm>>
      tpu.enqueue_dma source(%dma_start3A_7 : memref<512xi32, #tpu.memory_space<hbm>>) target(%arg5 : memref<512xi32, #tpu.memory_space<vmem>>) target_semaphore(%run_scoped3A : memref<!tpu.dma_semaphore, #tpu.memory_space<semaphore_mem>>)
      %dma_wait3A = tpu.memref_slice %arg3[%mul3A_2] : memref<16384xi32, #tpu.memory_space<hbm>> -> memref<512xi32, #tpu.memory_space<hbm>>
      %dma_wait3A_8 = tpu.memref_slice %arg3[%mul3A_2] : memref<16384xi32, #tpu.memory_space<hbm>> -> memref<512xi32, #tpu.memory_space<hbm>>
      tpu.wait_dma2 semaphore(%run_scoped3A : memref<!tpu.dma_semaphore, #tpu.memory_space<semaphore_mem>>) src(%dma_wait3A_8 : memref<512xi32, #tpu.memory_space<hbm>>) dst(%arg5 : memref<512xi32, #tpu.memory_space<vmem>>)
      tpu.yield
    }) : () -> ()
    %scan3A = arith.constant 0 : i32
    %scan3A_3 = arith.constant 32 : i32
    %scan3A_4 = arith.addi %scan3A, %scan3A_3 : i32
    %scan3A_5 = arith.constant 1 : i32
    scf.for %scan3A_7 = %scan3A to %scan3A_4 step %scan3A_5  : i32 {
      %mul3A_8 = arith.constant 16 : i32
      %mul3A_9 = arith.muli %scan3A_7, %mul3A_8 : i32
      %get3A = arith.index_cast %mul3A_9 : i32 to index
      %get3A_10 = tpu.vector_load %arg5[%get3A] {strides = array<i32>} : memref<512xi32, #tpu.memory_space<vmem>>, vector<16xi32>,
      %get3A_11 = vector.shape_cast %get3A_10 : vector<16xi32> to vector<16xi32>
      %shift_right_arithmetic3A = arith.constant 3 : i32
      %shift_right_arithmetic3A_12 = vector.broadcast %shift_right_arithmetic3A : i32 to vector<16xi32>
      %shift_right_arithmetic3A_13 = arith.shrsi %get3A_11, %shift_right_arithmetic3A_12 : vector<16xi32>
      %and3A = arith.constant 7 : i32
      %and3A_14 = vector.broadcast %and3A : i32 to vector<16xi32>
      %and3A_15 = arith.andi %get3A_11, %and3A_14 : vector<16xi32>
      %slice3A = vector.extract_strided_slice %shift_right_arithmetic3A_13 {offsets = [0], sizes = [1], strides = [1]} : vector<16xi32> to vector<1xi32>
      %squeeze3A = vector.extract %slice3A[0] : i32 from vector<1xi32>
      %mul3A_16 = arith.constant 8 : i32
      %mul3A_17 = arith.muli %squeeze3A, %mul3A_16 : i32
      %dma_start3A = arith.constant 0 : i32
      %dma_start3A_18 = arith.constant 0 : i32
      %dma_start3A_19 = arith.constant 0 : i32
      %dma_start3A_20 = tpu.memref_slice %arg6[%dma_start3A, %dma_start3A_18, %dma_start3A_19] : memref<16x8x64xf32, #tpu.memory_space<vmem>> -> memref<1x8x64xf32, #tpu.memory_space<vmem>>
      %dma_start3A_21 = tpu.memref_squeeze %dma_start3A_20 : memref<1x8x64xf32, #tpu.memory_space<vmem>> -> memref<8x64xf32, #tpu.memory_space<vmem>>
      %dma_start3A_22 = arith.constant 0 : i32
      %dma_start3A_23 = tpu.memref_slice %arg2[%mul3A_17, %dma_start3A_22] : memref<100000x64xf32, #tpu.memory_space<hbm>> -> memref<8x64xf32, #tpu.memory_space<hbm>>
      %dma_start3A_24 = arith.constant 0 : i32
      %dma_start3A_25 = arith.constant 0 : i32
      %dma_start3A_26 = tpu.memref_slice %arg6[%dma_start3A, %dma_start3A_24, %dma_start3A_25] : memref<16x8x64xf32, #tpu.memory_space<vmem>> -> memref<1x8x64xf32, #tpu.memory_space<vmem>>
      %dma_start3A_27 = tpu.memref_squeeze %dma_start3A_26 : memref<1x8x64xf32, #tpu.memory_space<vmem>> -> memref<8x64xf32, #tpu.memory_space<vmem>>
      %dma_start3A_28 = arith.constant 0 : i32
      %dma_start3A_29 = tpu.memref_slice %arg2[%mul3A_17, %dma_start3A_28] : memref<100000x64xf32, #tpu.memory_space<hbm>> -> memref<8x64xf32, #tpu.memory_space<hbm>>
      tpu.enqueue_dma source(%dma_start3A_29 : memref<8x64xf32, #tpu.memory_space<hbm>>) target(%dma_start3A_27 : memref<8x64xf32, #tpu.memory_space<vmem>>) target_semaphore(%arg8 : memref<!tpu.dma_semaphore, #tpu.memory_space<semaphore_mem>>)
      %slice3A_30 = vector.extract_strided_slice %shift_right_arithmetic3A_13 {offsets = [1], sizes = [1], strides = [1]} : vector<16xi32> to vector<1xi32>
      %squeeze3A_31 = vector.extract %slice3A_30[0] : i32 from vector<1xi32>
      %mul3A_32 = arith.constant 8 : i32
      %mul3A_33 = arith.muli %squeeze3A_31, %mul3A_32 : i32
      %dma_start3A_34 = arith.constant 1 : i32
      %dma_start3A_35 = arith.constant 0 : i32
      %dma_start3A_36 = arith.constant 0 : i32
      %dma_start3A_37 = tpu.memref_slice %arg6[%dma_start3A_34, %dma_start3A_35, %dma_start3A_36] : memref<16x8x64xf32, #tpu.memory_space<vmem>> -> memref<1x8x64xf32, #tpu.memory_space<vmem>>
      %dma_start3A_38 = tpu.memref_squeeze %dma_start3A_37 : memref<1x8x64xf32, #tpu.memory_space<vmem>> -> memref<8x64xf32, #tpu.memory_space<vmem>>
      %dma_start3A_39 = arith.constant 0 : i32
      %dma_start3A_40 = tpu.memref_slice %arg2[%mul3A_33, %dma_start3A_39] : memref<100000x64xf32, #tpu.memory_space<hbm>> -> memref<8x64xf32, #tpu.memory_space<hbm>>
      %dma_start3A_41 = arith.constant 0 : i32
      %dma_start3A_42 = arith.constant 0 : i32
      %dma_start3A_43 = tpu.memref_slice %arg6[%dma_start3A_34, %dma_start3A_41, %dma_start3A_42] : memref<16x8x64xf32, #tpu.memory_space<vmem>> -> memref<1x8x64xf32, #tpu.memory_space<vmem>>
      %dma_start3A_44 = tpu.memref_squeeze %dma_start3A_43 : memref<1x8x64xf32, #tpu.memory_space<vmem>> -> memref<8x64xf32, #tpu.memory_space<vmem>>
      %dma_start3A_45 = arith.constant 0 : i32
      %dma_start3A_46 = tpu.memref_slice %arg2[%mul3A_33, %dma_start3A_45] : memref<100000x64xf32, #tpu.memory_space<hbm>> -> memref<8x64xf32, #tpu.memory_space<hbm>>
      tpu.enqueue_dma source(%dma_start3A_46 : memref<8x64xf32, #tpu.memory_space<hbm>>) target(%dma_start3A_44 : memref<8x64xf32, #tpu.memory_space<vmem>>) target_semaphore(%arg8 : memref<!tpu.dma_semaphore, #tpu.memory_space<semaphore_mem>>)
      %slice3A_47 = vector.extract_strided_slice %shift_right_arithmetic3A_13 {offsets = [2], sizes = [1], strides = [1]} : vector<16xi32> to vector<1xi32>
      %squeeze3A_48 = vector.extract %slice3A_47[0] : i32 from vector<1xi32>
      %mul3A_49 = arith.constant 8 : i32
      %mul3A_50 = arith.muli %squeeze3A_48, %mul3A_49 : i32
      %dma_start3A_51 = arith.constant 2 : i32
      %dma_start3A_52 = arith.constant 0 : i32
      %dma_start3A_53 = arith.constant 0 : i32
      %dma_start3A_54 = tpu.memref_slice %arg6[%dma_start3A_51, %dma_start3A_52, %dma_start3A_53] : memref<16x8x64xf32, #tpu.memory_space<vmem>> -> memref<1x8x64xf32, #tpu.memory_space<vmem>>
      %dma_start3A_55 = tpu.memref_squeeze %dma_start3A_54 : memref<1x8x64xf32, #tpu.memory_space<vmem>> -> memref<8x64xf32, #tpu.memory_space<vmem>>
      %dma_start3A_56 = arith.constant 0 : i32
      %dma_start3A_57 = tpu.memref_slice %arg2[%mul3A_50, %dma_start3A_56] : memref<100000x64xf32, #tpu.memory_space<hbm>> -> memref<8x64xf32, #tpu.memory_space<hbm>>
      %dma_start3A_58 = arith.constant 0 : i32
      %dma_start3A_59 = arith.constant 0 : i32
      %dma_start3A_60 = tpu.memref_slice %arg6[%dma_start3A_51, %dma_start3A_58, %dma_start3A_59] : memref<16x8x64xf32, #tpu.memory_space<vmem>> -> memref<1x8x64xf32, #tpu.memory_space<vmem>>
      %dma_start3A_61 = tpu.memref_squeeze %dma_start3A_60 : memref<1x8x64xf32, #tpu.memory_space<vmem>> -> memref<8x64xf32, #tpu.memory_space<vmem>>
      %dma_start3A_62 = arith.constant 0 : i32
      %dma_start3A_63 = tpu.memref_slice %arg2[%mul3A_50, %dma_start3A_62] : memref<100000x64xf32, #tpu.memory_space<hbm>> -> memref<8x64xf32, #tpu.memory_space<hbm>>
      tpu.enqueue_dma source(%dma_start3A_63 : memref<8x64xf32, #tpu.memory_space<hbm>>) target(%dma_start3A_61 : memref<8x64xf32, #tpu.memory_space<vmem>>) target_semaphore(%arg8 : memref<!tpu.dma_semaphore, #tpu.memory_space<semaphore_mem>>)
      %slice3A_64 = vector.extract_strided_slice %shift_right_arithmetic3A_13 {offsets = [3], sizes = [1], strides = [1]} : vector<16xi32> to vector<1xi32>
      %squeeze3A_65 = vector.extract %slice3A_64[0] : i32 from vector<1xi32>
      %mul3A_66 = arith.constant 8 : i32
      %mul3A_67 = arith.muli %squeeze3A_65, %mul3A_66 : i32
      %dma_start3A_68 = arith.constant 3 : i32
      %dma_start3A_69 = arith.constant 0 : i32
      %dma_start3A_70 = arith.constant 0 : i32
      %dma_start3A_71 = tpu.memref_slice %arg6[%dma_start3A_68, %dma_start3A_69, %dma_start3A_70] : memref<16x8x64xf32, #tpu.memory_space<vmem>> -> memref<1x8x64xf32, #tpu.memory_space<vmem>>
      %dma_start3A_72 = tpu.memref_squeeze %dma_start3A_71 : memref<1x8x64xf32, #tpu.memory_space<vmem>> -> memref<8x64xf32, #tpu.memory_space<vmem>>
      %dma_start3A_73 = arith.constant 0 : i32
      %dma_start3A_74 = tpu.memref_slice %arg2[%mul3A_67, %dma_start3A_73] : memref<100000x64xf32, #tpu.memory_space<hbm>> -> memref<8x64xf32, #tpu.memory_space<hbm>>
      %dma_start3A_75 = arith.constant 0 : i32
      %dma_start3A_76 = arith.constant 0 : i32
      %dma_start3A_77 = tpu.memref_slice %arg6[%dma_start3A_68, %dma_start3A_75, %dma_start3A_76] : memref<16x8x64xf32, #tpu.memory_space<vmem>> -> memref<1x8x64xf32, #tpu.memory_space<vmem>>
      %dma_start3A_78 = tpu.memref_squeeze %dma_start3A_77 : memref<1x8x64xf32, #tpu.memory_space<vmem>> -> memref<8x64xf32, #tpu.memory_space<vmem>>
      %dma_start3A_79 = arith.constant 0 : i32
      %dma_start3A_80 = tpu.memref_slice %arg2[%mul3A_67, %dma_start3A_79] : memref<100000x64xf32, #tpu.memory_space<hbm>> -> memref<8x64xf32, #tpu.memory_space<hbm>>
      tpu.enqueue_dma source(%dma_start3A_80 : memref<8x64xf32, #tpu.memory_space<hbm>>) target(%dma_start3A_78 : memref<8x64xf32, #tpu.memory_space<vmem>>) target_semaphore(%arg8 : memref<!tpu.dma_semaphore, #tpu.memory_space<semaphore_mem>>)
      %slice3A_81 = vector.extract_strided_slice %shift_right_arithmetic3A_13 {offsets = [4], sizes = [1], strides = [1]} : vector<16xi32> to vector<1xi32>
      %squeeze3A_82 = vector.extract %slice3A_81[0] : i32 from vector<1xi32>
      %mul3A_83 = arith.constant 8 : i32
      %mul3A_84 = arith.muli %squeeze3A_82, %mul3A_83 : i32
      %dma_start3A_85 = arith.constant 4 : i32
      %dma_start3A_86 = arith.constant 0 : i32
      %dma_start3A_87 = arith.constant 0 : i32
      %dma_start3A_88 = tpu.memref_slice %arg6[%dma_start3A_85, %dma_start3A_86, %dma_start3A_87] : memref<16x8x64xf32, #tpu.memory_space<vmem>> -> memref<1x8x64xf32, #tpu.memory_space<vmem>>
      %dma_start3A_89 = tpu.memref_squeeze %dma_start3A_88 : memref<1x8x64xf32, #tpu.memory_space<vmem>> -> memref<8x64xf32, #tpu.memory_space<vmem>>
      %dma_start3A_90 = arith.constant 0 : i32
      %dma_start3A_91 = tpu.memref_slice %arg2[%mul3A_84, %dma_start3A_90] : memref<100000x64xf32, #tpu.memory_space<hbm>> -> memref<8x64xf32, #tpu.memory_space<hbm>>
      %dma_start3A_92 = arith.constant 0 : i32
      %dma_start3A_93 = arith.constant 0 : i32
      %dma_start3A_94 = tpu.memref_slice %arg6[%dma_start3A_85, %dma_start3A_92, %dma_start3A_93] : memref<16x8x64xf32, #tpu.memory_space<vmem>> -> memref<1x8x64xf32, #tpu.memory_space<vmem>>
      %dma_start3A_95 = tpu.memref_squeeze %dma_start3A_94 : memref<1x8x64xf32, #tpu.memory_space<vmem>> -> memref<8x64xf32, #tpu.memory_space<vmem>>
      %dma_start3A_96 = arith.constant 0 : i32
      %dma_start3A_97 = tpu.memref_slice %arg2[%mul3A_84, %dma_start3A_96] : memref<100000x64xf32, #tpu.memory_space<hbm>> -> memref<8x64xf32, #tpu.memory_space<hbm>>
      tpu.enqueue_dma source(%dma_start3A_97 : memref<8x64xf32, #tpu.memory_space<hbm>>) target(%dma_start3A_95 : memref<8x64xf32, #tpu.memory_space<vmem>>) target_semaphore(%arg8 : memref<!tpu.dma_semaphore, #tpu.memory_space<semaphore_mem>>)
      %slice3A_98 = vector.extract_strided_slice %shift_right_arithmetic3A_13 {offsets = [5], sizes = [1], strides = [1]} : vector<16xi32> to vector<1xi32>
      %squeeze3A_99 = vector.extract %slice3A_98[0] : i32 from vector<1xi32>
      %mul3A_100 = arith.constant 8 : i32
      %mul3A_101 = arith.muli %squeeze3A_99, %mul3A_100 : i32
      %dma_start3A_102 = arith.constant 5 : i32
      %dma_start3A_103 = arith.constant 0 : i32
      %dma_start3A_104 = arith.constant 0 : i32
      %dma_start3A_105 = tpu.memref_slice %arg6[%dma_start3A_102, %dma_start3A_103, %dma_start3A_104] : memref<16x8x64xf32, #tpu.memory_space<vmem>> -> memref<1x8x64xf32, #tpu.memory_space<vmem>>
      %dma_start3A_106 = tpu.memref_squeeze %dma_start3A_105 : memref<1x8x64xf32, #tpu.memory_space<vmem>> -> memref<8x64xf32, #tpu.memory_space<vmem>>
      %dma_start3A_107 = arith.constant 0 : i32
      %dma_start3A_108 = tpu.memref_slice %arg2[%mul3A_101, %dma_start3A_107] : memref<100000x64xf32, #tpu.memory_space<hbm>> -> memref<8x64xf32, #tpu.memory_space<hbm>>
      %dma_start3A_109 = arith.constant 0 : i32
      %dma_start3A_110 = arith.constant 0 : i32
      %dma_start3A_111 = tpu.memref_slice %arg6[%dma_start3A_102, %dma_start3A_109, %dma_start3A_110] : memref<16x8x64xf32, #tpu.memory_space<vmem>> -> memref<1x8x64xf32, #tpu.memory_space<vmem>>
      %dma_start3A_112 = tpu.memref_squeeze %dma_start3A_111 : memref<1x8x64xf32, #tpu.memory_space<vmem>> -> memref<8x64xf32, #tpu.memory_space<vmem>>
      %dma_start3A_113 = arith.constant 0 : i32
      %dma_start3A_114 = tpu.memref_slice %arg2[%mul3A_101, %dma_start3A_113] : memref<100000x64xf32, #tpu.memory_space<hbm>> -> memref<8x64xf32, #tpu.memory_space<hbm>>
      tpu.enqueue_dma source(%dma_start3A_114 : memref<8x64xf32, #tpu.memory_space<hbm>>) target(%dma_start3A_112 : memref<8x64xf32, #tpu.memory_space<vmem>>) target_semaphore(%arg8 : memref<!tpu.dma_semaphore, #tpu.memory_space<semaphore_mem>>)
      %slice3A_115 = vector.extract_strided_slice %shift_right_arithmetic3A_13 {offsets = [6], sizes = [1], strides = [1]} : vector<16xi32> to vector<1xi32>
      %squeeze3A_116 = vector.extract %slice3A_115[0] : i32 from vector<1xi32>
      %mul3A_117 = arith.constant 8 : i32
      %mul3A_118 = arith.muli %squeeze3A_116, %mul3A_117 : i32
      %dma_start3A_119 = arith.constant 6 : i32
      %dma_start3A_120 = arith.constant 0 : i32
      %dma_start3A_121 = arith.constant 0 : i32
      %dma_start3A_122 = tpu.memref_slice %arg6[%dma_start3A_119, %dma_start3A_120, %dma_start3A_121] : memref<16x8x64xf32, #tpu.memory_space<vmem>> -> memref<1x8x64xf32, #tpu.memory_space<vmem>>
      %dma_start3A_123 = tpu.memref_squeeze %dma_start3A_122 : memref<1x8x64xf32, #tpu.memory_space<vmem>> -> memref<8x64xf32, #tpu.memory_space<vmem>>
      %dma_start3A_124 = arith.constant 0 : i32
      %dma_start3A_125 = tpu.memref_slice %arg2[%mul3A_118, %dma_start3A_124] : memref<100000x64xf32, #tpu.memory_space<hbm>> -> memref<8x64xf32, #tpu.memory_space<hbm>>
      %dma_start3A_126 = arith.constant 0 : i32
      %dma_start3A_127 = arith.constant 0 : i32
      %dma_start3A_128 = tpu.memref_slice %arg6[%dma_start3A_119, %dma_start3A_126, %dma_start3A_127] : memref<16x8x64xf32, #tpu.memory_space<vmem>> -> memref<1x8x64xf32, #tpu.memory_space<vmem>>
      %dma_start3A_129 = tpu.memref_squeeze %dma_start3A_128 : memref<1x8x64xf32, #tpu.memory_space<vmem>> -> memref<8x64xf32, #tpu.memory_space<vmem>>
      %dma_start3A_130 = arith.constant 0 : i32
      %dma_start3A_131 = tpu.memref_slice %arg2[%mul3A_118, %dma_start3A_130] : memref<100000x64xf32, #tpu.memory_space<hbm>> -> memref<8x64xf32, #tpu.memory_space<hbm>>
      tpu.enqueue_dma source(%dma_start3A_131 : memref<8x64xf32, #tpu.memory_space<hbm>>) target(%dma_start3A_129 : memref<8x64xf32, #tpu.memory_space<vmem>>) target_semaphore(%arg8 : memref<!tpu.dma_semaphore, #tpu.memory_space<semaphore_mem>>)
      %slice3A_132 = vector.extract_strided_slice %shift_right_arithmetic3A_13 {offsets = [7], sizes = [1], strides = [1]} : vector<16xi32> to vector<1xi32>
      %squeeze3A_133 = vector.extract %slice3A_132[0] : i32 from vector<1xi32>
      %mul3A_134 = arith.constant 8 : i32
      %mul3A_135 = arith.muli %squeeze3A_133, %mul3A_134 : i32
      %dma_start3A_136 = arith.constant 7 : i32
      %dma_start3A_137 = arith.constant 0 : i32
      %dma_start3A_138 = arith.constant 0 : i32
      %dma_start3A_139 = tpu.memref_slice %arg6[%dma_start3A_136, %dma_start3A_137, %dma_start3A_138] : memref<16x8x64xf32, #tpu.memory_space<vmem>> -> memref<1x8x64xf32, #tpu.memory_space<vmem>>
      %dma_start3A_140 = tpu.memref_squeeze %dma_start3A_139 : memref<1x8x64xf32, #tpu.memory_space<vmem>> -> memref<8x64xf32, #tpu.memory_space<vmem>>
      %dma_start3A_141 = arith.constant 0 : i32
      %dma_start3A_142 = tpu.memref_slice %arg2[%mul3A_135, %dma_start3A_141] : memref<100000x64xf32, #tpu.memory_space<hbm>> -> memref<8x64xf32, #tpu.memory_space<hbm>>
      %dma_start3A_143 = arith.constant 0 : i32
      %dma_start3A_144 = arith.constant 0 : i32
      %dma_start3A_145 = tpu.memref_slice %arg6[%dma_start3A_136, %dma_start3A_143, %dma_start3A_144] : memref<16x8x64xf32, #tpu.memory_space<vmem>> -> memref<1x8x64xf32, #tpu.memory_space<vmem>>
      %dma_start3A_146 = tpu.memref_squeeze %dma_start3A_145 : memref<1x8x64xf32, #tpu.memory_space<vmem>> -> memref<8x64xf32, #tpu.memory_space<vmem>>
      %dma_start3A_147 = arith.constant 0 : i32
      %dma_start3A_148 = tpu.memref_slice %arg2[%mul3A_135, %dma_start3A_147] : memref<100000x64xf32, #tpu.memory_space<hbm>> -> memref<8x64xf32, #tpu.memory_space<hbm>>
      tpu.enqueue_dma source(%dma_start3A_148 : memref<8x64xf32, #tpu.memory_space<hbm>>) target(%dma_start3A_146 : memref<8x64xf32, #tpu.memory_space<vmem>>) target_semaphore(%arg8 : memref<!tpu.dma_semaphore, #tpu.memory_space<semaphore_mem>>)
      %slice3A_149 = vector.extract_strided_slice %shift_right_arithmetic3A_13 {offsets = [8], sizes = [1], strides = [1]} : vector<16xi32> to vector<1xi32>
      %squeeze3A_150 = vector.extract %slice3A_149[0] : i32 from vector<1xi32>
      %mul3A_151 = arith.constant 8 : i32
      %mul3A_152 = arith.muli %squeeze3A_150, %mul3A_151 : i32
      %dma_start3A_153 = arith.constant 8 : i32
      %dma_start3A_154 = arith.constant 0 : i32
      %dma_start3A_155 = arith.constant 0 : i32
      %dma_start3A_156 = tpu.memref_slice %arg6[%dma_start3A_153, %dma_start3A_154, %dma_start3A_155] : memref<16x8x64xf32, #tpu.memory_space<vmem>> -> memref<1x8x64xf32, #tpu.memory_space<vmem>>
      %dma_start3A_157 = tpu.memref_squeeze %dma_start3A_156 : memref<1x8x64xf32, #tpu.memory_space<vmem>> -> memref<8x64xf32, #tpu.memory_space<vmem>>
      %dma_start3A_158 = arith.constant 0 : i32
      %dma_start3A_159 = tpu.memref_slice %arg2[%mul3A_152, %dma_start3A_158] : memref<100000x64xf32, #tpu.memory_space<hbm>> -> memref<8x64xf32, #tpu.memory_space<hbm>>
      %dma_start3A_160 = arith.constant 0 : i32
      %dma_start3A_161 = arith.constant 0 : i32
      %dma_start3A_162 = tpu.memref_slice %arg6[%dma_start3A_153, %dma_start3A_160, %dma_start3A_161] : memref<16x8x64xf32, #tpu.memory_space<vmem>> -> memref<1x8x64xf32, #tpu.memory_space<vmem>>
      %dma_start3A_163 = tpu.memref_squeeze %dma_start3A_162 : memref<1x8x64xf32, #tpu.memory_space<vmem>> -> memref<8x64xf32, #tpu.memory_space<vmem>>
      %dma_start3A_164 = arith.constant 0 : i32
      %dma_start3A_165 = tpu.memref_slice %arg2[%mul3A_152, %dma_start3A_164] : memref<100000x64xf32, #tpu.memory_space<hbm>> -> memref<8x64xf32, #tpu.memory_space<hbm>>
      tpu.enqueue_dma source(%dma_start3A_165 : memref<8x64xf32, #tpu.memory_space<hbm>>) target(%dma_start3A_163 : memref<8x64xf32, #tpu.memory_space<vmem>>) target_semaphore(%arg8 : memref<!tpu.dma_semaphore, #tpu.memory_space<semaphore_mem>>)
      %slice3A_166 = vector.extract_strided_slice %shift_right_arithmetic3A_13 {offsets = [9], sizes = [1], strides = [1]} : vector<16xi32> to vector<1xi32>
      %squeeze3A_167 = vector.extract %slice3A_166[0] : i32 from vector<1xi32>
      %mul3A_168 = arith.constant 8 : i32
      %mul3A_169 = arith.muli %squeeze3A_167, %mul3A_168 : i32
      %dma_start3A_170 = arith.constant 9 : i32
      %dma_start3A_171 = arith.constant 0 : i32
      %dma_start3A_172 = arith.constant 0 : i32
      %dma_start3A_173 = tpu.memref_slice %arg6[%dma_start3A_170, %dma_start3A_171, %dma_start3A_172] : memref<16x8x64xf32, #tpu.memory_space<vmem>> -> memref<1x8x64xf32, #tpu.memory_space<vmem>>
      %dma_start3A_174 = tpu.memref_squeeze %dma_start3A_173 : memref<1x8x64xf32, #tpu.memory_space<vmem>> -> memref<8x64xf32, #tpu.memory_space<vmem>>
      %dma_start3A_175 = arith.constant 0 : i32
      %dma_start3A_176 = tpu.memref_slice %arg2[%mul3A_169, %dma_start3A_175] : memref<100000x64xf32, #tpu.memory_space<hbm>> -> memref<8x64xf32, #tpu.memory_space<hbm>>
      %dma_start3A_177 = arith.constant 0 : i32
      %dma_start3A_178 = arith.constant 0 : i32
      %dma_start3A_179 = tpu.memref_slice %arg6[%dma_start3A_170, %dma_start3A_177, %dma_start3A_178] : memref<16x8x64xf32, #tpu.memory_space<vmem>> -> memref<1x8x64xf32, #tpu.memory_space<vmem>>
      %dma_start3A_180 = tpu.memref_squeeze %dma_start3A_179 : memref<1x8x64xf32, #tpu.memory_space<vmem>> -> memref<8x64xf32, #tpu.memory_space<vmem>>
      %dma_start3A_181 = arith.constant 0 : i32
      %dma_start3A_182 = tpu.memref_slice %arg2[%mul3A_169, %dma_start3A_181] : memref<100000x64xf32, #tpu.memory_space<hbm>> -> memref<8x64xf32, #tpu.memory_space<hbm>>
      tpu.enqueue_dma source(%dma_start3A_182 : memref<8x64xf32, #tpu.memory_space<hbm>>) target(%dma_start3A_180 : memref<8x64xf32, #tpu.memory_space<vmem>>) target_semaphore(%arg8 : memref<!tpu.dma_semaphore, #tpu.memory_space<semaphore_mem>>)
      %slice3A_183 = vector.extract_strided_slice %shift_right_arithmetic3A_13 {offsets = [10], sizes = [1], strides = [1]} : vector<16xi32> to vector<1xi32>
      %squeeze3A_184 = vector.extract %slice3A_183[0] : i32 from vector<1xi32>
      %mul3A_185 = arith.constant 8 : i32
      %mul3A_186 = arith.muli %squeeze3A_184, %mul3A_185 : i32
      %dma_start3A_187 = arith.constant 10 : i32
      %dma_start3A_188 = arith.constant 0 : i32
      %dma_start3A_189 = arith.constant 0 : i32
      %dma_start3A_190 = tpu.memref_slice %arg6[%dma_start3A_187, %dma_start3A_188, %dma_start3A_189] : memref<16x8x64xf32, #tpu.memory_space<vmem>> -> memref<1x8x64xf32, #tpu.memory_space<vmem>>
      %dma_start3A_191 = tpu.memref_squeeze %dma_start3A_190 : memref<1x8x64xf32, #tpu.memory_space<vmem>> -> memref<8x64xf32, #tpu.memory_space<vmem>>
      %dma_start3A_192 = arith.constant 0 : i32
      %dma_start3A_193 = tpu.memref_slice %arg2[%mul3A_186, %dma_start3A_192] : memref<100000x64xf32, #tpu.memory_space<hbm>> -> memref<8x64xf32, #tpu.memory_space<hbm>>
      %dma_start3A_194 = arith.constant 0 : i32
      %dma_start3A_195 = arith.constant 0 : i32
      %dma_start3A_196 = tpu.memref_slice %arg6[%dma_start3A_187, %dma_start3A_194, %dma_start3A_195] : memref<16x8x64xf32, #tpu.memory_space<vmem>> -> memref<1x8x64xf32, #tpu.memory_space<vmem>>
      %dma_start3A_197 = tpu.memref_squeeze %dma_start3A_196 : memref<1x8x64xf32, #tpu.memory_space<vmem>> -> memref<8x64xf32, #tpu.memory_space<vmem>>
      %dma_start3A_198 = arith.constant 0 : i32
      %dma_start3A_199 = tpu.memref_slice %arg2[%mul3A_186, %dma_start3A_198] : memref<100000x64xf32, #tpu.memory_space<hbm>> -> memref<8x64xf32, #tpu.memory_space<hbm>>
      tpu.enqueue_dma source(%dma_start3A_199 : memref<8x64xf32, #tpu.memory_space<hbm>>) target(%dma_start3A_197 : memref<8x64xf32, #tpu.memory_space<vmem>>) target_semaphore(%arg8 : memref<!tpu.dma_semaphore, #tpu.memory_space<semaphore_mem>>)
      %slice3A_200 = vector.extract_strided_slice %shift_right_arithmetic3A_13 {offsets = [11], sizes = [1], strides = [1]} : vector<16xi32> to vector<1xi32>
      %squeeze3A_201 = vector.extract %slice3A_200[0] : i32 from vector<1xi32>
      %mul3A_202 = arith.constant 8 : i32
      %mul3A_203 = arith.muli %squeeze3A_201, %mul3A_202 : i32
      %dma_start3A_204 = arith.constant 11 : i32
      %dma_start3A_205 = arith.constant 0 : i32
      %dma_start3A_206 = arith.constant 0 : i32
      %dma_start3A_207 = tpu.memref_slice %arg6[%dma_start3A_204, %dma_start3A_205, %dma_start3A_206] : memref<16x8x64xf32, #tpu.memory_space<vmem>> -> memref<1x8x64xf32, #tpu.memory_space<vmem>>
      %dma_start3A_208 = tpu.memref_squeeze %dma_start3A_207 : memref<1x8x64xf32, #tpu.memory_space<vmem>> -> memref<8x64xf32, #tpu.memory_space<vmem>>
      %dma_start3A_209 = arith.constant 0 : i32
      %dma_start3A_210 = tpu.memref_slice %arg2[%mul3A_203, %dma_start3A_209] : memref<100000x64xf32, #tpu.memory_space<hbm>> -> memref<8x64xf32, #tpu.memory_space<hbm>>
      %dma_start3A_211 = arith.constant 0 : i32
      %dma_start3A_212 = arith.constant 0 : i32
      %dma_start3A_213 = tpu.memref_slice %arg6[%dma_start3A_204, %dma_start3A_211, %dma_start3A_212] : memref<16x8x64xf32, #tpu.memory_space<vmem>> -> memref<1x8x64xf32, #tpu.memory_space<vmem>>
      %dma_start3A_214 = tpu.memref_squeeze %dma_start3A_213 : memref<1x8x64xf32, #tpu.memory_space<vmem>> -> memref<8x64xf32, #tpu.memory_space<vmem>>
      %dma_start3A_215 = arith.constant 0 : i32
      %dma_start3A_216 = tpu.memref_slice %arg2[%mul3A_203, %dma_start3A_215] : memref<100000x64xf32, #tpu.memory_space<hbm>> -> memref<8x64xf32, #tpu.memory_space<hbm>>
      tpu.enqueue_dma source(%dma_start3A_216 : memref<8x64xf32, #tpu.memory_space<hbm>>) target(%dma_start3A_214 : memref<8x64xf32, #tpu.memory_space<vmem>>) target_semaphore(%arg8 : memref<!tpu.dma_semaphore, #tpu.memory_space<semaphore_mem>>)
      %slice3A_217 = vector.extract_strided_slice %shift_right_arithmetic3A_13 {offsets = [12], sizes = [1], strides = [1]} : vector<16xi32> to vector<1xi32>
      %squeeze3A_218 = vector.extract %slice3A_217[0] : i32 from vector<1xi32>
      %mul3A_219 = arith.constant 8 : i32
      %mul3A_220 = arith.muli %squeeze3A_218, %mul3A_219 : i32
      %dma_start3A_221 = arith.constant 12 : i32
      %dma_start3A_222 = arith.constant 0 : i32
      %dma_start3A_223 = arith.constant 0 : i32
      %dma_start3A_224 = tpu.memref_slice %arg6[%dma_start3A_221, %dma_start3A_222, %dma_start3A_223] : memref<16x8x64xf32, #tpu.memory_space<vmem>> -> memref<1x8x64xf32, #tpu.memory_space<vmem>>
      %dma_start3A_225 = tpu.memref_squeeze %dma_start3A_224 : memref<1x8x64xf32, #tpu.memory_space<vmem>> -> memref<8x64xf32, #tpu.memory_space<vmem>>
      %dma_start3A_226 = arith.constant 0 : i32
      %dma_start3A_227 = tpu.memref_slice %arg2[%mul3A_220, %dma_start3A_226] : memref<100000x64xf32, #tpu.memory_space<hbm>> -> memref<8x64xf32, #tpu.memory_space<hbm>>
      %dma_start3A_228 = arith.constant 0 : i32
      %dma_start3A_229 = arith.constant 0 : i32
      %dma_start3A_230 = tpu.memref_slice %arg6[%dma_start3A_221, %dma_start3A_228, %dma_start3A_229] : memref<16x8x64xf32, #tpu.memory_space<vmem>> -> memref<1x8x64xf32, #tpu.memory_space<vmem>>
      %dma_start3A_231 = tpu.memref_squeeze %dma_start3A_230 : memref<1x8x64xf32, #tpu.memory_space<vmem>> -> memref<8x64xf32, #tpu.memory_space<vmem>>
      %dma_start3A_232 = arith.constant 0 : i32
      %dma_start3A_233 = tpu.memref_slice %arg2[%mul3A_220, %dma_start3A_232] : memref<100000x64xf32, #tpu.memory_space<hbm>> -> memref<8x64xf32, #tpu.memory_space<hbm>>
      tpu.enqueue_dma source(%dma_start3A_233 : memref<8x64xf32, #tpu.memory_space<hbm>>) target(%dma_start3A_231 : memref<8x64xf32, #tpu.memory_space<vmem>>) target_semaphore(%arg8 : memref<!tpu.dma_semaphore, #tpu.memory_space<semaphore_mem>>)
      %slice3A_234 = vector.extract_strided_slice %shift_right_arithmetic3A_13 {offsets = [13], sizes = [1], strides = [1]} : vector<16xi32> to vector<1xi32>
      %squeeze3A_235 = vector.extract %slice3A_234[0] : i32 from vector<1xi32>
      %mul3A_236 = arith.constant 8 : i32
      %mul3A_237 = arith.muli %squeeze3A_235, %mul3A_236 : i32
      %dma_start3A_238 = arith.constant 13 : i32
      %dma_start3A_239 = arith.constant 0 : i32
      %dma_start3A_240 = arith.constant 0 : i32
      %dma_start3A_241 = tpu.memref_slice %arg6[%dma_start3A_238, %dma_start3A_239, %dma_start3A_240] : memref<16x8x64xf32, #tpu.memory_space<vmem>> -> memref<1x8x64xf32, #tpu.memory_space<vmem>>
      %dma_start3A_242 = tpu.memref_squeeze %dma_start3A_241 : memref<1x8x64xf32, #tpu.memory_space<vmem>> -> memref<8x64xf32, #tpu.memory_space<vmem>>
      %dma_start3A_243 = arith.constant 0 : i32
      %dma_start3A_244 = tpu.memref_slice %arg2[%mul3A_237, %dma_start3A_243] : memref<100000x64xf32, #tpu.memory_space<hbm>> -> memref<8x64xf32, #tpu.memory_space<hbm>>
      %dma_start3A_245 = arith.constant 0 : i32
      %dma_start3A_246 = arith.constant 0 : i32
      %dma_start3A_247 = tpu.memref_slice %arg6[%dma_start3A_238, %dma_start3A_245, %dma_start3A_246] : memref<16x8x64xf32, #tpu.memory_space<vmem>> -> memref<1x8x64xf32, #tpu.memory_space<vmem>>
      %dma_start3A_248 = tpu.memref_squeeze %dma_start3A_247 : memref<1x8x64xf32, #tpu.memory_space<vmem>> -> memref<8x64xf32, #tpu.memory_space<vmem>>
      %dma_start3A_249 = arith.constant 0 : i32
      %dma_start3A_250 = tpu.memref_slice %arg2[%mul3A_237, %dma_start3A_249] : memref<100000x64xf32, #tpu.memory_space<hbm>> -> memref<8x64xf32, #tpu.memory_space<hbm>>
      tpu.enqueue_dma source(%dma_start3A_250 : memref<8x64xf32, #tpu.memory_space<hbm>>) target(%dma_start3A_248 : memref<8x64xf32, #tpu.memory_space<vmem>>) target_semaphore(%arg8 : memref<!tpu.dma_semaphore, #tpu.memory_space<semaphore_mem>>)
      %slice3A_251 = vector.extract_strided_slice %shift_right_arithmetic3A_13 {offsets = [14], sizes = [1], strides = [1]} : vector<16xi32> to vector<1xi32>
      %squeeze3A_252 = vector.extract %slice3A_251[0] : i32 from vector<1xi32>
      %mul3A_253 = arith.constant 8 : i32
      %mul3A_254 = arith.muli %squeeze3A_252, %mul3A_253 : i32
      %dma_start3A_255 = arith.constant 14 : i32
      %dma_start3A_256 = arith.constant 0 : i32
      %dma_start3A_257 = arith.constant 0 : i32
      %dma_start3A_258 = tpu.memref_slice %arg6[%dma_start3A_255, %dma_start3A_256, %dma_start3A_257] : memref<16x8x64xf32, #tpu.memory_space<vmem>> -> memref<1x8x64xf32, #tpu.memory_space<vmem>>
      %dma_start3A_259 = tpu.memref_squeeze %dma_start3A_258 : memref<1x8x64xf32, #tpu.memory_space<vmem>> -> memref<8x64xf32, #tpu.memory_space<vmem>>
      %dma_start3A_260 = arith.constant 0 : i32
      %dma_start3A_261 = tpu.memref_slice %arg2[%mul3A_254, %dma_start3A_260] : memref<100000x64xf32, #tpu.memory_space<hbm>> -> memref<8x64xf32, #tpu.memory_space<hbm>>
      %dma_start3A_262 = arith.constant 0 : i32
      %dma_start3A_263 = arith.constant 0 : i32
      %dma_start3A_264 = tpu.memref_slice %arg6[%dma_start3A_255, %dma_start3A_262, %dma_start3A_263] : memref<16x8x64xf32, #tpu.memory_space<vmem>> -> memref<1x8x64xf32, #tpu.memory_space<vmem>>
      %dma_start3A_265 = tpu.memref_squeeze %dma_start3A_264 : memref<1x8x64xf32, #tpu.memory_space<vmem>> -> memref<8x64xf32, #tpu.memory_space<vmem>>
      %dma_start3A_266 = arith.constant 0 : i32
      %dma_start3A_267 = tpu.memref_slice %arg2[%mul3A_254, %dma_start3A_266] : memref<100000x64xf32, #tpu.memory_space<hbm>> -> memref<8x64xf32, #tpu.memory_space<hbm>>
      tpu.enqueue_dma source(%dma_start3A_267 : memref<8x64xf32, #tpu.memory_space<hbm>>) target(%dma_start3A_265 : memref<8x64xf32, #tpu.memory_space<vmem>>) target_semaphore(%arg8 : memref<!tpu.dma_semaphore, #tpu.memory_space<semaphore_mem>>)
      %slice3A_268 = vector.extract_strided_slice %shift_right_arithmetic3A_13 {offsets = [15], sizes = [1], strides = [1]} : vector<16xi32> to vector<1xi32>
      %squeeze3A_269 = vector.extract %slice3A_268[0] : i32 from vector<1xi32>
      %mul3A_270 = arith.constant 8 : i32
      %mul3A_271 = arith.muli %squeeze3A_269, %mul3A_270 : i32
      %dma_start3A_272 = arith.constant 15 : i32
      %dma_start3A_273 = arith.constant 0 : i32
      %dma_start3A_274 = arith.constant 0 : i32
      %dma_start3A_275 = tpu.memref_slice %arg6[%dma_start3A_272, %dma_start3A_273, %dma_start3A_274] : memref<16x8x64xf32, #tpu.memory_space<vmem>> -> memref<1x8x64xf32, #tpu.memory_space<vmem>>
      %dma_start3A_276 = tpu.memref_squeeze %dma_start3A_275 : memref<1x8x64xf32, #tpu.memory_space<vmem>> -> memref<8x64xf32, #tpu.memory_space<vmem>>
      %dma_start3A_277 = arith.constant 0 : i32
      %dma_start3A_278 = tpu.memref_slice %arg2[%mul3A_271, %dma_start3A_277] : memref<100000x64xf32, #tpu.memory_space<hbm>> -> memref<8x64xf32, #tpu.memory_space<hbm>>
      %dma_start3A_279 = arith.constant 0 : i32
      %dma_start3A_280 = arith.constant 0 : i32
      %dma_start3A_281 = tpu.memref_slice %arg6[%dma_start3A_272, %dma_start3A_279, %dma_start3A_280] : memref<16x8x64xf32, #tpu.memory_space<vmem>> -> memref<1x8x64xf32, #tpu.memory_space<vmem>>
      %dma_start3A_282 = tpu.memref_squeeze %dma_start3A_281 : memref<1x8x64xf32, #tpu.memory_space<vmem>> -> memref<8x64xf32, #tpu.memory_space<vmem>>
      %dma_start3A_283 = arith.constant 0 : i32
      %dma_start3A_284 = tpu.memref_slice %arg2[%mul3A_271, %dma_start3A_283] : memref<100000x64xf32, #tpu.memory_space<hbm>> -> memref<8x64xf32, #tpu.memory_space<hbm>>
      tpu.enqueue_dma source(%dma_start3A_284 : memref<8x64xf32, #tpu.memory_space<hbm>>) target(%dma_start3A_282 : memref<8x64xf32, #tpu.memory_space<vmem>>) target_semaphore(%arg8 : memref<!tpu.dma_semaphore, #tpu.memory_space<semaphore_mem>>)
      %dma_wait3A = arith.constant 0 : i32
      %dma_wait3A_285 = arith.constant 0 : i32
      %dma_wait3A_286 = arith.constant 0 : i32
      %dma_wait3A_287 = tpu.memref_slice %arg6[%dma_wait3A, %dma_wait3A_285, %dma_wait3A_286] : memref<16x8x64xf32, #tpu.memory_space<vmem>> -> memref<1x8x64xf32, #tpu.memory_space<vmem>>
      %dma_wait3A_288 = tpu.memref_squeeze %dma_wait3A_287 : memref<1x8x64xf32, #tpu.memory_space<vmem>> -> memref<8x64xf32, #tpu.memory_space<vmem>>
      %dma_wait3A_289 = arith.constant 0 : i32
      %dma_wait3A_290 = tpu.memref_slice %arg2[%mul3A_17, %dma_wait3A_289] : memref<100000x64xf32, #tpu.memory_space<hbm>> -> memref<8x64xf32, #tpu.memory_space<hbm>>
      %dma_wait3A_291 = arith.constant 0 : i32
      %dma_wait3A_292 = arith.constant 0 : i32
      %dma_wait3A_293 = tpu.memref_slice %arg6[%dma_wait3A, %dma_wait3A_291, %dma_wait3A_292] : memref<16x8x64xf32, #tpu.memory_space<vmem>> -> memref<1x8x64xf32, #tpu.memory_space<vmem>>
      %dma_wait3A_294 = tpu.memref_squeeze %dma_wait3A_293 : memref<1x8x64xf32, #tpu.memory_space<vmem>> -> memref<8x64xf32, #tpu.memory_space<vmem>>
      %dma_wait3A_295 = arith.constant 0 : i32
      %dma_wait3A_296 = tpu.memref_slice %arg2[%mul3A_17, %dma_wait3A_295] : memref<100000x64xf32, #tpu.memory_space<hbm>> -> memref<8x64xf32, #tpu.memory_space<hbm>>
      tpu.wait_dma2 semaphore(%arg8 : memref<!tpu.dma_semaphore, #tpu.memory_space<semaphore_mem>>) src(%dma_wait3A_296 : memref<8x64xf32, #tpu.memory_space<hbm>>) dst(%dma_wait3A_294 : memref<8x64xf32, #tpu.memory_space<vmem>>)
      %dma_wait3A_297 = arith.constant 1 : i32
      %dma_wait3A_298 = arith.constant 0 : i32
      %dma_wait3A_299 = arith.constant 0 : i32
      %dma_wait3A_300 = tpu.memref_slice %arg6[%dma_wait3A_297, %dma_wait3A_298, %dma_wait3A_299] : memref<16x8x64xf32, #tpu.memory_space<vmem>> -> memref<1x8x64xf32, #tpu.memory_space<vmem>>
      %dma_wait3A_301 = tpu.memref_squeeze %dma_wait3A_300 : memref<1x8x64xf32, #tpu.memory_space<vmem>> -> memref<8x64xf32, #tpu.memory_space<vmem>>
      %dma_wait3A_302 = arith.constant 0 : i32
      %dma_wait3A_303 = tpu.memref_slice %arg2[%mul3A_33, %dma_wait3A_302] : memref<100000x64xf32, #tpu.memory_space<hbm>> -> memref<8x64xf32, #tpu.memory_space<hbm>>
      %dma_wait3A_304 = arith.constant 0 : i32
      %dma_wait3A_305 = arith.constant 0 : i32
      %dma_wait3A_306 = tpu.memref_slice %arg6[%dma_wait3A_297, %dma_wait3A_304, %dma_wait3A_305] : memref<16x8x64xf32, #tpu.memory_space<vmem>> -> memref<1x8x64xf32, #tpu.memory_space<vmem>>
      %dma_wait3A_307 = tpu.memref_squeeze %dma_wait3A_306 : memref<1x8x64xf32, #tpu.memory_space<vmem>> -> memref<8x64xf32, #tpu.memory_space<vmem>>
      %dma_wait3A_308 = arith.constant 0 : i32
      %dma_wait3A_309 = tpu.memref_slice %arg2[%mul3A_33, %dma_wait3A_308] : memref<100000x64xf32, #tpu.memory_space<hbm>> -> memref<8x64xf32, #tpu.memory_space<hbm>>
      tpu.wait_dma2 semaphore(%arg8 : memref<!tpu.dma_semaphore, #tpu.memory_space<semaphore_mem>>) src(%dma_wait3A_309 : memref<8x64xf32, #tpu.memory_space<hbm>>) dst(%dma_wait3A_307 : memref<8x64xf32, #tpu.memory_space<vmem>>)
      %dma_wait3A_310 = arith.constant 2 : i32
      %dma_wait3A_311 = arith.constant 0 : i32
      %dma_wait3A_312 = arith.constant 0 : i32
      %dma_wait3A_313 = tpu.memref_slice %arg6[%dma_wait3A_310, %dma_wait3A_311, %dma_wait3A_312] : memref<16x8x64xf32, #tpu.memory_space<vmem>> -> memref<1x8x64xf32, #tpu.memory_space<vmem>>
      %dma_wait3A_314 = tpu.memref_squeeze %dma_wait3A_313 : memref<1x8x64xf32, #tpu.memory_space<vmem>> -> memref<8x64xf32, #tpu.memory_space<vmem>>
      %dma_wait3A_315 = arith.constant 0 : i32
      %dma_wait3A_316 = tpu.memref_slice %arg2[%mul3A_50, %dma_wait3A_315] : memref<100000x64xf32, #tpu.memory_space<hbm>> -> memref<8x64xf32, #tpu.memory_space<hbm>>
      %dma_wait3A_317 = arith.constant 0 : i32
      %dma_wait3A_318 = arith.constant 0 : i32
      %dma_wait3A_319 = tpu.memref_slice %arg6[%dma_wait3A_310, %dma_wait3A_317, %dma_wait3A_318] : memref<16x8x64xf32, #tpu.memory_space<vmem>> -> memref<1x8x64xf32, #tpu.memory_space<vmem>>
      %dma_wait3A_320 = tpu.memref_squeeze %dma_wait3A_319 : memref<1x8x64xf32, #tpu.memory_space<vmem>> -> memref<8x64xf32, #tpu.memory_space<vmem>>
      %dma_wait3A_321 = arith.constant 0 : i32
      %dma_wait3A_322 = tpu.memref_slice %arg2[%mul3A_50, %dma_wait3A_321] : memref<100000x64xf32, #tpu.memory_space<hbm>> -> memref<8x64xf32, #tpu.memory_space<hbm>>
      tpu.wait_dma2 semaphore(%arg8 : memref<!tpu.dma_semaphore, #tpu.memory_space<semaphore_mem>>) src(%dma_wait3A_322 : memref<8x64xf32, #tpu.memory_space<hbm>>) dst(%dma_wait3A_320 : memref<8x64xf32, #tpu.memory_space<vmem>>)
      %dma_wait3A_323 = arith.constant 3 : i32
      %dma_wait3A_324 = arith.constant 0 : i32
      %dma_wait3A_325 = arith.constant 0 : i32
      %dma_wait3A_326 = tpu.memref_slice %arg6[%dma_wait3A_323, %dma_wait3A_324, %dma_wait3A_325] : memref<16x8x64xf32, #tpu.memory_space<vmem>> -> memref<1x8x64xf32, #tpu.memory_space<vmem>>
      %dma_wait3A_327 = tpu.memref_squeeze %dma_wait3A_326 : memref<1x8x64xf32, #tpu.memory_space<vmem>> -> memref<8x64xf32, #tpu.memory_space<vmem>>
      %dma_wait3A_328 = arith.constant 0 : i32
      %dma_wait3A_329 = tpu.memref_slice %arg2[%mul3A_67, %dma_wait3A_328] : memref<100000x64xf32, #tpu.memory_space<hbm>> -> memref<8x64xf32, #tpu.memory_space<hbm>>
      %dma_wait3A_330 = arith.constant 0 : i32
      %dma_wait3A_331 = arith.constant 0 : i32
      %dma_wait3A_332 = tpu.memref_slice %arg6[%dma_wait3A_323, %dma_wait3A_330, %dma_wait3A_331] : memref<16x8x64xf32, #tpu.memory_space<vmem>> -> memref<1x8x64xf32, #tpu.memory_space<vmem>>
      %dma_wait3A_333 = tpu.memref_squeeze %dma_wait3A_332 : memref<1x8x64xf32, #tpu.memory_space<vmem>> -> memref<8x64xf32, #tpu.memory_space<vmem>>
      %dma_wait3A_334 = arith.constant 0 : i32
      %dma_wait3A_335 = tpu.memref_slice %arg2[%mul3A_67, %dma_wait3A_334] : memref<100000x64xf32, #tpu.memory_space<hbm>> -> memref<8x64xf32, #tpu.memory_space<hbm>>
      tpu.wait_dma2 semaphore(%arg8 : memref<!tpu.dma_semaphore, #tpu.memory_space<semaphore_mem>>) src(%dma_wait3A_335 : memref<8x64xf32, #tpu.memory_space<hbm>>) dst(%dma_wait3A_333 : memref<8x64xf32, #tpu.memory_space<vmem>>)
      %dma_wait3A_336 = arith.constant 4 : i32
      %dma_wait3A_337 = arith.constant 0 : i32
      %dma_wait3A_338 = arith.constant 0 : i32
      %dma_wait3A_339 = tpu.memref_slice %arg6[%dma_wait3A_336, %dma_wait3A_337, %dma_wait3A_338] : memref<16x8x64xf32, #tpu.memory_space<vmem>> -> memref<1x8x64xf32, #tpu.memory_space<vmem>>
      %dma_wait3A_340 = tpu.memref_squeeze %dma_wait3A_339 : memref<1x8x64xf32, #tpu.memory_space<vmem>> -> memref<8x64xf32, #tpu.memory_space<vmem>>
      %dma_wait3A_341 = arith.constant 0 : i32
      %dma_wait3A_342 = tpu.memref_slice %arg2[%mul3A_84, %dma_wait3A_341] : memref<100000x64xf32, #tpu.memory_space<hbm>> -> memref<8x64xf32, #tpu.memory_space<hbm>>
      %dma_wait3A_343 = arith.constant 0 : i32
      %dma_wait3A_344 = arith.constant 0 : i32
      %dma_wait3A_345 = tpu.memref_slice %arg6[%dma_wait3A_336, %dma_wait3A_343, %dma_wait3A_344] : memref<16x8x64xf32, #tpu.memory_space<vmem>> -> memref<1x8x64xf32, #tpu.memory_space<vmem>>
      %dma_wait3A_346 = tpu.memref_squeeze %dma_wait3A_345 : memref<1x8x64xf32, #tpu.memory_space<vmem>> -> memref<8x64xf32, #tpu.memory_space<vmem>>
      %dma_wait3A_347 = arith.constant 0 : i32
      %dma_wait3A_348 = tpu.memref_slice %arg2[%mul3A_84, %dma_wait3A_347] : memref<100000x64xf32, #tpu.memory_space<hbm>> -> memref<8x64xf32, #tpu.memory_space<hbm>>
      tpu.wait_dma2 semaphore(%arg8 : memref<!tpu.dma_semaphore, #tpu.memory_space<semaphore_mem>>) src(%dma_wait3A_348 : memref<8x64xf32, #tpu.memory_space<hbm>>) dst(%dma_wait3A_346 : memref<8x64xf32, #tpu.memory_space<vmem>>)
      %dma_wait3A_349 = arith.constant 5 : i32
      %dma_wait3A_350 = arith.constant 0 : i32
      %dma_wait3A_351 = arith.constant 0 : i32
      %dma_wait3A_352 = tpu.memref_slice %arg6[%dma_wait3A_349, %dma_wait3A_350, %dma_wait3A_351] : memref<16x8x64xf32, #tpu.memory_space<vmem>> -> memref<1x8x64xf32, #tpu.memory_space<vmem>>
      %dma_wait3A_353 = tpu.memref_squeeze %dma_wait3A_352 : memref<1x8x64xf32, #tpu.memory_space<vmem>> -> memref<8x64xf32, #tpu.memory_space<vmem>>
      %dma_wait3A_354 = arith.constant 0 : i32
      %dma_wait3A_355 = tpu.memref_slice %arg2[%mul3A_101, %dma_wait3A_354] : memref<100000x64xf32, #tpu.memory_space<hbm>> -> memref<8x64xf32, #tpu.memory_space<hbm>>
      %dma_wait3A_356 = arith.constant 0 : i32
      %dma_wait3A_357 = arith.constant 0 : i32
      %dma_wait3A_358 = tpu.memref_slice %arg6[%dma_wait3A_349, %dma_wait3A_356, %dma_wait3A_357] : memref<16x8x64xf32, #tpu.memory_space<vmem>> -> memref<1x8x64xf32, #tpu.memory_space<vmem>>
      %dma_wait3A_359 = tpu.memref_squeeze %dma_wait3A_358 : memref<1x8x64xf32, #tpu.memory_space<vmem>> -> memref<8x64xf32, #tpu.memory_space<vmem>>
      %dma_wait3A_360 = arith.constant 0 : i32
      %dma_wait3A_361 = tpu.memref_slice %arg2[%mul3A_101, %dma_wait3A_360] : memref<100000x64xf32, #tpu.memory_space<hbm>> -> memref<8x64xf32, #tpu.memory_space<hbm>>
      tpu.wait_dma2 semaphore(%arg8 : memref<!tpu.dma_semaphore, #tpu.memory_space<semaphore_mem>>) src(%dma_wait3A_361 : memref<8x64xf32, #tpu.memory_space<hbm>>) dst(%dma_wait3A_359 : memref<8x64xf32, #tpu.memory_space<vmem>>)
      %dma_wait3A_362 = arith.constant 6 : i32
      %dma_wait3A_363 = arith.constant 0 : i32
      %dma_wait3A_364 = arith.constant 0 : i32
      %dma_wait3A_365 = tpu.memref_slice %arg6[%dma_wait3A_362, %dma_wait3A_363, %dma_wait3A_364] : memref<16x8x64xf32, #tpu.memory_space<vmem>> -> memref<1x8x64xf32, #tpu.memory_space<vmem>>
      %dma_wait3A_366 = tpu.memref_squeeze %dma_wait3A_365 : memref<1x8x64xf32, #tpu.memory_space<vmem>> -> memref<8x64xf32, #tpu.memory_space<vmem>>
      %dma_wait3A_367 = arith.constant 0 : i32
      %dma_wait3A_368 = tpu.memref_slice %arg2[%mul3A_118, %dma_wait3A_367] : memref<100000x64xf32, #tpu.memory_space<hbm>> -> memref<8x64xf32, #tpu.memory_space<hbm>>
      %dma_wait3A_369 = arith.constant 0 : i32
      %dma_wait3A_370 = arith.constant 0 : i32
      %dma_wait3A_371 = tpu.memref_slice %arg6[%dma_wait3A_362, %dma_wait3A_369, %dma_wait3A_370] : memref<16x8x64xf32, #tpu.memory_space<vmem>> -> memref<1x8x64xf32, #tpu.memory_space<vmem>>
      %dma_wait3A_372 = tpu.memref_squeeze %dma_wait3A_371 : memref<1x8x64xf32, #tpu.memory_space<vmem>> -> memref<8x64xf32, #tpu.memory_space<vmem>>
      %dma_wait3A_373 = arith.constant 0 : i32
      %dma_wait3A_374 = tpu.memref_slice %arg2[%mul3A_118, %dma_wait3A_373] : memref<100000x64xf32, #tpu.memory_space<hbm>> -> memref<8x64xf32, #tpu.memory_space<hbm>>
      tpu.wait_dma2 semaphore(%arg8 : memref<!tpu.dma_semaphore, #tpu.memory_space<semaphore_mem>>) src(%dma_wait3A_374 : memref<8x64xf32, #tpu.memory_space<hbm>>) dst(%dma_wait3A_372 : memref<8x64xf32, #tpu.memory_space<vmem>>)
      %dma_wait3A_375 = arith.constant 7 : i32
      %dma_wait3A_376 = arith.constant 0 : i32
      %dma_wait3A_377 = arith.constant 0 : i32
      %dma_wait3A_378 = tpu.memref_slice %arg6[%dma_wait3A_375, %dma_wait3A_376, %dma_wait3A_377] : memref<16x8x64xf32, #tpu.memory_space<vmem>> -> memref<1x8x64xf32, #tpu.memory_space<vmem>>
      %dma_wait3A_379 = tpu.memref_squeeze %dma_wait3A_378 : memref<1x8x64xf32, #tpu.memory_space<vmem>> -> memref<8x64xf32, #tpu.memory_space<vmem>>
      %dma_wait3A_380 = arith.constant 0 : i32
      %dma_wait3A_381 = tpu.memref_slice %arg2[%mul3A_135, %dma_wait3A_380] : memref<100000x64xf32, #tpu.memory_space<hbm>> -> memref<8x64xf32, #tpu.memory_space<hbm>>
      %dma_wait3A_382 = arith.constant 0 : i32
      %dma_wait3A_383 = arith.constant 0 : i32
      %dma_wait3A_384 = tpu.memref_slice %arg6[%dma_wait3A_375, %dma_wait3A_382, %dma_wait3A_383] : memref<16x8x64xf32, #tpu.memory_space<vmem>> -> memref<1x8x64xf32, #tpu.memory_space<vmem>>
      %dma_wait3A_385 = tpu.memref_squeeze %dma_wait3A_384 : memref<1x8x64xf32, #tpu.memory_space<vmem>> -> memref<8x64xf32, #tpu.memory_space<vmem>>
      %dma_wait3A_386 = arith.constant 0 : i32
      %dma_wait3A_387 = tpu.memref_slice %arg2[%mul3A_135, %dma_wait3A_386] : memref<100000x64xf32, #tpu.memory_space<hbm>> -> memref<8x64xf32, #tpu.memory_space<hbm>>
      tpu.wait_dma2 semaphore(%arg8 : memref<!tpu.dma_semaphore, #tpu.memory_space<semaphore_mem>>) src(%dma_wait3A_387 : memref<8x64xf32, #tpu.memory_space<hbm>>) dst(%dma_wait3A_385 : memref<8x64xf32, #tpu.memory_space<vmem>>)
      %dma_wait3A_388 = arith.constant 8 : i32
      %dma_wait3A_389 = arith.constant 0 : i32
      %dma_wait3A_390 = arith.constant 0 : i32
      %dma_wait3A_391 = tpu.memref_slice %arg6[%dma_wait3A_388, %dma_wait3A_389, %dma_wait3A_390] : memref<16x8x64xf32, #tpu.memory_space<vmem>> -> memref<1x8x64xf32, #tpu.memory_space<vmem>>
      %dma_wait3A_392 = tpu.memref_squeeze %dma_wait3A_391 : memref<1x8x64xf32, #tpu.memory_space<vmem>> -> memref<8x64xf32, #tpu.memory_space<vmem>>
      %dma_wait3A_393 = arith.constant 0 : i32
      %dma_wait3A_394 = tpu.memref_slice %arg2[%mul3A_152, %dma_wait3A_393] : memref<100000x64xf32, #tpu.memory_space<hbm>> -> memref<8x64xf32, #tpu.memory_space<hbm>>
      %dma_wait3A_395 = arith.constant 0 : i32
      %dma_wait3A_396 = arith.constant 0 : i32
      %dma_wait3A_397 = tpu.memref_slice %arg6[%dma_wait3A_388, %dma_wait3A_395, %dma_wait3A_396] : memref<16x8x64xf32, #tpu.memory_space<vmem>> -> memref<1x8x64xf32, #tpu.memory_space<vmem>>
      %dma_wait3A_398 = tpu.memref_squeeze %dma_wait3A_397 : memref<1x8x64xf32, #tpu.memory_space<vmem>> -> memref<8x64xf32, #tpu.memory_space<vmem>>
      %dma_wait3A_399 = arith.constant 0 : i32
      %dma_wait3A_400 = tpu.memref_slice %arg2[%mul3A_152, %dma_wait3A_399] : memref<100000x64xf32, #tpu.memory_space<hbm>> -> memref<8x64xf32, #tpu.memory_space<hbm>>
      tpu.wait_dma2 semaphore(%arg8 : memref<!tpu.dma_semaphore, #tpu.memory_space<semaphore_mem>>) src(%dma_wait3A_400 : memref<8x64xf32, #tpu.memory_space<hbm>>) dst(%dma_wait3A_398 : memref<8x64xf32, #tpu.memory_space<vmem>>)
      %dma_wait3A_401 = arith.constant 9 : i32
      %dma_wait3A_402 = arith.constant 0 : i32
      %dma_wait3A_403 = arith.constant 0 : i32
      %dma_wait3A_404 = tpu.memref_slice %arg6[%dma_wait3A_401, %dma_wait3A_402, %dma_wait3A_403] : memref<16x8x64xf32, #tpu.memory_space<vmem>> -> memref<1x8x64xf32, #tpu.memory_space<vmem>>
      %dma_wait3A_405 = tpu.memref_squeeze %dma_wait3A_404 : memref<1x8x64xf32, #tpu.memory_space<vmem>> -> memref<8x64xf32, #tpu.memory_space<vmem>>
      %dma_wait3A_406 = arith.constant 0 : i32
      %dma_wait3A_407 = tpu.memref_slice %arg2[%mul3A_169, %dma_wait3A_406] : memref<100000x64xf32, #tpu.memory_space<hbm>> -> memref<8x64xf32, #tpu.memory_space<hbm>>
      %dma_wait3A_408 = arith.constant 0 : i32
      %dma_wait3A_409 = arith.constant 0 : i32
      %dma_wait3A_410 = tpu.memref_slice %arg6[%dma_wait3A_401, %dma_wait3A_408, %dma_wait3A_409] : memref<16x8x64xf32, #tpu.memory_space<vmem>> -> memref<1x8x64xf32, #tpu.memory_space<vmem>>
      %dma_wait3A_411 = tpu.memref_squeeze %dma_wait3A_410 : memref<1x8x64xf32, #tpu.memory_space<vmem>> -> memref<8x64xf32, #tpu.memory_space<vmem>>
      %dma_wait3A_412 = arith.constant 0 : i32
      %dma_wait3A_413 = tpu.memref_slice %arg2[%mul3A_169, %dma_wait3A_412] : memref<100000x64xf32, #tpu.memory_space<hbm>> -> memref<8x64xf32, #tpu.memory_space<hbm>>
      tpu.wait_dma2 semaphore(%arg8 : memref<!tpu.dma_semaphore, #tpu.memory_space<semaphore_mem>>) src(%dma_wait3A_413 : memref<8x64xf32, #tpu.memory_space<hbm>>) dst(%dma_wait3A_411 : memref<8x64xf32, #tpu.memory_space<vmem>>)
      %dma_wait3A_414 = arith.constant 10 : i32
      %dma_wait3A_415 = arith.constant 0 : i32
      %dma_wait3A_416 = arith.constant 0 : i32
      %dma_wait3A_417 = tpu.memref_slice %arg6[%dma_wait3A_414, %dma_wait3A_415, %dma_wait3A_416] : memref<16x8x64xf32, #tpu.memory_space<vmem>> -> memref<1x8x64xf32, #tpu.memory_space<vmem>>
      %dma_wait3A_418 = tpu.memref_squeeze %dma_wait3A_417 : memref<1x8x64xf32, #tpu.memory_space<vmem>> -> memref<8x64xf32, #tpu.memory_space<vmem>>
      %dma_wait3A_419 = arith.constant 0 : i32
      %dma_wait3A_420 = tpu.memref_slice %arg2[%mul3A_186, %dma_wait3A_419] : memref<100000x64xf32, #tpu.memory_space<hbm>> -> memref<8x64xf32, #tpu.memory_space<hbm>>
      %dma_wait3A_421 = arith.constant 0 : i32
      %dma_wait3A_422 = arith.constant 0 : i32
      %dma_wait3A_423 = tpu.memref_slice %arg6[%dma_wait3A_414, %dma_wait3A_421, %dma_wait3A_422] : memref<16x8x64xf32, #tpu.memory_space<vmem>> -> memref<1x8x64xf32, #tpu.memory_space<vmem>>
      %dma_wait3A_424 = tpu.memref_squeeze %dma_wait3A_423 : memref<1x8x64xf32, #tpu.memory_space<vmem>> -> memref<8x64xf32, #tpu.memory_space<vmem>>
      %dma_wait3A_425 = arith.constant 0 : i32
      %dma_wait3A_426 = tpu.memref_slice %arg2[%mul3A_186, %dma_wait3A_425] : memref<100000x64xf32, #tpu.memory_space<hbm>> -> memref<8x64xf32, #tpu.memory_space<hbm>>
      tpu.wait_dma2 semaphore(%arg8 : memref<!tpu.dma_semaphore, #tpu.memory_space<semaphore_mem>>) src(%dma_wait3A_426 : memref<8x64xf32, #tpu.memory_space<hbm>>) dst(%dma_wait3A_424 : memref<8x64xf32, #tpu.memory_space<vmem>>)
      %dma_wait3A_427 = arith.constant 11 : i32
      %dma_wait3A_428 = arith.constant 0 : i32
      %dma_wait3A_429 = arith.constant 0 : i32
      %dma_wait3A_430 = tpu.memref_slice %arg6[%dma_wait3A_427, %dma_wait3A_428, %dma_wait3A_429] : memref<16x8x64xf32, #tpu.memory_space<vmem>> -> memref<1x8x64xf32, #tpu.memory_space<vmem>>
      %dma_wait3A_431 = tpu.memref_squeeze %dma_wait3A_430 : memref<1x8x64xf32, #tpu.memory_space<vmem>> -> memref<8x64xf32, #tpu.memory_space<vmem>>
      %dma_wait3A_432 = arith.constant 0 : i32
      %dma_wait3A_433 = tpu.memref_slice %arg2[%mul3A_203, %dma_wait3A_432] : memref<100000x64xf32, #tpu.memory_space<hbm>> -> memref<8x64xf32, #tpu.memory_space<hbm>>
      %dma_wait3A_434 = arith.constant 0 : i32
      %dma_wait3A_435 = arith.constant 0 : i32
      %dma_wait3A_436 = tpu.memref_slice %arg6[%dma_wait3A_427, %dma_wait3A_434, %dma_wait3A_435] : memref<16x8x64xf32, #tpu.memory_space<vmem>> -> memref<1x8x64xf32, #tpu.memory_space<vmem>>
      %dma_wait3A_437 = tpu.memref_squeeze %dma_wait3A_436 : memref<1x8x64xf32, #tpu.memory_space<vmem>> -> memref<8x64xf32, #tpu.memory_space<vmem>>
      %dma_wait3A_438 = arith.constant 0 : i32
      %dma_wait3A_439 = tpu.memref_slice %arg2[%mul3A_203, %dma_wait3A_438] : memref<100000x64xf32, #tpu.memory_space<hbm>> -> memref<8x64xf32, #tpu.memory_space<hbm>>
      tpu.wait_dma2 semaphore(%arg8 : memref<!tpu.dma_semaphore, #tpu.memory_space<semaphore_mem>>) src(%dma_wait3A_439 : memref<8x64xf32, #tpu.memory_space<hbm>>) dst(%dma_wait3A_437 : memref<8x64xf32, #tpu.memory_space<vmem>>)
      %dma_wait3A_440 = arith.constant 12 : i32
      %dma_wait3A_441 = arith.constant 0 : i32
      %dma_wait3A_442 = arith.constant 0 : i32
      %dma_wait3A_443 = tpu.memref_slice %arg6[%dma_wait3A_440, %dma_wait3A_441, %dma_wait3A_442] : memref<16x8x64xf32, #tpu.memory_space<vmem>> -> memref<1x8x64xf32, #tpu.memory_space<vmem>>
      %dma_wait3A_444 = tpu.memref_squeeze %dma_wait3A_443 : memref<1x8x64xf32, #tpu.memory_space<vmem>> -> memref<8x64xf32, #tpu.memory_space<vmem>>
      %dma_wait3A_445 = arith.constant 0 : i32
      %dma_wait3A_446 = tpu.memref_slice %arg2[%mul3A_220, %dma_wait3A_445] : memref<100000x64xf32, #tpu.memory_space<hbm>> -> memref<8x64xf32, #tpu.memory_space<hbm>>
      %dma_wait3A_447 = arith.constant 0 : i32
      %dma_wait3A_448 = arith.constant 0 : i32
      %dma_wait3A_449 = tpu.memref_slice %arg6[%dma_wait3A_440, %dma_wait3A_447, %dma_wait3A_448] : memref<16x8x64xf32, #tpu.memory_space<vmem>> -> memref<1x8x64xf32, #tpu.memory_space<vmem>>
      %dma_wait3A_450 = tpu.memref_squeeze %dma_wait3A_449 : memref<1x8x64xf32, #tpu.memory_space<vmem>> -> memref<8x64xf32, #tpu.memory_space<vmem>>
      %dma_wait3A_451 = arith.constant 0 : i32
      %dma_wait3A_452 = tpu.memref_slice %arg2[%mul3A_220, %dma_wait3A_451] : memref<100000x64xf32, #tpu.memory_space<hbm>> -> memref<8x64xf32, #tpu.memory_space<hbm>>
      tpu.wait_dma2 semaphore(%arg8 : memref<!tpu.dma_semaphore, #tpu.memory_space<semaphore_mem>>) src(%dma_wait3A_452 : memref<8x64xf32, #tpu.memory_space<hbm>>) dst(%dma_wait3A_450 : memref<8x64xf32, #tpu.memory_space<vmem>>)
      %dma_wait3A_453 = arith.constant 13 : i32
      %dma_wait3A_454 = arith.constant 0 : i32
      %dma_wait3A_455 = arith.constant 0 : i32
      %dma_wait3A_456 = tpu.memref_slice %arg6[%dma_wait3A_453, %dma_wait3A_454, %dma_wait3A_455] : memref<16x8x64xf32, #tpu.memory_space<vmem>> -> memref<1x8x64xf32, #tpu.memory_space<vmem>>
      %dma_wait3A_457 = tpu.memref_squeeze %dma_wait3A_456 : memref<1x8x64xf32, #tpu.memory_space<vmem>> -> memref<8x64xf32, #tpu.memory_space<vmem>>
      %dma_wait3A_458 = arith.constant 0 : i32
      %dma_wait3A_459 = tpu.memref_slice %arg2[%mul3A_237, %dma_wait3A_458] : memref<100000x64xf32, #tpu.memory_space<hbm>> -> memref<8x64xf32, #tpu.memory_space<hbm>>
      %dma_wait3A_460 = arith.constant 0 : i32
      %dma_wait3A_461 = arith.constant 0 : i32
      %dma_wait3A_462 = tpu.memref_slice %arg6[%dma_wait3A_453, %dma_wait3A_460, %dma_wait3A_461] : memref<16x8x64xf32, #tpu.memory_space<vmem>> -> memref<1x8x64xf32, #tpu.memory_space<vmem>>
      %dma_wait3A_463 = tpu.memref_squeeze %dma_wait3A_462 : memref<1x8x64xf32, #tpu.memory_space<vmem>> -> memref<8x64xf32, #tpu.memory_space<vmem>>
      %dma_wait3A_464 = arith.constant 0 : i32
      %dma_wait3A_465 = tpu.memref_slice %arg2[%mul3A_237, %dma_wait3A_464] : memref<100000x64xf32, #tpu.memory_space<hbm>> -> memref<8x64xf32, #tpu.memory_space<hbm>>
      tpu.wait_dma2 semaphore(%arg8 : memref<!tpu.dma_semaphore, #tpu.memory_space<semaphore_mem>>) src(%dma_wait3A_465 : memref<8x64xf32, #tpu.memory_space<hbm>>) dst(%dma_wait3A_463 : memref<8x64xf32, #tpu.memory_space<vmem>>)
      %dma_wait3A_466 = arith.constant 14 : i32
      %dma_wait3A_467 = arith.constant 0 : i32
      %dma_wait3A_468 = arith.constant 0 : i32
      %dma_wait3A_469 = tpu.memref_slice %arg6[%dma_wait3A_466, %dma_wait3A_467, %dma_wait3A_468] : memref<16x8x64xf32, #tpu.memory_space<vmem>> -> memref<1x8x64xf32, #tpu.memory_space<vmem>>
      %dma_wait3A_470 = tpu.memref_squeeze %dma_wait3A_469 : memref<1x8x64xf32, #tpu.memory_space<vmem>> -> memref<8x64xf32, #tpu.memory_space<vmem>>
      %dma_wait3A_471 = arith.constant 0 : i32
      %dma_wait3A_472 = tpu.memref_slice %arg2[%mul3A_254, %dma_wait3A_471] : memref<100000x64xf32, #tpu.memory_space<hbm>> -> memref<8x64xf32, #tpu.memory_space<hbm>>
      %dma_wait3A_473 = arith.constant 0 : i32
      %dma_wait3A_474 = arith.constant 0 : i32
      %dma_wait3A_475 = tpu.memref_slice %arg6[%dma_wait3A_466, %dma_wait3A_473, %dma_wait3A_474] : memref<16x8x64xf32, #tpu.memory_space<vmem>> -> memref<1x8x64xf32, #tpu.memory_space<vmem>>
      %dma_wait3A_476 = tpu.memref_squeeze %dma_wait3A_475 : memref<1x8x64xf32, #tpu.memory_space<vmem>> -> memref<8x64xf32, #tpu.memory_space<vmem>>
      %dma_wait3A_477 = arith.constant 0 : i32
      %dma_wait3A_478 = tpu.memref_slice %arg2[%mul3A_254, %dma_wait3A_477] : memref<100000x64xf32, #tpu.memory_space<hbm>> -> memref<8x64xf32, #tpu.memory_space<hbm>>
      tpu.wait_dma2 semaphore(%arg8 : memref<!tpu.dma_semaphore, #tpu.memory_space<semaphore_mem>>) src(%dma_wait3A_478 : memref<8x64xf32, #tpu.memory_space<hbm>>) dst(%dma_wait3A_476 : memref<8x64xf32, #tpu.memory_space<vmem>>)
      %dma_wait3A_479 = arith.constant 15 : i32
      %dma_wait3A_480 = arith.constant 0 : i32
      %dma_wait3A_481 = arith.constant 0 : i32
      %dma_wait3A_482 = tpu.memref_slice %arg6[%dma_wait3A_479, %dma_wait3A_480, %dma_wait3A_481] : memref<16x8x64xf32, #tpu.memory_space<vmem>> -> memref<1x8x64xf32, #tpu.memory_space<vmem>>
      %dma_wait3A_483 = tpu.memref_squeeze %dma_wait3A_482 : memref<1x8x64xf32, #tpu.memory_space<vmem>> -> memref<8x64xf32, #tpu.memory_space<vmem>>
      %dma_wait3A_484 = arith.constant 0 : i32
      %dma_wait3A_485 = tpu.memref_slice %arg2[%mul3A_271, %dma_wait3A_484] : memref<100000x64xf32, #tpu.memory_space<hbm>> -> memref<8x64xf32, #tpu.memory_space<hbm>>
      %dma_wait3A_486 = arith.constant 0 : i32
      %dma_wait3A_487 = arith.constant 0 : i32
      %dma_wait3A_488 = tpu.memref_slice %arg6[%dma_wait3A_479, %dma_wait3A_486, %dma_wait3A_487] : memref<16x8x64xf32, #tpu.memory_space<vmem>> -> memref<1x8x64xf32, #tpu.memory_space<vmem>>
      %dma_wait3A_489 = tpu.memref_squeeze %dma_wait3A_488 : memref<1x8x64xf32, #tpu.memory_space<vmem>> -> memref<8x64xf32, #tpu.memory_space<vmem>>
      %dma_wait3A_490 = arith.constant 0 : i32
      %dma_wait3A_491 = tpu.memref_slice %arg2[%mul3A_271, %dma_wait3A_490] : memref<100000x64xf32, #tpu.memory_space<hbm>> -> memref<8x64xf32, #tpu.memory_space<hbm>>
      tpu.wait_dma2 semaphore(%arg8 : memref<!tpu.dma_semaphore, #tpu.memory_space<semaphore_mem>>) src(%dma_wait3A_491 : memref<8x64xf32, #tpu.memory_space<hbm>>) dst(%dma_wait3A_489 : memref<8x64xf32, #tpu.memory_space<vmem>>)
      %slice3A_492 = vector.extract_strided_slice %and3A_15 {offsets = [0], sizes = [1], strides = [1]} : vector<16xi32> to vector<1xi32>
      %squeeze3A_493 = vector.extract %slice3A_492[0] : i32 from vector<1xi32>
      %get3A_494 = arith.constant 0 : i32
      %get3A_495 = arith.index_cast %get3A_494 : i32 to index
      %get3A_496 = arith.index_cast %squeeze3A_493 : i32 to index
      %get3A_497 = arith.constant 0 : index
      %get3A_498 = tpu.vector_load %arg6[%get3A_495, %get3A_496, %get3A_497] {strides = array<i32>} : memref<16x8x64xf32, #tpu.memory_space<vmem>>, vector<1x1x16xf32>,
      %get3A_499 = vector.shape_cast %get3A_498 : vector<1x1x16xf32> to vector<16xf32>
      %swap3A = arith.constant 0 : i32
      %swap3A_500 = arith.index_cast %swap3A : i32 to index
      %swap3A_501 = arith.constant 0 : index
      %swap3A_502 = tpu.vector_load %arg7[%swap3A_500, %swap3A_501] {strides = array<i32>} : memref<16x64xf32, #tpu.memory_space<vmem>>, vector<1x16xf32>,
      %swap3A_503 = vector.shape_cast %swap3A_502 : vector<1x16xf32> to vector<16xf32>
      %swap3A_504 = vector.shape_cast %get3A_499 : vector<16xf32> to vector<1x16xf32>
      tpu.vector_store %arg7[%swap3A_500, %swap3A_501], %swap3A_504 {strides = array<i32>} : memref<16x64xf32, #tpu.memory_space<vmem>>, vector<1x16xf32>,
      %get3A_505 = arith.constant 0 : i32
      %get3A_506 = arith.index_cast %get3A_505 : i32 to index
      %get3A_507 = arith.index_cast %squeeze3A_493 : i32 to index
      %get3A_508 = arith.constant 16 : index
      %get3A_509 = tpu.vector_load %arg6[%get3A_506, %get3A_507, %get3A_508] {strides = array<i32>} : memref<16x8x64xf32, #tpu.memory_space<vmem>>, vector<1x1x16xf32>,
      %get3A_510 = vector.shape_cast %get3A_509 : vector<1x1x16xf32> to vector<16xf32>
      %swap3A_511 = arith.constant 0 : i32
      %swap3A_512 = arith.index_cast %swap3A_511 : i32 to index
      %swap3A_513 = arith.constant 16 : index
      %swap3A_514 = tpu.vector_load %arg7[%swap3A_512, %swap3A_513] {strides = array<i32>} : memref<16x64xf32, #tpu.memory_space<vmem>>, vector<1x16xf32>,
      %swap3A_515 = vector.shape_cast %swap3A_514 : vector<1x16xf32> to vector<16xf32>
      %swap3A_516 = vector.shape_cast %get3A_510 : vector<16xf32> to vector<1x16xf32>
      tpu.vector_store %arg7[%swap3A_512, %swap3A_513], %swap3A_516 {strides = array<i32>} : memref<16x64xf32, #tpu.memory_space<vmem>>, vector<1x16xf32>,
      %get3A_517 = arith.constant 0 : i32
      %get3A_518 = arith.index_cast %get3A_517 : i32 to index
      %get3A_519 = arith.index_cast %squeeze3A_493 : i32 to index
      %get3A_520 = arith.constant 32 : index
      %get3A_521 = tpu.vector_load %arg6[%get3A_518, %get3A_519, %get3A_520] {strides = array<i32>} : memref<16x8x64xf32, #tpu.memory_space<vmem>>, vector<1x1x16xf32>,
      %get3A_522 = vector.shape_cast %get3A_521 : vector<1x1x16xf32> to vector<16xf32>
      %swap3A_523 = arith.constant 0 : i32
      %swap3A_524 = arith.index_cast %swap3A_523 : i32 to index
      %swap3A_525 = arith.constant 32 : index
      %swap3A_526 = tpu.vector_load %arg7[%swap3A_524, %swap3A_525] {strides = array<i32>} : memref<16x64xf32, #tpu.memory_space<vmem>>, vector<1x16xf32>,
      %swap3A_527 = vector.shape_cast %swap3A_526 : vector<1x16xf32> to vector<16xf32>
      %swap3A_528 = vector.shape_cast %get3A_522 : vector<16xf32> to vector<1x16xf32>
      tpu.vector_store %arg7[%swap3A_524, %swap3A_525], %swap3A_528 {strides = array<i32>} : memref<16x64xf32, #tpu.memory_space<vmem>>, vector<1x16xf32>,
      %get3A_529 = arith.constant 0 : i32
      %get3A_530 = arith.index_cast %get3A_529 : i32 to index
      %get3A_531 = arith.index_cast %squeeze3A_493 : i32 to index
      %get3A_532 = arith.constant 48 : index
      %get3A_533 = tpu.vector_load %arg6[%get3A_530, %get3A_531, %get3A_532] {strides = array<i32>} : memref<16x8x64xf32, #tpu.memory_space<vmem>>, vector<1x1x16xf32>,
      %get3A_534 = vector.shape_cast %get3A_533 : vector<1x1x16xf32> to vector<16xf32>
      %swap3A_535 = arith.constant 0 : i32
      %swap3A_536 = arith.index_cast %swap3A_535 : i32 to index
      %swap3A_537 = arith.constant 48 : index
      %swap3A_538 = tpu.vector_load %arg7[%swap3A_536, %swap3A_537] {strides = array<i32>} : memref<16x64xf32, #tpu.memory_space<vmem>>, vector<1x16xf32>,
      %swap3A_539 = vector.shape_cast %swap3A_538 : vector<1x16xf32> to vector<16xf32>
      %swap3A_540 = vector.shape_cast %get3A_534 : vector<16xf32> to vector<1x16xf32>
      tpu.vector_store %arg7[%swap3A_536, %swap3A_537], %swap3A_540 {strides = array<i32>} : memref<16x64xf32, #tpu.memory_space<vmem>>, vector<1x16xf32>,
      %slice3A_541 = vector.extract_strided_slice %and3A_15 {offsets = [1], sizes = [1], strides = [1]} : vector<16xi32> to vector<1xi32>
      %squeeze3A_542 = vector.extract %slice3A_541[0] : i32 from vector<1xi32>
      %get3A_543 = arith.constant 1 : i32
      %get3A_544 = arith.index_cast %get3A_543 : i32 to index
      %get3A_545 = arith.index_cast %squeeze3A_542 : i32 to index
      %get3A_546 = arith.constant 0 : index
      %get3A_547 = tpu.vector_load %arg6[%get3A_544, %get3A_545, %get3A_546] {strides = array<i32>} : memref<16x8x64xf32, #tpu.memory_space<vmem>>, vector<1x1x16xf32>,
      %get3A_548 = vector.shape_cast %get3A_547 : vector<1x1x16xf32> to vector<16xf32>
      %swap3A_549 = arith.constant 1 : i32
      %swap3A_550 = arith.index_cast %swap3A_549 : i32 to index
      %swap3A_551 = arith.constant 0 : index
      %swap3A_552 = tpu.vector_load %arg7[%swap3A_550, %swap3A_551] {strides = array<i32>} : memref<16x64xf32, #tpu.memory_space<vmem>>, vector<1x16xf32>,
      %swap3A_553 = vector.shape_cast %swap3A_552 : vector<1x16xf32> to vector<16xf32>
      %swap3A_554 = vector.shape_cast %get3A_548 : vector<16xf32> to vector<1x16xf32>
      tpu.vector_store %arg7[%swap3A_550, %swap3A_551], %swap3A_554 {strides = array<i32>} : memref<16x64xf32, #tpu.memory_space<vmem>>, vector<1x16xf32>,
      %get3A_555 = arith.constant 1 : i32
      %get3A_556 = arith.index_cast %get3A_555 : i32 to index
      %get3A_557 = arith.index_cast %squeeze3A_542 : i32 to index
      %get3A_558 = arith.constant 16 : index
      %get3A_559 = tpu.vector_load %arg6[%get3A_556, %get3A_557, %get3A_558] {strides = array<i32>} : memref<16x8x64xf32, #tpu.memory_space<vmem>>, vector<1x1x16xf32>,
      %get3A_560 = vector.shape_cast %get3A_559 : vector<1x1x16xf32> to vector<16xf32>
      %swap3A_561 = arith.constant 1 : i32
      %swap3A_562 = arith.index_cast %swap3A_561 : i32 to index
      %swap3A_563 = arith.constant 16 : index
      %swap3A_564 = tpu.vector_load %arg7[%swap3A_562, %swap3A_563] {strides = array<i32>} : memref<16x64xf32, #tpu.memory_space<vmem>>, vector<1x16xf32>,
      %swap3A_565 = vector.shape_cast %swap3A_564 : vector<1x16xf32> to vector<16xf32>
      %swap3A_566 = vector.shape_cast %get3A_560 : vector<16xf32> to vector<1x16xf32>
      tpu.vector_store %arg7[%swap3A_562, %swap3A_563], %swap3A_566 {strides = array<i32>} : memref<16x64xf32, #tpu.memory_space<vmem>>, vector<1x16xf32>,
      %get3A_567 = arith.constant 1 : i32
      %get3A_568 = arith.index_cast %get3A_567 : i32 to index
      %get3A_569 = arith.index_cast %squeeze3A_542 : i32 to index
      %get3A_570 = arith.constant 32 : index
      %get3A_571 = tpu.vector_load %arg6[%get3A_568, %get3A_569, %get3A_570] {strides = array<i32>} : memref<16x8x64xf32, #tpu.memory_space<vmem>>, vector<1x1x16xf32>,
      %get3A_572 = vector.shape_cast %get3A_571 : vector<1x1x16xf32> to vector<16xf32>
      %swap3A_573 = arith.constant 1 : i32
      %swap3A_574 = arith.index_cast %swap3A_573 : i32 to index
      %swap3A_575 = arith.constant 32 : index
      %swap3A_576 = tpu.vector_load %arg7[%swap3A_574, %swap3A_575] {strides = array<i32>} : memref<16x64xf32, #tpu.memory_space<vmem>>, vector<1x16xf32>,
      %swap3A_577 = vector.shape_cast %swap3A_576 : vector<1x16xf32> to vector<16xf32>
      %swap3A_578 = vector.shape_cast %get3A_572 : vector<16xf32> to vector<1x16xf32>
      tpu.vector_store %arg7[%swap3A_574, %swap3A_575], %swap3A_578 {strides = array<i32>} : memref<16x64xf32, #tpu.memory_space<vmem>>, vector<1x16xf32>,
      %get3A_579 = arith.constant 1 : i32
      %get3A_580 = arith.index_cast %get3A_579 : i32 to index
      %get3A_581 = arith.index_cast %squeeze3A_542 : i32 to index
      %get3A_582 = arith.constant 48 : index
      %get3A_583 = tpu.vector_load %arg6[%get3A_580, %get3A_581, %get3A_582] {strides = array<i32>} : memref<16x8x64xf32, #tpu.memory_space<vmem>>, vector<1x1x16xf32>,
      %get3A_584 = vector.shape_cast %get3A_583 : vector<1x1x16xf32> to vector<16xf32>
      %swap3A_585 = arith.constant 1 : i32
      %swap3A_586 = arith.index_cast %swap3A_585 : i32 to index
      %swap3A_587 = arith.constant 48 : index
      %swap3A_588 = tpu.vector_load %arg7[%swap3A_586, %swap3A_587] {strides = array<i32>} : memref<16x64xf32, #tpu.memory_space<vmem>>, vector<1x16xf32>,
      %swap3A_589 = vector.shape_cast %swap3A_588 : vector<1x16xf32> to vector<16xf32>
      %swap3A_590 = vector.shape_cast %get3A_584 : vector<16xf32> to vector<1x16xf32>
      tpu.vector_store %arg7[%swap3A_586, %swap3A_587], %swap3A_590 {strides = array<i32>} : memref<16x64xf32, #tpu.memory_space<vmem>>, vector<1x16xf32>,
      %slice3A_591 = vector.extract_strided_slice %and3A_15 {offsets = [2], sizes = [1], strides = [1]} : vector<16xi32> to vector<1xi32>
      %squeeze3A_592 = vector.extract %slice3A_591[0] : i32 from vector<1xi32>
      %get3A_593 = arith.constant 2 : i32
      %get3A_594 = arith.index_cast %get3A_593 : i32 to index
      %get3A_595 = arith.index_cast %squeeze3A_592 : i32 to index
      %get3A_596 = arith.constant 0 : index
      %get3A_597 = tpu.vector_load %arg6[%get3A_594, %get3A_595, %get3A_596] {strides = array<i32>} : memref<16x8x64xf32, #tpu.memory_space<vmem>>, vector<1x1x16xf32>,
      %get3A_598 = vector.shape_cast %get3A_597 : vector<1x1x16xf32> to vector<16xf32>
      %swap3A_599 = arith.constant 2 : i32
      %swap3A_600 = arith.index_cast %swap3A_599 : i32 to index
      %swap3A_601 = arith.constant 0 : index
      %swap3A_602 = tpu.vector_load %arg7[%swap3A_600, %swap3A_601] {strides = array<i32>} : memref<16x64xf32, #tpu.memory_space<vmem>>, vector<1x16xf32>,
      %swap3A_603 = vector.shape_cast %swap3A_602 : vector<1x16xf32> to vector<16xf32>
      %swap3A_604 = vector.shape_cast %get3A_598 : vector<16xf32> to vector<1x16xf32>
      tpu.vector_store %arg7[%swap3A_600, %swap3A_601], %swap3A_604 {strides = array<i32>} : memref<16x64xf32, #tpu.memory_space<vmem>>, vector<1x16xf32>,
      %get3A_605 = arith.constant 2 : i32
      %get3A_606 = arith.index_cast %get3A_605 : i32 to index
      %get3A_607 = arith.index_cast %squeeze3A_592 : i32 to index
      %get3A_608 = arith.constant 16 : index
      %get3A_609 = tpu.vector_load %arg6[%get3A_606, %get3A_607, %get3A_608] {strides = array<i32>} : memref<16x8x64xf32, #tpu.memory_space<vmem>>, vector<1x1x16xf32>,
      %get3A_610 = vector.shape_cast %get3A_609 : vector<1x1x16xf32> to vector<16xf32>
      %swap3A_611 = arith.constant 2 : i32
      %swap3A_612 = arith.index_cast %swap3A_611 : i32 to index
      %swap3A_613 = arith.constant 16 : index
      %swap3A_614 = tpu.vector_load %arg7[%swap3A_612, %swap3A_613] {strides = array<i32>} : memref<16x64xf32, #tpu.memory_space<vmem>>, vector<1x16xf32>,
      %swap3A_615 = vector.shape_cast %swap3A_614 : vector<1x16xf32> to vector<16xf32>
      %swap3A_616 = vector.shape_cast %get3A_610 : vector<16xf32> to vector<1x16xf32>
      tpu.vector_store %arg7[%swap3A_612, %swap3A_613], %swap3A_616 {strides = array<i32>} : memref<16x64xf32, #tpu.memory_space<vmem>>, vector<1x16xf32>,
      %get3A_617 = arith.constant 2 : i32
      %get3A_618 = arith.index_cast %get3A_617 : i32 to index
      %get3A_619 = arith.index_cast %squeeze3A_592 : i32 to index
      %get3A_620 = arith.constant 32 : index
      %get3A_621 = tpu.vector_load %arg6[%get3A_618, %get3A_619, %get3A_620] {strides = array<i32>} : memref<16x8x64xf32, #tpu.memory_space<vmem>>, vector<1x1x16xf32>,
      %get3A_622 = vector.shape_cast %get3A_621 : vector<1x1x16xf32> to vector<16xf32>
      %swap3A_623 = arith.constant 2 : i32
      %swap3A_624 = arith.index_cast %swap3A_623 : i32 to index
      %swap3A_625 = arith.constant 32 : index
      %swap3A_626 = tpu.vector_load %arg7[%swap3A_624, %swap3A_625] {strides = array<i32>} : memref<16x64xf32, #tpu.memory_space<vmem>>, vector<1x16xf32>,
      %swap3A_627 = vector.shape_cast %swap3A_626 : vector<1x16xf32> to vector<16xf32>
      %swap3A_628 = vector.shape_cast %get3A_622 : vector<16xf32> to vector<1x16xf32>
      tpu.vector_store %arg7[%swap3A_624, %swap3A_625], %swap3A_628 {strides = array<i32>} : memref<16x64xf32, #tpu.memory_space<vmem>>, vector<1x16xf32>,
      %get3A_629 = arith.constant 2 : i32
      %get3A_630 = arith.index_cast %get3A_629 : i32 to index
      %get3A_631 = arith.index_cast %squeeze3A_592 : i32 to index
      %get3A_632 = arith.constant 48 : index
      %get3A_633 = tpu.vector_load %arg6[%get3A_630, %get3A_631, %get3A_632] {strides = array<i32>} : memref<16x8x64xf32, #tpu.memory_space<vmem>>, vector<1x1x16xf32>,
      %get3A_634 = vector.shape_cast %get3A_633 : vector<1x1x16xf32> to vector<16xf32>
      %swap3A_635 = arith.constant 2 : i32
      %swap3A_636 = arith.index_cast %swap3A_635 : i32 to index
      %swap3A_637 = arith.constant 48 : index
      %swap3A_638 = tpu.vector_load %arg7[%swap3A_636, %swap3A_637] {strides = array<i32>} : memref<16x64xf32, #tpu.memory_space<vmem>>, vector<1x16xf32>,
      %swap3A_639 = vector.shape_cast %swap3A_638 : vector<1x16xf32> to vector<16xf32>
      %swap3A_640 = vector.shape_cast %get3A_634 : vector<16xf32> to vector<1x16xf32>
      tpu.vector_store %arg7[%swap3A_636, %swap3A_637], %swap3A_640 {strides = array<i32>} : memref<16x64xf32, #tpu.memory_space<vmem>>, vector<1x16xf32>,
      %slice3A_641 = vector.extract_strided_slice %and3A_15 {offsets = [3], sizes = [1], strides = [1]} : vector<16xi32> to vector<1xi32>
      %squeeze3A_642 = vector.extract %slice3A_641[0] : i32 from vector<1xi32>
      %get3A_643 = arith.constant 3 : i32
      %get3A_644 = arith.index_cast %get3A_643 : i32 to index
      %get3A_645 = arith.index_cast %squeeze3A_642 : i32 to index
      %get3A_646 = arith.constant 0 : index
      %get3A_647 = tpu.vector_load %arg6[%get3A_644, %get3A_645, %get3A_646] {strides = array<i32>} : memref<16x8x64xf32, #tpu.memory_space<vmem>>, vector<1x1x16xf32>,
      %get3A_648 = vector.shape_cast %get3A_647 : vector<1x1x16xf32> to vector<16xf32>
      %swap3A_649 = arith.constant 3 : i32
      %swap3A_650 = arith.index_cast %swap3A_649 : i32 to index
      %swap3A_651 = arith.constant 0 : index
      %swap3A_652 = tpu.vector_load %arg7[%swap3A_650, %swap3A_651] {strides = array<i32>} : memref<16x64xf32, #tpu.memory_space<vmem>>, vector<1x16xf32>,
      %swap3A_653 = vector.shape_cast %swap3A_652 : vector<1x16xf32> to vector<16xf32>
      %swap3A_654 = vector.shape_cast %get3A_648 : vector<16xf32> to vector<1x16xf32>
      tpu.vector_store %arg7[%swap3A_650, %swap3A_651], %swap3A_654 {strides = array<i32>} : memref<16x64xf32, #tpu.memory_space<vmem>>, vector<1x16xf32>,
      %get3A_655 = arith.constant 3 : i32
      %get3A_656 = arith.index_cast %get3A_655 : i32 to index
      %get3A_657 = arith.index_cast %squeeze3A_642 : i32 to index
      %get3A_658 = arith.constant 16 : index
      %get3A_659 = tpu.vector_load %arg6[%get3A_656, %get3A_657, %get3A_658] {strides = array<i32>} : memref<16x8x64xf32, #tpu.memory_space<vmem>>, vector<1x1x16xf32>,
      %get3A_660 = vector.shape_cast %get3A_659 : vector<1x1x16xf32> to vector<16xf32>
      %swap3A_661 = arith.constant 3 : i32
      %swap3A_662 = arith.index_cast %swap3A_661 : i32 to index
      %swap3A_663 = arith.constant 16 : index
      %swap3A_664 = tpu.vector_load %arg7[%swap3A_662, %swap3A_663] {strides = array<i32>} : memref<16x64xf32, #tpu.memory_space<vmem>>, vector<1x16xf32>,
      %swap3A_665 = vector.shape_cast %swap3A_664 : vector<1x16xf32> to vector<16xf32>
      %swap3A_666 = vector.shape_cast %get3A_660 : vector<16xf32> to vector<1x16xf32>
      tpu.vector_store %arg7[%swap3A_662, %swap3A_663], %swap3A_666 {strides = array<i32>} : memref<16x64xf32, #tpu.memory_space<vmem>>, vector<1x16xf32>,
      %get3A_667 = arith.constant 3 : i32
      %get3A_668 = arith.index_cast %get3A_667 : i32 to index
      %get3A_669 = arith.index_cast %squeeze3A_642 : i32 to index
      %get3A_670 = arith.constant 32 : index
      %get3A_671 = tpu.vector_load %arg6[%get3A_668, %get3A_669, %get3A_670] {strides = array<i32>} : memref<16x8x64xf32, #tpu.memory_space<vmem>>, vector<1x1x16xf32>,
      %get3A_672 = vector.shape_cast %get3A_671 : vector<1x1x16xf32> to vector<16xf32>
      %swap3A_673 = arith.constant 3 : i32
      %swap3A_674 = arith.index_cast %swap3A_673 : i32 to index
      %swap3A_675 = arith.constant 32 : index
      %swap3A_676 = tpu.vector_load %arg7[%swap3A_674, %swap3A_675] {strides = array<i32>} : memref<16x64xf32, #tpu.memory_space<vmem>>, vector<1x16xf32>,
      %swap3A_677 = vector.shape_cast %swap3A_676 : vector<1x16xf32> to vector<16xf32>
      %swap3A_678 = vector.shape_cast %get3A_672 : vector<16xf32> to vector<1x16xf32>
      tpu.vector_store %arg7[%swap3A_674, %swap3A_675], %swap3A_678 {strides = array<i32>} : memref<16x64xf32, #tpu.memory_space<vmem>>, vector<1x16xf32>,
      %get3A_679 = arith.constant 3 : i32
      %get3A_680 = arith.index_cast %get3A_679 : i32 to index
      %get3A_681 = arith.index_cast %squeeze3A_642 : i32 to index
      %get3A_682 = arith.constant 48 : index
      %get3A_683 = tpu.vector_load %arg6[%get3A_680, %get3A_681, %get3A_682] {strides = array<i32>} : memref<16x8x64xf32, #tpu.memory_space<vmem>>, vector<1x1x16xf32>,
      %get3A_684 = vector.shape_cast %get3A_683 : vector<1x1x16xf32> to vector<16xf32>
      %swap3A_685 = arith.constant 3 : i32
      %swap3A_686 = arith.index_cast %swap3A_685 : i32 to index
      %swap3A_687 = arith.constant 48 : index
      %swap3A_688 = tpu.vector_load %arg7[%swap3A_686, %swap3A_687] {strides = array<i32>} : memref<16x64xf32, #tpu.memory_space<vmem>>, vector<1x16xf32>,
      %swap3A_689 = vector.shape_cast %swap3A_688 : vector<1x16xf32> to vector<16xf32>
      %swap3A_690 = vector.shape_cast %get3A_684 : vector<16xf32> to vector<1x16xf32>
      tpu.vector_store %arg7[%swap3A_686, %swap3A_687], %swap3A_690 {strides = array<i32>} : memref<16x64xf32, #tpu.memory_space<vmem>>, vector<1x16xf32>,
      %slice3A_691 = vector.extract_strided_slice %and3A_15 {offsets = [4], sizes = [1], strides = [1]} : vector<16xi32> to vector<1xi32>
      %squeeze3A_692 = vector.extract %slice3A_691[0] : i32 from vector<1xi32>
      %get3A_693 = arith.constant 4 : i32
      %get3A_694 = arith.index_cast %get3A_693 : i32 to index
      %get3A_695 = arith.index_cast %squeeze3A_692 : i32 to index
      %get3A_696 = arith.constant 0 : index
      %get3A_697 = tpu.vector_load %arg6[%get3A_694, %get3A_695, %get3A_696] {strides = array<i32>} : memref<16x8x64xf32, #tpu.memory_space<vmem>>, vector<1x1x16xf32>,
      %get3A_698 = vector.shape_cast %get3A_697 : vector<1x1x16xf32> to vector<16xf32>
      %swap3A_699 = arith.constant 4 : i32
      %swap3A_700 = arith.index_cast %swap3A_699 : i32 to index
      %swap3A_701 = arith.constant 0 : index
      %swap3A_702 = tpu.vector_load %arg7[%swap3A_700, %swap3A_701] {strides = array<i32>} : memref<16x64xf32, #tpu.memory_space<vmem>>, vector<1x16xf32>,
      %swap3A_703 = vector.shape_cast %swap3A_702 : vector<1x16xf32> to vector<16xf32>
      %swap3A_704 = vector.shape_cast %get3A_698 : vector<16xf32> to vector<1x16xf32>
      tpu.vector_store %arg7[%swap3A_700, %swap3A_701], %swap3A_704 {strides = array<i32>} : memref<16x64xf32, #tpu.memory_space<vmem>>, vector<1x16xf32>,
      %get3A_705 = arith.constant 4 : i32
      %get3A_706 = arith.index_cast %get3A_705 : i32 to index
      %get3A_707 = arith.index_cast %squeeze3A_692 : i32 to index
      %get3A_708 = arith.constant 16 : index
      %get3A_709 = tpu.vector_load %arg6[%get3A_706, %get3A_707, %get3A_708] {strides = array<i32>} : memref<16x8x64xf32, #tpu.memory_space<vmem>>, vector<1x1x16xf32>,
      %get3A_710 = vector.shape_cast %get3A_709 : vector<1x1x16xf32> to vector<16xf32>
      %swap3A_711 = arith.constant 4 : i32
      %swap3A_712 = arith.index_cast %swap3A_711 : i32 to index
      %swap3A_713 = arith.constant 16 : index
      %swap3A_714 = tpu.vector_load %arg7[%swap3A_712, %swap3A_713] {strides = array<i32>} : memref<16x64xf32, #tpu.memory_space<vmem>>, vector<1x16xf32>,
      %swap3A_715 = vector.shape_cast %swap3A_714 : vector<1x16xf32> to vector<16xf32>
      %swap3A_716 = vector.shape_cast %get3A_710 : vector<16xf32> to vector<1x16xf32>
      tpu.vector_store %arg7[%swap3A_712, %swap3A_713], %swap3A_716 {strides = array<i32>} : memref<16x64xf32, #tpu.memory_space<vmem>>, vector<1x16xf32>,
      %get3A_717 = arith.constant 4 : i32
      %get3A_718 = arith.index_cast %get3A_717 : i32 to index
      %get3A_719 = arith.index_cast %squeeze3A_692 : i32 to index
      %get3A_720 = arith.constant 32 : index
      %get3A_721 = tpu.vector_load %arg6[%get3A_718, %get3A_719, %get3A_720] {strides = array<i32>} : memref<16x8x64xf32, #tpu.memory_space<vmem>>, vector<1x1x16xf32>,
      %get3A_722 = vector.shape_cast %get3A_721 : vector<1x1x16xf32> to vector<16xf32>
      %swap3A_723 = arith.constant 4 : i32
      %swap3A_724 = arith.index_cast %swap3A_723 : i32 to index
      %swap3A_725 = arith.constant 32 : index
      %swap3A_726 = tpu.vector_load %arg7[%swap3A_724, %swap3A_725] {strides = array<i32>} : memref<16x64xf32, #tpu.memory_space<vmem>>, vector<1x16xf32>,
      %swap3A_727 = vector.shape_cast %swap3A_726 : vector<1x16xf32> to vector<16xf32>
      %swap3A_728 = vector.shape_cast %get3A_722 : vector<16xf32> to vector<1x16xf32>
      tpu.vector_store %arg7[%swap3A_724, %swap3A_725], %swap3A_728 {strides = array<i32>} : memref<16x64xf32, #tpu.memory_space<vmem>>, vector<1x16xf32>,
      %get3A_729 = arith.constant 4 : i32
      %get3A_730 = arith.index_cast %get3A_729 : i32 to index
      %get3A_731 = arith.index_cast %squeeze3A_692 : i32 to index
      %get3A_732 = arith.constant 48 : index
      %get3A_733 = tpu.vector_load %arg6[%get3A_730, %get3A_731, %get3A_732] {strides = array<i32>} : memref<16x8x64xf32, #tpu.memory_space<vmem>>, vector<1x1x16xf32>,
      %get3A_734 = vector.shape_cast %get3A_733 : vector<1x1x16xf32> to vector<16xf32>
      %swap3A_735 = arith.constant 4 : i32
      %swap3A_736 = arith.index_cast %swap3A_735 : i32 to index
      %swap3A_737 = arith.constant 48 : index
      %swap3A_738 = tpu.vector_load %arg7[%swap3A_736, %swap3A_737] {strides = array<i32>} : memref<16x64xf32, #tpu.memory_space<vmem>>, vector<1x16xf32>,
      %swap3A_739 = vector.shape_cast %swap3A_738 : vector<1x16xf32> to vector<16xf32>
      %swap3A_740 = vector.shape_cast %get3A_734 : vector<16xf32> to vector<1x16xf32>
      tpu.vector_store %arg7[%swap3A_736, %swap3A_737], %swap3A_740 {strides = array<i32>} : memref<16x64xf32, #tpu.memory_space<vmem>>, vector<1x16xf32>,
      %slice3A_741 = vector.extract_strided_slice %and3A_15 {offsets = [5], sizes = [1], strides = [1]} : vector<16xi32> to vector<1xi32>
      %squeeze3A_742 = vector.extract %slice3A_741[0] : i32 from vector<1xi32>
      %get3A_743 = arith.constant 5 : i32
      %get3A_744 = arith.index_cast %get3A_743 : i32 to index
      %get3A_745 = arith.index_cast %squeeze3A_742 : i32 to index
      %get3A_746 = arith.constant 0 : index
      %get3A_747 = tpu.vector_load %arg6[%get3A_744, %get3A_745, %get3A_746] {strides = array<i32>} : memref<16x8x64xf32, #tpu.memory_space<vmem>>, vector<1x1x16xf32>,
      %get3A_748 = vector.shape_cast %get3A_747 : vector<1x1x16xf32> to vector<16xf32>
      %swap3A_749 = arith.constant 5 : i32
      %swap3A_750 = arith.index_cast %swap3A_749 : i32 to index
      %swap3A_751 = arith.constant 0 : index
      %swap3A_752 = tpu.vector_load %arg7[%swap3A_750, %swap3A_751] {strides = array<i32>} : memref<16x64xf32, #tpu.memory_space<vmem>>, vector<1x16xf32>,
      %swap3A_753 = vector.shape_cast %swap3A_752 : vector<1x16xf32> to vector<16xf32>
      %swap3A_754 = vector.shape_cast %get3A_748 : vector<16xf32> to vector<1x16xf32>
      tpu.vector_store %arg7[%swap3A_750, %swap3A_751], %swap3A_754 {strides = array<i32>} : memref<16x64xf32, #tpu.memory_space<vmem>>, vector<1x16xf32>,
      %get3A_755 = arith.constant 5 : i32
      %get3A_756 = arith.index_cast %get3A_755 : i32 to index
      %get3A_757 = arith.index_cast %squeeze3A_742 : i32 to index
      %get3A_758 = arith.constant 16 : index
      %get3A_759 = tpu.vector_load %arg6[%get3A_756, %get3A_757, %get3A_758] {strides = array<i32>} : memref<16x8x64xf32, #tpu.memory_space<vmem>>, vector<1x1x16xf32>,
      %get3A_760 = vector.shape_cast %get3A_759 : vector<1x1x16xf32> to vector<16xf32>
      %swap3A_761 = arith.constant 5 : i32
      %swap3A_762 = arith.index_cast %swap3A_761 : i32 to index
      %swap3A_763 = arith.constant 16 : index
      %swap3A_764 = tpu.vector_load %arg7[%swap3A_762, %swap3A_763] {strides = array<i32>} : memref<16x64xf32, #tpu.memory_space<vmem>>, vector<1x16xf32>,
      %swap3A_765 = vector.shape_cast %swap3A_764 : vector<1x16xf32> to vector<16xf32>
      %swap3A_766 = vector.shape_cast %get3A_760 : vector<16xf32> to vector<1x16xf32>
      tpu.vector_store %arg7[%swap3A_762, %swap3A_763], %swap3A_766 {strides = array<i32>} : memref<16x64xf32, #tpu.memory_space<vmem>>, vector<1x16xf32>,
      %get3A_767 = arith.constant 5 : i32
      %get3A_768 = arith.index_cast %get3A_767 : i32 to index
      %get3A_769 = arith.index_cast %squeeze3A_742 : i32 to index
      %get3A_770 = arith.constant 32 : index
      %get3A_771 = tpu.vector_load %arg6[%get3A_768, %get3A_769, %get3A_770] {strides = array<i32>} : memref<16x8x64xf32, #tpu.memory_space<vmem>>, vector<1x1x16xf32>,
      %get3A_772 = vector.shape_cast %get3A_771 : vector<1x1x16xf32> to vector<16xf32>
      %swap3A_773 = arith.constant 5 : i32
      %swap3A_774 = arith.index_cast %swap3A_773 : i32 to index
      %swap3A_775 = arith.constant 32 : index
      %swap3A_776 = tpu.vector_load %arg7[%swap3A_774, %swap3A_775] {strides = array<i32>} : memref<16x64xf32, #tpu.memory_space<vmem>>, vector<1x16xf32>,
      %swap3A_777 = vector.shape_cast %swap3A_776 : vector<1x16xf32> to vector<16xf32>
      %swap3A_778 = vector.shape_cast %get3A_772 : vector<16xf32> to vector<1x16xf32>
      tpu.vector_store %arg7[%swap3A_774, %swap3A_775], %swap3A_778 {strides = array<i32>} : memref<16x64xf32, #tpu.memory_space<vmem>>, vector<1x16xf32>,
      %get3A_779 = arith.constant 5 : i32
      %get3A_780 = arith.index_cast %get3A_779 : i32 to index
      %get3A_781 = arith.index_cast %squeeze3A_742 : i32 to index
      %get3A_782 = arith.constant 48 : index
      %get3A_783 = tpu.vector_load %arg6[%get3A_780, %get3A_781, %get3A_782] {strides = array<i32>} : memref<16x8x64xf32, #tpu.memory_space<vmem>>, vector<1x1x16xf32>,
      %get3A_784 = vector.shape_cast %get3A_783 : vector<1x1x16xf32> to vector<16xf32>
      %swap3A_785 = arith.constant 5 : i32
      %swap3A_786 = arith.index_cast %swap3A_785 : i32 to index
      %swap3A_787 = arith.constant 48 : index
      %swap3A_788 = tpu.vector_load %arg7[%swap3A_786, %swap3A_787] {strides = array<i32>} : memref<16x64xf32, #tpu.memory_space<vmem>>, vector<1x16xf32>,
      %swap3A_789 = vector.shape_cast %swap3A_788 : vector<1x16xf32> to vector<16xf32>
      %swap3A_790 = vector.shape_cast %get3A_784 : vector<16xf32> to vector<1x16xf32>
      tpu.vector_store %arg7[%swap3A_786, %swap3A_787], %swap3A_790 {strides = array<i32>} : memref<16x64xf32, #tpu.memory_space<vmem>>, vector<1x16xf32>,
      %slice3A_791 = vector.extract_strided_slice %and3A_15 {offsets = [6], sizes = [1], strides = [1]} : vector<16xi32> to vector<1xi32>
      %squeeze3A_792 = vector.extract %slice3A_791[0] : i32 from vector<1xi32>
      %get3A_793 = arith.constant 6 : i32
      %get3A_794 = arith.index_cast %get3A_793 : i32 to index
      %get3A_795 = arith.index_cast %squeeze3A_792 : i32 to index
      %get3A_796 = arith.constant 0 : index
      %get3A_797 = tpu.vector_load %arg6[%get3A_794, %get3A_795, %get3A_796] {strides = array<i32>} : memref<16x8x64xf32, #tpu.memory_space<vmem>>, vector<1x1x16xf32>,
      %get3A_798 = vector.shape_cast %get3A_797 : vector<1x1x16xf32> to vector<16xf32>
      %swap3A_799 = arith.constant 6 : i32
      %swap3A_800 = arith.index_cast %swap3A_799 : i32 to index
      %swap3A_801 = arith.constant 0 : index
      %swap3A_802 = tpu.vector_load %arg7[%swap3A_800, %swap3A_801] {strides = array<i32>} : memref<16x64xf32, #tpu.memory_space<vmem>>, vector<1x16xf32>,
      %swap3A_803 = vector.shape_cast %swap3A_802 : vector<1x16xf32> to vector<16xf32>
      %swap3A_804 = vector.shape_cast %get3A_798 : vector<16xf32> to vector<1x16xf32>
      tpu.vector_store %arg7[%swap3A_800, %swap3A_801], %swap3A_804 {strides = array<i32>} : memref<16x64xf32, #tpu.memory_space<vmem>>, vector<1x16xf32>,
      %get3A_805 = arith.constant 6 : i32
      %get3A_806 = arith.index_cast %get3A_805 : i32 to index
      %get3A_807 = arith.index_cast %squeeze3A_792 : i32 to index
      %get3A_808 = arith.constant 16 : index
      %get3A_809 = tpu.vector_load %arg6[%get3A_806, %get3A_807, %get3A_808] {strides = array<i32>} : memref<16x8x64xf32, #tpu.memory_space<vmem>>, vector<1x1x16xf32>,
      %get3A_810 = vector.shape_cast %get3A_809 : vector<1x1x16xf32> to vector<16xf32>
      %swap3A_811 = arith.constant 6 : i32
      %swap3A_812 = arith.index_cast %swap3A_811 : i32 to index
      %swap3A_813 = arith.constant 16 : index
      %swap3A_814 = tpu.vector_load %arg7[%swap3A_812, %swap3A_813] {strides = array<i32>} : memref<16x64xf32, #tpu.memory_space<vmem>>, vector<1x16xf32>,
      %swap3A_815 = vector.shape_cast %swap3A_814 : vector<1x16xf32> to vector<16xf32>
      %swap3A_816 = vector.shape_cast %get3A_810 : vector<16xf32> to vector<1x16xf32>
      tpu.vector_store %arg7[%swap3A_812, %swap3A_813], %swap3A_816 {strides = array<i32>} : memref<16x64xf32, #tpu.memory_space<vmem>>, vector<1x16xf32>,
      %get3A_817 = arith.constant 6 : i32
      %get3A_818 = arith.index_cast %get3A_817 : i32 to index
      %get3A_819 = arith.index_cast %squeeze3A_792 : i32 to index
      %get3A_820 = arith.constant 32 : index
      %get3A_821 = tpu.vector_load %arg6[%get3A_818, %get3A_819, %get3A_820] {strides = array<i32>} : memref<16x8x64xf32, #tpu.memory_space<vmem>>, vector<1x1x16xf32>,
      %get3A_822 = vector.shape_cast %get3A_821 : vector<1x1x16xf32> to vector<16xf32>
      %swap3A_823 = arith.constant 6 : i32
      %swap3A_824 = arith.index_cast %swap3A_823 : i32 to index
      %swap3A_825 = arith.constant 32 : index
      %swap3A_826 = tpu.vector_load %arg7[%swap3A_824, %swap3A_825] {strides = array<i32>} : memref<16x64xf32, #tpu.memory_space<vmem>>, vector<1x16xf32>,
      %swap3A_827 = vector.shape_cast %swap3A_826 : vector<1x16xf32> to vector<16xf32>
      %swap3A_828 = vector.shape_cast %get3A_822 : vector<16xf32> to vector<1x16xf32>
      tpu.vector_store %arg7[%swap3A_824, %swap3A_825], %swap3A_828 {strides = array<i32>} : memref<16x64xf32, #tpu.memory_space<vmem>>, vector<1x16xf32>,
      %get3A_829 = arith.constant 6 : i32
      %get3A_830 = arith.index_cast %get3A_829 : i32 to index
      %get3A_831 = arith.index_cast %squeeze3A_792 : i32 to index
      %get3A_832 = arith.constant 48 : index
      %get3A_833 = tpu.vector_load %arg6[%get3A_830, %get3A_831, %get3A_832] {strides = array<i32>} : memref<16x8x64xf32, #tpu.memory_space<vmem>>, vector<1x1x16xf32>,
      %get3A_834 = vector.shape_cast %get3A_833 : vector<1x1x16xf32> to vector<16xf32>
      %swap3A_835 = arith.constant 6 : i32
      %swap3A_836 = arith.index_cast %swap3A_835 : i32 to index
      %swap3A_837 = arith.constant 48 : index
      %swap3A_838 = tpu.vector_load %arg7[%swap3A_836, %swap3A_837] {strides = array<i32>} : memref<16x64xf32, #tpu.memory_space<vmem>>, vector<1x16xf32>,
      %swap3A_839 = vector.shape_cast %swap3A_838 : vector<1x16xf32> to vector<16xf32>
      %swap3A_840 = vector.shape_cast %get3A_834 : vector<16xf32> to vector<1x16xf32>
      tpu.vector_store %arg7[%swap3A_836, %swap3A_837], %swap3A_840 {strides = array<i32>} : memref<16x64xf32, #tpu.memory_space<vmem>>, vector<1x16xf32>,
      %slice3A_841 = vector.extract_strided_slice %and3A_15 {offsets = [7], sizes = [1], strides = [1]} : vector<16xi32> to vector<1xi32>
      %squeeze3A_842 = vector.extract %slice3A_841[0] : i32 from vector<1xi32>
      %get3A_843 = arith.constant 7 : i32
      %get3A_844 = arith.index_cast %get3A_843 : i32 to index
      %get3A_845 = arith.index_cast %squeeze3A_842 : i32 to index
      %get3A_846 = arith.constant 0 : index
      %get3A_847 = tpu.vector_load %arg6[%get3A_844, %get3A_845, %get3A_846] {strides = array<i32>} : memref<16x8x64xf32, #tpu.memory_space<vmem>>, vector<1x1x16xf32>,
      %get3A_848 = vector.shape_cast %get3A_847 : vector<1x1x16xf32> to vector<16xf32>
      %swap3A_849 = arith.constant 7 : i32
      %swap3A_850 = arith.index_cast %swap3A_849 : i32 to index
      %swap3A_851 = arith.constant 0 : index
      %swap3A_852 = tpu.vector_load %arg7[%swap3A_850, %swap3A_851] {strides = array<i32>} : memref<16x64xf32, #tpu.memory_space<vmem>>, vector<1x16xf32>,
      %swap3A_853 = vector.shape_cast %swap3A_852 : vector<1x16xf32> to vector<16xf32>
      %swap3A_854 = vector.shape_cast %get3A_848 : vector<16xf32> to vector<1x16xf32>
      tpu.vector_store %arg7[%swap3A_850, %swap3A_851], %swap3A_854 {strides = array<i32>} : memref<16x64xf32, #tpu.memory_space<vmem>>, vector<1x16xf32>,
      %get3A_855 = arith.constant 7 : i32
      %get3A_856 = arith.index_cast %get3A_855 : i32 to index
      %get3A_857 = arith.index_cast %squeeze3A_842 : i32 to index
      %get3A_858 = arith.constant 16 : index
      %get3A_859 = tpu.vector_load %arg6[%get3A_856, %get3A_857, %get3A_858] {strides = array<i32>} : memref<16x8x64xf32, #tpu.memory_space<vmem>>, vector<1x1x16xf32>,
      %get3A_860 = vector.shape_cast %get3A_859 : vector<1x1x16xf32> to vector<16xf32>
      %swap3A_861 = arith.constant 7 : i32
      %swap3A_862 = arith.index_cast %swap3A_861 : i32 to index
      %swap3A_863 = arith.constant 16 : index
      %swap3A_864 = tpu.vector_load %arg7[%swap3A_862, %swap3A_863] {strides = array<i32>} : memref<16x64xf32, #tpu.memory_space<vmem>>, vector<1x16xf32>,
      %swap3A_865 = vector.shape_cast %swap3A_864 : vector<1x16xf32> to vector<16xf32>
      %swap3A_866 = vector.shape_cast %get3A_860 : vector<16xf32> to vector<1x16xf32>
      tpu.vector_store %arg7[%swap3A_862, %swap3A_863], %swap3A_866 {strides = array<i32>} : memref<16x64xf32, #tpu.memory_space<vmem>>, vector<1x16xf32>,
      %get3A_867 = arith.constant 7 : i32
      %get3A_868 = arith.index_cast %get3A_867 : i32 to index
      %get3A_869 = arith.index_cast %squeeze3A_842 : i32 to index
      %get3A_870 = arith.constant 32 : index
      %get3A_871 = tpu.vector_load %arg6[%get3A_868, %get3A_869, %get3A_870] {strides = array<i32>} : memref<16x8x64xf32, #tpu.memory_space<vmem>>, vector<1x1x16xf32>,
      %get3A_872 = vector.shape_cast %get3A_871 : vector<1x1x16xf32> to vector<16xf32>
      %swap3A_873 = arith.constant 7 : i32
      %swap3A_874 = arith.index_cast %swap3A_873 : i32 to index
      %swap3A_875 = arith.constant 32 : index
      %swap3A_876 = tpu.vector_load %arg7[%swap3A_874, %swap3A_875] {strides = array<i32>} : memref<16x64xf32, #tpu.memory_space<vmem>>, vector<1x16xf32>,
      %swap3A_877 = vector.shape_cast %swap3A_876 : vector<1x16xf32> to vector<16xf32>
      %swap3A_878 = vector.shape_cast %get3A_872 : vector<16xf32> to vector<1x16xf32>
      tpu.vector_store %arg7[%swap3A_874, %swap3A_875], %swap3A_878 {strides = array<i32>} : memref<16x64xf32, #tpu.memory_space<vmem>>, vector<1x16xf32>,
      %get3A_879 = arith.constant 7 : i32
      %get3A_880 = arith.index_cast %get3A_879 : i32 to index
      %get3A_881 = arith.index_cast %squeeze3A_842 : i32 to index
      %get3A_882 = arith.constant 48 : index
      %get3A_883 = tpu.vector_load %arg6[%get3A_880, %get3A_881, %get3A_882] {strides = array<i32>} : memref<16x8x64xf32, #tpu.memory_space<vmem>>, vector<1x1x16xf32>,
      %get3A_884 = vector.shape_cast %get3A_883 : vector<1x1x16xf32> to vector<16xf32>
      %swap3A_885 = arith.constant 7 : i32
      %swap3A_886 = arith.index_cast %swap3A_885 : i32 to index
      %swap3A_887 = arith.constant 48 : index
      %swap3A_888 = tpu.vector_load %arg7[%swap3A_886, %swap3A_887] {strides = array<i32>} : memref<16x64xf32, #tpu.memory_space<vmem>>, vector<1x16xf32>,
      %swap3A_889 = vector.shape_cast %swap3A_888 : vector<1x16xf32> to vector<16xf32>
      %swap3A_890 = vector.shape_cast %get3A_884 : vector<16xf32> to vector<1x16xf32>
      tpu.vector_store %arg7[%swap3A_886, %swap3A_887], %swap3A_890 {strides = array<i32>} : memref<16x64xf32, #tpu.memory_space<vmem>>, vector<1x16xf32>,
      %slice3A_891 = vector.extract_strided_slice %and3A_15 {offsets = [8], sizes = [1], strides = [1]} : vector<16xi32> to vector<1xi32>
      %squeeze3A_892 = vector.extract %slice3A_891[0] : i32 from vector<1xi32>
      %get3A_893 = arith.constant 8 : i32
      %get3A_894 = arith.index_cast %get3A_893 : i32 to index
      %get3A_895 = arith.index_cast %squeeze3A_892 : i32 to index
      %get3A_896 = arith.constant 0 : index
      %get3A_897 = tpu.vector_load %arg6[%get3A_894, %get3A_895, %get3A_896] {strides = array<i32>} : memref<16x8x64xf32, #tpu.memory_space<vmem>>, vector<1x1x16xf32>,
      %get3A_898 = vector.shape_cast %get3A_897 : vector<1x1x16xf32> to vector<16xf32>
      %swap3A_899 = arith.constant 8 : i32
      %swap3A_900 = arith.index_cast %swap3A_899 : i32 to index
      %swap3A_901 = arith.constant 0 : index
      %swap3A_902 = tpu.vector_load %arg7[%swap3A_900, %swap3A_901] {strides = array<i32>} : memref<16x64xf32, #tpu.memory_space<vmem>>, vector<1x16xf32>,
      %swap3A_903 = vector.shape_cast %swap3A_902 : vector<1x16xf32> to vector<16xf32>
      %swap3A_904 = vector.shape_cast %get3A_898 : vector<16xf32> to vector<1x16xf32>
      tpu.vector_store %arg7[%swap3A_900, %swap3A_901], %swap3A_904 {strides = array<i32>} : memref<16x64xf32, #tpu.memory_space<vmem>>, vector<1x16xf32>,
      %get3A_905 = arith.constant 8 : i32
      %get3A_906 = arith.index_cast %get3A_905 : i32 to index
      %get3A_907 = arith.index_cast %squeeze3A_892 : i32 to index
      %get3A_908 = arith.constant 16 : index
      %get3A_909 = tpu.vector_load %arg6[%get3A_906, %get3A_907, %get3A_908] {strides = array<i32>} : memref<16x8x64xf32, #tpu.memory_space<vmem>>, vector<1x1x16xf32>,
      %get3A_910 = vector.shape_cast %get3A_909 : vector<1x1x16xf32> to vector<16xf32>
      %swap3A_911 = arith.constant 8 : i32
      %swap3A_912 = arith.index_cast %swap3A_911 : i32 to index
      %swap3A_913 = arith.constant 16 : index
      %swap3A_914 = tpu.vector_load %arg7[%swap3A_912, %swap3A_913] {strides = array<i32>} : memref<16x64xf32, #tpu.memory_space<vmem>>, vector<1x16xf32>,
      %swap3A_915 = vector.shape_cast %swap3A_914 : vector<1x16xf32> to vector<16xf32>
      %swap3A_916 = vector.shape_cast %get3A_910 : vector<16xf32> to vector<1x16xf32>
      tpu.vector_store %arg7[%swap3A_912, %swap3A_913], %swap3A_916 {strides = array<i32>} : memref<16x64xf32, #tpu.memory_space<vmem>>, vector<1x16xf32>,
      %get3A_917 = arith.constant 8 : i32
      %get3A_918 = arith.index_cast %get3A_917 : i32 to index
      %get3A_919 = arith.index_cast %squeeze3A_892 : i32 to index
      %get3A_920 = arith.constant 32 : index
      %get3A_921 = tpu.vector_load %arg6[%get3A_918, %get3A_919, %get3A_920] {strides = array<i32>} : memref<16x8x64xf32, #tpu.memory_space<vmem>>, vector<1x1x16xf32>,
      %get3A_922 = vector.shape_cast %get3A_921 : vector<1x1x16xf32> to vector<16xf32>
      %swap3A_923 = arith.constant 8 : i32
      %swap3A_924 = arith.index_cast %swap3A_923 : i32 to index
      %swap3A_925 = arith.constant 32 : index
      %swap3A_926 = tpu.vector_load %arg7[%swap3A_924, %swap3A_925] {strides = array<i32>} : memref<16x64xf32, #tpu.memory_space<vmem>>, vector<1x16xf32>,
      %swap3A_927 = vector.shape_cast %swap3A_926 : vector<1x16xf32> to vector<16xf32>
      %swap3A_928 = vector.shape_cast %get3A_922 : vector<16xf32> to vector<1x16xf32>
      tpu.vector_store %arg7[%swap3A_924, %swap3A_925], %swap3A_928 {strides = array<i32>} : memref<16x64xf32, #tpu.memory_space<vmem>>, vector<1x16xf32>,
      %get3A_929 = arith.constant 8 : i32
      %get3A_930 = arith.index_cast %get3A_929 : i32 to index
      %get3A_931 = arith.index_cast %squeeze3A_892 : i32 to index
      %get3A_932 = arith.constant 48 : index
      %get3A_933 = tpu.vector_load %arg6[%get3A_930, %get3A_931, %get3A_932] {strides = array<i32>} : memref<16x8x64xf32, #tpu.memory_space<vmem>>, vector<1x1x16xf32>,
      %get3A_934 = vector.shape_cast %get3A_933 : vector<1x1x16xf32> to vector<16xf32>
      %swap3A_935 = arith.constant 8 : i32
      %swap3A_936 = arith.index_cast %swap3A_935 : i32 to index
      %swap3A_937 = arith.constant 48 : index
      %swap3A_938 = tpu.vector_load %arg7[%swap3A_936, %swap3A_937] {strides = array<i32>} : memref<16x64xf32, #tpu.memory_space<vmem>>, vector<1x16xf32>,
      %swap3A_939 = vector.shape_cast %swap3A_938 : vector<1x16xf32> to vector<16xf32>
      %swap3A_940 = vector.shape_cast %get3A_934 : vector<16xf32> to vector<1x16xf32>
      tpu.vector_store %arg7[%swap3A_936, %swap3A_937], %swap3A_940 {strides = array<i32>} : memref<16x64xf32, #tpu.memory_space<vmem>>, vector<1x16xf32>,
      %slice3A_941 = vector.extract_strided_slice %and3A_15 {offsets = [9], sizes = [1], strides = [1]} : vector<16xi32> to vector<1xi32>
      %squeeze3A_942 = vector.extract %slice3A_941[0] : i32 from vector<1xi32>
      %get3A_943 = arith.constant 9 : i32
      %get3A_944 = arith.index_cast %get3A_943 : i32 to index
      %get3A_945 = arith.index_cast %squeeze3A_942 : i32 to index
      %get3A_946 = arith.constant 0 : index
      %get3A_947 = tpu.vector_load %arg6[%get3A_944, %get3A_945, %get3A_946] {strides = array<i32>} : memref<16x8x64xf32, #tpu.memory_space<vmem>>, vector<1x1x16xf32>,
      %get3A_948 = vector.shape_cast %get3A_947 : vector<1x1x16xf32> to vector<16xf32>
      %swap3A_949 = arith.constant 9 : i32
      %swap3A_950 = arith.index_cast %swap3A_949 : i32 to index
      %swap3A_951 = arith.constant 0 : index
      %swap3A_952 = tpu.vector_load %arg7[%swap3A_950, %swap3A_951] {strides = array<i32>} : memref<16x64xf32, #tpu.memory_space<vmem>>, vector<1x16xf32>,
      %swap3A_953 = vector.shape_cast %swap3A_952 : vector<1x16xf32> to vector<16xf32>
      %swap3A_954 = vector.shape_cast %get3A_948 : vector<16xf32> to vector<1x16xf32>
      tpu.vector_store %arg7[%swap3A_950, %swap3A_951], %swap3A_954 {strides = array<i32>} : memref<16x64xf32, #tpu.memory_space<vmem>>, vector<1x16xf32>,
      %get3A_955 = arith.constant 9 : i32
      %get3A_956 = arith.index_cast %get3A_955 : i32 to index
      %get3A_957 = arith.index_cast %squeeze3A_942 : i32 to index
      %get3A_958 = arith.constant 16 : index
      %get3A_959 = tpu.vector_load %arg6[%get3A_956, %get3A_957, %get3A_958] {strides = array<i32>} : memref<16x8x64xf32, #tpu.memory_space<vmem>>, vector<1x1x16xf32>,
      %get3A_960 = vector.shape_cast %get3A_959 : vector<1x1x16xf32> to vector<16xf32>
      %swap3A_961 = arith.constant 9 : i32
      %swap3A_962 = arith.index_cast %swap3A_961 : i32 to index
      %swap3A_963 = arith.constant 16 : index
      %swap3A_964 = tpu.vector_load %arg7[%swap3A_962, %swap3A_963] {strides = array<i32>} : memref<16x64xf32, #tpu.memory_space<vmem>>, vector<1x16xf32>,
      %swap3A_965 = vector.shape_cast %swap3A_964 : vector<1x16xf32> to vector<16xf32>
      %swap3A_966 = vector.shape_cast %get3A_960 : vector<16xf32> to vector<1x16xf32>
      tpu.vector_store %arg7[%swap3A_962, %swap3A_963], %swap3A_966 {strides = array<i32>} : memref<16x64xf32, #tpu.memory_space<vmem>>, vector<1x16xf32>,
      %get3A_967 = arith.constant 9 : i32
      %get3A_968 = arith.index_cast %get3A_967 : i32 to index
      %get3A_969 = arith.index_cast %squeeze3A_942 : i32 to index
      %get3A_970 = arith.constant 32 : index
      %get3A_971 = tpu.vector_load %arg6[%get3A_968, %get3A_969, %get3A_970] {strides = array<i32>} : memref<16x8x64xf32, #tpu.memory_space<vmem>>, vector<1x1x16xf32>,
      %get3A_972 = vector.shape_cast %get3A_971 : vector<1x1x16xf32> to vector<16xf32>
      %swap3A_973 = arith.constant 9 : i32
      %swap3A_974 = arith.index_cast %swap3A_973 : i32 to index
      %swap3A_975 = arith.constant 32 : index
      %swap3A_976 = tpu.vector_load %arg7[%swap3A_974, %swap3A_975] {strides = array<i32>} : memref<16x64xf32, #tpu.memory_space<vmem>>, vector<1x16xf32>,
      %swap3A_977 = vector.shape_cast %swap3A_976 : vector<1x16xf32> to vector<16xf32>
      %swap3A_978 = vector.shape_cast %get3A_972 : vector<16xf32> to vector<1x16xf32>
      tpu.vector_store %arg7[%swap3A_974, %swap3A_975], %swap3A_978 {strides = array<i32>} : memref<16x64xf32, #tpu.memory_space<vmem>>, vector<1x16xf32>,
      %get3A_979 = arith.constant 9 : i32
      %get3A_980 = arith.index_cast %get3A_979 : i32 to index
      %get3A_981 = arith.index_cast %squeeze3A_942 : i32 to index
      %get3A_982 = arith.constant 48 : index
      %get3A_983 = tpu.vector_load %arg6[%get3A_980, %get3A_981, %get3A_982] {strides = array<i32>} : memref<16x8x64xf32, #tpu.memory_space<vmem>>, vector<1x1x16xf32>,
      %get3A_984 = vector.shape_cast %get3A_983 : vector<1x1x16xf32> to vector<16xf32>
      %swap3A_985 = arith.constant 9 : i32
      %swap3A_986 = arith.index_cast %swap3A_985 : i32 to index
      %swap3A_987 = arith.constant 48 : index
      %swap3A_988 = tpu.vector_load %arg7[%swap3A_986, %swap3A_987] {strides = array<i32>} : memref<16x64xf32, #tpu.memory_space<vmem>>, vector<1x16xf32>,
      %swap3A_989 = vector.shape_cast %swap3A_988 : vector<1x16xf32> to vector<16xf32>
      %swap3A_990 = vector.shape_cast %get3A_984 : vector<16xf32> to vector<1x16xf32>
      tpu.vector_store %arg7[%swap3A_986, %swap3A_987], %swap3A_990 {strides = array<i32>} : memref<16x64xf32, #tpu.memory_space<vmem>>, vector<1x16xf32>,
      %slice3A_991 = vector.extract_strided_slice %and3A_15 {offsets = [10], sizes = [1], strides = [1]} : vector<16xi32> to vector<1xi32>
      %squeeze3A_992 = vector.extract %slice3A_991[0] : i32 from vector<1xi32>
      %get3A_993 = arith.constant 10 : i32
      %get3A_994 = arith.index_cast %get3A_993 : i32 to index
      %get3A_995 = arith.index_cast %squeeze3A_992 : i32 to index
      %get3A_996 = arith.constant 0 : index
      %get3A_997 = tpu.vector_load %arg6[%get3A_994, %get3A_995, %get3A_996] {strides = array<i32>} : memref<16x8x64xf32, #tpu.memory_space<vmem>>, vector<1x1x16xf32>,
      %get3A_998 = vector.shape_cast %get3A_997 : vector<1x1x16xf32> to vector<16xf32>
      %swap3A_999 = arith.constant 10 : i32
      %swap3A_1000 = arith.index_cast %swap3A_999 : i32 to index
      %swap3A_1001 = arith.constant 0 : index
      %swap3A_1002 = tpu.vector_load %arg7[%swap3A_1000, %swap3A_1001] {strides = array<i32>} : memref<16x64xf32, #tpu.memory_space<vmem>>, vector<1x16xf32>,
      %swap3A_1003 = vector.shape_cast %swap3A_1002 : vector<1x16xf32> to vector<16xf32>
      %swap3A_1004 = vector.shape_cast %get3A_998 : vector<16xf32> to vector<1x16xf32>
      tpu.vector_store %arg7[%swap3A_1000, %swap3A_1001], %swap3A_1004 {strides = array<i32>} : memref<16x64xf32, #tpu.memory_space<vmem>>, vector<1x16xf32>,
      %get3A_1005 = arith.constant 10 : i32
      %get3A_1006 = arith.index_cast %get3A_1005 : i32 to index
      %get3A_1007 = arith.index_cast %squeeze3A_992 : i32 to index
      %get3A_1008 = arith.constant 16 : index
      %get3A_1009 = tpu.vector_load %arg6[%get3A_1006, %get3A_1007, %get3A_1008] {strides = array<i32>} : memref<16x8x64xf32, #tpu.memory_space<vmem>>, vector<1x1x16xf32>,
      %get3A_1010 = vector.shape_cast %get3A_1009 : vector<1x1x16xf32> to vector<16xf32>
      %swap3A_1011 = arith.constant 10 : i32
      %swap3A_1012 = arith.index_cast %swap3A_1011 : i32 to index
      %swap3A_1013 = arith.constant 16 : index
      %swap3A_1014 = tpu.vector_load %arg7[%swap3A_1012, %swap3A_1013] {strides = array<i32>} : memref<16x64xf32, #tpu.memory_space<vmem>>, vector<1x16xf32>,
      %swap3A_1015 = vector.shape_cast %swap3A_1014 : vector<1x16xf32> to vector<16xf32>
      %swap3A_1016 = vector.shape_cast %get3A_1010 : vector<16xf32> to vector<1x16xf32>
      tpu.vector_store %arg7[%swap3A_1012, %swap3A_1013], %swap3A_1016 {strides = array<i32>} : memref<16x64xf32, #tpu.memory_space<vmem>>, vector<1x16xf32>,
      %get3A_1017 = arith.constant 10 : i32
      %get3A_1018 = arith.index_cast %get3A_1017 : i32 to index
      %get3A_1019 = arith.index_cast %squeeze3A_992 : i32 to index
      %get3A_1020 = arith.constant 32 : index
      %get3A_1021 = tpu.vector_load %arg6[%get3A_1018, %get3A_1019, %get3A_1020] {strides = array<i32>} : memref<16x8x64xf32, #tpu.memory_space<vmem>>, vector<1x1x16xf32>,
      %get3A_1022 = vector.shape_cast %get3A_1021 : vector<1x1x16xf32> to vector<16xf32>
      %swap3A_1023 = arith.constant 10 : i32
      %swap3A_1024 = arith.index_cast %swap3A_1023 : i32 to index
      %swap3A_1025 = arith.constant 32 : index
      %swap3A_1026 = tpu.vector_load %arg7[%swap3A_1024, %swap3A_1025] {strides = array<i32>} : memref<16x64xf32, #tpu.memory_space<vmem>>, vector<1x16xf32>,
      %swap3A_1027 = vector.shape_cast %swap3A_1026 : vector<1x16xf32> to vector<16xf32>
      %swap3A_1028 = vector.shape_cast %get3A_1022 : vector<16xf32> to vector<1x16xf32>
      tpu.vector_store %arg7[%swap3A_1024, %swap3A_1025], %swap3A_1028 {strides = array<i32>} : memref<16x64xf32, #tpu.memory_space<vmem>>, vector<1x16xf32>,
      %get3A_1029 = arith.constant 10 : i32
      %get3A_1030 = arith.index_cast %get3A_1029 : i32 to index
      %get3A_1031 = arith.index_cast %squeeze3A_992 : i32 to index
      %get3A_1032 = arith.constant 48 : index
      %get3A_1033 = tpu.vector_load %arg6[%get3A_1030, %get3A_1031, %get3A_1032] {strides = array<i32>} : memref<16x8x64xf32, #tpu.memory_space<vmem>>, vector<1x1x16xf32>,
      %get3A_1034 = vector.shape_cast %get3A_1033 : vector<1x1x16xf32> to vector<16xf32>
      %swap3A_1035 = arith.constant 10 : i32
      %swap3A_1036 = arith.index_cast %swap3A_1035 : i32 to index
      %swap3A_1037 = arith.constant 48 : index
      %swap3A_1038 = tpu.vector_load %arg7[%swap3A_1036, %swap3A_1037] {strides = array<i32>} : memref<16x64xf32, #tpu.memory_space<vmem>>, vector<1x16xf32>,
      %swap3A_1039 = vector.shape_cast %swap3A_1038 : vector<1x16xf32> to vector<16xf32>
      %swap3A_1040 = vector.shape_cast %get3A_1034 : vector<16xf32> to vector<1x16xf32>
      tpu.vector_store %arg7[%swap3A_1036, %swap3A_1037], %swap3A_1040 {strides = array<i32>} : memref<16x64xf32, #tpu.memory_space<vmem>>, vector<1x16xf32>,
      %slice3A_1041 = vector.extract_strided_slice %and3A_15 {offsets = [11], sizes = [1], strides = [1]} : vector<16xi32> to vector<1xi32>
      %squeeze3A_1042 = vector.extract %slice3A_1041[0] : i32 from vector<1xi32>
      %get3A_1043 = arith.constant 11 : i32
      %get3A_1044 = arith.index_cast %get3A_1043 : i32 to index
      %get3A_1045 = arith.index_cast %squeeze3A_1042 : i32 to index
      %get3A_1046 = arith.constant 0 : index
      %get3A_1047 = tpu.vector_load %arg6[%get3A_1044, %get3A_1045, %get3A_1046] {strides = array<i32>} : memref<16x8x64xf32, #tpu.memory_space<vmem>>, vector<1x1x16xf32>,
      %get3A_1048 = vector.shape_cast %get3A_1047 : vector<1x1x16xf32> to vector<16xf32>
      %swap3A_1049 = arith.constant 11 : i32
      %swap3A_1050 = arith.index_cast %swap3A_1049 : i32 to index
      %swap3A_1051 = arith.constant 0 : index
      %swap3A_1052 = tpu.vector_load %arg7[%swap3A_1050, %swap3A_1051] {strides = array<i32>} : memref<16x64xf32, #tpu.memory_space<vmem>>, vector<1x16xf32>,
      %swap3A_1053 = vector.shape_cast %swap3A_1052 : vector<1x16xf32> to vector<16xf32>
      %swap3A_1054 = vector.shape_cast %get3A_1048 : vector<16xf32> to vector<1x16xf32>
      tpu.vector_store %arg7[%swap3A_1050, %swap3A_1051], %swap3A_1054 {strides = array<i32>} : memref<16x64xf32, #tpu.memory_space<vmem>>, vector<1x16xf32>,
      %get3A_1055 = arith.constant 11 : i32
      %get3A_1056 = arith.index_cast %get3A_1055 : i32 to index
      %get3A_1057 = arith.index_cast %squeeze3A_1042 : i32 to index
      %get3A_1058 = arith.constant 16 : index
      %get3A_1059 = tpu.vector_load %arg6[%get3A_1056, %get3A_1057, %get3A_1058] {strides = array<i32>} : memref<16x8x64xf32, #tpu.memory_space<vmem>>, vector<1x1x16xf32>,
      %get3A_1060 = vector.shape_cast %get3A_1059 : vector<1x1x16xf32> to vector<16xf32>
      %swap3A_1061 = arith.constant 11 : i32
      %swap3A_1062 = arith.index_cast %swap3A_1061 : i32 to index
      %swap3A_1063 = arith.constant 16 : index
      %swap3A_1064 = tpu.vector_load %arg7[%swap3A_1062, %swap3A_1063] {strides = array<i32>} : memref<16x64xf32, #tpu.memory_space<vmem>>, vector<1x16xf32>,
      %swap3A_1065 = vector.shape_cast %swap3A_1064 : vector<1x16xf32> to vector<16xf32>
      %swap3A_1066 = vector.shape_cast %get3A_1060 : vector<16xf32> to vector<1x16xf32>
      tpu.vector_store %arg7[%swap3A_1062, %swap3A_1063], %swap3A_1066 {strides = array<i32>} : memref<16x64xf32, #tpu.memory_space<vmem>>, vector<1x16xf32>,
      %get3A_1067 = arith.constant 11 : i32
      %get3A_1068 = arith.index_cast %get3A_1067 : i32 to index
      %get3A_1069 = arith.index_cast %squeeze3A_1042 : i32 to index
      %get3A_1070 = arith.constant 32 : index
      %get3A_1071 = tpu.vector_load %arg6[%get3A_1068, %get3A_1069, %get3A_1070] {strides = array<i32>} : memref<16x8x64xf32, #tpu.memory_space<vmem>>, vector<1x1x16xf32>,
      %get3A_1072 = vector.shape_cast %get3A_1071 : vector<1x1x16xf32> to vector<16xf32>
      %swap3A_1073 = arith.constant 11 : i32
      %swap3A_1074 = arith.index_cast %swap3A_1073 : i32 to index
      %swap3A_1075 = arith.constant 32 : index
      %swap3A_1076 = tpu.vector_load %arg7[%swap3A_1074, %swap3A_1075] {strides = array<i32>} : memref<16x64xf32, #tpu.memory_space<vmem>>, vector<1x16xf32>,
      %swap3A_1077 = vector.shape_cast %swap3A_1076 : vector<1x16xf32> to vector<16xf32>
      %swap3A_1078 = vector.shape_cast %get3A_1072 : vector<16xf32> to vector<1x16xf32>
      tpu.vector_store %arg7[%swap3A_1074, %swap3A_1075], %swap3A_1078 {strides = array<i32>} : memref<16x64xf32, #tpu.memory_space<vmem>>, vector<1x16xf32>,
      %get3A_1079 = arith.constant 11 : i32
      %get3A_1080 = arith.index_cast %get3A_1079 : i32 to index
      %get3A_1081 = arith.index_cast %squeeze3A_1042 : i32 to index
      %get3A_1082 = arith.constant 48 : index
      %get3A_1083 = tpu.vector_load %arg6[%get3A_1080, %get3A_1081, %get3A_1082] {strides = array<i32>} : memref<16x8x64xf32, #tpu.memory_space<vmem>>, vector<1x1x16xf32>,
      %get3A_1084 = vector.shape_cast %get3A_1083 : vector<1x1x16xf32> to vector<16xf32>
      %swap3A_1085 = arith.constant 11 : i32
      %swap3A_1086 = arith.index_cast %swap3A_1085 : i32 to index
      %swap3A_1087 = arith.constant 48 : index
      %swap3A_1088 = tpu.vector_load %arg7[%swap3A_1086, %swap3A_1087] {strides = array<i32>} : memref<16x64xf32, #tpu.memory_space<vmem>>, vector<1x16xf32>,
      %swap3A_1089 = vector.shape_cast %swap3A_1088 : vector<1x16xf32> to vector<16xf32>
      %swap3A_1090 = vector.shape_cast %get3A_1084 : vector<16xf32> to vector<1x16xf32>
      tpu.vector_store %arg7[%swap3A_1086, %swap3A_1087], %swap3A_1090 {strides = array<i32>} : memref<16x64xf32, #tpu.memory_space<vmem>>, vector<1x16xf32>,
      %slice3A_1091 = vector.extract_strided_slice %and3A_15 {offsets = [12], sizes = [1], strides = [1]} : vector<16xi32> to vector<1xi32>
      %squeeze3A_1092 = vector.extract %slice3A_1091[0] : i32 from vector<1xi32>
      %get3A_1093 = arith.constant 12 : i32
      %get3A_1094 = arith.index_cast %get3A_1093 : i32 to index
      %get3A_1095 = arith.index_cast %squeeze3A_1092 : i32 to index
      %get3A_1096 = arith.constant 0 : index
      %get3A_1097 = tpu.vector_load %arg6[%get3A_1094, %get3A_1095, %get3A_1096] {strides = array<i32>} : memref<16x8x64xf32, #tpu.memory_space<vmem>>, vector<1x1x16xf32>,
      %get3A_1098 = vector.shape_cast %get3A_1097 : vector<1x1x16xf32> to vector<16xf32>
      %swap3A_1099 = arith.constant 12 : i32
      %swap3A_1100 = arith.index_cast %swap3A_1099 : i32 to index
      %swap3A_1101 = arith.constant 0 : index
      %swap3A_1102 = tpu.vector_load %arg7[%swap3A_1100, %swap3A_1101] {strides = array<i32>} : memref<16x64xf32, #tpu.memory_space<vmem>>, vector<1x16xf32>,
      %swap3A_1103 = vector.shape_cast %swap3A_1102 : vector<1x16xf32> to vector<16xf32>
      %swap3A_1104 = vector.shape_cast %get3A_1098 : vector<16xf32> to vector<1x16xf32>
      tpu.vector_store %arg7[%swap3A_1100, %swap3A_1101], %swap3A_1104 {strides = array<i32>} : memref<16x64xf32, #tpu.memory_space<vmem>>, vector<1x16xf32>,
      %get3A_1105 = arith.constant 12 : i32
      %get3A_1106 = arith.index_cast %get3A_1105 : i32 to index
      %get3A_1107 = arith.index_cast %squeeze3A_1092 : i32 to index
      %get3A_1108 = arith.constant 16 : index
      %get3A_1109 = tpu.vector_load %arg6[%get3A_1106, %get3A_1107, %get3A_1108] {strides = array<i32>} : memref<16x8x64xf32, #tpu.memory_space<vmem>>, vector<1x1x16xf32>,
      %get3A_1110 = vector.shape_cast %get3A_1109 : vector<1x1x16xf32> to vector<16xf32>
      %swap3A_1111 = arith.constant 12 : i32
      %swap3A_1112 = arith.index_cast %swap3A_1111 : i32 to index
      %swap3A_1113 = arith.constant 16 : index
      %swap3A_1114 = tpu.vector_load %arg7[%swap3A_1112, %swap3A_1113] {strides = array<i32>} : memref<16x64xf32, #tpu.memory_space<vmem>>, vector<1x16xf32>,
      %swap3A_1115 = vector.shape_cast %swap3A_1114 : vector<1x16xf32> to vector<16xf32>
      %swap3A_1116 = vector.shape_cast %get3A_1110 : vector<16xf32> to vector<1x16xf32>
      tpu.vector_store %arg7[%swap3A_1112, %swap3A_1113], %swap3A_1116 {strides = array<i32>} : memref<16x64xf32, #tpu.memory_space<vmem>>, vector<1x16xf32>,
      %get3A_1117 = arith.constant 12 : i32
      %get3A_1118 = arith.index_cast %get3A_1117 : i32 to index
      %get3A_1119 = arith.index_cast %squeeze3A_1092 : i32 to index
      %get3A_1120 = arith.constant 32 : index
      %get3A_1121 = tpu.vector_load %arg6[%get3A_1118, %get3A_1119, %get3A_1120] {strides = array<i32>} : memref<16x8x64xf32, #tpu.memory_space<vmem>>, vector<1x1x16xf32>,
      %get3A_1122 = vector.shape_cast %get3A_1121 : vector<1x1x16xf32> to vector<16xf32>
      %swap3A_1123 = arith.constant 12 : i32
      %swap3A_1124 = arith.index_cast %swap3A_1123 : i32 to index
      %swap3A_1125 = arith.constant 32 : index
      %swap3A_1126 = tpu.vector_load %arg7[%swap3A_1124, %swap3A_1125] {strides = array<i32>} : memref<16x64xf32, #tpu.memory_space<vmem>>, vector<1x16xf32>,
      %swap3A_1127 = vector.shape_cast %swap3A_1126 : vector<1x16xf32> to vector<16xf32>
      %swap3A_1128 = vector.shape_cast %get3A_1122 : vector<16xf32> to vector<1x16xf32>
      tpu.vector_store %arg7[%swap3A_1124, %swap3A_1125], %swap3A_1128 {strides = array<i32>} : memref<16x64xf32, #tpu.memory_space<vmem>>, vector<1x16xf32>,
      %get3A_1129 = arith.constant 12 : i32
      %get3A_1130 = arith.index_cast %get3A_1129 : i32 to index
      %get3A_1131 = arith.index_cast %squeeze3A_1092 : i32 to index
      %get3A_1132 = arith.constant 48 : index
      %get3A_1133 = tpu.vector_load %arg6[%get3A_1130, %get3A_1131, %get3A_1132] {strides = array<i32>} : memref<16x8x64xf32, #tpu.memory_space<vmem>>, vector<1x1x16xf32>,
      %get3A_1134 = vector.shape_cast %get3A_1133 : vector<1x1x16xf32> to vector<16xf32>
      %swap3A_1135 = arith.constant 12 : i32
      %swap3A_1136 = arith.index_cast %swap3A_1135 : i32 to index
      %swap3A_1137 = arith.constant 48 : index
      %swap3A_1138 = tpu.vector_load %arg7[%swap3A_1136, %swap3A_1137] {strides = array<i32>} : memref<16x64xf32, #tpu.memory_space<vmem>>, vector<1x16xf32>,
      %swap3A_1139 = vector.shape_cast %swap3A_1138 : vector<1x16xf32> to vector<16xf32>
      %swap3A_1140 = vector.shape_cast %get3A_1134 : vector<16xf32> to vector<1x16xf32>
      tpu.vector_store %arg7[%swap3A_1136, %swap3A_1137], %swap3A_1140 {strides = array<i32>} : memref<16x64xf32, #tpu.memory_space<vmem>>, vector<1x16xf32>,
      %slice3A_1141 = vector.extract_strided_slice %and3A_15 {offsets = [13], sizes = [1], strides = [1]} : vector<16xi32> to vector<1xi32>
      %squeeze3A_1142 = vector.extract %slice3A_1141[0] : i32 from vector<1xi32>
      %get3A_1143 = arith.constant 13 : i32
      %get3A_1144 = arith.index_cast %get3A_1143 : i32 to index
      %get3A_1145 = arith.index_cast %squeeze3A_1142 : i32 to index
      %get3A_1146 = arith.constant 0 : index
      %get3A_1147 = tpu.vector_load %arg6[%get3A_1144, %get3A_1145, %get3A_1146] {strides = array<i32>} : memref<16x8x64xf32, #tpu.memory_space<vmem>>, vector<1x1x16xf32>,
      %get3A_1148 = vector.shape_cast %get3A_1147 : vector<1x1x16xf32> to vector<16xf32>
      %swap3A_1149 = arith.constant 13 : i32
      %swap3A_1150 = arith.index_cast %swap3A_1149 : i32 to index
      %swap3A_1151 = arith.constant 0 : index
      %swap3A_1152 = tpu.vector_load %arg7[%swap3A_1150, %swap3A_1151] {strides = array<i32>} : memref<16x64xf32, #tpu.memory_space<vmem>>, vector<1x16xf32>,
      %swap3A_1153 = vector.shape_cast %swap3A_1152 : vector<1x16xf32> to vector<16xf32>
      %swap3A_1154 = vector.shape_cast %get3A_1148 : vector<16xf32> to vector<1x16xf32>
      tpu.vector_store %arg7[%swap3A_1150, %swap3A_1151], %swap3A_1154 {strides = array<i32>} : memref<16x64xf32, #tpu.memory_space<vmem>>, vector<1x16xf32>,
      %get3A_1155 = arith.constant 13 : i32
      %get3A_1156 = arith.index_cast %get3A_1155 : i32 to index
      %get3A_1157 = arith.index_cast %squeeze3A_1142 : i32 to index
      %get3A_1158 = arith.constant 16 : index
      %get3A_1159 = tpu.vector_load %arg6[%get3A_1156, %get3A_1157, %get3A_1158] {strides = array<i32>} : memref<16x8x64xf32, #tpu.memory_space<vmem>>, vector<1x1x16xf32>,
      %get3A_1160 = vector.shape_cast %get3A_1159 : vector<1x1x16xf32> to vector<16xf32>
      %swap3A_1161 = arith.constant 13 : i32
      %swap3A_1162 = arith.index_cast %swap3A_1161 : i32 to index
      %swap3A_1163 = arith.constant 16 : index
      %swap3A_1164 = tpu.vector_load %arg7[%swap3A_1162, %swap3A_1163] {strides = array<i32>} : memref<16x64xf32, #tpu.memory_space<vmem>>, vector<1x16xf32>,
      %swap3A_1165 = vector.shape_cast %swap3A_1164 : vector<1x16xf32> to vector<16xf32>
      %swap3A_1166 = vector.shape_cast %get3A_1160 : vector<16xf32> to vector<1x16xf32>
      tpu.vector_store %arg7[%swap3A_1162, %swap3A_1163], %swap3A_1166 {strides = array<i32>} : memref<16x64xf32, #tpu.memory_space<vmem>>, vector<1x16xf32>,
      %get3A_1167 = arith.constant 13 : i32
      %get3A_1168 = arith.index_cast %get3A_1167 : i32 to index
      %get3A_1169 = arith.index_cast %squeeze3A_1142 : i32 to index
      %get3A_1170 = arith.constant 32 : index
      %get3A_1171 = tpu.vector_load %arg6[%get3A_1168, %get3A_1169, %get3A_1170] {strides = array<i32>} : memref<16x8x64xf32, #tpu.memory_space<vmem>>, vector<1x1x16xf32>,
      %get3A_1172 = vector.shape_cast %get3A_1171 : vector<1x1x16xf32> to vector<16xf32>
      %swap3A_1173 = arith.constant 13 : i32
      %swap3A_1174 = arith.index_cast %swap3A_1173 : i32 to index
      %swap3A_1175 = arith.constant 32 : index
      %swap3A_1176 = tpu.vector_load %arg7[%swap3A_1174, %swap3A_1175] {strides = array<i32>} : memref<16x64xf32, #tpu.memory_space<vmem>>, vector<1x16xf32>,
      %swap3A_1177 = vector.shape_cast %swap3A_1176 : vector<1x16xf32> to vector<16xf32>
      %swap3A_1178 = vector.shape_cast %get3A_1172 : vector<16xf32> to vector<1x16xf32>
      tpu.vector_store %arg7[%swap3A_1174, %swap3A_1175], %swap3A_1178 {strides = array<i32>} : memref<16x64xf32, #tpu.memory_space<vmem>>, vector<1x16xf32>,
      %get3A_1179 = arith.constant 13 : i32
      %get3A_1180 = arith.index_cast %get3A_1179 : i32 to index
      %get3A_1181 = arith.index_cast %squeeze3A_1142 : i32 to index
      %get3A_1182 = arith.constant 48 : index
      %get3A_1183 = tpu.vector_load %arg6[%get3A_1180, %get3A_1181, %get3A_1182] {strides = array<i32>} : memref<16x8x64xf32, #tpu.memory_space<vmem>>, vector<1x1x16xf32>,
      %get3A_1184 = vector.shape_cast %get3A_1183 : vector<1x1x16xf32> to vector<16xf32>
      %swap3A_1185 = arith.constant 13 : i32
      %swap3A_1186 = arith.index_cast %swap3A_1185 : i32 to index
      %swap3A_1187 = arith.constant 48 : index
      %swap3A_1188 = tpu.vector_load %arg7[%swap3A_1186, %swap3A_1187] {strides = array<i32>} : memref<16x64xf32, #tpu.memory_space<vmem>>, vector<1x16xf32>,
      %swap3A_1189 = vector.shape_cast %swap3A_1188 : vector<1x16xf32> to vector<16xf32>
      %swap3A_1190 = vector.shape_cast %get3A_1184 : vector<16xf32> to vector<1x16xf32>
      tpu.vector_store %arg7[%swap3A_1186, %swap3A_1187], %swap3A_1190 {strides = array<i32>} : memref<16x64xf32, #tpu.memory_space<vmem>>, vector<1x16xf32>,
      %slice3A_1191 = vector.extract_strided_slice %and3A_15 {offsets = [14], sizes = [1], strides = [1]} : vector<16xi32> to vector<1xi32>
      %squeeze3A_1192 = vector.extract %slice3A_1191[0] : i32 from vector<1xi32>
      %get3A_1193 = arith.constant 14 : i32
      %get3A_1194 = arith.index_cast %get3A_1193 : i32 to index
      %get3A_1195 = arith.index_cast %squeeze3A_1192 : i32 to index
      %get3A_1196 = arith.constant 0 : index
      %get3A_1197 = tpu.vector_load %arg6[%get3A_1194, %get3A_1195, %get3A_1196] {strides = array<i32>} : memref<16x8x64xf32, #tpu.memory_space<vmem>>, vector<1x1x16xf32>,
      %get3A_1198 = vector.shape_cast %get3A_1197 : vector<1x1x16xf32> to vector<16xf32>
      %swap3A_1199 = arith.constant 14 : i32
      %swap3A_1200 = arith.index_cast %swap3A_1199 : i32 to index
      %swap3A_1201 = arith.constant 0 : index
      %swap3A_1202 = tpu.vector_load %arg7[%swap3A_1200, %swap3A_1201] {strides = array<i32>} : memref<16x64xf32, #tpu.memory_space<vmem>>, vector<1x16xf32>,
      %swap3A_1203 = vector.shape_cast %swap3A_1202 : vector<1x16xf32> to vector<16xf32>
      %swap3A_1204 = vector.shape_cast %get3A_1198 : vector<16xf32> to vector<1x16xf32>
      tpu.vector_store %arg7[%swap3A_1200, %swap3A_1201], %swap3A_1204 {strides = array<i32>} : memref<16x64xf32, #tpu.memory_space<vmem>>, vector<1x16xf32>,
      %get3A_1205 = arith.constant 14 : i32
      %get3A_1206 = arith.index_cast %get3A_1205 : i32 to index
      %get3A_1207 = arith.index_cast %squeeze3A_1192 : i32 to index
      %get3A_1208 = arith.constant 16 : index
      %get3A_1209 = tpu.vector_load %arg6[%get3A_1206, %get3A_1207, %get3A_1208] {strides = array<i32>} : memref<16x8x64xf32, #tpu.memory_space<vmem>>, vector<1x1x16xf32>,
      %get3A_1210 = vector.shape_cast %get3A_1209 : vector<1x1x16xf32> to vector<16xf32>
      %swap3A_1211 = arith.constant 14 : i32
      %swap3A_1212 = arith.index_cast %swap3A_1211 : i32 to index
      %swap3A_1213 = arith.constant 16 : index
      %swap3A_1214 = tpu.vector_load %arg7[%swap3A_1212, %swap3A_1213] {strides = array<i32>} : memref<16x64xf32, #tpu.memory_space<vmem>>, vector<1x16xf32>,
      %swap3A_1215 = vector.shape_cast %swap3A_1214 : vector<1x16xf32> to vector<16xf32>
      %swap3A_1216 = vector.shape_cast %get3A_1210 : vector<16xf32> to vector<1x16xf32>
      tpu.vector_store %arg7[%swap3A_1212, %swap3A_1213], %swap3A_1216 {strides = array<i32>} : memref<16x64xf32, #tpu.memory_space<vmem>>, vector<1x16xf32>,
      %get3A_1217 = arith.constant 14 : i32
      %get3A_1218 = arith.index_cast %get3A_1217 : i32 to index
      %get3A_1219 = arith.index_cast %squeeze3A_1192 : i32 to index
      %get3A_1220 = arith.constant 32 : index
      %get3A_1221 = tpu.vector_load %arg6[%get3A_1218, %get3A_1219, %get3A_1220] {strides = array<i32>} : memref<16x8x64xf32, #tpu.memory_space<vmem>>, vector<1x1x16xf32>,
      %get3A_1222 = vector.shape_cast %get3A_1221 : vector<1x1x16xf32> to vector<16xf32>
      %swap3A_1223 = arith.constant 14 : i32
      %swap3A_1224 = arith.index_cast %swap3A_1223 : i32 to index
      %swap3A_1225 = arith.constant 32 : index
      %swap3A_1226 = tpu.vector_load %arg7[%swap3A_1224, %swap3A_1225] {strides = array<i32>} : memref<16x64xf32, #tpu.memory_space<vmem>>, vector<1x16xf32>,
      %swap3A_1227 = vector.shape_cast %swap3A_1226 : vector<1x16xf32> to vector<16xf32>
      %swap3A_1228 = vector.shape_cast %get3A_1222 : vector<16xf32> to vector<1x16xf32>
      tpu.vector_store %arg7[%swap3A_1224, %swap3A_1225], %swap3A_1228 {strides = array<i32>} : memref<16x64xf32, #tpu.memory_space<vmem>>, vector<1x16xf32>,
      %get3A_1229 = arith.constant 14 : i32
      %get3A_1230 = arith.index_cast %get3A_1229 : i32 to index
      %get3A_1231 = arith.index_cast %squeeze3A_1192 : i32 to index
      %get3A_1232 = arith.constant 48 : index
      %get3A_1233 = tpu.vector_load %arg6[%get3A_1230, %get3A_1231, %get3A_1232] {strides = array<i32>} : memref<16x8x64xf32, #tpu.memory_space<vmem>>, vector<1x1x16xf32>,
      %get3A_1234 = vector.shape_cast %get3A_1233 : vector<1x1x16xf32> to vector<16xf32>
      %swap3A_1235 = arith.constant 14 : i32
      %swap3A_1236 = arith.index_cast %swap3A_1235 : i32 to index
      %swap3A_1237 = arith.constant 48 : index
      %swap3A_1238 = tpu.vector_load %arg7[%swap3A_1236, %swap3A_1237] {strides = array<i32>} : memref<16x64xf32, #tpu.memory_space<vmem>>, vector<1x16xf32>,
      %swap3A_1239 = vector.shape_cast %swap3A_1238 : vector<1x16xf32> to vector<16xf32>
      %swap3A_1240 = vector.shape_cast %get3A_1234 : vector<16xf32> to vector<1x16xf32>
      tpu.vector_store %arg7[%swap3A_1236, %swap3A_1237], %swap3A_1240 {strides = array<i32>} : memref<16x64xf32, #tpu.memory_space<vmem>>, vector<1x16xf32>,
      %slice3A_1241 = vector.extract_strided_slice %and3A_15 {offsets = [15], sizes = [1], strides = [1]} : vector<16xi32> to vector<1xi32>
      %squeeze3A_1242 = vector.extract %slice3A_1241[0] : i32 from vector<1xi32>
      %get3A_1243 = arith.constant 15 : i32
      %get3A_1244 = arith.index_cast %get3A_1243 : i32 to index
      %get3A_1245 = arith.index_cast %squeeze3A_1242 : i32 to index
      %get3A_1246 = arith.constant 0 : index
      %get3A_1247 = tpu.vector_load %arg6[%get3A_1244, %get3A_1245, %get3A_1246] {strides = array<i32>} : memref<16x8x64xf32, #tpu.memory_space<vmem>>, vector<1x1x16xf32>,
      %get3A_1248 = vector.shape_cast %get3A_1247 : vector<1x1x16xf32> to vector<16xf32>
      %swap3A_1249 = arith.constant 15 : i32
      %swap3A_1250 = arith.index_cast %swap3A_1249 : i32 to index
      %swap3A_1251 = arith.constant 0 : index
      %swap3A_1252 = tpu.vector_load %arg7[%swap3A_1250, %swap3A_1251] {strides = array<i32>} : memref<16x64xf32, #tpu.memory_space<vmem>>, vector<1x16xf32>,
      %swap3A_1253 = vector.shape_cast %swap3A_1252 : vector<1x16xf32> to vector<16xf32>
      %swap3A_1254 = vector.shape_cast %get3A_1248 : vector<16xf32> to vector<1x16xf32>
      tpu.vector_store %arg7[%swap3A_1250, %swap3A_1251], %swap3A_1254 {strides = array<i32>} : memref<16x64xf32, #tpu.memory_space<vmem>>, vector<1x16xf32>,
      %get3A_1255 = arith.constant 15 : i32
      %get3A_1256 = arith.index_cast %get3A_1255 : i32 to index
      %get3A_1257 = arith.index_cast %squeeze3A_1242 : i32 to index
      %get3A_1258 = arith.constant 16 : index
      %get3A_1259 = tpu.vector_load %arg6[%get3A_1256, %get3A_1257, %get3A_1258] {strides = array<i32>} : memref<16x8x64xf32, #tpu.memory_space<vmem>>, vector<1x1x16xf32>,
      %get3A_1260 = vector.shape_cast %get3A_1259 : vector<1x1x16xf32> to vector<16xf32>
      %swap3A_1261 = arith.constant 15 : i32
      %swap3A_1262 = arith.index_cast %swap3A_1261 : i32 to index
      %swap3A_1263 = arith.constant 16 : index
      %swap3A_1264 = tpu.vector_load %arg7[%swap3A_1262, %swap3A_1263] {strides = array<i32>} : memref<16x64xf32, #tpu.memory_space<vmem>>, vector<1x16xf32>,
      %swap3A_1265 = vector.shape_cast %swap3A_1264 : vector<1x16xf32> to vector<16xf32>
      %swap3A_1266 = vector.shape_cast %get3A_1260 : vector<16xf32> to vector<1x16xf32>
      tpu.vector_store %arg7[%swap3A_1262, %swap3A_1263], %swap3A_1266 {strides = array<i32>} : memref<16x64xf32, #tpu.memory_space<vmem>>, vector<1x16xf32>,
      %get3A_1267 = arith.constant 15 : i32
      %get3A_1268 = arith.index_cast %get3A_1267 : i32 to index
      %get3A_1269 = arith.index_cast %squeeze3A_1242 : i32 to index
      %get3A_1270 = arith.constant 32 : index
      %get3A_1271 = tpu.vector_load %arg6[%get3A_1268, %get3A_1269, %get3A_1270] {strides = array<i32>} : memref<16x8x64xf32, #tpu.memory_space<vmem>>, vector<1x1x16xf32>,
      %get3A_1272 = vector.shape_cast %get3A_1271 : vector<1x1x16xf32> to vector<16xf32>
      %swap3A_1273 = arith.constant 15 : i32
      %swap3A_1274 = arith.index_cast %swap3A_1273 : i32 to index
      %swap3A_1275 = arith.constant 32 : index
      %swap3A_1276 = tpu.vector_load %arg7[%swap3A_1274, %swap3A_1275] {strides = array<i32>} : memref<16x64xf32, #tpu.memory_space<vmem>>, vector<1x16xf32>,
      %swap3A_1277 = vector.shape_cast %swap3A_1276 : vector<1x16xf32> to vector<16xf32>
      %swap3A_1278 = vector.shape_cast %get3A_1272 : vector<16xf32> to vector<1x16xf32>
      tpu.vector_store %arg7[%swap3A_1274, %swap3A_1275], %swap3A_1278 {strides = array<i32>} : memref<16x64xf32, #tpu.memory_space<vmem>>, vector<1x16xf32>,
      %get3A_1279 = arith.constant 15 : i32
      %get3A_1280 = arith.index_cast %get3A_1279 : i32 to index
      %get3A_1281 = arith.index_cast %squeeze3A_1242 : i32 to index
      %get3A_1282 = arith.constant 48 : index
      %get3A_1283 = tpu.vector_load %arg6[%get3A_1280, %get3A_1281, %get3A_1282] {strides = array<i32>} : memref<16x8x64xf32, #tpu.memory_space<vmem>>, vector<1x1x16xf32>,
      %get3A_1284 = vector.shape_cast %get3A_1283 : vector<1x1x16xf32> to vector<16xf32>
      %swap3A_1285 = arith.constant 15 : i32
      %swap3A_1286 = arith.index_cast %swap3A_1285 : i32 to index
      %swap3A_1287 = arith.constant 48 : index
      %swap3A_1288 = tpu.vector_load %arg7[%swap3A_1286, %swap3A_1287] {strides = array<i32>} : memref<16x64xf32, #tpu.memory_space<vmem>>, vector<1x16xf32>,
      %swap3A_1289 = vector.shape_cast %swap3A_1288 : vector<1x16xf32> to vector<16xf32>
      %swap3A_1290 = vector.shape_cast %get3A_1284 : vector<16xf32> to vector<1x16xf32>
      tpu.vector_store %arg7[%swap3A_1286, %swap3A_1287], %swap3A_1290 {strides = array<i32>} : memref<16x64xf32, #tpu.memory_space<vmem>>, vector<1x16xf32>,
      %add3A_1291 = arith.addi %mul3A_2, %mul3A_9 : i32
      "tpu.region"() ({
        %run_scoped3A = tpu.sem_alloc : memref<!tpu.dma_semaphore, #tpu.memory_space<semaphore_mem>>
        %dma_start3A_1292 = arith.constant 0 : i32
        %dma_start3A_1293 = tpu.memref_slice %arg4[%add3A_1291, %dma_start3A_1292] : memref<16384x64xf32, #tpu.memory_space<hbm>> -> memref<16x64xf32, #tpu.memory_space<hbm>>
        %dma_start3A_1294 = arith.constant 0 : i32
        %dma_start3A_1295 = tpu.memref_slice %arg4[%add3A_1291, %dma_start3A_1294] : memref<16384x64xf32, #tpu.memory_space<hbm>> -> memref<16x64xf32, #tpu.memory_space<hbm>>
        tpu.enqueue_dma source(%arg7 : memref<16x64xf32, #tpu.memory_space<vmem>>) target(%dma_start3A_1295 : memref<16x64xf32, #tpu.memory_space<hbm>>) target_semaphore(%run_scoped3A : memref<!tpu.dma_semaphore, #tpu.memory_space<semaphore_mem>>)
        %dma_wait3A_1296 = arith.constant 0 : i32
        %dma_wait3A_1297 = tpu.memref_slice %arg4[%add3A_1291, %dma_wait3A_1296] : memref<16384x64xf32, #tpu.memory_space<hbm>> -> memref<16x64xf32, #tpu.memory_space<hbm>>
        %dma_wait3A_1298 = arith.constant 0 : i32
        %dma_wait3A_1299 = tpu.memref_slice %arg4[%add3A_1291, %dma_wait3A_1298] : memref<16384x64xf32, #tpu.memory_space<hbm>> -> memref<16x64xf32, #tpu.memory_space<hbm>>
        tpu.wait_dma2 semaphore(%run_scoped3A : memref<!tpu.dma_semaphore, #tpu.memory_space<semaphore_mem>>) src(%arg7 : memref<16x64xf32, #tpu.memory_space<vmem>>) dst(%dma_wait3A_1299 : memref<16x64xf32, #tpu.memory_space<hbm>>)
        tpu.yield
      }) : () -> ()
    }
    %scan3A_6 = arith.constant 32 : i32
    return
  }
}

module attributes {stable_mosaic.version = 14 : i64} {
  func.func @_feat_body(%arg0: i32, %arg1: memref<2048x64xf32, #tpu.memory_space<vmem>>, %arg2: memref<2048x64xf32, #tpu.memory_space<vmem>>, %arg3: memref<64x32xf32, #tpu.memory_space<vmem>>, %arg4: memref<1x32xf32, #tpu.memory_space<vmem>>, %arg5: memref<32x32xf32, #tpu.memory_space<vmem>>, %arg6: memref<1x32xf32, #tpu.memory_space<vmem>>, %arg7: memref<64x32xf32, #tpu.memory_space<vmem>>, %arg8: memref<1x32xf32, #tpu.memory_space<vmem>>, %arg9: memref<32x32xf32, #tpu.memory_space<vmem>>, %arg10: memref<1x32xf32, #tpu.memory_space<vmem>>, %arg11: memref<32x128xf32, #tpu.memory_space<vmem>>, %arg12: memref<32x128xf32, #tpu.memory_space<vmem>>, %arg13: memref<1x128xf32, #tpu.memory_space<vmem>>, %arg14: memref<2048x128xf32, #tpu.memory_space<vmem>>) attributes {dimension_semantics = [#tpu.dimension_semantics<arbitrary>], iteration_bounds = array<i64: 8>, scalar_prefetch = 0 : i64, scratch_operands = 0 : i64, tpu.core_type = #tpu.core_type<tc>, window_params = [{transform_indices = @transform_0, window_bounds = array<i64: 2048, 64>}, {transform_indices = @transform_1, window_bounds = array<i64: 2048, 64>}, {pipeline_mode = #tpu.pipeline_mode<synchronous>, transform_indices = @transform_2, window_bounds = array<i64: 64, 32>}, {pipeline_mode = #tpu.pipeline_mode<synchronous>, transform_indices = @transform_3, window_bounds = array<i64: 1, 32>}, {pipeline_mode = #tpu.pipeline_mode<synchronous>, transform_indices = @transform_4, window_bounds = array<i64: 32, 32>}, {pipeline_mode = #tpu.pipeline_mode<synchronous>, transform_indices = @transform_5, window_bounds = array<i64: 1, 32>}, {pipeline_mode = #tpu.pipeline_mode<synchronous>, transform_indices = @transform_6, window_bounds = array<i64: 64, 32>}, {pipeline_mode = #tpu.pipeline_mode<synchronous>, transform_indices = @transform_7, window_bounds = array<i64: 1, 32>}, {pipeline_mode = #tpu.pipeline_mode<synchronous>, transform_indices = @transform_8, window_bounds = array<i64: 32, 32>}, {pipeline_mode = #tpu.pipeline_mode<synchronous>, transform_indices = @transform_9, window_bounds = array<i64: 1, 32>}, {pipeline_mode = #tpu.pipeline_mode<synchronous>, transform_indices = @transform_10, window_bounds = array<i64: 32, 128>}, {pipeline_mode = #tpu.pipeline_mode<synchronous>, transform_indices = @transform_11, window_bounds = array<i64: 32, 128>}, {pipeline_mode = #tpu.pipeline_mode<synchronous>, transform_indices = @transform_12, window_bounds = array<i64: 1, 128>}, {transform_indices = @transform_13, window_bounds = array<i64: 2048, 128>}]} {
    %get3A = arith.constant 0 : index
    %get3A_0 = arith.constant 0 : index
    %get3A_1 = vector.load %arg1[%get3A, %get3A_0] : memref<2048x64xf32, #tpu.memory_space<vmem>>, vector<2048x64xf32>
    %get3A_2 = arith.constant 0 : index
    %get3A_3 = arith.constant 0 : index
    %get3A_4 = vector.load %arg3[%get3A_2, %get3A_3] : memref<64x32xf32, #tpu.memory_space<vmem>>, vector<64x32xf32>
    %dot_general3A = arith.constant dense<0.000000e+00> : vector<2048x32xf32>
    %dot_general3A_5 = tpu.matmul %get3A_1, %get3A_4, %dot_general3A {dimension_numbers = #tpu.dot_dimension_numbers<[1], [0], [0], [1], [0, 0, 1, 1], [], []>, transpose_lhs_hint = false} : vector<2048x64xf32>, vector<64x32xf32>, vector<2048x32xf32> -> vector<2048x32xf32>
    %get3A_6 = arith.constant 0 : index
    %get3A_7 = arith.constant 0 : index
    %get3A_8 = vector.load %arg4[%get3A_6, %get3A_7] : memref<1x32xf32, #tpu.memory_space<vmem>>, vector<1x32xf32>
    %add3A = vector.broadcast %get3A_8 : vector<1x32xf32> to vector<2048x32xf32>
    %add3A_9 = arith.addf %dot_general3A_5, %add3A : vector<2048x32xf32>
    %max3A = arith.constant 0.000000e+00 : f32
    %max3A_10 = vector.broadcast %max3A : f32 to vector<2048x32xf32>
    %max3A_11 = arith.maximumf %add3A_9, %max3A_10 : vector<2048x32xf32>
    %get3A_12 = arith.constant 0 : index
    %get3A_13 = arith.constant 0 : index
    %get3A_14 = vector.load %arg5[%get3A_12, %get3A_13] : memref<32x32xf32, #tpu.memory_space<vmem>>, vector<32x32xf32>
    %dot_general3A_15 = arith.constant dense<0.000000e+00> : vector<2048x32xf32>
    %dot_general3A_16 = tpu.matmul %max3A_11, %get3A_14, %dot_general3A_15 {dimension_numbers = #tpu.dot_dimension_numbers<[1], [0], [0], [1], [0, 0, 1, 1], [], []>, transpose_lhs_hint = false} : vector<2048x32xf32>, vector<32x32xf32>, vector<2048x32xf32> -> vector<2048x32xf32>
    %get3A_17 = arith.constant 0 : index
    %get3A_18 = arith.constant 0 : index
    %get3A_19 = vector.load %arg6[%get3A_17, %get3A_18] : memref<1x32xf32, #tpu.memory_space<vmem>>, vector<1x32xf32>
    %add3A_20 = vector.broadcast %get3A_19 : vector<1x32xf32> to vector<2048x32xf32>
    %add3A_21 = arith.addf %dot_general3A_16, %add3A_20 : vector<2048x32xf32>
    %get3A_22 = arith.constant 0 : index
    %get3A_23 = arith.constant 0 : index
    %get3A_24 = vector.load %arg2[%get3A_22, %get3A_23] : memref<2048x64xf32, #tpu.memory_space<vmem>>, vector<2048x64xf32>
    %get3A_25 = arith.constant 0 : index
    %get3A_26 = arith.constant 0 : index
    %get3A_27 = vector.load %arg7[%get3A_25, %get3A_26] : memref<64x32xf32, #tpu.memory_space<vmem>>, vector<64x32xf32>
    %dot_general3A_28 = arith.constant dense<0.000000e+00> : vector<2048x32xf32>
    %dot_general3A_29 = tpu.matmul %get3A_24, %get3A_27, %dot_general3A_28 {dimension_numbers = #tpu.dot_dimension_numbers<[1], [0], [0], [1], [0, 0, 1, 1], [], []>, transpose_lhs_hint = false} : vector<2048x64xf32>, vector<64x32xf32>, vector<2048x32xf32> -> vector<2048x32xf32>
    %get3A_30 = arith.constant 0 : index
    %get3A_31 = arith.constant 0 : index
    %get3A_32 = vector.load %arg8[%get3A_30, %get3A_31] : memref<1x32xf32, #tpu.memory_space<vmem>>, vector<1x32xf32>
    %add3A_33 = vector.broadcast %get3A_32 : vector<1x32xf32> to vector<2048x32xf32>
    %add3A_34 = arith.addf %dot_general3A_29, %add3A_33 : vector<2048x32xf32>
    %max3A_35 = arith.constant 0.000000e+00 : f32
    %max3A_36 = vector.broadcast %max3A_35 : f32 to vector<2048x32xf32>
    %max3A_37 = arith.maximumf %add3A_34, %max3A_36 : vector<2048x32xf32>
    %get3A_38 = arith.constant 0 : index
    %get3A_39 = arith.constant 0 : index
    %get3A_40 = vector.load %arg9[%get3A_38, %get3A_39] : memref<32x32xf32, #tpu.memory_space<vmem>>, vector<32x32xf32>
    %dot_general3A_41 = arith.constant dense<0.000000e+00> : vector<2048x32xf32>
    %dot_general3A_42 = tpu.matmul %max3A_37, %get3A_40, %dot_general3A_41 {dimension_numbers = #tpu.dot_dimension_numbers<[1], [0], [0], [1], [0, 0, 1, 1], [], []>, transpose_lhs_hint = false} : vector<2048x32xf32>, vector<32x32xf32>, vector<2048x32xf32> -> vector<2048x32xf32>
    %get3A_43 = arith.constant 0 : index
    %get3A_44 = arith.constant 0 : index
    %get3A_45 = vector.load %arg10[%get3A_43, %get3A_44] : memref<1x32xf32, #tpu.memory_space<vmem>>, vector<1x32xf32>
    %add3A_46 = vector.broadcast %get3A_45 : vector<1x32xf32> to vector<2048x32xf32>
    %add3A_47 = arith.addf %dot_general3A_42, %add3A_46 : vector<2048x32xf32>
    %get3A_48 = arith.constant 0 : index
    %get3A_49 = arith.constant 0 : index
    %get3A_50 = vector.load %arg11[%get3A_48, %get3A_49] : memref<32x128xf32, #tpu.memory_space<vmem>>, vector<32x128xf32>
    %dot_general3A_51 = arith.constant dense<0.000000e+00> : vector<2048x128xf32>
    %dot_general3A_52 = tpu.matmul %add3A_21, %get3A_50, %dot_general3A_51 {dimension_numbers = #tpu.dot_dimension_numbers<[1], [0], [0], [1], [0, 0, 1, 1], [], []>, transpose_lhs_hint = false} : vector<2048x32xf32>, vector<32x128xf32>, vector<2048x128xf32> -> vector<2048x128xf32>
    %get3A_53 = arith.constant 0 : index
    %get3A_54 = arith.constant 0 : index
    %get3A_55 = vector.load %arg12[%get3A_53, %get3A_54] : memref<32x128xf32, #tpu.memory_space<vmem>>, vector<32x128xf32>
    %dot_general3A_56 = arith.constant dense<0.000000e+00> : vector<2048x128xf32>
    %dot_general3A_57 = tpu.matmul %add3A_47, %get3A_55, %dot_general3A_56 {dimension_numbers = #tpu.dot_dimension_numbers<[1], [0], [0], [1], [0, 0, 1, 1], [], []>, transpose_lhs_hint = false} : vector<2048x32xf32>, vector<32x128xf32>, vector<2048x128xf32> -> vector<2048x128xf32>
    %add3A_58 = arith.addf %dot_general3A_52, %dot_general3A_57 : vector<2048x128xf32>
    %get3A_59 = arith.constant 0 : index
    %get3A_60 = arith.constant 0 : index
    %get3A_61 = vector.load %arg13[%get3A_59, %get3A_60] : memref<1x128xf32, #tpu.memory_space<vmem>>, vector<1x128xf32>
    %add3A_62 = vector.broadcast %get3A_61 : vector<1x128xf32> to vector<2048x128xf32>
    %add3A_63 = arith.addf %add3A_58, %add3A_62 : vector<2048x128xf32>
    %swap3A = arith.constant 0 : index
    %swap3A_64 = arith.constant 0 : index
    %swap3A_65 = vector.load %arg14[%swap3A, %swap3A_64] : memref<2048x128xf32, #tpu.memory_space<vmem>>, vector<2048x128xf32>
    tpu.vector_store %arg14[%swap3A, %swap3A_64], %add3A_63 {strides = array<i32>} : memref<2048x128xf32, #tpu.memory_space<vmem>>, vector<2048x128xf32>,
    return
  }
  func.func @transform_0(%arg0: i32) -> (i32, i32) {
    %c0_i32 = arith.constant 0 : i32
    %c0_i32_0 = arith.constant 0 : i32
    return %arg0, %c0_i32 : i32, i32
  }
  func.func @transform_1(%arg0: i32) -> (i32, i32) {
    %c0_i32 = arith.constant 0 : i32
    %c0_i32_0 = arith.constant 0 : i32
    return %arg0, %c0_i32 : i32, i32
  }
  func.func @transform_2(%arg0: i32) -> (i32, i32) {
    %c0_i32 = arith.constant 0 : i32
    %c0_i32_0 = arith.constant 0 : i32
    %c0_i32_1 = arith.constant 0 : i32
    return %c0_i32, %c0_i32_0 : i32, i32
  }
  func.func @transform_3(%arg0: i32) -> (i32, i32) {
    %c0_i32 = arith.constant 0 : i32
    %c0_i32_0 = arith.constant 0 : i32
    %c0_i32_1 = arith.constant 0 : i32
    return %c0_i32, %c0_i32_0 : i32, i32
  }
  func.func @transform_4(%arg0: i32) -> (i32, i32) {
    %c0_i32 = arith.constant 0 : i32
    %c0_i32_0 = arith.constant 0 : i32
    %c0_i32_1 = arith.constant 0 : i32
    return %c0_i32, %c0_i32_0 : i32, i32
  }
  func.func @transform_5(%arg0: i32) -> (i32, i32) {
    %c0_i32 = arith.constant 0 : i32
    %c0_i32_0 = arith.constant 0 : i32
    %c0_i32_1 = arith.constant 0 : i32
    return %c0_i32, %c0_i32_0 : i32, i32
  }
  func.func @transform_6(%arg0: i32) -> (i32, i32) {
    %c0_i32 = arith.constant 0 : i32
    %c0_i32_0 = arith.constant 0 : i32
    %c0_i32_1 = arith.constant 0 : i32
    return %c0_i32, %c0_i32_0 : i32, i32
  }
  func.func @transform_7(%arg0: i32) -> (i32, i32) {
    %c0_i32 = arith.constant 0 : i32
    %c0_i32_0 = arith.constant 0 : i32
    %c0_i32_1 = arith.constant 0 : i32
    return %c0_i32, %c0_i32_0 : i32, i32
  }
  func.func @transform_8(%arg0: i32) -> (i32, i32) {
    %c0_i32 = arith.constant 0 : i32
    %c0_i32_0 = arith.constant 0 : i32
    %c0_i32_1 = arith.constant 0 : i32
    return %c0_i32, %c0_i32_0 : i32, i32
  }
  func.func @transform_9(%arg0: i32) -> (i32, i32) {
    %c0_i32 = arith.constant 0 : i32
    %c0_i32_0 = arith.constant 0 : i32
    %c0_i32_1 = arith.constant 0 : i32
    return %c0_i32, %c0_i32_0 : i32, i32
  }
  func.func @transform_10(%arg0: i32) -> (i32, i32) {
    %c0_i32 = arith.constant 0 : i32
    %c0_i32_0 = arith.constant 0 : i32
    %c0_i32_1 = arith.constant 0 : i32
    return %c0_i32, %c0_i32_0 : i32, i32
  }
  func.func @transform_11(%arg0: i32) -> (i32, i32) {
    %c0_i32 = arith.constant 0 : i32
    %c0_i32_0 = arith.constant 0 : i32
    %c0_i32_1 = arith.constant 0 : i32
    return %c0_i32, %c0_i32_0 : i32, i32
  }
  func.func @transform_12(%arg0: i32) -> (i32, i32) {
    %c0_i32 = arith.constant 0 : i32
    %c0_i32_0 = arith.constant 0 : i32
    %c0_i32_1 = arith.constant 0 : i32
    return %c0_i32, %c0_i32_0 : i32, i32
  }
  func.func @transform_13(%arg0: i32) -> (i32, i32) {
    %c0_i32 = arith.constant 0 : i32
    %c0_i32_0 = arith.constant 0 : i32
    return %arg0, %c0_i32 : i32, i32
  }
}

module attributes {stable_mosaic.version = 14 : i64} {
  func.func @_head_body(%arg0: i32, %arg1: memref<2048x64xf32, #tpu.memory_space<vmem>>, %arg2: memref<2048x64xf32, #tpu.memory_space<vmem>>, %arg3: memref<2048x128xf32, #tpu.memory_space<vmem>>, %arg4: memref<64x128xf32, #tpu.memory_space<vmem>>, %arg5: memref<64x128xf32, #tpu.memory_space<vmem>>, %arg6: memref<128x64xf32, #tpu.memory_space<vmem>>, %arg7: memref<1x64xf32, #tpu.memory_space<vmem>>, %arg8: memref<64x1xf32, #tpu.memory_space<vmem>>, %arg9: memref<1x1xf32, #tpu.memory_space<vmem>>, %arg10: memref<2048x1xf32, #tpu.memory_space<vmem>>) attributes {dimension_semantics = [#tpu.dimension_semantics<arbitrary>], iteration_bounds = array<i64: 8>, scalar_prefetch = 0 : i64, scratch_operands = 0 : i64, tpu.core_type = #tpu.core_type<tc>, window_params = [{transform_indices = @transform_0, window_bounds = array<i64: 2048, 64>}, {transform_indices = @transform_1, window_bounds = array<i64: 2048, 64>}, {transform_indices = @transform_2, window_bounds = array<i64: 2048, 128>}, {pipeline_mode = #tpu.pipeline_mode<synchronous>, transform_indices = @transform_3, window_bounds = array<i64: 64, 128>}, {pipeline_mode = #tpu.pipeline_mode<synchronous>, transform_indices = @transform_4, window_bounds = array<i64: 64, 128>}, {pipeline_mode = #tpu.pipeline_mode<synchronous>, transform_indices = @transform_5, window_bounds = array<i64: 128, 64>}, {pipeline_mode = #tpu.pipeline_mode<synchronous>, transform_indices = @transform_6, window_bounds = array<i64: 1, 64>}, {pipeline_mode = #tpu.pipeline_mode<synchronous>, transform_indices = @transform_7, window_bounds = array<i64: 64, 1>}, {pipeline_mode = #tpu.pipeline_mode<synchronous>, transform_indices = @transform_8, window_bounds = array<i64: 1, 1>}, {transform_indices = @transform_9, window_bounds = array<i64: 2048, 1>}]} {
    %get3A = arith.constant 0 : index
    %get3A_0 = arith.constant 0 : index
    %get3A_1 = vector.load %arg1[%get3A, %get3A_0] : memref<2048x64xf32, #tpu.memory_space<vmem>>, vector<2048x64xf32>
    %get3A_2 = arith.constant 0 : index
    %get3A_3 = arith.constant 0 : index
    %get3A_4 = vector.load %arg4[%get3A_2, %get3A_3] : memref<64x128xf32, #tpu.memory_space<vmem>>, vector<64x128xf32>
    %dot_general3A = arith.constant dense<0.000000e+00> : vector<2048x128xf32>
    %dot_general3A_5 = tpu.matmul %get3A_1, %get3A_4, %dot_general3A {dimension_numbers = #tpu.dot_dimension_numbers<[1], [0], [0], [1], [0, 0, 1, 1], [], []>, transpose_lhs_hint = false} : vector<2048x64xf32>, vector<64x128xf32>, vector<2048x128xf32> -> vector<2048x128xf32>
    %get3A_6 = arith.constant 0 : index
    %get3A_7 = arith.constant 0 : index
    %get3A_8 = vector.load %arg2[%get3A_6, %get3A_7] : memref<2048x64xf32, #tpu.memory_space<vmem>>, vector<2048x64xf32>
    %get3A_9 = arith.constant 0 : index
    %get3A_10 = arith.constant 0 : index
    %get3A_11 = vector.load %arg5[%get3A_9, %get3A_10] : memref<64x128xf32, #tpu.memory_space<vmem>>, vector<64x128xf32>
    %dot_general3A_12 = arith.constant dense<0.000000e+00> : vector<2048x128xf32>
    %dot_general3A_13 = tpu.matmul %get3A_8, %get3A_11, %dot_general3A_12 {dimension_numbers = #tpu.dot_dimension_numbers<[1], [0], [0], [1], [0, 0, 1, 1], [], []>, transpose_lhs_hint = false} : vector<2048x64xf32>, vector<64x128xf32>, vector<2048x128xf32> -> vector<2048x128xf32>
    %add3A = arith.addf %dot_general3A_5, %dot_general3A_13 : vector<2048x128xf32>
    %get3A_14 = arith.constant 0 : index
    %get3A_15 = arith.constant 0 : index
    %get3A_16 = vector.load %arg3[%get3A_14, %get3A_15] : memref<2048x128xf32, #tpu.memory_space<vmem>>, vector<2048x128xf32>
    %add3A_17 = arith.addf %add3A, %get3A_16 : vector<2048x128xf32>
    %max3A = arith.constant 0.000000e+00 : f32
    %max3A_18 = vector.broadcast %max3A : f32 to vector<2048x128xf32>
    %max3A_19 = arith.maximumf %add3A_17, %max3A_18 : vector<2048x128xf32>
    %get3A_20 = arith.constant 0 : index
    %get3A_21 = arith.constant 0 : index
    %get3A_22 = vector.load %arg6[%get3A_20, %get3A_21] : memref<128x64xf32, #tpu.memory_space<vmem>>, vector<128x64xf32>
    %dot_general3A_23 = arith.constant dense<0.000000e+00> : vector<2048x64xf32>
    %dot_general3A_24 = tpu.matmul %max3A_19, %get3A_22, %dot_general3A_23 {dimension_numbers = #tpu.dot_dimension_numbers<[1], [0], [0], [1], [0, 0, 1, 1], [], []>, transpose_lhs_hint = false} : vector<2048x128xf32>, vector<128x64xf32>, vector<2048x64xf32> -> vector<2048x64xf32>
    %get3A_25 = arith.constant 0 : index
    %get3A_26 = arith.constant 0 : index
    %get3A_27 = vector.load %arg7[%get3A_25, %get3A_26] : memref<1x64xf32, #tpu.memory_space<vmem>>, vector<1x64xf32>
    %add3A_28 = vector.broadcast %get3A_27 : vector<1x64xf32> to vector<2048x64xf32>
    %add3A_29 = arith.addf %dot_general3A_24, %add3A_28 : vector<2048x64xf32>
    %max3A_30 = arith.constant 0.000000e+00 : f32
    %max3A_31 = vector.broadcast %max3A_30 : f32 to vector<2048x64xf32>
    %max3A_32 = arith.maximumf %add3A_29, %max3A_31 : vector<2048x64xf32>
    %get3A_33 = arith.constant 0 : index
    %get3A_34 = arith.constant 0 : index
    %get3A_35 = vector.load %arg8[%get3A_33, %get3A_34] : memref<64x1xf32, #tpu.memory_space<vmem>>, vector<64x1xf32>
    %dot_general3A_36 = arith.constant dense<0.000000e+00> : vector<2048x1xf32>
    %dot_general3A_37 = tpu.matmul %max3A_32, %get3A_35, %dot_general3A_36 {dimension_numbers = #tpu.dot_dimension_numbers<[1], [0], [0], [1], [0, 0, 1, 1], [], []>, transpose_lhs_hint = false} : vector<2048x64xf32>, vector<64x1xf32>, vector<2048x1xf32> -> vector<2048x1xf32>
    %get3A_38 = arith.constant 0 : index
    %get3A_39 = arith.constant 0 : index
    %get3A_40 = vector.load %arg9[%get3A_38, %get3A_39] : memref<1x1xf32, #tpu.memory_space<vmem>>, vector<1x1xf32>
    %add3A_41 = vector.broadcast %get3A_40 : vector<1x1xf32> to vector<2048x1xf32>
    %add3A_42 = arith.addf %dot_general3A_37, %add3A_41 : vector<2048x1xf32>
    %swap3A = arith.constant 0 : index
    %swap3A_43 = arith.constant 0 : index
    %swap3A_44 = vector.load %arg10[%swap3A, %swap3A_43] : memref<2048x1xf32, #tpu.memory_space<vmem>>, vector<2048x1xf32>
    tpu.vector_store %arg10[%swap3A, %swap3A_43], %add3A_42 {strides = array<i32>} : memref<2048x1xf32, #tpu.memory_space<vmem>>, vector<2048x1xf32>,
    return
  }
  func.func @transform_0(%arg0: i32) -> (i32, i32) {
    %c0_i32 = arith.constant 0 : i32
    %c0_i32_0 = arith.constant 0 : i32
    return %arg0, %c0_i32 : i32, i32
  }
  func.func @transform_1(%arg0: i32) -> (i32, i32) {
    %c0_i32 = arith.constant 0 : i32
    %c0_i32_0 = arith.constant 0 : i32
    return %arg0, %c0_i32 : i32, i32
  }
  func.func @transform_2(%arg0: i32) -> (i32, i32) {
    %c0_i32 = arith.constant 0 : i32
    %c0_i32_0 = arith.constant 0 : i32
    return %arg0, %c0_i32 : i32, i32
  }
  func.func @transform_3(%arg0: i32) -> (i32, i32) {
    %c0_i32 = arith.constant 0 : i32
    %c0_i32_0 = arith.constant 0 : i32
    %c0_i32_1 = arith.constant 0 : i32
    return %c0_i32, %c0_i32_0 : i32, i32
  }
  func.func @transform_4(%arg0: i32) -> (i32, i32) {
    %c0_i32 = arith.constant 0 : i32
    %c0_i32_0 = arith.constant 0 : i32
    %c0_i32_1 = arith.constant 0 : i32
    return %c0_i32, %c0_i32_0 : i32, i32
  }
  func.func @transform_5(%arg0: i32) -> (i32, i32) {
    %c0_i32 = arith.constant 0 : i32
    %c0_i32_0 = arith.constant 0 : i32
    %c0_i32_1 = arith.constant 0 : i32
    return %c0_i32, %c0_i32_0 : i32, i32
  }
  func.func @transform_6(%arg0: i32) -> (i32, i32) {
    %c0_i32 = arith.constant 0 : i32
    %c0_i32_0 = arith.constant 0 : i32
    %c0_i32_1 = arith.constant 0 : i32
    return %c0_i32, %c0_i32_0 : i32, i32
  }
  func.func @transform_7(%arg0: i32) -> (i32, i32) {
    %c0_i32 = arith.constant 0 : i32
    %c0_i32_0 = arith.constant 0 : i32
    %c0_i32_1 = arith.constant 0 : i32
    return %c0_i32, %c0_i32_0 : i32, i32
  }
  func.func @transform_8(%arg0: i32) -> (i32, i32) {
    %c0_i32 = arith.constant 0 : i32
    %c0_i32_0 = arith.constant 0 : i32
    %c0_i32_1 = arith.constant 0 : i32
    return %c0_i32, %c0_i32_0 : i32, i32
  }
  func.func @transform_9(%arg0: i32) -> (i32, i32) {
    %c0_i32 = arith.constant 0 : i32
    %c0_i32_0 = arith.constant 0 : i32
    return %arg0, %c0_i32 : i32, i32
  }
}

</mosaic_0001>

<sc_bundles>
// kernel: kernel.6.cloned.1.call-start
scs
__scs_entry_jumppad:
0x0: {  	(pc) =	sbr.rel $0x88, $3  }
0x1: {  	(tag) =	ssettag $0x0;
	lr =	simm.s32 $0x1  }
0x2: {  	[smem:$0x3F8D] =	sst lr;
	_ =	strace $0xD0000000  }
0x3: {  	_ = 	snop  }
0x4: {  	_ = 	snop  }
0x5: {  	_ = 	snop  }
0x6: {  	_ = 	snop  }
0x7: {  	_ = 	snop  }
__scs_overlays_trampoline_lowered:
0x8: {  	[smem:$0x3F9C] =	sst s0  }
0x9: {  	[smem:$0x3F9D] =	sst s1  }
0xa: {  	[smem:$0x3F9E] =	sst s2  }
0xb: {  	[smem:$0x3F9F] =	sst s3  }
0xc: {  	[smem:$0x3FA0] =	sst s4  }
0xd: {  	[smem:$0x3FA1] =	sst s5  }
0xe: {  	[smem:$0x3FA2] =	sst s6  }
0xf: {  	[smem:$0x3FA3] =	sst s7  }
0x10: {  	[smem:$0x3FA4] =	sst s8  }
0x11: {  	[smem:$0x3FA5] =	sst s9;
	s0 =	simm.s32 @!p0 $0x0  }
0x12: {  	s1 =	sld [smem:$0x3F8B];
	s0 =	simm.s32 @p0 $0x1  }
0x13: {  	[smem:$0x3FA6] =	sst s0;
	s0 =	simm.s32 @!p1 $0x0  }
0x14: {  	s2 =	sld [smem:$0x3F8A];
	s0 =	simm.s32 @p1 $0x1  }
0x15: {  	[smem:$0x3FA7] =	sst s0;
	s0 =	simm.s32 @!p2 $0x0  }
0x16: {  	s3 =	sld [smem:$0x3FDB];
	s0 =	simm.s32 @p2 $0x1  }
0x17: {  	s4 =	simm.s32 $0x1BF5;
	[smem:$0x3FA9] =	sst s0  }
0x18: {  	s0 =	sld [smem:$0x3F8C];
	_ =	swait.ge [sflag:s4], $0x0  }
0x19: {  	s7 =	sld [smem:$0x3F8D]  }
0x1a: {  	s8 =	sadd.s32 $0xFFFFE003, lr  }
0x1b: {  	s9 =	sadd.s32 $0xFFFFFEF7, lr;
	s5 =	simm.s32 $0xFFFFFFFF;
	p2 =	slt.u32 s8, $0xFFFFF086  }
0x1c: {  	p1 =	slt.u32 s9, $0xF7A;
	s5 =	simm.s32 @!p2 $0x0  }
0x1d: {  	s5 =	simm.s32 @p1 $0x1;
	p0 =	seq.s32 s7, s2  }
0x1e: {  	s7 =	smul.u32 @!p0 $0xF7A, s2;
	p2 =	seq.s32 @!p0 s5, $0x0  }
0x1f: {  	s9 =	smul.u32 $0xF7A, s1;
	s8 =	simm.s32 @!p0 $0x1BF5;
	p2 =	por !p2, p0  }
0x20: {  	[sflag:s8] =	ssyncset.s32 @!p0 $0xFFFFF086;
	s6 =	sadd.s32 @!p0 s3, s7;
	s7 =	simm.s32 @!p0 $0x108  }
0x21: {  	s3 =	sadd.s32 s3, s9;
	s6 =	sadd.s32 @!p0 $0x88, s6;
	s7 =	simm.s32 @p2 $0x1082  }
0x22: {  	[simem:s7], [sflag:s8] =	dma.local @!p0 [hbm:s6], $0xF7A  }
0x23: {  	s9 =	sor.u32 $0xD0000000, s2;
	s6 =	simm.s32 $0x108;
	_ =	swait.ge @!p0 [sflag:s8], $0x0  }
0x24: {  	s3 =	sadd.s32 $0x88, s3;
	s6 =	simm.s32 @!p1 $0x1082;
	[sflag:s4] =	ssyncset.s32 $0xFFFFF086  }
0x25: {  	[simem:s6], [sflag:s4] =	dma.local [hbm:s3], $0xF7A  }
0x26: {  	[smem:$0x3F8D] =	sst s1;
	(tag) =	ssettag s2;
	_ =	strace s9  }
0x27: {  	s1 =	sld [smem:$0x3F9D]  }
0x28: {  	s2 =	sld [smem:$0x3F9E]  }
0x29: {  	s4 =	sld [smem:$0x3FA0]  }
0x2a: {  	p0 =	seq.s32 s5, $0x0;
	s5 =	sld [smem:$0x3FA1]  }
0x2b: {  	s6 =	sld [smem:$0x3FA2]  }
0x2c: {  	s7 =	sld [smem:$0x3FA3]  }
0x2d: {  	s3 =	simm.s32 $0x108;
	s8 =	sld [smem:$0x3FA4]  }
0x2e: {  	s3 =	simm.s32 @!p0 $0x1082;
	s9 =	sld [smem:$0x3FA5]  }
0x2f: {  	lr =	sadd.s32 s0, s3;
	s0 =	sld [smem:$0x3F9C]  }
0x30: {  	s3 =	sld [smem:$0x3F9F]  }
0x31: {  	[smem:$0x3FA8] =	sst s10  }
0x32: {  	s10 =	sld [smem:$0x3FA6];
	_ =	sdelay $0x3  }
0x33: {  	p0 =	seq.s32 s10, $0x1;
	s10 =	sld [smem:$0x3FA8];
	_ =	sdelay $0x3  }
0x34: {  	[smem:$0x3FA8] =	sst s10  }
0x35: {  	s10 =	sld [smem:$0x3FA7];
	_ =	sdelay $0x3  }
0x36: {  	p1 =	seq.s32 s10, $0x1;
	s10 =	sld [smem:$0x3FA8];
	_ =	sdelay $0x3  }
0x37: {  	[smem:$0x3FA8] =	sst s10  }
0x38: {  	s10 =	sld [smem:$0x3FA9]  }
0x39: {  	_ = 	snop;
	(pc) =	sbr.ind lr, $3  }
0x3a: {  	_ = 	snop  }
0x3b: {  	_ = 	snop  }
0x3c: {  	p2 =	seq.s32 s10, $0x1;
	s10 =	sld [smem:$0x3FA8]  }
0x3d: {  	_ =	shalt  }
0x3e: {  	_ =	shalt  }
0x3f: {  	_ =	shalt  }
0x40: {  	_ =	shalt  }
0x41: {  	_ =	shalt  }
0x42: {  	_ =	shalt  }
0x43: {  	_ =	shalt  }
0x44: {  	_ =	shalt  }
0x45: {  	_ =	shalt  }
0x46: {  	_ =	shalt  }
0x47: {  	_ =	shalt  }
0x48: {  	_ =	shalt  }
0x49: {  	_ =	shalt  }
0x4a: {  	_ =	shalt  }
0x4b: {  	_ =	shalt  }
0x4c: {  	_ =	shalt  }
0x4d: {  	_ =	shalt  }
0x4e: {  	_ =	shalt  }
0x4f: {  	_ =	shalt  }
0x50: {  	_ =	shalt  }
0x51: {  	_ =	shalt  }
0x52: {  	_ =	shalt  }
0x53: {  	_ =	shalt  }
0x54: {  	_ =	shalt  }
0x55: {  	_ =	shalt  }
0x56: {  	_ =	shalt  }
0x57: {  	_ =	shalt  }
0x58: {  	_ =	shalt  }
0x59: {  	_ =	shalt  }
0x5a: {  	_ =	shalt  }
0x5b: {  	_ =	shalt  }
0x5c: {  	_ =	shalt  }
0x5d: {  	_ =	shalt  }
0x5e: {  	_ =	shalt  }
0x5f: {  	_ =	shalt  }
0x60: {  	_ =	shalt  }
0x61: {  	_ =	shalt  }
0x62: {  	_ =	shalt  }
0x63: {  	_ =	shalt  }
0x64: {  	_ =	shalt  }
0x65: {  	_ =	shalt  }
0x66: {  	_ =	shalt  }
0x67: {  	_ =	shalt  }
0x68: {  	_ =	shalt  }
0x69: {  	_ =	shalt  }
0x6a: {  	_ =	shalt  }
0x6b: {  	_ =	shalt  }
0x6c: {  	_ =	shalt  }
0x6d: {  	_ =	shalt  }
0x6e: {  	_ =	shalt  }
0x6f: {  	_ =	shalt  }
0x70: {  	_ =	shalt  }
0x71: {  	_ =	shalt  }
0x72: {  	_ =	shalt  }
0x73: {  	_ =	shalt  }
0x74: {  	_ =	shalt  }
0x75: {  	_ =	shalt  }
0x76: {  	_ =	shalt  }
0x77: {  	_ =	shalt  }
0x78: {  	_ =	shalt  }
0x79: {  	_ =	shalt  }
0x7a: {  	_ =	shalt  }
0x7b: {  	_ =	shalt  }
0x7c: {  	_ =	shalt  }
0x7d: {  	_ =	shalt  }
0x7e: {  	_ =	shalt  }
0x7f: {  	_ =	shalt  }
0x80: {  	_ =	shalt  }
0x81: {  	_ =	shalt  }
0x82: {  	_ =	shalt  }
0x83: {  	_ =	shalt  }
0x84: {  	_ =	shalt  }
0x85: {  	_ =	shalt  }
0x86: {  	_ =	shalt  }
0x87: {  	_ =	shalt  }
.Lfunc_end0:
.L_simem_size_0:
called_computation_lowered:
.L_overlay_start_0:
0x88: {  	s2 =	sld [smem:$0x3FD9]  }
0x89: {  	s3 =	sld [smem:$0x3FFE];
	_ =	sdelay $0x1  }
0x8a: {  	s1 =	srdreg.scid  }
0x8b: {  	s0 =	sand.u32 $0x1, s1  }
0x8c: {  	s17 =	sshll.u32 s0, $0xA;
	s2 =	sadd.s32 s3, s2  }
0x8d: {  	s2 =	sadd.s32 s2, s17  }
0x8e: {  	[smem:$0x3FB4] =	sst s2  }
0x8f: {  	_ = 	snop  }
0x90: {  	s18 =	sld [smem:$0x3FC8];
	(tm) =	ssettm $0x1  }
0x91: {  	s19 =	sld [smem:$0x3FFB];
	_ =	sdelay $0x3  }
0x92: {  	_ =	strace s19  }
0x93: {  	s2 =	sld [smem:$0x3FFC];
	_ =	sdelay $0x3  }
0x94: {  	_ =	strace s2  }
0x95: {  	s2 =	sld [smem:$0x3FFD];
	_ =	sdelay $0x3  }
0x96: {  	_ =	strace s2  }
0x97: {  	_ =	strace $0x8FFFFFFF  }
0x98: {  	s20 =	sld [smem:$0x3FDB];
	_ =	sdelay $0x1  }
0x99: {  	s4 =	simm.s32 $_scs_section_size  }
0x9a: {  	s5 =	simm.s32 $_size__tile_overlayer_lowered;
	s6 =	simm.s32 $_tile_overlayer_lowered  }
0x9b: {  	s7 =	simm.s32 $0x1BFF;
	s21 =	sshll.u32 s6, $0x1;
	s4 =	sadd.s32 s4, s20  }
0x9c: {  	s22 =	simm.s32 $0x0;
	s5 =	sshll.u32 s5, $0x1;
	s6 =	sadd.s32 s21, s4  }
0x9d: {  	[timem:s22], [sflag:s7] =	dma.local [hbm:s6], s5  }
0x9e: {  	_ =	swait.ge [sflag:s7], s5  }
0x9f: {  	s5 =	ssub.s32 $0x0, s5;
	[sflag:s7] =	ssyncset.done $0x0  }
0xa0: {  	[sflag:s7] =	ssyncadd.s32 s5;
	_ =	sdelay $0x1  }
0xa1: {  	s23 =	simm.s32 $0x1B8B  }
0xa2: {  	_ =	swait.ge [sflag:s23], $0x1  }
0xa3: {  	[sflag:s23] =	ssyncset.done $0x0  }
0xa4: {  	[sflag:s23] =	ssyncadd.s32 $0xFFFFFFFF  }
0xa5: {  	s5 =	sld [smem:$0x0]  }
0xa6: {  	s6 =	sand.u32 $0xFFFFFFFE, s1  }
0xa7: {  	p0 =	sne.s32 s1, s6  }
0xa8: {  	s6 =	sshll.u32 @p0 s6, $0xE  }
0xa9: {  	s6 =	sadd.s32 @p0 $0x11B8D, s6;
	s7 =	sshll.u32 @p0 s5, $0x11  }
0xaa: {  	s6 =	sor.u32 @p0 s7, s6  }
0xab: {  	[sflag:s6] =	ssyncadd.remote.s32 @p0 $0x1;
	_ =	sdelay $0x1  }
0xac: {  	s6 =	simm.s32 @p0 $0x1B8D  }
0xad: {  	_ =	swait.eq @p0 [sflag:s6], $0x1  }
0xae: {  	[sflag:s6] =	ssyncadd.s32 @p0 $0xFFFFFFFF  }
0xaf: {  	s7 =	sshll.u32 @!p0 s1, $0xE  }
0xb0: {  	s7 =	sor.u32 @!p0 $0x4000, s7;
	s6 =	simm.s32 @!p0 $0x1B8D  }
0xb1: {  	s5 =	sshll.u32 @!p0 s5, $0x11;
	s7 =	sadd.s32 @!p0 $0x11B8D, s7;
	_ =	swait.eq @!p0 [sflag:s6], $0x1  }
0xb2: {  	s5 =	sor.u32 @!p0 s5, s7;
	[sflag:s6] =	ssyncadd.s32 @!p0 $0xFFFFFFFF  }
0xb3: {  	s25 =	simm.s32 $0x1B8E;
	s24 =	sld [smem:$0x3FFE];
	[sflag:s5] =	ssyncadd.remote.s32 @!p0 $0x1  }
0xb4: {  	s26 =	simm.s32 $execute0_lowered;
	[smem:$0x3FD2] =	sst s25  }
0xb5: {  	s6 =	sshll.u32 s26, $0x1;
	_ =	strace $0x80000049;
	[dreg:$0x1] =	wrdreg $0xFFFFFFFF  }
0xb6: {  	s28 =	simm.s32 $_size_execute0_lowered;
	s4 =	sadd.s32 s4, s6;
	[dreg:$0x0] =	wrdreg $0x0  }
0xb7: {  	s6 =	sshll.u32 s28, $0x1;
	[dreg:$0x2] =	wrdreg s4  }
0xb8: {  	[dreg:$0x3] =	wrdreg s6  }
0xb9: {  	[dreg:$0x4] =	wrdreg $0xC0  }
0xba: {  	_ =	task [dreg:s22], $0x5FFFF  }
0xbb: {  	[dreg:$0x1] =	wrdreg $0xFFFFFFFF  }
0xbc: {  	[dreg:$0x0] =	wrdreg $0x60  }
0xbd: {  	[dreg:$0x2] =	wrdreg s24  }
0xbe: {  	[dreg:$0x3] =	wrdreg s18  }
0xbf: {  	[dreg:$0x4] =	wrdreg $0x9  }
0xc0: {  	_ =	task.clear_ibuf [dreg:s22], $0x5FFFF;
	_ =	strace $0x90000049  }
0xc1: {  	s29 =	simm.s32 $0x9;
	_ =	strace $0x8000004B  }
0xc2: {  	_ =	swait.ge [sflag:s29], $0x1  }
0xc3: {  	[sflag:s29] =	ssyncadd.s32 $0xFFFFFFFF  }
0xc4: {  	_ =	strace $0x9000004B  }
0xc5: {  	_ =	sfence  }
0xc6: {  	s30 =	sld [smem:$0x0];
	_ =	sdelay $0x2  }
0xc7: {  	s31 =	sshll.u32 s1, $0xD;
	s1 =	sshrl.u32 s1, $0x2  }
0xc8: {  	s4 =	sand.u32 $0x4000, s31;
	s1 =	sadd.s32 s1, s30  }
0xc9: {  	s0 =	sor.u32 s4, s0;
	s1 =	sshll.u32 s1, $0x11  }
0xca: {  	s0 =	sor.u32 s1, s0  }
0xcb: {  	s0 =	sadd.s32 $0x8F2B, s0  }
0xcc: {  	[sflag:s0] =	ssyncadd.remote.s32 $0x1  }
0xcd: {  	_ =	sfence.sel $0xFFFF  }
0xce: {  	[dreg:$0x0] =	wrdreg $0xFFFFFFFF;
	(pc) =	sbr.abs _section_cstart, $3  }
0xcf: {  	[dreg:$0x1] =	wrdreg $0xFFFFFFFF  }
0xd0: {  	_ =	task.clear_ibuf [dreg:s22], $0x2FFFF;
	_ =	strace $0x9FFFFFFF  }
0xd1: {  	(tm) =	ssettm $0x7FFFFFFF  }
tec
execute0_lowered:
.L_overlay_start_1:
0x0: {  	(tag) =	ssettag $0x1  }
0x1: {  	s3 =	rddreg [dreg:$0x0]  }
0x2: {  	s4 =	rddreg [dreg:$0x1]  }
0x3: {  	s0 =	rddreg [dreg:$0x2];
	s2 =	simm.s32 $0x0  }
0x4: {  	s12 =	simm.s32 $0x200;
	[smem:$0x7FF] =	sst s2  }
0x5: {  	s13 =	simm.s32 $0x600;
	_ =	strace $0x8000004A;
	[dreg:$0x3] =	wrdreg s12  }
0x6: {  	s14 =	simm.s32 $0xA00;
	[dreg:$0x4] =	wrdreg s13  }
0x7: {  	s15 =	simm.s32 $0xE00;
	[dreg:$0x5] =	wrdreg s14  }
0x8: {  	s17 =	simm.s32 $0x1200;
	[dreg:$0x6] =	wrdreg s15  }
0x9: {  	s18 =	simm.s32 $0x1600;
	[dreg:$0x7] =	wrdreg s17  }
0xa: {  	s19 =	simm.s32 $0x1A00;
	[dreg:$0x8] =	wrdreg s18  }
0xb: {  	s21 =	simm.s32 $0x1E00;
	[dreg:$0x9] =	wrdreg s19  }
0xc: {  	s22 =	simm.s32 $0x2200;
	[dreg:$0xa] =	wrdreg s21  }
0xd: {  	s23 =	simm.s32 $0x2600;
	[dreg:$0xb] =	wrdreg s22  }
0xe: {  	s5 =	srdreg.scid;
	s24 =	simm.s32 $0x2A00;
	[dreg:$0xc] =	wrdreg s23  }
0xf: {  	s1 =	stileid.u32;
	s25 =	simm.s32 $0x2E00;
	[dreg:$0xd] =	wrdreg s24  }
0x10: {  	s26 =	simm.s32 $0x3200;
	s28 =	simm.s32 $0x3600;
	[dreg:$0xe] =	wrdreg s25  }
0x11: {  	s29 =	simm.s32 $0x3A00;
	s30 =	simm.s32 $0x3E00;
	[dreg:$0xf] =	wrdreg s26  }
0x12: {  	s31 =	simm.s32 $0x4200;
	s6 =	sand.u32 $0x1, s5;
	[dreg:$0x10] =	wrdreg s28  }
0x13: {  	s16 =	sshll.u32 s1, $0xA;
	s20 =	sshll.u32 s1, $0xE;
	[dreg:$0x11] =	wrdreg s29  }
0x14: {  	s7 =	ssub.s32 $0x2, s6;
	s9 =	sshll.u32 s6, $0x9;
	[dreg:$0x12] =	wrdreg s30  }
0x15: {  	s6 =	sshll.u32 s6, $0xD;
	[dreg:$0x13] =	wrdreg s31;
	s8 =	sshrl.u32 s7, $0x1  }
0x16: {  	s7 =	ssub.s32 s7, s8;
	s8 =	sor.u32 s9, s16;
	s9 =	sadd.s32 s20, s3  }
0x17: {  	s3 =	sadd.s32 $0xF84E00, s3;
	s8 =	sshrl.u32 s8, $0x3;
	s5 =	smax.u32 s7, $0x1  }
0x18: {  	s6 =	sadd.s32 s6, s9;
	s7 =	simm.s32 $0x2;
	s9 =	simm.s32 $0x0  }
0x19: {  	s4 =	sadd.s32 s4, s8;
	s6 =	sadd.s32 $0x110B800, s6;
	s8 =	simm.s32 $0x1  }
.LBB2_1:
0x1a: {  	[tilespmem:s2], [sflag:$0x2] =	stream.linear.gather [hbm4b:s4+s2], $0x200, $0x38;
	[tilespmem:$0x4A00] =	vst v63  }
0x1b: {  	_ =	swait.ge [sflag:s7], $0x200  }
0x1c: {  	[sflag:s7] =	ssyncset.done $0x0  }
0x1d: {  	s10 =	smov.u32 s6;
	s11 =	simm.s32 $0x0;
	[sflag:s7] =	ssyncadd.s32 $0xFFFFFE00  }
.LBB2_2:
0x1e: {  	s12 =	sshra.s32 s11, $0x2  }
0x1f: {  	v0 =	vld [tilespmem:s12+$0x0];
	_ =	sdelay $0x4  }
0x20: {  	v1 =	vshrl.u32 v0, $0x3  }
0x21: {  	v1 =	vshll.u32 v1, $0x7  }
0x22: {  	(v2sf) =	vpush v1, $0x0;
	_ =	sdelay $0x1  }
0x23: {  	(v2sf) =	vpush v1, $0x1;
	_ =	sdelay $0x1  }
0x24: {  	(v2sf) =	vpush v1, $0x2;
	_ =	sdelay $0x2  }
0x25: {  	(v2sf) =	vpush v1, $0x3;
	_ =	sdelay $0x7  }
0x26: {  	s18 =	spop (v2sf);
	(v2sf) =	vpush v1, $0x4;
	_ =	sdelay $0x1  }
0x27: {  	s19 =	spop (v2sf);
	(v2sf) =	vpush v1, $0x5;
	_ =	sdelay $0x1  }
0x28: {  	s21 =	spop (v2sf);
	(v2sf) =	vpush v1, $0x6;
	_ =	sdelay $0x1  }
0x29: {  	s12 =	sand.u32 $0x1FFFFF80, s18  }
0x2a: {  	s13 =	rddreg [dreg:$0x3];
	s12 =	sadd.s32 s3, s12;
	s23 =	spop (v2sf);
	(v2sf) =	vpush v1, $0x7  }
0x2b: {  	[tilespmem:s13], [sflag:$0x1] =	stream.linear.gather [hbm4b:s12+s2], $0x400, $0x38;
	[tilespmem:$0x4A00] =	vst v63  }
0x2c: {  	s12 =	sand.u32 $0x1FFFFF80, s19  }
0x2d: {  	s20 =	rddreg [dreg:$0x4];
	s12 =	sadd.s32 s3, s12  }
0x2e: {  	[tilespmem:s20], [sflag:$0x1] =	stream.linear.gather [hbm4b:s12+s2], $0x400, $0x38;
	[tilespmem:$0x4A00] =	vst v63  }
0x2f: {  	s12 =	sand.u32 $0x1FFFFF80, s21  }
0x30: {  	s22 =	rddreg [dreg:$0x5];
	s12 =	sadd.s32 s3, s12  }
0x31: {  	[tilespmem:s22], [sflag:$0x1] =	stream.linear.gather [hbm4b:s12+s2], $0x400, $0x38;
	[tilespmem:$0x4A00] =	vst v63  }
0x32: {  	s25 =	spop (v2sf);
	(v2sf) =	vpush v1, $0x8  }
0x33: {  	s12 =	sand.u32 $0x1FFFFF80, s23  }
0x34: {  	s24 =	rddreg [dreg:$0x6];
	s12 =	sadd.s32 s3, s12;
	s28 =	spop (v2sf);
	(v2sf) =	vpush v1, $0x9  }
0x35: {  	[tilespmem:s24], [sflag:$0x1] =	stream.linear.gather [hbm4b:s12+s2], $0x400, $0x38;
	[tilespmem:$0x4A00] =	vst v63  }
0x36: {  	s12 =	sand.u32 $0x1FFFFF80, s25;
	s30 =	spop (v2sf);
	(v2sf) =	vpush v1, $0xA  }
0x37: {  	s26 =	rddreg [dreg:$0x7];
	s12 =	sadd.s32 s3, s12  }
0x38: {  	[tilespmem:s26], [sflag:$0x1] =	stream.linear.gather [hbm4b:s12+s2], $0x400, $0x38;
	[tilespmem:$0x4A00] =	vst v63  }
0x39: {  	s13 =	spop (v2sf);
	(v2sf) =	vpush v1, $0xB  }
0x3a: {  	s12 =	sand.u32 $0x1FFFFF80, s28  }
0x3b: {  	s29 =	rddreg [dreg:$0x8];
	s12 =	sadd.s32 s3, s12  }
0x3c: {  	[tilespmem:s29], [sflag:$0x1] =	stream.linear.gather [hbm4b:s12+s2], $0x400, $0x38;
	[tilespmem:$0x4A00] =	vst v63  }
0x3d: {  	s12 =	sand.u32 $0x1FFFFF80, s30  }
0x3e: {  	s31 =	rddreg [dreg:$0x9];
	s12 =	sadd.s32 s3, s12  }
0x3f: {  	[tilespmem:s31], [sflag:$0x1] =	stream.linear.gather [hbm4b:s12+s2], $0x400, $0x38;
	[tilespmem:$0x4A00] =	vst v63  }
0x40: {  	s12 =	sand.u32 $0x1FFFFF80, s13  }
0x41: {  	s14 =	rddreg [dreg:$0xa];
	s12 =	sadd.s32 s3, s12;
	s15 =	spop (v2sf);
	(v2sf) =	vpush v1, $0xC  }
0x42: {  	[tilespmem:s14], [sflag:$0x1] =	stream.linear.gather [hbm4b:s12+s2], $0x400, $0x38;
	[tilespmem:$0x4A00] =	vst v63  }
0x43: {  	s17 =	spop (v2sf);
	(v2sf) =	vpush v1, $0xD  }
0x44: {  	s12 =	sand.u32 $0x1FFFFF80, s15  }
0x45: {  	s16 =	rddreg [dreg:$0xb];
	s12 =	sadd.s32 s3, s12;
	s19 =	spop (v2sf)  }
0x46: {  	(v2sf) =	vpush v1, $0xE;
	[tilespmem:s16], [sflag:$0x1] =	stream.linear.gather [hbm4b:s12+s2], $0x400, $0x38;
	[tilespmem:$0x4A00] =	vst v63  }
0x47: {  	s12 =	sand.u32 $0x1FFFFF80, s17  }
0x48: {  	s18 =	rddreg [dreg:$0xc];
	s21 =	spop (v2sf);
	s12 =	sadd.s32 s3, s12  }
0x49: {  	(v2sf) =	vpush v1, $0xF;
	[tilespmem:s18], [sflag:$0x1] =	stream.linear.gather [hbm4b:s12+s2], $0x400, $0x38;
	[tilespmem:$0x4A00] =	vst v63  }
0x4a: {  	s12 =	sand.u32 $0x1FFFFF80, s19  }
0x4b: {  	s20 =	rddreg [dreg:$0xd];
	s12 =	sadd.s32 s3, s12  }
0x4c: {  	[tilespmem:s20], [sflag:$0x1] =	stream.linear.gather [hbm4b:s12+s2], $0x400, $0x38;
	[tilespmem:$0x4A00] =	vst v63  }
0x4d: {  	s12 =	sand.u32 $0x1FFFFF80, s21  }
0x4e: {  	s22 =	rddreg [dreg:$0xe];
	s12 =	sadd.s32 s3, s12  }
0x4f: {  	[tilespmem:s22], [sflag:$0x1] =	stream.linear.gather [hbm4b:s12+s2], $0x400, $0x38;
	[tilespmem:$0x4A00] =	vst v63  }
0x50: {  	s23 =	spop (v2sf)  }
0x51: {  	s12 =	sand.u32 $0x1FFFFF80, s23  }
0x52: {  	s24 =	rddreg [dreg:$0xf];
	s25 =	spop (v2sf);
	s12 =	sadd.s32 s3, s12  }
0x53: {  	[tilespmem:s24], [sflag:$0x1] =	stream.linear.gather [hbm4b:s12+s2], $0x400, $0x38;
	[tilespmem:$0x4A00] =	vst v63  }
0x54: {  	s12 =	sand.u32 $0x1FFFFF80, s25  }
0x55: {  	s26 =	rddreg [dreg:$0x10];
	s28 =	spop (v2sf);
	s12 =	sadd.s32 s3, s12  }
0x56: {  	[tilespmem:s26], [sflag:$0x1] =	stream.linear.gather [hbm4b:s12+s2], $0x400, $0x38;
	[tilespmem:$0x4A00] =	vst v63  }
0x57: {  	s12 =	sand.u32 $0x1FFFFF80, s28  }
0x58: {  	s29 =	rddreg [dreg:$0x11];
	s30 =	spop (v2sf);
	s12 =	sadd.s32 s3, s12  }
0x59: {  	[tilespmem:s29], [sflag:$0x1] =	stream.linear.gather [hbm4b:s12+s2], $0x400, $0x38;
	[tilespmem:$0x4A00] =	vst v63  }
0x5a: {  	s12 =	sand.u32 $0x1FFFFF80, s30  }
0x5b: {  	s31 =	rddreg [dreg:$0x12];
	s12 =	sadd.s32 s3, s12  }
0x5c: {  	[tilespmem:s31], [sflag:$0x1] =	stream.linear.gather [hbm4b:s12+s2], $0x400, $0x38;
	[tilespmem:$0x4A00] =	vst v63  }
0x5d: {  	_ =	swait.ge [sflag:s8], $0x400  }
0x5e: {  	[sflag:s8] =	ssyncset.done $0x0  }
0x5f: {  	[sflag:s8] =	ssyncadd.s32 $0xFFFFFC00  }
0x60: {  	_ =	swait.ge [sflag:s8], $0x400  }
0x61: {  	[sflag:s8] =	ssyncset.done $0x0  }
0x62: {  	[sflag:s8] =	ssyncadd.s32 $0xFFFFFC00  }
0x63: {  	_ =	swait.ge [sflag:s8], $0x400  }
0x64: {  	[sflag:s8] =	ssyncset.done $0x0  }
0x65: {  	[sflag:s8] =	ssyncadd.s32 $0xFFFFFC00  }
0x66: {  	_ =	swait.ge [sflag:s8], $0x400  }
0x67: {  	[sflag:s8] =	ssyncset.done $0x0  }
0x68: {  	[sflag:s8] =	ssyncadd.s32 $0xFFFFFC00  }
0x69: {  	_ =	swait.ge [sflag:s8], $0x400  }
0x6a: {  	[sflag:s8] =	ssyncset.done $0x0  }
0x6b: {  	[sflag:s8] =	ssyncadd.s32 $0xFFFFFC00  }
0x6c: {  	_ =	swait.ge [sflag:s8], $0x400  }
0x6d: {  	[sflag:s8] =	ssyncset.done $0x0  }
0x6e: {  	[sflag:s8] =	ssyncadd.s32 $0xFFFFFC00  }
0x6f: {  	_ =	swait.ge [sflag:s8], $0x400  }
0x70: {  	[sflag:s8] =	ssyncset.done $0x0  }
0x71: {  	[sflag:s8] =	ssyncadd.s32 $0xFFFFFC00  }
0x72: {  	_ =	swait.ge [sflag:s8], $0x400  }
0x73: {  	[sflag:s8] =	ssyncset.done $0x0  }
0x74: {  	[sflag:s8] =	ssyncadd.s32 $0xFFFFFC00  }
0x75: {  	_ =	swait.ge [sflag:s8], $0x400  }
0x76: {  	[sflag:s8] =	ssyncset.done $0x0  }
0x77: {  	[sflag:s8] =	ssyncadd.s32 $0xFFFFFC00  }
0x78: {  	_ =	swait.ge [sflag:s8], $0x400  }
0x79: {  	[sflag:s8] =	ssyncset.done $0x0  }
0x7a: {  	[sflag:s8] =	ssyncadd.s32 $0xFFFFFC00  }
0x7b: {  	_ =	swait.ge [sflag:s8], $0x400  }
0x7c: {  	[sflag:s8] =	ssyncset.done $0x0  }
0x7d: {  	[sflag:s8] =	ssyncadd.s32 $0xFFFFFC00  }
0x7e: {  	_ =	swait.ge [sflag:s8], $0x400  }
0x7f: {  	[sflag:s8] =	ssyncset.done $0x0  }
0x80: {  	[sflag:s8] =	ssyncadd.s32 $0xFFFFFC00  }
0x81: {  	_ =	swait.ge [sflag:s8], $0x400  }
0x82: {  	[sflag:s8] =	ssyncset.done $0x0  }
0x83: {  	[sflag:s8] =	ssyncadd.s32 $0xFFFFFC00  }
0x84: {  	_ =	swait.ge [sflag:s8], $0x400  }
0x85: {  	[sflag:s8] =	ssyncset.done $0x0  }
0x86: {  	[sflag:s8] =	ssyncadd.s32 $0xFFFFFC00  }
0x87: {  	_ =	swait.ge [sflag:s8], $0x400  }
0x88: {  	[sflag:s8] =	ssyncset.done $0x0  }
0x89: {  	v0 =	vand.u32 $0x7, v0;
	[sflag:s8] =	ssyncadd.s32 $0xFFFFFC00  }
0x8a: {  	v0 =	vshll.u32 v0, $0x7;
	_ =	swait.ge [sflag:s8], $0x400  }
0x8b: {  	(v2sf) =	vpush v0, $0x1  }
0x8c: {  	(v2sf) =	vpush v0, $0x0;
	_ =	sdelay $0xd  }
0x8d: {  	[sflag:s8] =	ssyncset.done $0x0;
	s14 =	spop (v2sf)  }
0x8e: {  	[sflag:s8] =	ssyncadd.s32 $0xFFFFFC00;
	s15 =	spop (v2sf)  }
0x8f: {  	v62 =	vld [tilespmem:s15+$0x200];
	_ =	sdelay $0x4  }
0x90: {  	[tilespmem:$0x4200] =	vst v62  }
0x91: {  	v1 =	vld [tilespmem:s15+$0x210];
	_ =	sdelay $0x4  }
0x92: {  	[tilespmem:$0x4210] =	vst v1  }
0x93: {  	v1 =	vld [tilespmem:s15+$0x220];
	_ =	sdelay $0x4  }
0x94: {  	[tilespmem:$0x4220] =	vst v1  }
0x95: {  	v1 =	vld [tilespmem:s15+$0x230];
	_ =	sdelay $0x4  }
0x96: {  	[tilespmem:$0x4230] =	vst v1  }
0x97: {  	v1 =	vld [tilespmem:s14+$0x600];
	_ =	sdelay $0x4  }
0x98: {  	[tilespmem:$0x4280] =	vst v1  }
0x99: {  	v1 =	vld [tilespmem:s14+$0x610]  }
0x9a: {  	(v2sf) =	vpush v0, $0x3  }
0x9b: {  	(v2sf) =	vpush v0, $0x2;
	_ =	sdelay $0x2  }
0x9c: {  	[tilespmem:$0x4290] =	vst v1  }
0x9d: {  	v1 =	vld [tilespmem:s14+$0x620];
	_ =	sdelay $0x4  }
0x9e: {  	[tilespmem:$0x42A0] =	vst v1  }
0x9f: {  	v1 =	vld [tilespmem:s14+$0x630];
	_ =	sdelay $0x3  }
0xa0: {  	s16 =	spop (v2sf)  }
0xa1: {  	s17 =	spop (v2sf);
	[tilespmem:$0x42B0] =	vst v1  }
0xa2: {  	v1 =	vld [tilespmem:s17+$0xA00];
	_ =	sdelay $0x4  }
0xa3: {  	[tilespmem:$0x4300] =	vst v1  }
0xa4: {  	v1 =	vld [tilespmem:s17+$0xA10];
	_ =	sdelay $0x4  }
0xa5: {  	[tilespmem:$0x4310] =	vst v1  }
0xa6: {  	v1 =	vld [tilespmem:s17+$0xA20];
	_ =	sdelay $0x4  }
0xa7: {  	[tilespmem:$0x4320] =	vst v1  }
0xa8: {  	v1 =	vld [tilespmem:s17+$0xA30];
	_ =	sdelay $0x4  }
0xa9: {  	[tilespmem:$0x4330] =	vst v1  }
0xaa: {  	v1 =	vld [tilespmem:s16+$0xE00];
	_ =	sdelay $0x4  }
0xab: {  	[tilespmem:$0x4380] =	vst v1  }
0xac: {  	v1 =	vld [tilespmem:s16+$0xE10]  }
0xad: {  	(v2sf) =	vpush v0, $0x5  }
0xae: {  	(v2sf) =	vpush v0, $0x4;
	_ =	sdelay $0x2  }
0xaf: {  	[tilespmem:$0x4390] =	vst v1  }
0xb0: {  	v1 =	vld [tilespmem:s16+$0xE20];
	_ =	sdelay $0x4  }
0xb1: {  	[tilespmem:$0x43A0] =	vst v1  }
0xb2: {  	v1 =	vld [tilespmem:s16+$0xE30];
	_ =	sdelay $0x3  }
0xb3: {  	s18 =	spop (v2sf)  }
0xb4: {  	s19 =	spop (v2sf);
	[tilespmem:$0x43B0] =	vst v1  }
0xb5: {  	v1 =	vld [tilespmem:s19+$0x1200];
	_ =	sdelay $0x4  }
0xb6: {  	[tilespmem:$0x4400] =	vst v1  }
0xb7: {  	v1 =	vld [tilespmem:s19+$0x1210];
	_ =	sdelay $0x4  }
0xb8: {  	[tilespmem:$0x4410] =	vst v1  }
0xb9: {  	v1 =	vld [tilespmem:s19+$0x1220];
	_ =	sdelay $0x4  }
0xba: {  	[tilespmem:$0x4420] =	vst v1  }
0xbb: {  	v1 =	vld [tilespmem:s19+$0x1230];
	_ =	sdelay $0x4  }
0xbc: {  	[tilespmem:$0x4430] =	vst v1  }
0xbd: {  	v1 =	vld [tilespmem:s18+$0x1600];
	_ =	sdelay $0x4  }
0xbe: {  	[tilespmem:$0x4480] =	vst v1  }
0xbf: {  	v1 =	vld [tilespmem:s18+$0x1610]  }
0xc0: {  	(v2sf) =	vpush v0, $0x7  }
0xc1: {  	(v2sf) =	vpush v0, $0x6;
	_ =	sdelay $0x2  }
0xc2: {  	[tilespmem:$0x4490] =	vst v1  }
0xc3: {  	v1 =	vld [tilespmem:s18+$0x1620];
	_ =	sdelay $0x4  }
0xc4: {  	[tilespmem:$0x44A0] =	vst v1  }
0xc5: {  	v1 =	vld [tilespmem:s18+$0x1630];
	_ =	sdelay $0x3  }
0xc6: {  	s20 =	spop (v2sf)  }
0xc7: {  	s21 =	spop (v2sf);
	[tilespmem:$0x44B0] =	vst v1  }
0xc8: {  	v1 =	vld [tilespmem:s21+$0x1A00];
	_ =	sdelay $0x4  }
0xc9: {  	[tilespmem:$0x4500] =	vst v1  }
0xca: {  	v1 =	vld [tilespmem:s21+$0x1A10];
	_ =	sdelay $0x4  }
0xcb: {  	[tilespmem:$0x4510] =	vst v1  }
0xcc: {  	v1 =	vld [tilespmem:s21+$0x1A20];
	_ =	sdelay $0x4  }
0xcd: {  	[tilespmem:$0x4520] =	vst v1  }
0xce: {  	v1 =	vld [tilespmem:s21+$0x1A30];
	_ =	sdelay $0x4  }
0xcf: {  	[tilespmem:$0x4530] =	vst v1  }
0xd0: {  	v1 =	vld [tilespmem:s20+$0x1E00];
	_ =	sdelay $0x4  }
0xd1: {  	[tilespmem:$0x4580] =	vst v1  }
0xd2: {  	v1 =	vld [tilespmem:s20+$0x1E10]  }
0xd3: {  	(v2sf) =	vpush v0, $0x9  }
0xd4: {  	(v2sf) =	vpush v0, $0x8;
	_ =	sdelay $0x2  }
0xd5: {  	[tilespmem:$0x4590] =	vst v1  }
0xd6: {  	v1 =	vld [tilespmem:s20+$0x1E20];
	_ =	sdelay $0x4  }
0xd7: {  	[tilespmem:$0x45A0] =	vst v1  }
0xd8: {  	v1 =	vld [tilespmem:s20+$0x1E30];
	_ =	sdelay $0x3  }
0xd9: {  	s22 =	spop (v2sf)  }
0xda: {  	s23 =	spop (v2sf);
	[tilespmem:$0x45B0] =	vst v1  }
0xdb: {  	v1 =	vld [tilespmem:s23+$0x2200];
	_ =	sdelay $0x4  }
0xdc: {  	[tilespmem:$0x4600] =	vst v1  }
0xdd: {  	v1 =	vld [tilespmem:s23+$0x2210];
	_ =	sdelay $0x4  }
0xde: {  	[tilespmem:$0x4610] =	vst v1  }
0xdf: {  	v1 =	vld [tilespmem:s23+$0x2220];
	_ =	sdelay $0x4  }
0xe0: {  	[tilespmem:$0x4620] =	vst v1  }
0xe1: {  	v1 =	vld [tilespmem:s23+$0x2230];
	_ =	sdelay $0x4  }
0xe2: {  	[tilespmem:$0x4630] =	vst v1  }
0xe3: {  	v1 =	vld [tilespmem:s22+$0x2600];
	_ =	sdelay $0x4  }
0xe4: {  	[tilespmem:$0x4680] =	vst v1  }
0xe5: {  	v1 =	vld [tilespmem:s22+$0x2610]  }
0xe6: {  	(v2sf) =	vpush v0, $0xB  }
0xe7: {  	(v2sf) =	vpush v0, $0xA;
	_ =	sdelay $0x2  }
0xe8: {  	[tilespmem:$0x4690] =	vst v1  }
0xe9: {  	v1 =	vld [tilespmem:s22+$0x2620];
	_ =	sdelay $0x4  }
0xea: {  	[tilespmem:$0x46A0] =	vst v1  }
0xeb: {  	v1 =	vld [tilespmem:s22+$0x2630];
	_ =	sdelay $0x3  }
0xec: {  	s24 =	spop (v2sf)  }
0xed: {  	s25 =	spop (v2sf);
	[tilespmem:$0x46B0] =	vst v1  }
0xee: {  	v1 =	vld [tilespmem:s25+$0x2A00];
	_ =	sdelay $0x4  }
0xef: {  	[tilespmem:$0x4700] =	vst v1  }
0xf0: {  	v1 =	vld [tilespmem:s25+$0x2A10];
	_ =	sdelay $0x4  }
0xf1: {  	[tilespmem:$0x4710] =	vst v1  }
0xf2: {  	v1 =	vld [tilespmem:s25+$0x2A20];
	_ =	sdelay $0x4  }
0xf3: {  	[tilespmem:$0x4720] =	vst v1  }
0xf4: {  	v1 =	vld [tilespmem:s25+$0x2A30];
	_ =	sdelay $0x4  }
0xf5: {  	[tilespmem:$0x4730] =	vst v1  }
0xf6: {  	v1 =	vld [tilespmem:s24+$0x2E00];
	_ =	sdelay $0x4  }
0xf7: {  	[tilespmem:$0x4780] =	vst v1  }
0xf8: {  	v1 =	vld [tilespmem:s24+$0x2E10]  }
0xf9: {  	(v2sf) =	vpush v0, $0xD  }
0xfa: {  	(v2sf) =	vpush v0, $0xC;
	_ =	sdelay $0x2  }
0xfb: {  	[tilespmem:$0x4790] =	vst v1  }
0xfc: {  	v1 =	vld [tilespmem:s24+$0x2E20];
	_ =	sdelay $0x4  }
0xfd: {  	[tilespmem:$0x47A0] =	vst v1  }
0xfe: {  	v1 =	vld [tilespmem:s24+$0x2E30];
	_ =	sdelay $0x3  }
0xff: {  	s26 =	spop (v2sf)  }
0x100: {  	s28 =	spop (v2sf);
	[tilespmem:$0x47B0] =	vst v1  }
0x101: {  	v1 =	vld [tilespmem:s28+$0x3200];
	_ =	sdelay $0x4  }
0x102: {  	[tilespmem:$0x4800] =	vst v1  }
0x103: {  	v1 =	vld [tilespmem:s28+$0x3210];
	_ =	sdelay $0x4  }
0x104: {  	[tilespmem:$0x4810] =	vst v1  }
0x105: {  	v1 =	vld [tilespmem:s28+$0x3220];
	_ =	sdelay $0x4  }
0x106: {  	[tilespmem:$0x4820] =	vst v1  }
0x107: {  	v1 =	vld [tilespmem:s28+$0x3230];
	_ =	sdelay $0x4  }
0x108: {  	[tilespmem:$0x4830] =	vst v1  }
0x109: {  	v1 =	vld [tilespmem:s26+$0x3600];
	_ =	sdelay $0x4  }
0x10a: {  	[tilespmem:$0x4880] =	vst v1  }
0x10b: {  	v1 =	vld [tilespmem:s26+$0x3610]  }
0x10c: {  	(v2sf) =	vpush v0, $0xF  }
0x10d: {  	(v2sf) =	vpush v0, $0xE;
	_ =	sdelay $0x2  }
0x10e: {  	[tilespmem:$0x4890] =	vst v1  }
0x10f: {  	v63 =	vld [tilespmem:s26+$0x3620];
	_ =	sdelay $0x4  }
0x110: {  	[tilespmem:$0x48A0] =	vst v63  }
0x111: {  	v0 =	vld [tilespmem:s26+$0x3630];
	_ =	sdelay $0x3  }
0x112: {  	s29 =	spop (v2sf)  }
0x113: {  	s30 =	spop (v2sf);
	[tilespmem:$0x48B0] =	vst v0  }
0x114: {  	v0 =	vld [tilespmem:s30+$0x3A00];
	_ =	sdelay $0x4  }
0x115: {  	[tilespmem:$0x4900] =	vst v0  }
0x116: {  	v0 =	vld [tilespmem:s30+$0x3A10];
	_ =	sdelay $0x4  }
0x117: {  	[tilespmem:$0x4910] =	vst v0  }
0x118: {  	v0 =	vld [tilespmem:s30+$0x3A20];
	_ =	sdelay $0x4  }
0x119: {  	[tilespmem:$0x4920] =	vst v0  }
0x11a: {  	v0 =	vld [tilespmem:s30+$0x3A30];
	_ =	sdelay $0x4  }
0x11b: {  	[tilespmem:$0x4930] =	vst v0  }
0x11c: {  	v0 =	vld [tilespmem:s29+$0x3E00];
	_ =	sdelay $0x4  }
0x11d: {  	[tilespmem:$0x4980] =	vst v0  }
0x11e: {  	v0 =	vld [tilespmem:s29+$0x3E10];
	_ =	sdelay $0x4  }
0x11f: {  	[tilespmem:$0x4990] =	vst v0  }
0x120: {  	v0 =	vld [tilespmem:s29+$0x3E20];
	_ =	sdelay $0x4  }
0x121: {  	[tilespmem:$0x49A0] =	vst v0  }
0x122: {  	v0 =	vld [tilespmem:s29+$0x3E30];
	_ =	sdelay $0x3  }
0x123: {  	p0 =	sne.s32 s11, $0x7C0  }
.Ltmp0:
0x124: {  	s31 =	rddreg [dreg:$0x13];
	[tilespmem:$0x49B0] =	vst v0;
	(pc) =	sbr.rel @p0 .LBB2_2-.Ltmp0, $4  }
0x125: {  	[hbm4b:s10+s2] =	stream.linear.scatter [tilespmem:s31], [sflag:$0x2], $0x800, $0x38;
	[tilespmem:$0x4A00] =	vst v63  }
0x126: {  	_ =	swait.ge [sflag:s7], $0x800  }
0x127: {  	[sflag:s7] =	ssyncset.done $0x0  }
0x128: {  	s11 =	sadd.s32 $0x40, s11;
	s10 =	sadd.s32 $0x100, s10;
	[sflag:s7] =	ssyncadd.s32 $0xFFFFF800  }
0x129: {  	s9 =	sadd.s32 $0x1, s9  }
0x12a: {  	p0 =	sne.s32 s9, s5  }
.Ltmp1:
0x12b: {  	_ = 	snop;
	(pc) =	sbr.rel @p0 .LBB2_1-.Ltmp1, $1  }
0x12c: {  	_ =	sdelay $0x3  }
0x12d: {  	_ =	sfence.sel $0x180000  }
0x12e: {  	[bflag:$0x0] =	sbarrier.arrive $0xFFFF  }
0x12f: {  	p0 =	sne.s32 s1, $0x0;
	_ =	strace $0x9000004A  }
0x130: {  	s0 =	sadd.s32 @!p0 $0x100000, s0;
	[bflag:$0x2] =	sbarrier.arrive $0xFFFF  }
0x131: {  	[sflag:s0] =	ssyncadd.tile.s32 @!p0 $0x1;
	_ =	shalt  }
.Lfunc_end2:
_tile_overlayer_lowered:
.L_overlay_start_2:
0x132: {  	(tag) =	ssettag $0x2  }
0x133: {  	s0 =	rddreg [dreg:$0x0];
	s2 =	stileid.u32  }
0x134: {  	s1 =	rddreg [dreg:$0x1];
	p0 =	sne.s32 s2, $0x0  }
0x135: {  	s3 =	rddreg [dreg:$0x2];
	[bflag:$0x3] =	sbarrier.arrive $0xFFFF;
	s2 =	simm.s32 @!p0 $0x1C02  }
0x136: {  	[timem:s3], [sflag:s2] =	dma.local @!p0 [hbm:s0], s1  }
0x137: {  	s0 =	simm.s32 @!p0 $0x2  }
0x138: {  	_ =	swait.ge @!p0 [sflag:s0], s1  }
0x139: {  	s1 =	ssub.s32 @!p0 $0x0, s1;
	[sflag:s0] =	ssyncset.done @!p0 $0x0  }
0x13a: {  	[sflag:s0] =	ssyncadd.s32 @!p0 s1  }
0x13b: {  	[bflag:$0x3] =	sbarrier.arrive $0xFFFF  }
0x13c: {  	_ =	shalt  }

// kernel: kernel.9.cloned.1.call-start
scs
__scs_entry_jumppad:
0x0: {  	(pc) =	sbr.rel $0x88, $3  }
0x1: {  	(tag) =	ssettag $0x0;
	lr =	simm.s32 $0x1  }
0x2: {  	[smem:$0x3F8D] =	sst lr;
	_ =	strace $0xD0000000  }
0x3: {  	_ = 	snop  }
0x4: {  	_ = 	snop  }
0x5: {  	_ = 	snop  }
0x6: {  	_ = 	snop  }
0x7: {  	_ = 	snop  }
__scs_overlays_trampoline_lowered:
0x8: {  	[smem:$0x3F9C] =	sst s0  }
0x9: {  	[smem:$0x3F9D] =	sst s1  }
0xa: {  	[smem:$0x3F9E] =	sst s2  }
0xb: {  	[smem:$0x3F9F] =	sst s3  }
0xc: {  	[smem:$0x3FA0] =	sst s4  }
0xd: {  	[smem:$0x3FA1] =	sst s5  }
0xe: {  	[smem:$0x3FA2] =	sst s6  }
0xf: {  	[smem:$0x3FA3] =	sst s7  }
0x10: {  	[smem:$0x3FA4] =	sst s8  }
0x11: {  	[smem:$0x3FA5] =	sst s9;
	s0 =	simm.s32 @!p0 $0x0  }
0x12: {  	s1 =	sld [smem:$0x3F8B];
	s0 =	simm.s32 @p0 $0x1  }
0x13: {  	[smem:$0x3FA6] =	sst s0;
	s0 =	simm.s32 @!p1 $0x0  }
0x14: {  	s2 =	sld [smem:$0x3F8A];
	s0 =	simm.s32 @p1 $0x1  }
0x15: {  	[smem:$0x3FA7] =	sst s0;
	s0 =	simm.s32 @!p2 $0x0  }
0x16: {  	s3 =	sld [smem:$0x3FDB];
	s0 =	simm.s32 @p2 $0x1  }
0x17: {  	s4 =	simm.s32 $0x1BF5;
	[smem:$0x3FA9] =	sst s0  }
0x18: {  	s0 =	sld [smem:$0x3F8C];
	_ =	swait.ge [sflag:s4], $0x0  }
0x19: {  	s7 =	sld [smem:$0x3F8D]  }
0x1a: {  	s8 =	sadd.s32 $0xFFFFE003, lr  }
0x1b: {  	s9 =	sadd.s32 $0xFFFFFEF7, lr;
	s5 =	simm.s32 $0xFFFFFFFF;
	p2 =	slt.u32 s8, $0xFFFFF086  }
0x1c: {  	p1 =	slt.u32 s9, $0xF7A;
	s5 =	simm.s32 @!p2 $0x0  }
0x1d: {  	s5 =	simm.s32 @p1 $0x1;
	p0 =	seq.s32 s7, s2  }
0x1e: {  	s7 =	smul.u32 @!p0 $0xF7A, s2;
	p2 =	seq.s32 @!p0 s5, $0x0  }
0x1f: {  	s9 =	smul.u32 $0xF7A, s1;
	s8 =	simm.s32 @!p0 $0x1BF5;
	p2 =	por !p2, p0  }
0x20: {  	[sflag:s8] =	ssyncset.s32 @!p0 $0xFFFFF086;
	s6 =	sadd.s32 @!p0 s3, s7;
	s7 =	simm.s32 @!p0 $0x108  }
0x21: {  	s3 =	sadd.s32 s3, s9;
	s6 =	sadd.s32 @!p0 $0x88, s6;
	s7 =	simm.s32 @p2 $0x1082  }
0x22: {  	[simem:s7], [sflag:s8] =	dma.local @!p0 [hbm:s6], $0xF7A  }
0x23: {  	s9 =	sor.u32 $0xD0000000, s2;
	s6 =	simm.s32 $0x108;
	_ =	swait.ge @!p0 [sflag:s8], $0x0  }
0x24: {  	s3 =	sadd.s32 $0x88, s3;
	s6 =	simm.s32 @!p1 $0x1082;
	[sflag:s4] =	ssyncset.s32 $0xFFFFF086  }
0x25: {  	[simem:s6], [sflag:s4] =	dma.local [hbm:s3], $0xF7A  }
0x26: {  	[smem:$0x3F8D] =	sst s1;
	(tag) =	ssettag s2;
	_ =	strace s9  }
0x27: {  	s1 =	sld [smem:$0x3F9D]  }
0x28: {  	s2 =	sld [smem:$0x3F9E]  }
0x29: {  	s4 =	sld [smem:$0x3FA0]  }
0x2a: {  	p0 =	seq.s32 s5, $0x0;
	s5 =	sld [smem:$0x3FA1]  }
0x2b: {  	s6 =	sld [smem:$0x3FA2]  }
0x2c: {  	s7 =	sld [smem:$0x3FA3]  }
0x2d: {  	s3 =	simm.s32 $0x108;
	s8 =	sld [smem:$0x3FA4]  }
0x2e: {  	s3 =	simm.s32 @!p0 $0x1082;
	s9 =	sld [smem:$0x3FA5]  }
0x2f: {  	lr =	sadd.s32 s0, s3;
	s0 =	sld [smem:$0x3F9C]  }
0x30: {  	s3 =	sld [smem:$0x3F9F]  }
0x31: {  	[smem:$0x3FA8] =	sst s10  }
0x32: {  	s10 =	sld [smem:$0x3FA6];
	_ =	sdelay $0x3  }
0x33: {  	p0 =	seq.s32 s10, $0x1;
	s10 =	sld [smem:$0x3FA8];
	_ =	sdelay $0x3  }
0x34: {  	[smem:$0x3FA8] =	sst s10  }
0x35: {  	s10 =	sld [smem:$0x3FA7];
	_ =	sdelay $0x3  }
0x36: {  	p1 =	seq.s32 s10, $0x1;
	s10 =	sld [smem:$0x3FA8];
	_ =	sdelay $0x3  }
0x37: {  	[smem:$0x3FA8] =	sst s10  }
0x38: {  	s10 =	sld [smem:$0x3FA9]  }
0x39: {  	_ = 	snop;
	(pc) =	sbr.ind lr, $3  }
0x3a: {  	_ = 	snop  }
0x3b: {  	_ = 	snop  }
0x3c: {  	p2 =	seq.s32 s10, $0x1;
	s10 =	sld [smem:$0x3FA8]  }
0x3d: {  	_ =	shalt  }
0x3e: {  	_ =	shalt  }
0x3f: {  	_ =	shalt  }
0x40: {  	_ =	shalt  }
0x41: {  	_ =	shalt  }
0x42: {  	_ =	shalt  }
0x43: {  	_ =	shalt  }
0x44: {  	_ =	shalt  }
0x45: {  	_ =	shalt  }
0x46: {  	_ =	shalt  }
0x47: {  	_ =	shalt  }
0x48: {  	_ =	shalt  }
0x49: {  	_ =	shalt  }
0x4a: {  	_ =	shalt  }
0x4b: {  	_ =	shalt  }
0x4c: {  	_ =	shalt  }
0x4d: {  	_ =	shalt  }
0x4e: {  	_ =	shalt  }
0x4f: {  	_ =	shalt  }
0x50: {  	_ =	shalt  }
0x51: {  	_ =	shalt  }
0x52: {  	_ =	shalt  }
0x53: {  	_ =	shalt  }
0x54: {  	_ =	shalt  }
0x55: {  	_ =	shalt  }
0x56: {  	_ =	shalt  }
0x57: {  	_ =	shalt  }
0x58: {  	_ =	shalt  }
0x59: {  	_ =	shalt  }
0x5a: {  	_ =	shalt  }
0x5b: {  	_ =	shalt  }
0x5c: {  	_ =	shalt  }
0x5d: {  	_ =	shalt  }
0x5e: {  	_ =	shalt  }
0x5f: {  	_ =	shalt  }
0x60: {  	_ =	shalt  }
0x61: {  	_ =	shalt  }
0x62: {  	_ =	shalt  }
0x63: {  	_ =	shalt  }
0x64: {  	_ =	shalt  }
0x65: {  	_ =	shalt  }
0x66: {  	_ =	shalt  }
0x67: {  	_ =	shalt  }
0x68: {  	_ =	shalt  }
0x69: {  	_ =	shalt  }
0x6a: {  	_ =	shalt  }
0x6b: {  	_ =	shalt  }
0x6c: {  	_ =	shalt  }
0x6d: {  	_ =	shalt  }
0x6e: {  	_ =	shalt  }
0x6f: {  	_ =	shalt  }
0x70: {  	_ =	shalt  }
0x71: {  	_ =	shalt  }
0x72: {  	_ =	shalt  }
0x73: {  	_ =	shalt  }
0x74: {  	_ =	shalt  }
0x75: {  	_ =	shalt  }
0x76: {  	_ =	shalt  }
0x77: {  	_ =	shalt  }
0x78: {  	_ =	shalt  }
0x79: {  	_ =	shalt  }
0x7a: {  	_ =	shalt  }
0x7b: {  	_ =	shalt  }
0x7c: {  	_ =	shalt  }
0x7d: {  	_ =	shalt  }
0x7e: {  	_ =	shalt  }
0x7f: {  	_ =	shalt  }
0x80: {  	_ =	shalt  }
0x81: {  	_ =	shalt  }
0x82: {  	_ =	shalt  }
0x83: {  	_ =	shalt  }
0x84: {  	_ =	shalt  }
0x85: {  	_ =	shalt  }
0x86: {  	_ =	shalt  }
0x87: {  	_ =	shalt  }
.Lfunc_end0:
.L_simem_size_0:
called_computation.1_lowered:
.L_overlay_start_0:
0x88: {  	s2 =	sld [smem:$0x3FD9]  }
0x89: {  	s3 =	sld [smem:$0x3FFE];
	_ =	sdelay $0x1  }
0x8a: {  	s1 =	srdreg.scid  }
0x8b: {  	s0 =	sand.u32 $0x1, s1  }
0x8c: {  	s17 =	sshll.u32 s0, $0xA;
	s2 =	sadd.s32 s3, s2  }
0x8d: {  	s2 =	sadd.s32 s2, s17  }
0x8e: {  	[smem:$0x3FB4] =	sst s2  }
0x8f: {  	_ = 	snop  }
0x90: {  	s2 =	sld [smem:$0x3FC9];
	(tm) =	ssettm $0x1  }
0x91: {  	s18 =	sld [smem:$0x3FFB];
	_ =	sdelay $0x3  }
0x92: {  	_ =	strace s18  }
0x93: {  	s3 =	sld [smem:$0x3FFC];
	_ =	sdelay $0x3  }
0x94: {  	_ =	strace s3  }
0x95: {  	s3 =	sld [smem:$0x3FFD];
	_ =	sdelay $0x3  }
0x96: {  	_ =	strace s3  }
0x97: {  	_ =	strace $0x8FFFFFFF  }
0x98: {  	s19 =	sld [smem:$0x3FDB];
	_ =	sdelay $0x1  }
0x99: {  	s4 =	simm.s32 $_scs_section_size  }
0x9a: {  	s5 =	simm.s32 $_size__tile_overlayer_lowered;
	s6 =	simm.s32 $_tile_overlayer_lowered  }
0x9b: {  	s22 =	simm.s32 $0x1BFF;
	s21 =	sshll.u32 s6, $0x1;
	s3 =	sadd.s32 s4, s19  }
0x9c: {  	s7 =	simm.s32 $0x0;
	s20 =	sshll.u32 s5, $0x1;
	s5 =	sadd.s32 s21, s3  }
0x9d: {  	[timem:s7], [sflag:s22] =	dma.local [hbm:s5], s20  }
0x9e: {  	_ =	swait.ge [sflag:s22], s20  }
0x9f: {  	s4 =	ssub.s32 $0x0, s20;
	[sflag:s22] =	ssyncset.done $0x0  }
0xa0: {  	[sflag:s22] =	ssyncadd.s32 s4;
	_ =	sdelay $0x1  }
0xa1: {  	s23 =	simm.s32 $0x1B8B  }
0xa2: {  	_ =	swait.ge [sflag:s23], $0x1  }
0xa3: {  	[sflag:s23] =	ssyncset.done $0x0  }
0xa4: {  	s25 =	simm.s32 $0x1B8E;
	s24 =	sld [smem:$0x3FFE];
	[sflag:s23] =	ssyncadd.s32 $0xFFFFFFFF  }
0xa5: {  	s26 =	simm.s32 $execute0_lowered;
	[smem:$0x3FD2] =	sst s25  }
0xa6: {  	s5 =	sshll.u32 s26, $0x1;
	_ =	strace $0x80000046;
	[dreg:$0x1] =	wrdreg $0xFFFFFFFF  }
0xa7: {  	s28 =	simm.s32 $_size_execute0_lowered;
	s3 =	sadd.s32 s3, s5;
	[dreg:$0x0] =	wrdreg $0x0  }
0xa8: {  	s5 =	sshll.u32 s28, $0x1;
	[dreg:$0x2] =	wrdreg s3  }
0xa9: {  	[dreg:$0x3] =	wrdreg s5  }
0xaa: {  	[dreg:$0x4] =	wrdreg $0xC0  }
0xab: {  	_ =	task [dreg:s7], $0x5FFFF  }
0xac: {  	[dreg:$0x1] =	wrdreg $0xFFFFFFFF  }
0xad: {  	[dreg:$0x0] =	wrdreg $0x60  }
0xae: {  	[dreg:$0x2] =	wrdreg s24  }
0xaf: {  	[dreg:$0x3] =	wrdreg s2  }
0xb0: {  	[dreg:$0x4] =	wrdreg $0xA  }
0xb1: {  	_ =	task.clear_ibuf [dreg:s7], $0x5FFFF;
	_ =	strace $0x90000046  }
0xb2: {  	s29 =	simm.s32 $0xA;
	_ =	strace $0x80000048  }
0xb3: {  	_ =	swait.ge [sflag:s29], $0x1  }
0xb4: {  	[sflag:s29] =	ssyncadd.s32 $0xFFFFFFFF  }
0xb5: {  	_ =	strace $0x90000048  }
0xb6: {  	_ =	sfence  }
0xb7: {  	s30 =	sld [smem:$0x0];
	_ =	sdelay $0x2  }
0xb8: {  	s31 =	sshll.u32 s1, $0xD;
	s1 =	sshrl.u32 s1, $0x2  }
0xb9: {  	s3 =	sand.u32 $0x4000, s31;
	s1 =	sadd.s32 s1, s30  }
0xba: {  	s0 =	sor.u32 s3, s0;
	s1 =	sshll.u32 s1, $0x11  }
0xbb: {  	s0 =	sor.u32 s1, s0  }
0xbc: {  	s0 =	sadd.s32 $0x8F2B, s0  }
0xbd: {  	[sflag:s0] =	ssyncadd.remote.s32 $0x1  }
0xbe: {  	_ =	sfence.sel $0xFFFF  }
0xbf: {  	[dreg:$0x0] =	wrdreg $0xFFFFFFFF;
	(pc) =	sbr.abs _section_cstart, $3  }
0xc0: {  	[dreg:$0x1] =	wrdreg $0xFFFFFFFF  }
0xc1: {  	_ =	task.clear_ibuf [dreg:s7], $0x2FFFF;
	_ =	strace $0x9FFFFFFF  }
0xc2: {  	(tm) =	ssettm $0x7FFFFFFF  }
0xc3: {  	_ =	shalt  }
tec
execute0_lowered:
.L_overlay_start_1:
0x0: {  	(tag) =	ssettag $0x1  }
0x1: {  	s3 =	rddreg [dreg:$0x0]  }
0x2: {  	s4 =	rddreg [dreg:$0x1]  }
0x3: {  	s0 =	rddreg [dreg:$0x2];
	s2 =	simm.s32 $0x0  }
0x4: {  	s12 =	simm.s32 $0x200;
	[smem:$0x7FF] =	sst s2  }
0x5: {  	s13 =	simm.s32 $0x600;
	_ =	strace $0x80000047;
	[dreg:$0x3] =	wrdreg s12  }
0x6: {  	s14 =	simm.s32 $0xA00;
	[dreg:$0x4] =	wrdreg s13  }
0x7: {  	s15 =	simm.s32 $0xE00;
	[dreg:$0x5] =	wrdreg s14  }
0x8: {  	s17 =	simm.s32 $0x1200;
	[dreg:$0x6] =	wrdreg s15  }
0x9: {  	s18 =	simm.s32 $0x1600;
	[dreg:$0x7] =	wrdreg s17  }
0xa: {  	s19 =	simm.s32 $0x1A00;
	[dreg:$0x8] =	wrdreg s18  }
0xb: {  	s21 =	simm.s32 $0x1E00;
	[dreg:$0x9] =	wrdreg s19  }
0xc: {  	s22 =	simm.s32 $0x2200;
	[dreg:$0xa] =	wrdreg s21  }
0xd: {  	s23 =	simm.s32 $0x2600;
	[dreg:$0xb] =	wrdreg s22  }
0xe: {  	s5 =	srdreg.scid;
	s24 =	simm.s32 $0x2A00;
	[dreg:$0xc] =	wrdreg s23  }
0xf: {  	s1 =	stileid.u32;
	s25 =	simm.s32 $0x2E00;
	[dreg:$0xd] =	wrdreg s24  }
0x10: {  	s26 =	simm.s32 $0x3200;
	s28 =	simm.s32 $0x3600;
	[dreg:$0xe] =	wrdreg s25  }
0x11: {  	s29 =	simm.s32 $0x3A00;
	s30 =	simm.s32 $0x3E00;
	[dreg:$0xf] =	wrdreg s26  }
0x12: {  	s31 =	simm.s32 $0x4200;
	s6 =	sand.u32 $0x1, s5;
	[dreg:$0x10] =	wrdreg s28  }
0x13: {  	s16 =	sshll.u32 s1, $0xA;
	s20 =	sshll.u32 s1, $0xE;
	[dreg:$0x11] =	wrdreg s29  }
0x14: {  	s7 =	ssub.s32 $0x2, s6;
	s9 =	sshll.u32 s6, $0x9;
	[dreg:$0x12] =	wrdreg s30  }
0x15: {  	s6 =	sshll.u32 s6, $0xD;
	[dreg:$0x13] =	wrdreg s31;
	s8 =	sshrl.u32 s7, $0x1  }
0x16: {  	s7 =	ssub.s32 s7, s8;
	s8 =	sor.u32 s9, s16;
	s9 =	sadd.s32 s20, s3  }
0x17: {  	s3 =	sadd.s32 $0x2A00, s3;
	s8 =	sshrl.u32 s8, $0x3;
	s5 =	smax.u32 s7, $0x1  }
0x18: {  	s6 =	sadd.s32 s6, s9;
	s7 =	simm.s32 $0x2;
	s9 =	simm.s32 $0x0  }
0x19: {  	s4 =	sadd.s32 s4, s8;
	s6 =	sadd.s32 $0xF44E00, s6;
	s8 =	simm.s32 $0x1  }
.LBB2_1:
0x1a: {  	[tilespmem:s2], [sflag:$0x2] =	stream.linear.gather [hbm4b:s4+s2], $0x200, $0x38;
	[tilespmem:$0x4A00] =	vst v63  }
0x1b: {  	_ =	swait.ge [sflag:s7], $0x200  }
0x1c: {  	[sflag:s7] =	ssyncset.done $0x0  }
0x1d: {  	s10 =	smov.u32 s6;
	s11 =	simm.s32 $0x0;
	[sflag:s7] =	ssyncadd.s32 $0xFFFFFE00  }
.LBB2_2:
0x1e: {  	s12 =	sshra.s32 s11, $0x2  }
0x1f: {  	v0 =	vld [tilespmem:s12+$0x0];
	_ =	sdelay $0x4  }
0x20: {  	v1 =	vshrl.u32 v0, $0x3  }
0x21: {  	v1 =	vshll.u32 v1, $0x7  }
0x22: {  	(v2sf) =	vpush v1, $0x0;
	_ =	sdelay $0x1  }
0x23: {  	(v2sf) =	vpush v1, $0x1;
	_ =	sdelay $0x1  }
0x24: {  	(v2sf) =	vpush v1, $0x2;
	_ =	sdelay $0x2  }
0x25: {  	(v2sf) =	vpush v1, $0x3;
	_ =	sdelay $0x7  }
0x26: {  	s18 =	spop (v2sf);
	(v2sf) =	vpush v1, $0x4;
	_ =	sdelay $0x1  }
0x27: {  	s19 =	spop (v2sf);
	(v2sf) =	vpush v1, $0x5;
	_ =	sdelay $0x1  }
0x28: {  	s21 =	spop (v2sf);
	(v2sf) =	vpush v1, $0x6;
	_ =	sdelay $0x1  }
0x29: {  	s12 =	sand.u32 $0x1FFFFF80, s18  }
0x2a: {  	s13 =	rddreg [dreg:$0x3];
	s12 =	sadd.s32 s3, s12;
	s23 =	spop (v2sf);
	(v2sf) =	vpush v1, $0x7  }
0x2b: {  	[tilespmem:s13], [sflag:$0x1] =	stream.linear.gather [hbm4b:s12+s2], $0x400, $0x38;
	[tilespmem:$0x4A00] =	vst v63  }
0x2c: {  	s12 =	sand.u32 $0x1FFFFF80, s19  }
0x2d: {  	s20 =	rddreg [dreg:$0x4];
	s12 =	sadd.s32 s3, s12  }
0x2e: {  	[tilespmem:s20], [sflag:$0x1] =	stream.linear.gather [hbm4b:s12+s2], $0x400, $0x38;
	[tilespmem:$0x4A00] =	vst v63  }
0x2f: {  	s12 =	sand.u32 $0x1FFFFF80, s21  }
0x30: {  	s22 =	rddreg [dreg:$0x5];
	s12 =	sadd.s32 s3, s12  }
0x31: {  	[tilespmem:s22], [sflag:$0x1] =	stream.linear.gather [hbm4b:s12+s2], $0x400, $0x38;
	[tilespmem:$0x4A00] =	vst v63  }
0x32: {  	s25 =	spop (v2sf);
	(v2sf) =	vpush v1, $0x8  }
0x33: {  	s12 =	sand.u32 $0x1FFFFF80, s23  }
0x34: {  	s24 =	rddreg [dreg:$0x6];
	s12 =	sadd.s32 s3, s12;
	s28 =	spop (v2sf);
	(v2sf) =	vpush v1, $0x9  }
0x35: {  	[tilespmem:s24], [sflag:$0x1] =	stream.linear.gather [hbm4b:s12+s2], $0x400, $0x38;
	[tilespmem:$0x4A00] =	vst v63  }
0x36: {  	s12 =	sand.u32 $0x1FFFFF80, s25;
	s30 =	spop (v2sf);
	(v2sf) =	vpush v1, $0xA  }
0x37: {  	s26 =	rddreg [dreg:$0x7];
	s12 =	sadd.s32 s3, s12  }
0x38: {  	[tilespmem:s26], [sflag:$0x1] =	stream.linear.gather [hbm4b:s12+s2], $0x400, $0x38;
	[tilespmem:$0x4A00] =	vst v63  }
0x39: {  	s13 =	spop (v2sf);
	(v2sf) =	vpush v1, $0xB  }
0x3a: {  	s12 =	sand.u32 $0x1FFFFF80, s28  }
0x3b: {  	s29 =	rddreg [dreg:$0x8];
	s12 =	sadd.s32 s3, s12  }
0x3c: {  	[tilespmem:s29], [sflag:$0x1] =	stream.linear.gather [hbm4b:s12+s2], $0x400, $0x38;
	[tilespmem:$0x4A00] =	vst v63  }
0x3d: {  	s12 =	sand.u32 $0x1FFFFF80, s30  }
0x3e: {  	s31 =	rddreg [dreg:$0x9];
	s12 =	sadd.s32 s3, s12  }
0x3f: {  	[tilespmem:s31], [sflag:$0x1] =	stream.linear.gather [hbm4b:s12+s2], $0x400, $0x38;
	[tilespmem:$0x4A00] =	vst v63  }
0x40: {  	s12 =	sand.u32 $0x1FFFFF80, s13  }
0x41: {  	s14 =	rddreg [dreg:$0xa];
	s12 =	sadd.s32 s3, s12;
	s15 =	spop (v2sf);
	(v2sf) =	vpush v1, $0xC  }
0x42: {  	[tilespmem:s14], [sflag:$0x1] =	stream.linear.gather [hbm4b:s12+s2], $0x400, $0x38;
	[tilespmem:$0x4A00] =	vst v63  }
0x43: {  	s17 =	spop (v2sf);
	(v2sf) =	vpush v1, $0xD  }
0x44: {  	s12 =	sand.u32 $0x1FFFFF80, s15  }
0x45: {  	s16 =	rddreg [dreg:$0xb];
	s12 =	sadd.s32 s3, s12;
	s19 =	spop (v2sf)  }
0x46: {  	(v2sf) =	vpush v1, $0xE;
	[tilespmem:s16], [sflag:$0x1] =	stream.linear.gather [hbm4b:s12+s2], $0x400, $0x38;
	[tilespmem:$0x4A00] =	vst v63  }
0x47: {  	s12 =	sand.u32 $0x1FFFFF80, s17  }
0x48: {  	s18 =	rddreg [dreg:$0xc];
	s21 =	spop (v2sf);
	s12 =	sadd.s32 s3, s12  }
0x49: {  	(v2sf) =	vpush v1, $0xF;
	[tilespmem:s18], [sflag:$0x1] =	stream.linear.gather [hbm4b:s12+s2], $0x400, $0x38;
	[tilespmem:$0x4A00] =	vst v63  }
0x4a: {  	s12 =	sand.u32 $0x1FFFFF80, s19  }
0x4b: {  	s20 =	rddreg [dreg:$0xd];
	s12 =	sadd.s32 s3, s12  }
0x4c: {  	[tilespmem:s20], [sflag:$0x1] =	stream.linear.gather [hbm4b:s12+s2], $0x400, $0x38;
	[tilespmem:$0x4A00] =	vst v63  }
0x4d: {  	s12 =	sand.u32 $0x1FFFFF80, s21  }
0x4e: {  	s22 =	rddreg [dreg:$0xe];
	s12 =	sadd.s32 s3, s12  }
0x4f: {  	[tilespmem:s22], [sflag:$0x1] =	stream.linear.gather [hbm4b:s12+s2], $0x400, $0x38;
	[tilespmem:$0x4A00] =	vst v63  }
0x50: {  	s23 =	spop (v2sf)  }
0x51: {  	s12 =	sand.u32 $0x1FFFFF80, s23  }
0x52: {  	s24 =	rddreg [dreg:$0xf];
	s25 =	spop (v2sf);
	s12 =	sadd.s32 s3, s12  }
0x53: {  	[tilespmem:s24], [sflag:$0x1] =	stream.linear.gather [hbm4b:s12+s2], $0x400, $0x38;
	[tilespmem:$0x4A00] =	vst v63  }
0x54: {  	s12 =	sand.u32 $0x1FFFFF80, s25  }
0x55: {  	s26 =	rddreg [dreg:$0x10];
	s28 =	spop (v2sf);
	s12 =	sadd.s32 s3, s12  }
0x56: {  	[tilespmem:s26], [sflag:$0x1] =	stream.linear.gather [hbm4b:s12+s2], $0x400, $0x38;
	[tilespmem:$0x4A00] =	vst v63  }
0x57: {  	s12 =	sand.u32 $0x1FFFFF80, s28  }
0x58: {  	s29 =	rddreg [dreg:$0x11];
	s30 =	spop (v2sf);
	s12 =	sadd.s32 s3, s12  }
0x59: {  	[tilespmem:s29], [sflag:$0x1] =	stream.linear.gather [hbm4b:s12+s2], $0x400, $0x38;
	[tilespmem:$0x4A00] =	vst v63  }
0x5a: {  	s12 =	sand.u32 $0x1FFFFF80, s30  }
0x5b: {  	s31 =	rddreg [dreg:$0x12];
	s12 =	sadd.s32 s3, s12  }
0x5c: {  	[tilespmem:s31], [sflag:$0x1] =	stream.linear.gather [hbm4b:s12+s2], $0x400, $0x38;
	[tilespmem:$0x4A00] =	vst v63  }
0x5d: {  	_ =	swait.ge [sflag:s8], $0x400  }
0x5e: {  	[sflag:s8] =	ssyncset.done $0x0  }
0x5f: {  	[sflag:s8] =	ssyncadd.s32 $0xFFFFFC00  }
0x60: {  	_ =	swait.ge [sflag:s8], $0x400  }
0x61: {  	[sflag:s8] =	ssyncset.done $0x0  }
0x62: {  	[sflag:s8] =	ssyncadd.s32 $0xFFFFFC00  }
0x63: {  	_ =	swait.ge [sflag:s8], $0x400  }
0x64: {  	[sflag:s8] =	ssyncset.done $0x0  }
0x65: {  	[sflag:s8] =	ssyncadd.s32 $0xFFFFFC00  }
0x66: {  	_ =	swait.ge [sflag:s8], $0x400  }
0x67: {  	[sflag:s8] =	ssyncset.done $0x0  }
0x68: {  	[sflag:s8] =	ssyncadd.s32 $0xFFFFFC00  }
0x69: {  	_ =	swait.ge [sflag:s8], $0x400  }
0x6a: {  	[sflag:s8] =	ssyncset.done $0x0  }
0x6b: {  	[sflag:s8] =	ssyncadd.s32 $0xFFFFFC00  }
0x6c: {  	_ =	swait.ge [sflag:s8], $0x400  }
0x6d: {  	[sflag:s8] =	ssyncset.done $0x0  }
0x6e: {  	[sflag:s8] =	ssyncadd.s32 $0xFFFFFC00  }
0x6f: {  	_ =	swait.ge [sflag:s8], $0x400  }
0x70: {  	[sflag:s8] =	ssyncset.done $0x0  }
0x71: {  	[sflag:s8] =	ssyncadd.s32 $0xFFFFFC00  }
0x72: {  	_ =	swait.ge [sflag:s8], $0x400  }
0x73: {  	[sflag:s8] =	ssyncset.done $0x0  }
0x74: {  	[sflag:s8] =	ssyncadd.s32 $0xFFFFFC00  }
0x75: {  	_ =	swait.ge [sflag:s8], $0x400  }
0x76: {  	[sflag:s8] =	ssyncset.done $0x0  }
0x77: {  	[sflag:s8] =	ssyncadd.s32 $0xFFFFFC00  }
0x78: {  	_ =	swait.ge [sflag:s8], $0x400  }
0x79: {  	[sflag:s8] =	ssyncset.done $0x0  }
0x7a: {  	[sflag:s8] =	ssyncadd.s32 $0xFFFFFC00  }
0x7b: {  	_ =	swait.ge [sflag:s8], $0x400  }
0x7c: {  	[sflag:s8] =	ssyncset.done $0x0  }
0x7d: {  	[sflag:s8] =	ssyncadd.s32 $0xFFFFFC00  }
0x7e: {  	_ =	swait.ge [sflag:s8], $0x400  }
0x7f: {  	[sflag:s8] =	ssyncset.done $0x0  }
0x80: {  	[sflag:s8] =	ssyncadd.s32 $0xFFFFFC00  }
0x81: {  	_ =	swait.ge [sflag:s8], $0x400  }
0x82: {  	[sflag:s8] =	ssyncset.done $0x0  }
0x83: {  	[sflag:s8] =	ssyncadd.s32 $0xFFFFFC00  }
0x84: {  	_ =	swait.ge [sflag:s8], $0x400  }
0x85: {  	[sflag:s8] =	ssyncset.done $0x0  }
0x86: {  	[sflag:s8] =	ssyncadd.s32 $0xFFFFFC00  }
0x87: {  	_ =	swait.ge [sflag:s8], $0x400  }
0x88: {  	[sflag:s8] =	ssyncset.done $0x0  }
0x89: {  	v0 =	vand.u32 $0x7, v0;
	[sflag:s8] =	ssyncadd.s32 $0xFFFFFC00  }
0x8a: {  	v0 =	vshll.u32 v0, $0x7;
	_ =	swait.ge [sflag:s8], $0x400  }
0x8b: {  	(v2sf) =	vpush v0, $0x1  }
0x8c: {  	(v2sf) =	vpush v0, $0x0;
	_ =	sdelay $0xd  }
0x8d: {  	[sflag:s8] =	ssyncset.done $0x0;
	s14 =	spop (v2sf)  }
0x8e: {  	[sflag:s8] =	ssyncadd.s32 $0xFFFFFC00;
	s15 =	spop (v2sf)  }
0x8f: {  	v62 =	vld [tilespmem:s15+$0x200];
	_ =	sdelay $0x4  }
0x90: {  	[tilespmem:$0x4200] =	vst v62  }
0x91: {  	v1 =	vld [tilespmem:s15+$0x210];
	_ =	sdelay $0x4  }
0x92: {  	[tilespmem:$0x4210] =	vst v1  }
0x93: {  	v1 =	vld [tilespmem:s15+$0x220];
	_ =	sdelay $0x4  }
0x94: {  	[tilespmem:$0x4220] =	vst v1  }
0x95: {  	v1 =	vld [tilespmem:s15+$0x230];
	_ =	sdelay $0x4  }
0x96: {  	[tilespmem:$0x4230] =	vst v1  }
0x97: {  	v1 =	vld [tilespmem:s14+$0x600];
	_ =	sdelay $0x4  }
0x98: {  	[tilespmem:$0x4280] =	vst v1  }
0x99: {  	v1 =	vld [tilespmem:s14+$0x610]  }
0x9a: {  	(v2sf) =	vpush v0, $0x3  }
0x9b: {  	(v2sf) =	vpush v0, $0x2;
	_ =	sdelay $0x2  }
0x9c: {  	[tilespmem:$0x4290] =	vst v1  }
0x9d: {  	v1 =	vld [tilespmem:s14+$0x620];
	_ =	sdelay $0x4  }
0x9e: {  	[tilespmem:$0x42A0] =	vst v1  }
0x9f: {  	v1 =	vld [tilespmem:s14+$0x630];
	_ =	sdelay $0x3  }
0xa0: {  	s16 =	spop (v2sf)  }
0xa1: {  	s17 =	spop (v2sf);
	[tilespmem:$0x42B0] =	vst v1  }
0xa2: {  	v1 =	vld [tilespmem:s17+$0xA00];
	_ =	sdelay $0x4  }
0xa3: {  	[tilespmem:$0x4300] =	vst v1  }
0xa4: {  	v1 =	vld [tilespmem:s17+$0xA10];
	_ =	sdelay $0x4  }
0xa5: {  	[tilespmem:$0x4310] =	vst v1  }
0xa6: {  	v1 =	vld [tilespmem:s17+$0xA20];
	_ =	sdelay $0x4  }
0xa7: {  	[tilespmem:$0x4320] =	vst v1  }
0xa8: {  	v1 =	vld [tilespmem:s17+$0xA30];
	_ =	sdelay $0x4  }
0xa9: {  	[tilespmem:$0x4330] =	vst v1  }
0xaa: {  	v1 =	vld [tilespmem:s16+$0xE00];
	_ =	sdelay $0x4  }
0xab: {  	[tilespmem:$0x4380] =	vst v1  }
0xac: {  	v1 =	vld [tilespmem:s16+$0xE10]  }
0xad: {  	(v2sf) =	vpush v0, $0x5  }
0xae: {  	(v2sf) =	vpush v0, $0x4;
	_ =	sdelay $0x2  }
0xaf: {  	[tilespmem:$0x4390] =	vst v1  }
0xb0: {  	v1 =	vld [tilespmem:s16+$0xE20];
	_ =	sdelay $0x4  }
0xb1: {  	[tilespmem:$0x43A0] =	vst v1  }
0xb2: {  	v1 =	vld [tilespmem:s16+$0xE30];
	_ =	sdelay $0x3  }
0xb3: {  	s18 =	spop (v2sf)  }
0xb4: {  	s19 =	spop (v2sf);
	[tilespmem:$0x43B0] =	vst v1  }
0xb5: {  	v1 =	vld [tilespmem:s19+$0x1200];
	_ =	sdelay $0x4  }
0xb6: {  	[tilespmem:$0x4400] =	vst v1  }
0xb7: {  	v1 =	vld [tilespmem:s19+$0x1210];
	_ =	sdelay $0x4  }
0xb8: {  	[tilespmem:$0x4410] =	vst v1  }
0xb9: {  	v1 =	vld [tilespmem:s19+$0x1220];
	_ =	sdelay $0x4  }
0xba: {  	[tilespmem:$0x4420] =	vst v1  }
0xbb: {  	v1 =	vld [tilespmem:s19+$0x1230];
	_ =	sdelay $0x4  }
0xbc: {  	[tilespmem:$0x4430] =	vst v1  }
0xbd: {  	v1 =	vld [tilespmem:s18+$0x1600];
	_ =	sdelay $0x4  }
0xbe: {  	[tilespmem:$0x4480] =	vst v1  }
0xbf: {  	v1 =	vld [tilespmem:s18+$0x1610]  }
0xc0: {  	(v2sf) =	vpush v0, $0x7  }
0xc1: {  	(v2sf) =	vpush v0, $0x6;
	_ =	sdelay $0x2  }
0xc2: {  	[tilespmem:$0x4490] =	vst v1  }
0xc3: {  	v1 =	vld [tilespmem:s18+$0x1620];
	_ =	sdelay $0x4  }
0xc4: {  	[tilespmem:$0x44A0] =	vst v1  }
0xc5: {  	v1 =	vld [tilespmem:s18+$0x1630];
	_ =	sdelay $0x3  }
0xc6: {  	s20 =	spop (v2sf)  }
0xc7: {  	s21 =	spop (v2sf);
	[tilespmem:$0x44B0] =	vst v1  }
0xc8: {  	v1 =	vld [tilespmem:s21+$0x1A00];
	_ =	sdelay $0x4  }
0xc9: {  	[tilespmem:$0x4500] =	vst v1  }
0xca: {  	v1 =	vld [tilespmem:s21+$0x1A10];
	_ =	sdelay $0x4  }
0xcb: {  	[tilespmem:$0x4510] =	vst v1  }
0xcc: {  	v1 =	vld [tilespmem:s21+$0x1A20];
	_ =	sdelay $0x4  }
0xcd: {  	[tilespmem:$0x4520] =	vst v1  }
0xce: {  	v1 =	vld [tilespmem:s21+$0x1A30];
	_ =	sdelay $0x4  }
0xcf: {  	[tilespmem:$0x4530] =	vst v1  }
0xd0: {  	v1 =	vld [tilespmem:s20+$0x1E00];
	_ =	sdelay $0x4  }
0xd1: {  	[tilespmem:$0x4580] =	vst v1  }
0xd2: {  	v1 =	vld [tilespmem:s20+$0x1E10]  }
0xd3: {  	(v2sf) =	vpush v0, $0x9  }
0xd4: {  	(v2sf) =	vpush v0, $0x8;
	_ =	sdelay $0x2  }
0xd5: {  	[tilespmem:$0x4590] =	vst v1  }
0xd6: {  	v1 =	vld [tilespmem:s20+$0x1E20];
	_ =	sdelay $0x4  }
0xd7: {  	[tilespmem:$0x45A0] =	vst v1  }
0xd8: {  	v1 =	vld [tilespmem:s20+$0x1E30];
	_ =	sdelay $0x3  }
0xd9: {  	s22 =	spop (v2sf)  }
0xda: {  	s23 =	spop (v2sf);
	[tilespmem:$0x45B0] =	vst v1  }
0xdb: {  	v1 =	vld [tilespmem:s23+$0x2200];
	_ =	sdelay $0x4  }
0xdc: {  	[tilespmem:$0x4600] =	vst v1  }
0xdd: {  	v1 =	vld [tilespmem:s23+$0x2210];
	_ =	sdelay $0x4  }
0xde: {  	[tilespmem:$0x4610] =	vst v1  }
0xdf: {  	v1 =	vld [tilespmem:s23+$0x2220];
	_ =	sdelay $0x4  }
0xe0: {  	[tilespmem:$0x4620] =	vst v1  }
0xe1: {  	v1 =	vld [tilespmem:s23+$0x2230];
	_ =	sdelay $0x4  }
0xe2: {  	[tilespmem:$0x4630] =	vst v1  }
0xe3: {  	v1 =	vld [tilespmem:s22+$0x2600];
	_ =	sdelay $0x4  }
0xe4: {  	[tilespmem:$0x4680] =	vst v1  }
0xe5: {  	v1 =	vld [tilespmem:s22+$0x2610]  }
0xe6: {  	(v2sf) =	vpush v0, $0xB  }
0xe7: {  	(v2sf) =	vpush v0, $0xA;
	_ =	sdelay $0x2  }
0xe8: {  	[tilespmem:$0x4690] =	vst v1  }
0xe9: {  	v1 =	vld [tilespmem:s22+$0x2620];
	_ =	sdelay $0x4  }
0xea: {  	[tilespmem:$0x46A0] =	vst v1  }
0xeb: {  	v1 =	vld [tilespmem:s22+$0x2630];
	_ =	sdelay $0x3  }
0xec: {  	s24 =	spop (v2sf)  }
0xed: {  	s25 =	spop (v2sf);
	[tilespmem:$0x46B0] =	vst v1  }
0xee: {  	v1 =	vld [tilespmem:s25+$0x2A00];
	_ =	sdelay $0x4  }
0xef: {  	[tilespmem:$0x4700] =	vst v1  }
0xf0: {  	v1 =	vld [tilespmem:s25+$0x2A10];
	_ =	sdelay $0x4  }
0xf1: {  	[tilespmem:$0x4710] =	vst v1  }
0xf2: {  	v1 =	vld [tilespmem:s25+$0x2A20];
	_ =	sdelay $0x4  }
0xf3: {  	[tilespmem:$0x4720] =	vst v1  }
0xf4: {  	v1 =	vld [tilespmem:s25+$0x2A30];
	_ =	sdelay $0x4  }
0xf5: {  	[tilespmem:$0x4730] =	vst v1  }
0xf6: {  	v1 =	vld [tilespmem:s24+$0x2E00];
	_ =	sdelay $0x4  }
0xf7: {  	[tilespmem:$0x4780] =	vst v1  }
0xf8: {  	v1 =	vld [tilespmem:s24+$0x2E10]  }
0xf9: {  	(v2sf) =	vpush v0, $0xD  }
0xfa: {  	(v2sf) =	vpush v0, $0xC;
	_ =	sdelay $0x2  }
0xfb: {  	[tilespmem:$0x4790] =	vst v1  }
0xfc: {  	v1 =	vld [tilespmem:s24+$0x2E20];
	_ =	sdelay $0x4  }
0xfd: {  	[tilespmem:$0x47A0] =	vst v1  }
0xfe: {  	v1 =	vld [tilespmem:s24+$0x2E30];
	_ =	sdelay $0x3  }
0xff: {  	s26 =	spop (v2sf)  }
0x100: {  	s28 =	spop (v2sf);
	[tilespmem:$0x47B0] =	vst v1  }
0x101: {  	v1 =	vld [tilespmem:s28+$0x3200];
	_ =	sdelay $0x4  }
0x102: {  	[tilespmem:$0x4800] =	vst v1  }
0x103: {  	v1 =	vld [tilespmem:s28+$0x3210];
	_ =	sdelay $0x4  }
0x104: {  	[tilespmem:$0x4810] =	vst v1  }
0x105: {  	v1 =	vld [tilespmem:s28+$0x3220];
	_ =	sdelay $0x4  }
0x106: {  	[tilespmem:$0x4820] =	vst v1  }
0x107: {  	v1 =	vld [tilespmem:s28+$0x3230];
	_ =	sdelay $0x4  }
0x108: {  	[tilespmem:$0x4830] =	vst v1  }
0x109: {  	v1 =	vld [tilespmem:s26+$0x3600];
	_ =	sdelay $0x4  }
0x10a: {  	[tilespmem:$0x4880] =	vst v1  }
0x10b: {  	v1 =	vld [tilespmem:s26+$0x3610]  }
0x10c: {  	(v2sf) =	vpush v0, $0xF  }
0x10d: {  	(v2sf) =	vpush v0, $0xE;
	_ =	sdelay $0x2  }
0x10e: {  	[tilespmem:$0x4890] =	vst v1  }
0x10f: {  	v63 =	vld [tilespmem:s26+$0x3620];
	_ =	sdelay $0x4  }
0x110: {  	[tilespmem:$0x48A0] =	vst v63  }
0x111: {  	v0 =	vld [tilespmem:s26+$0x3630];
	_ =	sdelay $0x3  }
0x112: {  	s29 =	spop (v2sf)  }
0x113: {  	s30 =	spop (v2sf);
	[tilespmem:$0x48B0] =	vst v0  }
0x114: {  	v0 =	vld [tilespmem:s30+$0x3A00];
	_ =	sdelay $0x4  }
0x115: {  	[tilespmem:$0x4900] =	vst v0  }
0x116: {  	v0 =	vld [tilespmem:s30+$0x3A10];
	_ =	sdelay $0x4  }
0x117: {  	[tilespmem:$0x4910] =	vst v0  }
0x118: {  	v0 =	vld [tilespmem:s30+$0x3A20];
	_ =	sdelay $0x4  }
0x119: {  	[tilespmem:$0x4920] =	vst v0  }
0x11a: {  	v0 =	vld [tilespmem:s30+$0x3A30];
	_ =	sdelay $0x4  }
0x11b: {  	[tilespmem:$0x4930] =	vst v0  }
0x11c: {  	v0 =	vld [tilespmem:s29+$0x3E00];
	_ =	sdelay $0x4  }
0x11d: {  	[tilespmem:$0x4980] =	vst v0  }
0x11e: {  	v0 =	vld [tilespmem:s29+$0x3E10];
	_ =	sdelay $0x4  }
0x11f: {  	[tilespmem:$0x4990] =	vst v0  }
0x120: {  	v0 =	vld [tilespmem:s29+$0x3E20];
	_ =	sdelay $0x4  }
0x121: {  	[tilespmem:$0x49A0] =	vst v0  }
0x122: {  	v0 =	vld [tilespmem:s29+$0x3E30];
	_ =	sdelay $0x3  }
0x123: {  	p0 =	sne.s32 s11, $0x7C0  }
.Ltmp0:
0x124: {  	s31 =	rddreg [dreg:$0x13];
	[tilespmem:$0x49B0] =	vst v0;
	(pc) =	sbr.rel @p0 .LBB2_2-.Ltmp0, $4  }
0x125: {  	[hbm4b:s10+s2] =	stream.linear.scatter [tilespmem:s31], [sflag:$0x2], $0x800, $0x38;
	[tilespmem:$0x4A00] =	vst v63  }
0x126: {  	_ =	swait.ge [sflag:s7], $0x800  }
0x127: {  	[sflag:s7] =	ssyncset.done $0x0  }
0x128: {  	s11 =	sadd.s32 $0x40, s11;
	s10 =	sadd.s32 $0x100, s10;
	[sflag:s7] =	ssyncadd.s32 $0xFFFFF800  }
0x129: {  	s9 =	sadd.s32 $0x1, s9  }
0x12a: {  	p0 =	sne.s32 s9, s5  }
.Ltmp1:
0x12b: {  	_ = 	snop;
	(pc) =	sbr.rel @p0 .LBB2_1-.Ltmp1, $1  }
0x12c: {  	_ =	sdelay $0x3  }
0x12d: {  	_ =	sfence.sel $0x180000  }
0x12e: {  	[bflag:$0x0] =	sbarrier.arrive $0xFFFF  }
0x12f: {  	p0 =	sne.s32 s1, $0x0;
	_ =	strace $0x90000047  }
0x130: {  	s0 =	sadd.s32 @!p0 $0x100000, s0;
	[bflag:$0x2] =	sbarrier.arrive $0xFFFF  }
0x131: {  	[sflag:s0] =	ssyncadd.tile.s32 @!p0 $0x1;
	_ =	shalt  }
.Lfunc_end2:
_tile_overlayer_lowered:
.L_overlay_start_2:
0x132: {  	(tag) =	ssettag $0x2  }
0x133: {  	s0 =	rddreg [dreg:$0x0];
	s2 =	stileid.u32  }
0x134: {  	s1 =	rddreg [dreg:$0x1];
	p0 =	sne.s32 s2, $0x0  }
0x135: {  	s3 =	rddreg [dreg:$0x2];
	[bflag:$0x3] =	sbarrier.arrive $0xFFFF;
	s2 =	simm.s32 @!p0 $0x1C02  }
0x136: {  	[timem:s3], [sflag:s2] =	dma.local @!p0 [hbm:s0], s1  }
0x137: {  	s0 =	simm.s32 @!p0 $0x2  }
0x138: {  	_ =	swait.ge @!p0 [sflag:s0], s1  }
0x139: {  	s1 =	ssub.s32 @!p0 $0x0, s1;
	[sflag:s0] =	ssyncset.done @!p0 $0x0  }
0x13a: {  	[sflag:s0] =	ssyncadd.s32 @!p0 s1  }
0x13b: {  	[bflag:$0x3] =	sbarrier.arrive $0xFFFF  }
0x13c: {  	_ =	shalt  }

</sc_bundles>
